<compile_context>
chip_gen: v7x
topology: tpu7x:2x2x1
jax: 0.10.2.dev20260603
libtpu: 0.0.44.dev20260713+nightly
codegen_flags: <defaults>
</compile_context>

<pallas_src>
import functools

import jax
import jax.numpy as jnp
from jax import lax
from jax.experimental import pallas as pl
from jax.experimental.pallas import tpu as pltpu
from jax.experimental.pallas import tpu_sc as plsc

NPTS = 100000
NOBJ = 1024
NE = 1600000
H = 50
KS = 10

TW = 64
KOFF = H + 1
AW = 64
QW = 17
ACCW = NOBJ * AW
CH = 80
SUP = 25



def _proj_body(ph_ref, pxy_ref, kw_ref, kb_ref, vw_ref, vb_ref, o_ref):
    x = jnp.concatenate([ph_ref[...], pxy_ref[...]], axis=1)
    k = jnp.dot(x, kw_ref[...], preferred_element_type=jnp.float32) + kb_ref[...]
    v = jnp.dot(x, vw_ref[...], preferred_element_type=jnp.float32) + vb_ref[...]
    one = jnp.ones((x.shape[0], 1), jnp.float32)
    pad = jnp.zeros((x.shape[0], TW - KOFF - KS), jnp.float32)
    o_ref[...] = jnp.concatenate([v, one, k, pad], axis=1)


def _build_table(points_hidden, points_xy, key_w, key_b, values_w, values_b):
    rows = 2000
    grid = NPTS // rows
    return pl.pallas_call(
        _proj_body,
        grid=(grid,),
        in_specs=[
            pl.BlockSpec((rows, H), lambda i: (i, 0)),
            pl.BlockSpec((rows, 2), lambda i: (i, 0)),
            pl.BlockSpec((H + 2, KS), lambda i: (0, 0)),
            pl.BlockSpec((1, KS), lambda i: (0, 0)),
            pl.BlockSpec((H + 2, H), lambda i: (0, 0)),
            pl.BlockSpec((1, H), lambda i: (0, 0)),
        ],
        out_specs=pl.BlockSpec((rows, TW), lambda i: (i, 0)),
        out_shape=jax.ShapeDtypeStruct((NPTS, TW), jnp.float32),
    )(points_hidden, points_xy, key_w.T, key_b.reshape(1, KS),
      values_w.T, values_b.reshape(1, H))



def _q_body(oh_ref, og_ref, qw_ref, qb_ref, o_ref):
    x = jnp.concatenate([oh_ref[...], og_ref[...]], axis=1)
    q = jnp.dot(x, qw_ref[...], preferred_element_type=jnp.float32) + qb_ref[...]
    q = q * (1.0 / jnp.sqrt(jnp.float32(KS)))
    o_ref[...] = jnp.concatenate(
        [q, jnp.zeros((NOBJ, QW - KS), jnp.float32)], axis=1)


def _build_q(obj_hidden, obj_global, query_w, query_b):
    return pl.pallas_call(
        _q_body,
        out_shape=jax.ShapeDtypeStruct((NOBJ, QW), jnp.float32),
    )(obj_hidden, obj_global, query_w.T, query_b.reshape(1, KS))



_NC = 2
_NS = 16
NW = _NC * _NS


def _sc_edge_body(t_hbm, q_hbm, src_hbm, dst_hbm, out_hbm,
                  src_v, dst_v, rows0_v, rows1_v, ks_v, q_v, acc_v,
                  sem0, sem1):
    wid = lax.axis_index("s") * _NC + lax.axis_index("c")
    epw = NE // NW
    nsup = epw // (SUP * CH)

    pltpu.sync_copy(q_hbm, q_v)

    zeros = jnp.zeros((16,), jnp.float32)

    def zero_body(i, carry):
        for p in range(AW // 16):
            acc_v[i, pl.ds(p * 16, 16)] = zeros
        return carry

    lax.fori_loop(0, NOBJ, zero_body, 0)

    lanes0 = lax.iota(jnp.int32, 16)

    def gather_start(c, rows_ref, sem):
        pltpu.async_copy(
            t_hbm.at[src_v.at[pl.ds(c * CH, CH)]], rows_ref, sem)

    def gather_wait(c, rows_ref, sem):
        pltpu.make_async_copy(
            t_hbm.at[src_v.at[pl.ds(c * CH, CH)]], rows_ref, sem).wait()

    def process(c, rows_ref):
        @plsc.parallel_loop(0, CH, 1, unroll=8)
        def stage_body(e2):
            ks_v[e2, pl.ds(0, 16)] = rows_ref[e2, pl.ds(AW - 16, 16)]

        @plsc.parallel_loop(0, CH // 16, 1, unroll=CH // 16)
        def group_body(g):
            dst = dst_v[pl.ds(c * CH + g * 16, 16)]
            lanes = lanes0 + g * 16
            att = jnp.zeros((16,), jnp.float32)
            for j in range(KS):
                kj = plsc.load_gather(
                    ks_v, [lanes, jnp.full((16,), KOFF - (AW - 16) + j,
                                           jnp.int32)])
                qj = plsc.load_gather(
                    q_v, [dst, jnp.full((16,), j, jnp.int32)])
                att = att + kj * qj
            ex = jnp.exp(att)
            for e in range(16):
                row = g * 16 + e
                d = dst[e]
                exs = ex[e]
                for p in range(AW // 16):
                    vv = rows_ref[row, pl.ds(p * 16, 16)]
                    plsc.addupdate(
                        acc_v.at[d, pl.ds(p * 16, 16)], exs * vv)

    def super_body(s, carry):
        e0 = wid * epw + s * (SUP * CH)
        pltpu.sync_copy(src_hbm.at[pl.ds(e0, SUP * CH)], src_v)
        pltpu.sync_copy(dst_hbm.at[pl.ds(e0, SUP * CH)], dst_v)

        gather_start(0, rows0_v, sem0)

        def chunk_body(c, carry2):
            even = c % 2 == 0

            @pl.when(even)
            def _():
                @pl.when(c + 1 < SUP)
                def _():
                    gather_start(c + 1, rows1_v, sem1)
                gather_wait(c, rows0_v, sem0)
                process(c, rows0_v)

            @pl.when(jnp.logical_not(even))
            def _():
                @pl.when(c + 1 < SUP)
                def _():
                    gather_start(c + 1, rows0_v, sem0)
                gather_wait(c, rows1_v, sem1)
                process(c, rows1_v)

            return carry2

        lax.fori_loop(0, SUP, chunk_body, 0)
        return carry

    lax.fori_loop(0, nsup, super_body, 0)

    pltpu.sync_copy(acc_v, out_hbm.at[wid])


def _sc_edge(table, qpad, src2, dst2):
    mesh = plsc.VectorSubcoreMesh(core_axis_name="c", subcore_axis_name="s")
    fn = functools.partial(
        pl.kernel,
        mesh=mesh,
        compiler_params=pltpu.CompilerParams(
            needs_layout_passes=False, use_tc_tiling_on_sc=False),
        out_type=jax.ShapeDtypeStruct((NW, NOBJ, AW), jnp.float32),
        scratch_types=[
            pltpu.VMEM((SUP * CH,), jnp.int32),
            pltpu.VMEM((SUP * CH,), jnp.int32),
            pltpu.VMEM((CH, TW), jnp.float32),
            pltpu.VMEM((CH, TW), jnp.float32),
            pltpu.VMEM((CH, QW), jnp.float32),
            pltpu.VMEM((NOBJ, QW), jnp.float32),
            pltpu.VMEM((NOBJ, AW), jnp.float32),
            pltpu.SemaphoreType.DMA,
            pltpu.SemaphoreType.DMA,
        ],
    )(_sc_edge_body)
    return fn(table, qpad, src2, dst2)



def _tail_body(p_ref, oh_ref, wih_ref, whh_ref, bih_ref, bhh_ref,
               lng_ref, lnb_ref, w1_ref, b1_ref, w2_ref, b2_ref, o_ref):
    acc = jnp.sum(p_ref[...], axis=0)
    den = acc[:, H][:, None]
    ws = acc[:, :H] / (den + 1e-16)
    oh = oh_ref[...]
    gi = jnp.dot(ws, wih_ref[...], preferred_element_type=jnp.float32) + bih_ref[...]
    gh = jnp.dot(oh, whh_ref[...], preferred_element_type=jnp.float32) + bhh_ref[...]
    r = jax.nn.sigmoid(gi[:, :H] + gh[:, :H])
    z = jax.nn.sigmoid(gi[:, H:2 * H] + gh[:, H:2 * H])
    n = jnp.tanh(gi[:, 2 * H:] + r * gh[:, 2 * H:])
    h_new = (1.0 - z) * n + z * oh
    mu = jnp.mean(h_new, axis=-1, keepdims=True)
    var = jnp.mean((h_new - mu) * (h_new - mu), axis=-1, keepdims=True)
    ln = (h_new - mu) / jnp.sqrt(var + 1e-5) * lng_ref[...] + lnb_ref[...]
    m1 = jax.nn.relu(
        jnp.dot(ln, w1_ref[...], preferred_element_type=jnp.float32) + b1_ref[...])
    m = jnp.dot(m1, w2_ref[...], preferred_element_type=jnp.float32) + b2_ref[...]
    o_ref[...] = oh + m


def _tail(partials, obj_hidden, w_ih, w_hh, b_ih, b_hh, ln_g, ln_b,
          mlp_w1, mlp_b1, mlp_w2, mlp_b2):
    return pl.pallas_call(
        _tail_body,
        out_shape=jax.ShapeDtypeStruct((NOBJ, H), jnp.float32),
    )(partials, obj_hidden,
      w_ih.T, w_hh.T, b_ih.reshape(1, 3 * H), b_hh.reshape(1, 3 * H),
      ln_g.reshape(1, H), ln_b.reshape(1, H),
      mlp_w1.T, mlp_b1.reshape(1, 64), mlp_w2.T, mlp_b2.reshape(1, H))



@jax.jit
def kernel(points_hidden, points_xy, obj_hidden, obj_global, src_idx, dst_idx,
           key_w, key_b, query_w, query_b, values_w, values_b,
           w_ih, w_hh, b_ih, b_hh, ln_g, ln_b,
           mlp_w1, mlp_b1, mlp_w2, mlp_b2):
    table = _build_table(points_hidden, points_xy, key_w, key_b,
                         values_w, values_b)
    qpad = _build_q(obj_hidden, obj_global, query_w, query_b)
    partials = _sc_edge(table, qpad, src_idx, dst_idx)
    return _tail(partials, obj_hidden, w_ih, w_hh, b_ih, b_hh,
                 ln_g, ln_b, mlp_w1, mlp_b1, mlp_w2, mlp_b2)

# --- scband reference (transcript-rebuilt; emitter-appended) ---
"""Pipeline reference for scband-slot-attention-52776558133348 (READ-ONLY COPY).

The authoritative reference and input builder live on the scoring server;
editing this copy changes nothing except your own understanding.
"""

import jax, jax.numpy as jnp
import numpy as np

NPTS = 100000
NOBJ = 1024
NE = 1600000
H = 50
KS = 10


def setup_inputs(seed: int = 0):
    key = jax.random.key(seed)
    ks = jax.random.split(key, 24)
    s = 0.05
    inp = {}
    inp["points_hidden"] = jax.random.normal(ks[0], (NPTS, H), jnp.float32)
    inp["points_xy"] = jax.random.normal(ks[1], (NPTS, 2), jnp.float32)
    inp["obj_hidden"] = jax.random.normal(ks[2], (NOBJ, H), jnp.float32)
    inp["obj_global"] = jax.random.normal(ks[3], (NOBJ, H), jnp.float32)
    inp["src_idx"] = jax.random.randint(ks[4], (NE,), 0, NPTS, jnp.int32)
    inp["dst_idx"] = jax.random.randint(ks[5], (NE,), 0, NOBJ, jnp.int32)
    inp["key_w"] = jax.random.normal(ks[6], (KS, H + 2), jnp.float32) * s
    inp["key_b"] = jax.random.normal(ks[7], (KS,), jnp.float32) * s
    inp["query_w"] = jax.random.normal(ks[8], (KS, 2 * H), jnp.float32) * s
    inp["query_b"] = jax.random.normal(ks[9], (KS,), jnp.float32) * s
    inp["values_w"] = jax.random.normal(ks[10], (H, H + 2), jnp.float32) * s
    inp["values_b"] = jax.random.normal(ks[11], (H,), jnp.float32) * s
    inp["w_ih"] = jax.random.normal(ks[12], (3 * H, H), jnp.float32) * s
    inp["w_hh"] = jax.random.normal(ks[13], (3 * H, H), jnp.float32) * s
    inp["b_ih"] = jax.random.normal(ks[14], (3 * H,), jnp.float32) * s
    inp["b_hh"] = jax.random.normal(ks[15], (3 * H,), jnp.float32) * s
    inp["ln_g"] = jnp.ones((H,), jnp.float32)
    inp["ln_b"] = jnp.zeros((H,), jnp.float32)
    inp["mlp_w1"] = jax.random.normal(ks[16], (64, H), jnp.float32) * s
    inp["mlp_b1"] = jax.random.normal(ks[17], (64,), jnp.float32) * s
    inp["mlp_w2"] = jax.random.normal(ks[18], (H, 64), jnp.float32) * s
    inp["mlp_b2"] = jax.random.normal(ks[19], (H,), jnp.float32) * s
    return inp


def _fwd(points_hidden, points_xy, obj_hidden, obj_global,
         key_w, key_b, query_w, query_b, values_w, values_b,
         w_ih, w_hh, b_ih, b_hh, ln_g, ln_b,
         mlp_w1, mlp_b1, mlp_w2, mlp_b2, src_idx, dst_idx):
    point_in = jnp.concatenate([points_hidden, points_xy], axis=1)
    obj_in = jnp.concatenate([obj_hidden, obj_global], axis=1)
    k = point_in @ key_w.T + key_b
    v = point_in @ values_w.T + values_b
    q = obj_in @ query_w.T + query_b
    norm = 1.0 / jnp.sqrt(jnp.float32(KS))
    att = jnp.sum(k[src_idx] * q[dst_idx], axis=-1) * norm
    amax = jax.ops.segment_max(att, dst_idx, num_segments=NOBJ)
    amax = jnp.where(jnp.isfinite(amax), amax, 0.0)
    ex = jnp.exp(att - amax[dst_idx])
    den = jax.ops.segment_sum(ex, dst_idx, num_segments=NOBJ)
    w = ex / (den[dst_idx] + 1e-16)
    ws = jax.ops.segment_sum(w[:, None] * v[src_idx], dst_idx, num_segments=NOBJ)
    gi = ws @ w_ih.T + b_ih
    gh = obj_hidden @ w_hh.T + b_hh
    i_r, i_z, i_n = jnp.split(gi, 3, axis=1)
    h_r, h_z, h_n = jnp.split(gh, 3, axis=1)
    r = jax.nn.sigmoid(i_r + h_r)
    z = jax.nn.sigmoid(i_z + h_z)
    n = jnp.tanh(i_n + r * h_n)
    h_new = (1.0 - z) * n + z * obj_hidden
    mu = jnp.mean(h_new, axis=-1, keepdims=True)
    var = jnp.var(h_new, axis=-1, keepdims=True)
    ln = (h_new - mu) / jnp.sqrt(var + 1e-5) * ln_g + ln_b
    m = jax.nn.relu(ln @ mlp_w1.T + mlp_b1) @ mlp_w2.T + mlp_b2
    return obj_hidden + m


def reference(points_hidden, points_xy, obj_hidden, obj_global, src_idx, dst_idx,
              key_w, key_b, query_w, query_b, values_w, values_b,
              w_ih, w_hh, b_ih, b_hh, ln_g, ln_b,
              mlp_w1, mlp_b1, mlp_w2, mlp_b2):
    return _fwd(points_hidden, points_xy, obj_hidden, obj_global,
                key_w, key_b, query_w, query_b, values_w, values_b,
                w_ih, w_hh, b_ih, b_hh, ln_g, ln_b,
                mlp_w1, mlp_b1, mlp_w2, mlp_b2, src_idx, dst_idx)

if __name__ == "__main__":
    import jax
    _d = setup_inputs()
    print(jax.jit(kernel)(*tuple(_d.values())))

</pallas_src>

<mosaic_0001>
#map = affine_map<(d0, d1) -> (0, 0)>
#map1 = affine_map<(d0, d1) -> (0)>
#map2 = affine_map<(d0, d1) -> (0, 0, 0)>
module attributes {stable_mosaic.version = 14 : i64} {
  func.func @_sc_edge_body(%arg0: i32, %arg1: i32, %arg2: memref<100000x64xf32, #tpu.memory_space<hbm>>, %arg3: memref<1024x17xf32, #tpu.memory_space<hbm>>, %arg4: memref<1600000xi32, #tpu.memory_space<hbm>>, %arg5: memref<1600000xi32, #tpu.memory_space<hbm>>, %arg6: memref<32x1024x64xf32, #tpu.memory_space<hbm>>, %arg7: memref<2000xi32, #tpu.memory_space<vmem>>, %arg8: memref<2000xi32, #tpu.memory_space<vmem>>, %arg9: memref<80x64xf32, #tpu.memory_space<vmem>>, %arg10: memref<80x64xf32, #tpu.memory_space<vmem>>, %arg11: memref<80x17xf32, #tpu.memory_space<vmem>>, %arg12: memref<1024x17xf32, #tpu.memory_space<vmem>>, %arg13: memref<1024x64xf32, #tpu.memory_space<vmem>>, %arg14: memref<!tpu.dma_semaphore, #tpu.memory_space<semaphore_mem>>, %arg15: memref<!tpu.dma_semaphore, #tpu.memory_space<semaphore_mem>>) attributes {dimension_semantics = [#tpu.dimension_semantics<core_parallel>, #tpu.dimension_semantics<subcore_parallel>], iteration_bounds = array<i64: 2, 16>, scalar_prefetch = 0 : i64, scratch_operands = 9 : i64, tpu.core_type = #tpu.core_type<sc_vector_subcore>, window_params = [{transform_indices = #map}, {transform_indices = #map}, {transform_indices = #map1}, {transform_indices = #map1}, {transform_indices = #map2}]} {
    %mul3A = arith.constant 2 : i32
    %mul3A_0 = arith.muli %arg1, %mul3A : i32
    %add3A = arith.addi %mul3A_0, %arg0 : i32
    "tpu.region"() ({
      %run_scoped3A = tpu.sem_alloc : memref<!tpu.dma_semaphore, #tpu.memory_space<semaphore_mem>>
      tpu.enqueue_dma source(%arg3 : memref<1024x17xf32, #tpu.memory_space<hbm>>) target(%arg12 : memref<1024x17xf32, #tpu.memory_space<vmem>>) target_semaphore(%run_scoped3A : memref<!tpu.dma_semaphore, #tpu.memory_space<semaphore_mem>>)
      tpu.wait_dma2 semaphore(%run_scoped3A : memref<!tpu.dma_semaphore, #tpu.memory_space<semaphore_mem>>) src(%arg3 : memref<1024x17xf32, #tpu.memory_space<hbm>>) dst(%arg12 : memref<1024x17xf32, #tpu.memory_space<vmem>>)
      tpu.yield
    }) : () -> ()
    %broadcast_in_dim3A = arith.constant 0.000000e+00 : f32
    %broadcast_in_dim3A_1 = vector.broadcast %broadcast_in_dim3A : f32 to vector<16xf32>
    %scan3A = arith.constant 0 : i32
    %scan3A_2 = arith.constant 0 : i32
    %scan3A_3 = arith.constant 1024 : i32
    %scan3A_4 = arith.addi %scan3A_2, %scan3A_3 : i32
    %scan3A_5 = arith.constant 1 : i32
    scf.for %scan3A_13 = %scan3A_2 to %scan3A_4 step %scan3A_5  : i32 {
      %swap3A = arith.index_cast %scan3A_13 : i32 to index
      %swap3A_14 = arith.constant 0 : index
      %swap3A_15 = tpu.vector_load %arg13[%swap3A, %swap3A_14] {strides = array<i32>} : memref<1024x64xf32, #tpu.memory_space<vmem>>, vector<16xf32>,
      tpu.vector_store %arg13[%swap3A, %swap3A_14], %broadcast_in_dim3A_1 {strides = array<i32>} : memref<1024x64xf32, #tpu.memory_space<vmem>>, vector<16xf32>,
      %swap3A_16 = arith.index_cast %scan3A_13 : i32 to index
      %swap3A_17 = arith.constant 16 : index
      %swap3A_18 = tpu.vector_load %arg13[%swap3A_16, %swap3A_17] {strides = array<i32>} : memref<1024x64xf32, #tpu.memory_space<vmem>>, vector<16xf32>,
      tpu.vector_store %arg13[%swap3A_16, %swap3A_17], %broadcast_in_dim3A_1 {strides = array<i32>} : memref<1024x64xf32, #tpu.memory_space<vmem>>, vector<16xf32>,
      %swap3A_19 = arith.index_cast %scan3A_13 : i32 to index
      %swap3A_20 = arith.constant 32 : index
      %swap3A_21 = tpu.vector_load %arg13[%swap3A_19, %swap3A_20] {strides = array<i32>} : memref<1024x64xf32, #tpu.memory_space<vmem>>, vector<16xf32>,
      tpu.vector_store %arg13[%swap3A_19, %swap3A_20], %broadcast_in_dim3A_1 {strides = array<i32>} : memref<1024x64xf32, #tpu.memory_space<vmem>>, vector<16xf32>,
      %swap3A_22 = arith.index_cast %scan3A_13 : i32 to index
      %swap3A_23 = arith.constant 48 : index
      %swap3A_24 = tpu.vector_load %arg13[%swap3A_22, %swap3A_23] {strides = array<i32>} : memref<1024x64xf32, #tpu.memory_space<vmem>>, vector<16xf32>,
      tpu.vector_store %arg13[%swap3A_22, %swap3A_23], %broadcast_in_dim3A_1 {strides = array<i32>} : memref<1024x64xf32, #tpu.memory_space<vmem>>, vector<16xf32>,
    }
    %scan3A_6 = arith.constant 1024 : i32
    %iota3A = tpu.iota {dimensions = array<i32: 0>} : vector<16xi32>
    %scan3A_7 = arith.constant 0 : i32
    %scan3A_8 = arith.constant 0 : i32
    %scan3A_9 = arith.constant 25 : i32
    %scan3A_10 = arith.addi %scan3A_8, %scan3A_9 : i32
    %scan3A_11 = arith.constant 1 : i32
    scf.for %scan3A_13 = %scan3A_8 to %scan3A_10 step %scan3A_11  : i32 {
      %mul3A_14 = arith.constant 50000 : i32
      %mul3A_15 = arith.muli %add3A, %mul3A_14 : i32
      %mul3A_16 = arith.constant 2000 : i32
      %mul3A_17 = arith.muli %scan3A_13, %mul3A_16 : i32
      %add3A_18 = arith.addi %mul3A_15, %mul3A_17 : i32
      "tpu.region"() ({
        %run_scoped3A = tpu.sem_alloc : memref<!tpu.dma_semaphore, #tpu.memory_space<semaphore_mem>>
        %dma_start3A_29 = tpu.memref_slice %arg4[%add3A_18] : memref<1600000xi32, #tpu.memory_space<hbm>> -> memref<2000xi32, #tpu.memory_space<hbm>>
        %dma_start3A_30 = tpu.memref_slice %arg4[%add3A_18] : memref<1600000xi32, #tpu.memory_space<hbm>> -> memref<2000xi32, #tpu.memory_space<hbm>>
        tpu.enqueue_dma source(%dma_start3A_30 : memref<2000xi32, #tpu.memory_space<hbm>>) target(%arg7 : memref<2000xi32, #tpu.memory_space<vmem>>) target_semaphore(%run_scoped3A : memref<!tpu.dma_semaphore, #tpu.memory_space<semaphore_mem>>)
        %dma_wait3A = tpu.memref_slice %arg4[%add3A_18] : memref<1600000xi32, #tpu.memory_space<hbm>> -> memref<2000xi32, #tpu.memory_space<hbm>>
        %dma_wait3A_31 = tpu.memref_slice %arg4[%add3A_18] : memref<1600000xi32, #tpu.memory_space<hbm>> -> memref<2000xi32, #tpu.memory_space<hbm>>
        tpu.wait_dma2 semaphore(%run_scoped3A : memref<!tpu.dma_semaphore, #tpu.memory_space<semaphore_mem>>) src(%dma_wait3A_31 : memref<2000xi32, #tpu.memory_space<hbm>>) dst(%arg7 : memref<2000xi32, #tpu.memory_space<vmem>>)
        tpu.yield
      }) : () -> ()
      "tpu.region"() ({
        %run_scoped3A = tpu.sem_alloc : memref<!tpu.dma_semaphore, #tpu.memory_space<semaphore_mem>>
        %dma_start3A_29 = tpu.memref_slice %arg5[%add3A_18] : memref<1600000xi32, #tpu.memory_space<hbm>> -> memref<2000xi32, #tpu.memory_space<hbm>>
        %dma_start3A_30 = tpu.memref_slice %arg5[%add3A_18] : memref<1600000xi32, #tpu.memory_space<hbm>> -> memref<2000xi32, #tpu.memory_space<hbm>>
        tpu.enqueue_dma source(%dma_start3A_30 : memref<2000xi32, #tpu.memory_space<hbm>>) target(%arg8 : memref<2000xi32, #tpu.memory_space<vmem>>) target_semaphore(%run_scoped3A : memref<!tpu.dma_semaphore, #tpu.memory_space<semaphore_mem>>)
        %dma_wait3A = tpu.memref_slice %arg5[%add3A_18] : memref<1600000xi32, #tpu.memory_space<hbm>> -> memref<2000xi32, #tpu.memory_space<hbm>>
        %dma_wait3A_31 = tpu.memref_slice %arg5[%add3A_18] : memref<1600000xi32, #tpu.memory_space<hbm>> -> memref<2000xi32, #tpu.memory_space<hbm>>
        tpu.wait_dma2 semaphore(%run_scoped3A : memref<!tpu.dma_semaphore, #tpu.memory_space<semaphore_mem>>) src(%dma_wait3A_31 : memref<2000xi32, #tpu.memory_space<hbm>>) dst(%arg8 : memref<2000xi32, #tpu.memory_space<vmem>>)
        tpu.yield
      }) : () -> ()
      %dma_start3A = arith.constant 0 : i32
      %dma_start3A_19 = tpu.memref_slice %arg7[%dma_start3A] : memref<2000xi32, #tpu.memory_space<vmem>> -> memref<80xi32, #tpu.memory_space<vmem>>
      %dma_start3A_20 = arith.constant 0 : i32
      %dma_start3A_21 = arith.constant 0 : i32
      %dma_start3A_22 = tpu.memref_slice %arg2[%dma_start3A_20, %dma_start3A_21] : memref<100000x64xf32, #tpu.memory_space<hbm>> -> memref<100000x64xf32, #tpu.memory_space<hbm>>
      tpu.enqueue_indirect_dma source(%dma_start3A_22 : memref<100000x64xf32, #tpu.memory_space<hbm>>) target(%arg9 : memref<80x64xf32, #tpu.memory_space<vmem>>) offsets(%dma_start3A_19 : memref<80xi32, #tpu.memory_space<vmem>>) semaphore(%arg14 : memref<!tpu.dma_semaphore, #tpu.memory_space<semaphore_mem>>)
      %scan3A_23 = arith.constant 0 : i32
      %scan3A_24 = arith.constant 0 : i32
      %scan3A_25 = arith.constant 25 : i32
      %scan3A_26 = arith.addi %scan3A_24, %scan3A_25 : i32
      %scan3A_27 = arith.constant 1 : i32
      scf.for %scan3A_29 = %scan3A_24 to %scan3A_26 step %scan3A_27  : i32 {
        %jit3A = arith.constant 2 : i32
        %eq3A = arith.constant 0 : i32
        %eq3A_30 = arith.cmpi eq, %jit3A, %eq3A : i32
        %jit3A_31 = arith.constant 1 : i32
        %select_n3A = arith.select %eq3A_30, %jit3A_31, %jit3A : i32
        %rem3A = arith.remsi %scan3A_29, %select_n3A : i32
        %ne3A = arith.constant 0 : i32
        %ne3A_32 = arith.cmpi ne, %rem3A, %ne3A : i32
        %lt3A = arith.constant 0 : i32
        %lt3A_33 = arith.cmpi slt, %rem3A, %lt3A : i32
        %lt3A_34 = arith.constant 0 : i32
        %lt3A_35 = arith.cmpi slt, %select_n3A, %lt3A_34 : i32
        %ne3A_36 = arith.xori %lt3A_33, %lt3A_35 : i1
        %and3A = arith.andi %ne3A_36, %ne3A_32 : i1
        %add3A_37 = arith.addi %rem3A, %select_n3A : i32
        %select_n3A_38 = arith.select %and3A, %add3A_37, %rem3A : i32
        %eq3A_39 = arith.constant 0 : i32
        %eq3A_40 = arith.cmpi eq, %select_n3A_38, %eq3A_39 : i32
        %convert_element_type3A = arith.extui %eq3A_40 : i1 to i32
        %cond3A = arith.constant 0 : i32
        %cond3A_41 = arith.cmpi ne, %convert_element_type3A, %cond3A : i32
        scf.if %cond3A_41 {
          %add3A_46 = arith.constant 1 : i32
          %add3A_47 = arith.addi %scan3A_29, %add3A_46 : i32
          %lt3A_48 = arith.constant 25 : i32
          %lt3A_49 = arith.cmpi slt, %add3A_47, %lt3A_48 : i32
          %convert_element_type3A_50 = arith.extui %lt3A_49 : i1 to i32
          %cond3A_51 = arith.constant 0 : i32
          %cond3A_52 = arith.cmpi ne, %convert_element_type3A_50, %cond3A_51 : i32
          scf.if %cond3A_52 {
            %add3A_63 = arith.constant 1 : i32
            %add3A_64 = arith.addi %scan3A_29, %add3A_63 : i32
            %mul3A_65 = arith.constant 80 : i32
            %mul3A_66 = arith.muli %add3A_64, %mul3A_65 : i32
            %dma_start3A_67 = tpu.memref_slice %arg7[%mul3A_66] : memref<2000xi32, #tpu.memory_space<vmem>> -> memref<80xi32, #tpu.memory_space<vmem>>
            %dma_start3A_68 = arith.constant 0 : i32
            %dma_start3A_69 = arith.constant 0 : i32
            %dma_start3A_70 = tpu.memref_slice %arg2[%dma_start3A_68, %dma_start3A_69] : memref<100000x64xf32, #tpu.memory_space<hbm>> -> memref<100000x64xf32, #tpu.memory_space<hbm>>
            tpu.enqueue_indirect_dma source(%dma_start3A_70 : memref<100000x64xf32, #tpu.memory_space<hbm>>) target(%arg10 : memref<80x64xf32, #tpu.memory_space<vmem>>) offsets(%dma_start3A_67 : memref<80xi32, #tpu.memory_space<vmem>>) semaphore(%arg15 : memref<!tpu.dma_semaphore, #tpu.memory_space<semaphore_mem>>)
          } else {
          }
          %mul3A_53 = arith.constant 80 : i32
          %mul3A_54 = arith.muli %scan3A_29, %mul3A_53 : i32
          %dma_wait3A = tpu.memref_slice %arg7[%mul3A_54] : memref<2000xi32, #tpu.memory_space<vmem>> -> memref<80xi32, #tpu.memory_space<vmem>>
          %dma_wait3A_55 = arith.constant 0 : i32
          %dma_wait3A_56 = arith.constant 0 : i32
          %dma_wait3A_57 = tpu.memref_slice %arg2[%dma_wait3A_55, %dma_wait3A_56] : memref<100000x64xf32, #tpu.memory_space<hbm>> -> memref<100000x64xf32, #tpu.memory_space<hbm>>
          tpu.wait_indirect_dma semaphore(%arg14 : memref<!tpu.dma_semaphore, #tpu.memory_space<semaphore_mem>>) src(%dma_wait3A_57 : memref<100000x64xf32, #tpu.memory_space<hbm>>) dst(%arg9 : memref<80x64xf32, #tpu.memory_space<vmem>>)
          %parallel_loop3A = arith.constant 0 : i32
          %parallel_loop3A_58 = arith.constant 80 : i32
          %parallel_loop3A_59 = arith.constant 1 : i32
          scf.for %parallel_loop3A_63 = %parallel_loop3A to %parallel_loop3A_58 step %parallel_loop3A_59  : i32 {
            %parallel_loop3A_64 = arith.index_cast %parallel_loop3A_63 : i32 to index
            %parallel_loop3A_65 = arith.constant 48 : index
            %parallel_loop3A_66 = tpu.vector_load %arg9[%parallel_loop3A_64, %parallel_loop3A_65] {strides = array<i32>} : memref<80x64xf32, #tpu.memory_space<vmem>>, vector<16xf32>,
            %parallel_loop3A_67 = arith.index_cast %parallel_loop3A_63 : i32 to index
            %parallel_loop3A_68 = arith.constant 0 : index
            %parallel_loop3A_69 = tpu.vector_load %arg11[%parallel_loop3A_67, %parallel_loop3A_68] {strides = array<i32>} : memref<80x17xf32, #tpu.memory_space<vmem>>, vector<16xf32>,
            tpu.vector_store %arg11[%parallel_loop3A_67, %parallel_loop3A_68], %parallel_loop3A_66 {strides = array<i32>} : memref<80x17xf32, #tpu.memory_space<vmem>>, vector<16xf32>,
          } {sc.loop_unroll_factor = 8 : i64, sc.parallel_access}
          %parallel_loop3A_60 = arith.constant 0 : i32
          %parallel_loop3A_61 = arith.constant 5 : i32
          %parallel_loop3A_62 = arith.constant 1 : i32
          scf.for %parallel_loop3A_63 = %parallel_loop3A_60 to %parallel_loop3A_61 step %parallel_loop3A_62  : i32 {
            %parallel_loop3A_64 = arith.constant 80 : i32
            %parallel_loop3A_65 = arith.muli %scan3A_29, %parallel_loop3A_64 : i32
            %parallel_loop3A_66 = arith.constant 16 : i32
            %parallel_loop3A_67 = arith.muli %parallel_loop3A_63, %parallel_loop3A_66 : i32
            %parallel_loop3A_68 = arith.addi %parallel_loop3A_65, %parallel_loop3A_67 : i32
            %parallel_loop3A_69 = arith.index_cast %parallel_loop3A_68 : i32 to index
            %parallel_loop3A_70 = tpu.vector_load %arg8[%parallel_loop3A_69] {strides = array<i32>} : memref<2000xi32, #tpu.memory_space<vmem>>, vector<16xi32>,
            %parallel_loop3A_71 = arith.constant 16 : i32
            %parallel_loop3A_72 = arith.muli %parallel_loop3A_63, %parallel_loop3A_71 : i32
            %parallel_loop3A_73 = vector.broadcast %parallel_loop3A_72 : i32 to vector<16xi32>
            %parallel_loop3A_74 = arith.addi %iota3A, %parallel_loop3A_73 : vector<16xi32>
            %parallel_loop3A_75 = arith.constant 0.000000e+00 : f32
            %parallel_loop3A_76 = vector.broadcast %parallel_loop3A_75 : f32 to vector<16xf32>
            %parallel_loop3A_77 = arith.constant 3 : i32
            %parallel_loop3A_78 = vector.broadcast %parallel_loop3A_77 : i32 to vector<16xi32>
            %parallel_loop3A_79 = tpu.vector_load_idx %arg11[%parallel_loop3A_74, %parallel_loop3A_78] : memref<80x17xf32, #tpu.memory_space<vmem>>[vector<16xi32>, vector<16xi32>], vector<16xf32>,
            %parallel_loop3A_80 = arith.constant 0 : i32
            %parallel_loop3A_81 = vector.broadcast %parallel_loop3A_80 : i32 to vector<16xi32>
            %parallel_loop3A_82 = tpu.vector_load_idx %arg12[%parallel_loop3A_70, %parallel_loop3A_81] : memref<1024x17xf32, #tpu.memory_space<vmem>>[vector<16xi32>, vector<16xi32>], vector<16xf32>,
            %parallel_loop3A_83 = arith.mulf %parallel_loop3A_79, %parallel_loop3A_82 : vector<16xf32>
            %parallel_loop3A_84 = arith.addf %parallel_loop3A_76, %parallel_loop3A_83 : vector<16xf32>
            %parallel_loop3A_85 = arith.constant 4 : i32
            %parallel_loop3A_86 = vector.broadcast %parallel_loop3A_85 : i32 to vector<16xi32>
            %parallel_loop3A_87 = tpu.vector_load_idx %arg11[%parallel_loop3A_74, %parallel_loop3A_86] : memref<80x17xf32, #tpu.memory_space<vmem>>[vector<16xi32>, vector<16xi32>], vector<16xf32>,
            %parallel_loop3A_88 = arith.constant 1 : i32
            %parallel_loop3A_89 = vector.broadcast %parallel_loop3A_88 : i32 to vector<16xi32>
            %parallel_loop3A_90 = tpu.vector_load_idx %arg12[%parallel_loop3A_70, %parallel_loop3A_89] : memref<1024x17xf32, #tpu.memory_space<vmem>>[vector<16xi32>, vector<16xi32>], vector<16xf32>,
            %parallel_loop3A_91 = arith.mulf %parallel_loop3A_87, %parallel_loop3A_90 : vector<16xf32>
            %parallel_loop3A_92 = arith.addf %parallel_loop3A_84, %parallel_loop3A_91 : vector<16xf32>
            %parallel_loop3A_93 = arith.constant 5 : i32
            %parallel_loop3A_94 = vector.broadcast %parallel_loop3A_93 : i32 to vector<16xi32>
            %parallel_loop3A_95 = tpu.vector_load_idx %arg11[%parallel_loop3A_74, %parallel_loop3A_94] : memref<80x17xf32, #tpu.memory_space<vmem>>[vector<16xi32>, vector<16xi32>], vector<16xf32>,
            %parallel_loop3A_96 = arith.constant 2 : i32
            %parallel_loop3A_97 = vector.broadcast %parallel_loop3A_96 : i32 to vector<16xi32>
            %parallel_loop3A_98 = tpu.vector_load_idx %arg12[%parallel_loop3A_70, %parallel_loop3A_97] : memref<1024x17xf32, #tpu.memory_space<vmem>>[vector<16xi32>, vector<16xi32>], vector<16xf32>,
            %parallel_loop3A_99 = arith.mulf %parallel_loop3A_95, %parallel_loop3A_98 : vector<16xf32>
            %parallel_loop3A_100 = arith.addf %parallel_loop3A_92, %parallel_loop3A_99 : vector<16xf32>
            %parallel_loop3A_101 = arith.constant 6 : i32
            %parallel_loop3A_102 = vector.broadcast %parallel_loop3A_101 : i32 to vector<16xi32>
            %parallel_loop3A_103 = tpu.vector_load_idx %arg11[%parallel_loop3A_74, %parallel_loop3A_102] : memref<80x17xf32, #tpu.memory_space<vmem>>[vector<16xi32>, vector<16xi32>], vector<16xf32>,
            %parallel_loop3A_104 = arith.constant 3 : i32
            %parallel_loop3A_105 = vector.broadcast %parallel_loop3A_104 : i32 to vector<16xi32>
            %parallel_loop3A_106 = tpu.vector_load_idx %arg12[%parallel_loop3A_70, %parallel_loop3A_105] : memref<1024x17xf32, #tpu.memory_space<vmem>>[vector<16xi32>, vector<16xi32>], vector<16xf32>,
            %parallel_loop3A_107 = arith.mulf %parallel_loop3A_103, %parallel_loop3A_106 : vector<16xf32>
            %parallel_loop3A_108 = arith.addf %parallel_loop3A_100, %parallel_loop3A_107 : vector<16xf32>
            %parallel_loop3A_109 = arith.constant 7 : i32
            %parallel_loop3A_110 = vector.broadcast %parallel_loop3A_109 : i32 to vector<16xi32>
            %parallel_loop3A_111 = tpu.vector_load_idx %arg11[%parallel_loop3A_74, %parallel_loop3A_110] : memref<80x17xf32, #tpu.memory_space<vmem>>[vector<16xi32>, vector<16xi32>], vector<16xf32>,
            %parallel_loop3A_112 = arith.constant 4 : i32
            %parallel_loop3A_113 = vector.broadcast %parallel_loop3A_112 : i32 to vector<16xi32>
            %parallel_loop3A_114 = tpu.vector_load_idx %arg12[%parallel_loop3A_70, %parallel_loop3A_113] : memref<1024x17xf32, #tpu.memory_space<vmem>>[vector<16xi32>, vector<16xi32>], vector<16xf32>,
            %parallel_loop3A_115 = arith.mulf %parallel_loop3A_111, %parallel_loop3A_114 : vector<16xf32>
            %parallel_loop3A_116 = arith.addf %parallel_loop3A_108, %parallel_loop3A_115 : vector<16xf32>
            %parallel_loop3A_117 = arith.constant 8 : i32
            %parallel_loop3A_118 = vector.broadcast %parallel_loop3A_117 : i32 to vector<16xi32>
            %parallel_loop3A_119 = tpu.vector_load_idx %arg11[%parallel_loop3A_74, %parallel_loop3A_118] : memref<80x17xf32, #tpu.memory_space<vmem>>[vector<16xi32>, vector<16xi32>], vector<16xf32>,
            %parallel_loop3A_120 = arith.constant 5 : i32
            %parallel_loop3A_121 = vector.broadcast %parallel_loop3A_120 : i32 to vector<16xi32>
            %parallel_loop3A_122 = tpu.vector_load_idx %arg12[%parallel_loop3A_70, %parallel_loop3A_121] : memref<1024x17xf32, #tpu.memory_space<vmem>>[vector<16xi32>, vector<16xi32>], vector<16xf32>,
            %parallel_loop3A_123 = arith.mulf %parallel_loop3A_119, %parallel_loop3A_122 : vector<16xf32>
            %parallel_loop3A_124 = arith.addf %parallel_loop3A_116, %parallel_loop3A_123 : vector<16xf32>
            %parallel_loop3A_125 = arith.constant 9 : i32
            %parallel_loop3A_126 = vector.broadcast %parallel_loop3A_125 : i32 to vector<16xi32>
            %parallel_loop3A_127 = tpu.vector_load_idx %arg11[%parallel_loop3A_74, %parallel_loop3A_126] : memref<80x17xf32, #tpu.memory_space<vmem>>[vector<16xi32>, vector<16xi32>], vector<16xf32>,
            %parallel_loop3A_128 = arith.constant 6 : i32
            %parallel_loop3A_129 = vector.broadcast %parallel_loop3A_128 : i32 to vector<16xi32>
            %parallel_loop3A_130 = tpu.vector_load_idx %arg12[%parallel_loop3A_70, %parallel_loop3A_129] : memref<1024x17xf32, #tpu.memory_space<vmem>>[vector<16xi32>, vector<16xi32>], vector<16xf32>,
            %parallel_loop3A_131 = arith.mulf %parallel_loop3A_127, %parallel_loop3A_130 : vector<16xf32>
            %parallel_loop3A_132 = arith.addf %parallel_loop3A_124, %parallel_loop3A_131 : vector<16xf32>
            %parallel_loop3A_133 = arith.constant 10 : i32
            %parallel_loop3A_134 = vector.broadcast %parallel_loop3A_133 : i32 to vector<16xi32>
            %parallel_loop3A_135 = tpu.vector_load_idx %arg11[%parallel_loop3A_74, %parallel_loop3A_134] : memref<80x17xf32, #tpu.memory_space<vmem>>[vector<16xi32>, vector<16xi32>], vector<16xf32>,
            %parallel_loop3A_136 = arith.constant 7 : i32
            %parallel_loop3A_137 = vector.broadcast %parallel_loop3A_136 : i32 to vector<16xi32>
            %parallel_loop3A_138 = tpu.vector_load_idx %arg12[%parallel_loop3A_70, %parallel_loop3A_137] : memref<1024x17xf32, #tpu.memory_space<vmem>>[vector<16xi32>, vector<16xi32>], vector<16xf32>,
            %parallel_loop3A_139 = arith.mulf %parallel_loop3A_135, %parallel_loop3A_138 : vector<16xf32>
            %parallel_loop3A_140 = arith.addf %parallel_loop3A_132, %parallel_loop3A_139 : vector<16xf32>
            %parallel_loop3A_141 = arith.constant 11 : i32
            %parallel_loop3A_142 = vector.broadcast %parallel_loop3A_141 : i32 to vector<16xi32>
            %parallel_loop3A_143 = tpu.vector_load_idx %arg11[%parallel_loop3A_74, %parallel_loop3A_142] : memref<80x17xf32, #tpu.memory_space<vmem>>[vector<16xi32>, vector<16xi32>], vector<16xf32>,
            %parallel_loop3A_144 = arith.constant 8 : i32
            %parallel_loop3A_145 = vector.broadcast %parallel_loop3A_144 : i32 to vector<16xi32>
            %parallel_loop3A_146 = tpu.vector_load_idx %arg12[%parallel_loop3A_70, %parallel_loop3A_145] : memref<1024x17xf32, #tpu.memory_space<vmem>>[vector<16xi32>, vector<16xi32>], vector<16xf32>,
            %parallel_loop3A_147 = arith.mulf %parallel_loop3A_143, %parallel_loop3A_146 : vector<16xf32>
            %parallel_loop3A_148 = arith.addf %parallel_loop3A_140, %parallel_loop3A_147 : vector<16xf32>
            %parallel_loop3A_149 = arith.constant 12 : i32
            %parallel_loop3A_150 = vector.broadcast %parallel_loop3A_149 : i32 to vector<16xi32>
            %parallel_loop3A_151 = tpu.vector_load_idx %arg11[%parallel_loop3A_74, %parallel_loop3A_150] : memref<80x17xf32, #tpu.memory_space<vmem>>[vector<16xi32>, vector<16xi32>], vector<16xf32>,
            %parallel_loop3A_152 = arith.constant 9 : i32
            %parallel_loop3A_153 = vector.broadcast %parallel_loop3A_152 : i32 to vector<16xi32>
            %parallel_loop3A_154 = tpu.vector_load_idx %arg12[%parallel_loop3A_70, %parallel_loop3A_153] : memref<1024x17xf32, #tpu.memory_space<vmem>>[vector<16xi32>, vector<16xi32>], vector<16xf32>,
            %parallel_loop3A_155 = arith.mulf %parallel_loop3A_151, %parallel_loop3A_154 : vector<16xf32>
            %parallel_loop3A_156 = arith.addf %parallel_loop3A_148, %parallel_loop3A_155 : vector<16xf32>
            %parallel_loop3A_157 = math.exp %parallel_loop3A_156 : vector<16xf32>
            %parallel_loop3A_158 = arith.constant 16 : i32
            %parallel_loop3A_159 = arith.muli %parallel_loop3A_63, %parallel_loop3A_158 : i32
            %parallel_loop3A_160 = arith.constant 0 : i32
            %parallel_loop3A_161 = arith.addi %parallel_loop3A_159, %parallel_loop3A_160 : i32
            %parallel_loop3A_162 = vector.extract_strided_slice %parallel_loop3A_70 {offsets = [0], sizes = [1], strides = [1]} : vector<16xi32> to vector<1xi32>
            %parallel_loop3A_163 = vector.extract %parallel_loop3A_162[0] : i32 from vector<1xi32>
            %parallel_loop3A_164 = vector.extract_strided_slice %parallel_loop3A_157 {offsets = [0], sizes = [1], strides = [1]} : vector<16xf32> to vector<1xf32>
            %parallel_loop3A_165 = vector.extract %parallel_loop3A_164[0] : f32 from vector<1xf32>
            %parallel_loop3A_166 = arith.index_cast %parallel_loop3A_161 : i32 to index
            %parallel_loop3A_167 = arith.constant 0 : index
            %parallel_loop3A_168 = tpu.vector_load %arg9[%parallel_loop3A_166, %parallel_loop3A_167] {strides = array<i32>} : memref<80x64xf32, #tpu.memory_space<vmem>>, vector<16xf32>,
            %parallel_loop3A_169 = vector.broadcast %parallel_loop3A_165 : f32 to vector<16xf32>
            %parallel_loop3A_170 = arith.mulf %parallel_loop3A_169, %parallel_loop3A_168 : vector<16xf32>
            %parallel_loop3A_171 = arith.index_cast %parallel_loop3A_163 : i32 to index
            %parallel_loop3A_172 = arith.constant 0 : index
            %parallel_loop3A_173 = tpu.vector_load %arg13[%parallel_loop3A_171, %parallel_loop3A_172] {strides = array<i32>} : memref<1024x64xf32, #tpu.memory_space<vmem>>, vector<16xf32>,
            tpu.vector_store %arg13[%parallel_loop3A_171, %parallel_loop3A_172], %parallel_loop3A_170 {add = true, strides = array<i32>} : memref<1024x64xf32, #tpu.memory_space<vmem>>, vector<16xf32>,
            %parallel_loop3A_174 = arith.index_cast %parallel_loop3A_161 : i32 to index
            %parallel_loop3A_175 = arith.constant 16 : index
            %parallel_loop3A_176 = tpu.vector_load %arg9[%parallel_loop3A_174, %parallel_loop3A_175] {strides = array<i32>} : memref<80x64xf32, #tpu.memory_space<vmem>>, vector<16xf32>,
            %parallel_loop3A_177 = vector.broadcast %parallel_loop3A_165 : f32 to vector<16xf32>
            %parallel_loop3A_178 = arith.mulf %parallel_loop3A_177, %parallel_loop3A_176 : vector<16xf32>
            %parallel_loop3A_179 = arith.index_cast %parallel_loop3A_163 : i32 to index
            %parallel_loop3A_180 = arith.constant 16 : index
            %parallel_loop3A_181 = tpu.vector_load %arg13[%parallel_loop3A_179, %parallel_loop3A_180] {strides = array<i32>} : memref<1024x64xf32, #tpu.memory_space<vmem>>, vector<16xf32>,
            tpu.vector_store %arg13[%parallel_loop3A_179, %parallel_loop3A_180], %parallel_loop3A_178 {add = true, strides = array<i32>} : memref<1024x64xf32, #tpu.memory_space<vmem>>, vector<16xf32>,
            %parallel_loop3A_182 = arith.index_cast %parallel_loop3A_161 : i32 to index
            %parallel_loop3A_183 = arith.constant 32 : index
            %parallel_loop3A_184 = tpu.vector_load %arg9[%parallel_loop3A_182, %parallel_loop3A_183] {strides = array<i32>} : memref<80x64xf32, #tpu.memory_space<vmem>>, vector<16xf32>,
            %parallel_loop3A_185 = vector.broadcast %parallel_loop3A_165 : f32 to vector<16xf32>
            %parallel_loop3A_186 = arith.mulf %parallel_loop3A_185, %parallel_loop3A_184 : vector<16xf32>
            %parallel_loop3A_187 = arith.index_cast %parallel_loop3A_163 : i32 to index
            %parallel_loop3A_188 = arith.constant 32 : index
            %parallel_loop3A_189 = tpu.vector_load %arg13[%parallel_loop3A_187, %parallel_loop3A_188] {strides = array<i32>} : memref<1024x64xf32, #tpu.memory_space<vmem>>, vector<16xf32>,
            tpu.vector_store %arg13[%parallel_loop3A_187, %parallel_loop3A_188], %parallel_loop3A_186 {add = true, strides = array<i32>} : memref<1024x64xf32, #tpu.memory_space<vmem>>, vector<16xf32>,
            %parallel_loop3A_190 = arith.index_cast %parallel_loop3A_161 : i32 to index
            %parallel_loop3A_191 = arith.constant 48 : index
            %parallel_loop3A_192 = tpu.vector_load %arg9[%parallel_loop3A_190, %parallel_loop3A_191] {strides = array<i32>} : memref<80x64xf32, #tpu.memory_space<vmem>>, vector<16xf32>,
            %parallel_loop3A_193 = vector.broadcast %parallel_loop3A_165 : f32 to vector<16xf32>
            %parallel_loop3A_194 = arith.mulf %parallel_loop3A_193, %parallel_loop3A_192 : vector<16xf32>
            %parallel_loop3A_195 = arith.index_cast %parallel_loop3A_163 : i32 to index
            %parallel_loop3A_196 = arith.constant 48 : index
            %parallel_loop3A_197 = tpu.vector_load %arg13[%parallel_loop3A_195, %parallel_loop3A_196] {strides = array<i32>} : memref<1024x64xf32, #tpu.memory_space<vmem>>, vector<16xf32>,
            tpu.vector_store %arg13[%parallel_loop3A_195, %parallel_loop3A_196], %parallel_loop3A_194 {add = true, strides = array<i32>} : memref<1024x64xf32, #tpu.memory_space<vmem>>, vector<16xf32>,
            %parallel_loop3A_198 = arith.constant 16 : i32
            %parallel_loop3A_199 = arith.muli %parallel_loop3A_63, %parallel_loop3A_198 : i32
            %parallel_loop3A_200 = arith.constant 1 : i32
            %parallel_loop3A_201 = arith.addi %parallel_loop3A_199, %parallel_loop3A_200 : i32
            %parallel_loop3A_202 = vector.extract_strided_slice %parallel_loop3A_70 {offsets = [1], sizes = [1], strides = [1]} : vector<16xi32> to vector<1xi32>
            %parallel_loop3A_203 = vector.extract %parallel_loop3A_202[0] : i32 from vector<1xi32>
            %parallel_loop3A_204 = vector.extract_strided_slice %parallel_loop3A_157 {offsets = [1], sizes = [1], strides = [1]} : vector<16xf32> to vector<1xf32>
            %parallel_loop3A_205 = vector.extract %parallel_loop3A_204[0] : f32 from vector<1xf32>
            %parallel_loop3A_206 = arith.index_cast %parallel_loop3A_201 : i32 to index
            %parallel_loop3A_207 = arith.constant 0 : index
            %parallel_loop3A_208 = tpu.vector_load %arg9[%parallel_loop3A_206, %parallel_loop3A_207] {strides = array<i32>} : memref<80x64xf32, #tpu.memory_space<vmem>>, vector<16xf32>,
            %parallel_loop3A_209 = vector.broadcast %parallel_loop3A_205 : f32 to vector<16xf32>
            %parallel_loop3A_210 = arith.mulf %parallel_loop3A_209, %parallel_loop3A_208 : vector<16xf32>
            %parallel_loop3A_211 = arith.index_cast %parallel_loop3A_203 : i32 to index
            %parallel_loop3A_212 = arith.constant 0 : index
            %parallel_loop3A_213 = tpu.vector_load %arg13[%parallel_loop3A_211, %parallel_loop3A_212] {strides = array<i32>} : memref<1024x64xf32, #tpu.memory_space<vmem>>, vector<16xf32>,
            tpu.vector_store %arg13[%parallel_loop3A_211, %parallel_loop3A_212], %parallel_loop3A_210 {add = true, strides = array<i32>} : memref<1024x64xf32, #tpu.memory_space<vmem>>, vector<16xf32>,
            %parallel_loop3A_214 = arith.index_cast %parallel_loop3A_201 : i32 to index
            %parallel_loop3A_215 = arith.constant 16 : index
            %parallel_loop3A_216 = tpu.vector_load %arg9[%parallel_loop3A_214, %parallel_loop3A_215] {strides = array<i32>} : memref<80x64xf32, #tpu.memory_space<vmem>>, vector<16xf32>,
            %parallel_loop3A_217 = vector.broadcast %parallel_loop3A_205 : f32 to vector<16xf32>
            %parallel_loop3A_218 = arith.mulf %parallel_loop3A_217, %parallel_loop3A_216 : vector<16xf32>
            %parallel_loop3A_219 = arith.index_cast %parallel_loop3A_203 : i32 to index
            %parallel_loop3A_220 = arith.constant 16 : index
            %parallel_loop3A_221 = tpu.vector_load %arg13[%parallel_loop3A_219, %parallel_loop3A_220] {strides = array<i32>} : memref<1024x64xf32, #tpu.memory_space<vmem>>, vector<16xf32>,
            tpu.vector_store %arg13[%parallel_loop3A_219, %parallel_loop3A_220], %parallel_loop3A_218 {add = true, strides = array<i32>} : memref<1024x64xf32, #tpu.memory_space<vmem>>, vector<16xf32>,
            %parallel_loop3A_222 = arith.index_cast %parallel_loop3A_201 : i32 to index
            %parallel_loop3A_223 = arith.constant 32 : index
            %parallel_loop3A_224 = tpu.vector_load %arg9[%parallel_loop3A_222, %parallel_loop3A_223] {strides = array<i32>} : memref<80x64xf32, #tpu.memory_space<vmem>>, vector<16xf32>,
            %parallel_loop3A_225 = vector.broadcast %parallel_loop3A_205 : f32 to vector<16xf32>
            %parallel_loop3A_226 = arith.mulf %parallel_loop3A_225, %parallel_loop3A_224 : vector<16xf32>
            %parallel_loop3A_227 = arith.index_cast %parallel_loop3A_203 : i32 to index
            %parallel_loop3A_228 = arith.constant 32 : index
            %parallel_loop3A_229 = tpu.vector_load %arg13[%parallel_loop3A_227, %parallel_loop3A_228] {strides = array<i32>} : memref<1024x64xf32, #tpu.memory_space<vmem>>, vector<16xf32>,
            tpu.vector_store %arg13[%parallel_loop3A_227, %parallel_loop3A_228], %parallel_loop3A_226 {add = true, strides = array<i32>} : memref<1024x64xf32, #tpu.memory_space<vmem>>, vector<16xf32>,
            %parallel_loop3A_230 = arith.index_cast %parallel_loop3A_201 : i32 to index
            %parallel_loop3A_231 = arith.constant 48 : index
            %parallel_loop3A_232 = tpu.vector_load %arg9[%parallel_loop3A_230, %parallel_loop3A_231] {strides = array<i32>} : memref<80x64xf32, #tpu.memory_space<vmem>>, vector<16xf32>,
            %parallel_loop3A_233 = vector.broadcast %parallel_loop3A_205 : f32 to vector<16xf32>
            %parallel_loop3A_234 = arith.mulf %parallel_loop3A_233, %parallel_loop3A_232 : vector<16xf32>
            %parallel_loop3A_235 = arith.index_cast %parallel_loop3A_203 : i32 to index
            %parallel_loop3A_236 = arith.constant 48 : index
            %parallel_loop3A_237 = tpu.vector_load %arg13[%parallel_loop3A_235, %parallel_loop3A_236] {strides = array<i32>} : memref<1024x64xf32, #tpu.memory_space<vmem>>, vector<16xf32>,
            tpu.vector_store %arg13[%parallel_loop3A_235, %parallel_loop3A_236], %parallel_loop3A_234 {add = true, strides = array<i32>} : memref<1024x64xf32, #tpu.memory_space<vmem>>, vector<16xf32>,
            %parallel_loop3A_238 = arith.constant 16 : i32
            %parallel_loop3A_239 = arith.muli %parallel_loop3A_63, %parallel_loop3A_238 : i32
            %parallel_loop3A_240 = arith.constant 2 : i32
            %parallel_loop3A_241 = arith.addi %parallel_loop3A_239, %parallel_loop3A_240 : i32
            %parallel_loop3A_242 = vector.extract_strided_slice %parallel_loop3A_70 {offsets = [2], sizes = [1], strides = [1]} : vector<16xi32> to vector<1xi32>
            %parallel_loop3A_243 = vector.extract %parallel_loop3A_242[0] : i32 from vector<1xi32>
            %parallel_loop3A_244 = vector.extract_strided_slice %parallel_loop3A_157 {offsets = [2], sizes = [1], strides = [1]} : vector<16xf32> to vector<1xf32>
            %parallel_loop3A_245 = vector.extract %parallel_loop3A_244[0] : f32 from vector<1xf32>
            %parallel_loop3A_246 = arith.index_cast %parallel_loop3A_241 : i32 to index
            %parallel_loop3A_247 = arith.constant 0 : index
            %parallel_loop3A_248 = tpu.vector_load %arg9[%parallel_loop3A_246, %parallel_loop3A_247] {strides = array<i32>} : memref<80x64xf32, #tpu.memory_space<vmem>>, vector<16xf32>,
            %parallel_loop3A_249 = vector.broadcast %parallel_loop3A_245 : f32 to vector<16xf32>
            %parallel_loop3A_250 = arith.mulf %parallel_loop3A_249, %parallel_loop3A_248 : vector<16xf32>
            %parallel_loop3A_251 = arith.index_cast %parallel_loop3A_243 : i32 to index
            %parallel_loop3A_252 = arith.constant 0 : index
            %parallel_loop3A_253 = tpu.vector_load %arg13[%parallel_loop3A_251, %parallel_loop3A_252] {strides = array<i32>} : memref<1024x64xf32, #tpu.memory_space<vmem>>, vector<16xf32>,
            tpu.vector_store %arg13[%parallel_loop3A_251, %parallel_loop3A_252], %parallel_loop3A_250 {add = true, strides = array<i32>} : memref<1024x64xf32, #tpu.memory_space<vmem>>, vector<16xf32>,
            %parallel_loop3A_254 = arith.index_cast %parallel_loop3A_241 : i32 to index
            %parallel_loop3A_255 = arith.constant 16 : index
            %parallel_loop3A_256 = tpu.vector_load %arg9[%parallel_loop3A_254, %parallel_loop3A_255] {strides = array<i32>} : memref<80x64xf32, #tpu.memory_space<vmem>>, vector<16xf32>,
            %parallel_loop3A_257 = vector.broadcast %parallel_loop3A_245 : f32 to vector<16xf32>
            %parallel_loop3A_258 = arith.mulf %parallel_loop3A_257, %parallel_loop3A_256 : vector<16xf32>
            %parallel_loop3A_259 = arith.index_cast %parallel_loop3A_243 : i32 to index
            %parallel_loop3A_260 = arith.constant 16 : index
            %parallel_loop3A_261 = tpu.vector_load %arg13[%parallel_loop3A_259, %parallel_loop3A_260] {strides = array<i32>} : memref<1024x64xf32, #tpu.memory_space<vmem>>, vector<16xf32>,
            tpu.vector_store %arg13[%parallel_loop3A_259, %parallel_loop3A_260], %parallel_loop3A_258 {add = true, strides = array<i32>} : memref<1024x64xf32, #tpu.memory_space<vmem>>, vector<16xf32>,
            %parallel_loop3A_262 = arith.index_cast %parallel_loop3A_241 : i32 to index
            %parallel_loop3A_263 = arith.constant 32 : index
            %parallel_loop3A_264 = tpu.vector_load %arg9[%parallel_loop3A_262, %parallel_loop3A_263] {strides = array<i32>} : memref<80x64xf32, #tpu.memory_space<vmem>>, vector<16xf32>,
            %parallel_loop3A_265 = vector.broadcast %parallel_loop3A_245 : f32 to vector<16xf32>
            %parallel_loop3A_266 = arith.mulf %parallel_loop3A_265, %parallel_loop3A_264 : vector<16xf32>
            %parallel_loop3A_267 = arith.index_cast %parallel_loop3A_243 : i32 to index
            %parallel_loop3A_268 = arith.constant 32 : index
            %parallel_loop3A_269 = tpu.vector_load %arg13[%parallel_loop3A_267, %parallel_loop3A_268] {strides = array<i32>} : memref<1024x64xf32, #tpu.memory_space<vmem>>, vector<16xf32>,
            tpu.vector_store %arg13[%parallel_loop3A_267, %parallel_loop3A_268], %parallel_loop3A_266 {add = true, strides = array<i32>} : memref<1024x64xf32, #tpu.memory_space<vmem>>, vector<16xf32>,
            %parallel_loop3A_270 = arith.index_cast %parallel_loop3A_241 : i32 to index
            %parallel_loop3A_271 = arith.constant 48 : index
            %parallel_loop3A_272 = tpu.vector_load %arg9[%parallel_loop3A_270, %parallel_loop3A_271] {strides = array<i32>} : memref<80x64xf32, #tpu.memory_space<vmem>>, vector<16xf32>,
            %parallel_loop3A_273 = vector.broadcast %parallel_loop3A_245 : f32 to vector<16xf32>
            %parallel_loop3A_274 = arith.mulf %parallel_loop3A_273, %parallel_loop3A_272 : vector<16xf32>
            %parallel_loop3A_275 = arith.index_cast %parallel_loop3A_243 : i32 to index
            %parallel_loop3A_276 = arith.constant 48 : index
            %parallel_loop3A_277 = tpu.vector_load %arg13[%parallel_loop3A_275, %parallel_loop3A_276] {strides = array<i32>} : memref<1024x64xf32, #tpu.memory_space<vmem>>, vector<16xf32>,
            tpu.vector_store %arg13[%parallel_loop3A_275, %parallel_loop3A_276], %parallel_loop3A_274 {add = true, strides = array<i32>} : memref<1024x64xf32, #tpu.memory_space<vmem>>, vector<16xf32>,
            %parallel_loop3A_278 = arith.constant 16 : i32
            %parallel_loop3A_279 = arith.muli %parallel_loop3A_63, %parallel_loop3A_278 : i32
            %parallel_loop3A_280 = arith.constant 3 : i32
            %parallel_loop3A_281 = arith.addi %parallel_loop3A_279, %parallel_loop3A_280 : i32
            %parallel_loop3A_282 = vector.extract_strided_slice %parallel_loop3A_70 {offsets = [3], sizes = [1], strides = [1]} : vector<16xi32> to vector<1xi32>
            %parallel_loop3A_283 = vector.extract %parallel_loop3A_282[0] : i32 from vector<1xi32>
            %parallel_loop3A_284 = vector.extract_strided_slice %parallel_loop3A_157 {offsets = [3], sizes = [1], strides = [1]} : vector<16xf32> to vector<1xf32>
            %parallel_loop3A_285 = vector.extract %parallel_loop3A_284[0] : f32 from vector<1xf32>
            %parallel_loop3A_286 = arith.index_cast %parallel_loop3A_281 : i32 to index
            %parallel_loop3A_287 = arith.constant 0 : index
            %parallel_loop3A_288 = tpu.vector_load %arg9[%parallel_loop3A_286, %parallel_loop3A_287] {strides = array<i32>} : memref<80x64xf32, #tpu.memory_space<vmem>>, vector<16xf32>,
            %parallel_loop3A_289 = vector.broadcast %parallel_loop3A_285 : f32 to vector<16xf32>
            %parallel_loop3A_290 = arith.mulf %parallel_loop3A_289, %parallel_loop3A_288 : vector<16xf32>
            %parallel_loop3A_291 = arith.index_cast %parallel_loop3A_283 : i32 to index
            %parallel_loop3A_292 = arith.constant 0 : index
            %parallel_loop3A_293 = tpu.vector_load %arg13[%parallel_loop3A_291, %parallel_loop3A_292] {strides = array<i32>} : memref<1024x64xf32, #tpu.memory_space<vmem>>, vector<16xf32>,
            tpu.vector_store %arg13[%parallel_loop3A_291, %parallel_loop3A_292], %parallel_loop3A_290 {add = true, strides = array<i32>} : memref<1024x64xf32, #tpu.memory_space<vmem>>, vector<16xf32>,
            %parallel_loop3A_294 = arith.index_cast %parallel_loop3A_281 : i32 to index
            %parallel_loop3A_295 = arith.constant 16 : index
            %parallel_loop3A_296 = tpu.vector_load %arg9[%parallel_loop3A_294, %parallel_loop3A_295] {strides = array<i32>} : memref<80x64xf32, #tpu.memory_space<vmem>>, vector<16xf32>,
            %parallel_loop3A_297 = vector.broadcast %parallel_loop3A_285 : f32 to vector<16xf32>
            %parallel_loop3A_298 = arith.mulf %parallel_loop3A_297, %parallel_loop3A_296 : vector<16xf32>
            %parallel_loop3A_299 = arith.index_cast %parallel_loop3A_283 : i32 to index
            %parallel_loop3A_300 = arith.constant 16 : index
            %parallel_loop3A_301 = tpu.vector_load %arg13[%parallel_loop3A_299, %parallel_loop3A_300] {strides = array<i32>} : memref<1024x64xf32, #tpu.memory_space<vmem>>, vector<16xf32>,
            tpu.vector_store %arg13[%parallel_loop3A_299, %parallel_loop3A_300], %parallel_loop3A_298 {add = true, strides = array<i32>} : memref<1024x64xf32, #tpu.memory_space<vmem>>, vector<16xf32>,
            %parallel_loop3A_302 = arith.index_cast %parallel_loop3A_281 : i32 to index
            %parallel_loop3A_303 = arith.constant 32 : index
            %parallel_loop3A_304 = tpu.vector_load %arg9[%parallel_loop3A_302, %parallel_loop3A_303] {strides = array<i32>} : memref<80x64xf32, #tpu.memory_space<vmem>>, vector<16xf32>,
            %parallel_loop3A_305 = vector.broadcast %parallel_loop3A_285 : f32 to vector<16xf32>
            %parallel_loop3A_306 = arith.mulf %parallel_loop3A_305, %parallel_loop3A_304 : vector<16xf32>
            %parallel_loop3A_307 = arith.index_cast %parallel_loop3A_283 : i32 to index
            %parallel_loop3A_308 = arith.constant 32 : index
            %parallel_loop3A_309 = tpu.vector_load %arg13[%parallel_loop3A_307, %parallel_loop3A_308] {strides = array<i32>} : memref<1024x64xf32, #tpu.memory_space<vmem>>, vector<16xf32>,
            tpu.vector_store %arg13[%parallel_loop3A_307, %parallel_loop3A_308], %parallel_loop3A_306 {add = true, strides = array<i32>} : memref<1024x64xf32, #tpu.memory_space<vmem>>, vector<16xf32>,
            %parallel_loop3A_310 = arith.index_cast %parallel_loop3A_281 : i32 to index
            %parallel_loop3A_311 = arith.constant 48 : index
            %parallel_loop3A_312 = tpu.vector_load %arg9[%parallel_loop3A_310, %parallel_loop3A_311] {strides = array<i32>} : memref<80x64xf32, #tpu.memory_space<vmem>>, vector<16xf32>,
            %parallel_loop3A_313 = vector.broadcast %parallel_loop3A_285 : f32 to vector<16xf32>
            %parallel_loop3A_314 = arith.mulf %parallel_loop3A_313, %parallel_loop3A_312 : vector<16xf32>
            %parallel_loop3A_315 = arith.index_cast %parallel_loop3A_283 : i32 to index
            %parallel_loop3A_316 = arith.constant 48 : index
            %parallel_loop3A_317 = tpu.vector_load %arg13[%parallel_loop3A_315, %parallel_loop3A_316] {strides = array<i32>} : memref<1024x64xf32, #tpu.memory_space<vmem>>, vector<16xf32>,
            tpu.vector_store %arg13[%parallel_loop3A_315, %parallel_loop3A_316], %parallel_loop3A_314 {add = true, strides = array<i32>} : memref<1024x64xf32, #tpu.memory_space<vmem>>, vector<16xf32>,
            %parallel_loop3A_318 = arith.constant 16 : i32
            %parallel_loop3A_319 = arith.muli %parallel_loop3A_63, %parallel_loop3A_318 : i32
            %parallel_loop3A_320 = arith.constant 4 : i32
            %parallel_loop3A_321 = arith.addi %parallel_loop3A_319, %parallel_loop3A_320 : i32
            %parallel_loop3A_322 = vector.extract_strided_slice %parallel_loop3A_70 {offsets = [4], sizes = [1], strides = [1]} : vector<16xi32> to vector<1xi32>
            %parallel_loop3A_323 = vector.extract %parallel_loop3A_322[0] : i32 from vector<1xi32>
            %parallel_loop3A_324 = vector.extract_strided_slice %parallel_loop3A_157 {offsets = [4], sizes = [1], strides = [1]} : vector<16xf32> to vector<1xf32>
            %parallel_loop3A_325 = vector.extract %parallel_loop3A_324[0] : f32 from vector<1xf32>
            %parallel_loop3A_326 = arith.index_cast %parallel_loop3A_321 : i32 to index
            %parallel_loop3A_327 = arith.constant 0 : index
            %parallel_loop3A_328 = tpu.vector_load %arg9[%parallel_loop3A_326, %parallel_loop3A_327] {strides = array<i32>} : memref<80x64xf32, #tpu.memory_space<vmem>>, vector<16xf32>,
            %parallel_loop3A_329 = vector.broadcast %parallel_loop3A_325 : f32 to vector<16xf32>
            %parallel_loop3A_330 = arith.mulf %parallel_loop3A_329, %parallel_loop3A_328 : vector<16xf32>
            %parallel_loop3A_331 = arith.index_cast %parallel_loop3A_323 : i32 to index
            %parallel_loop3A_332 = arith.constant 0 : index
            %parallel_loop3A_333 = tpu.vector_load %arg13[%parallel_loop3A_331, %parallel_loop3A_332] {strides = array<i32>} : memref<1024x64xf32, #tpu.memory_space<vmem>>, vector<16xf32>,
            tpu.vector_store %arg13[%parallel_loop3A_331, %parallel_loop3A_332], %parallel_loop3A_330 {add = true, strides = array<i32>} : memref<1024x64xf32, #tpu.memory_space<vmem>>, vector<16xf32>,
            %parallel_loop3A_334 = arith.index_cast %parallel_loop3A_321 : i32 to index
            %parallel_loop3A_335 = arith.constant 16 : index
            %parallel_loop3A_336 = tpu.vector_load %arg9[%parallel_loop3A_334, %parallel_loop3A_335] {strides = array<i32>} : memref<80x64xf32, #tpu.memory_space<vmem>>, vector<16xf32>,
            %parallel_loop3A_337 = vector.broadcast %parallel_loop3A_325 : f32 to vector<16xf32>
            %parallel_loop3A_338 = arith.mulf %parallel_loop3A_337, %parallel_loop3A_336 : vector<16xf32>
            %parallel_loop3A_339 = arith.index_cast %parallel_loop3A_323 : i32 to index
            %parallel_loop3A_340 = arith.constant 16 : index
            %parallel_loop3A_341 = tpu.vector_load %arg13[%parallel_loop3A_339, %parallel_loop3A_340] {strides = array<i32>} : memref<1024x64xf32, #tpu.memory_space<vmem>>, vector<16xf32>,
            tpu.vector_store %arg13[%parallel_loop3A_339, %parallel_loop3A_340], %parallel_loop3A_338 {add = true, strides = array<i32>} : memref<1024x64xf32, #tpu.memory_space<vmem>>, vector<16xf32>,
            %parallel_loop3A_342 = arith.index_cast %parallel_loop3A_321 : i32 to index
            %parallel_loop3A_343 = arith.constant 32 : index
            %parallel_loop3A_344 = tpu.vector_load %arg9[%parallel_loop3A_342, %parallel_loop3A_343] {strides = array<i32>} : memref<80x64xf32, #tpu.memory_space<vmem>>, vector<16xf32>,
            %parallel_loop3A_345 = vector.broadcast %parallel_loop3A_325 : f32 to vector<16xf32>
            %parallel_loop3A_346 = arith.mulf %parallel_loop3A_345, %parallel_loop3A_344 : vector<16xf32>
            %parallel_loop3A_347 = arith.index_cast %parallel_loop3A_323 : i32 to index
            %parallel_loop3A_348 = arith.constant 32 : index
            %parallel_loop3A_349 = tpu.vector_load %arg13[%parallel_loop3A_347, %parallel_loop3A_348] {strides = array<i32>} : memref<1024x64xf32, #tpu.memory_space<vmem>>, vector<16xf32>,
            tpu.vector_store %arg13[%parallel_loop3A_347, %parallel_loop3A_348], %parallel_loop3A_346 {add = true, strides = array<i32>} : memref<1024x64xf32, #tpu.memory_space<vmem>>, vector<16xf32>,
            %parallel_loop3A_350 = arith.index_cast %parallel_loop3A_321 : i32 to index
            %parallel_loop3A_351 = arith.constant 48 : index
            %parallel_loop3A_352 = tpu.vector_load %arg9[%parallel_loop3A_350, %parallel_loop3A_351] {strides = array<i32>} : memref<80x64xf32, #tpu.memory_space<vmem>>, vector<16xf32>,
            %parallel_loop3A_353 = vector.broadcast %parallel_loop3A_325 : f32 to vector<16xf32>
            %parallel_loop3A_354 = arith.mulf %parallel_loop3A_353, %parallel_loop3A_352 : vector<16xf32>
            %parallel_loop3A_355 = arith.index_cast %parallel_loop3A_323 : i32 to index
            %parallel_loop3A_356 = arith.constant 48 : index
            %parallel_loop3A_357 = tpu.vector_load %arg13[%parallel_loop3A_355, %parallel_loop3A_356] {strides = array<i32>} : memref<1024x64xf32, #tpu.memory_space<vmem>>, vector<16xf32>,
            tpu.vector_store %arg13[%parallel_loop3A_355, %parallel_loop3A_356], %parallel_loop3A_354 {add = true, strides = array<i32>} : memref<1024x64xf32, #tpu.memory_space<vmem>>, vector<16xf32>,
            %parallel_loop3A_358 = arith.constant 16 : i32
            %parallel_loop3A_359 = arith.muli %parallel_loop3A_63, %parallel_loop3A_358 : i32
            %parallel_loop3A_360 = arith.constant 5 : i32
            %parallel_loop3A_361 = arith.addi %parallel_loop3A_359, %parallel_loop3A_360 : i32
            %parallel_loop3A_362 = vector.extract_strided_slice %parallel_loop3A_70 {offsets = [5], sizes = [1], strides = [1]} : vector<16xi32> to vector<1xi32>
            %parallel_loop3A_363 = vector.extract %parallel_loop3A_362[0] : i32 from vector<1xi32>
            %parallel_loop3A_364 = vector.extract_strided_slice %parallel_loop3A_157 {offsets = [5], sizes = [1], strides = [1]} : vector<16xf32> to vector<1xf32>
            %parallel_loop3A_365 = vector.extract %parallel_loop3A_364[0] : f32 from vector<1xf32>
            %parallel_loop3A_366 = arith.index_cast %parallel_loop3A_361 : i32 to index
            %parallel_loop3A_367 = arith.constant 0 : index
            %parallel_loop3A_368 = tpu.vector_load %arg9[%parallel_loop3A_366, %parallel_loop3A_367] {strides = array<i32>} : memref<80x64xf32, #tpu.memory_space<vmem>>, vector<16xf32>,
            %parallel_loop3A_369 = vector.broadcast %parallel_loop3A_365 : f32 to vector<16xf32>
            %parallel_loop3A_370 = arith.mulf %parallel_loop3A_369, %parallel_loop3A_368 : vector<16xf32>
            %parallel_loop3A_371 = arith.index_cast %parallel_loop3A_363 : i32 to index
            %parallel_loop3A_372 = arith.constant 0 : index
            %parallel_loop3A_373 = tpu.vector_load %arg13[%parallel_loop3A_371, %parallel_loop3A_372] {strides = array<i32>} : memref<1024x64xf32, #tpu.memory_space<vmem>>, vector<16xf32>,
            tpu.vector_store %arg13[%parallel_loop3A_371, %parallel_loop3A_372], %parallel_loop3A_370 {add = true, strides = array<i32>} : memref<1024x64xf32, #tpu.memory_space<vmem>>, vector<16xf32>,
            %parallel_loop3A_374 = arith.index_cast %parallel_loop3A_361 : i32 to index
            %parallel_loop3A_375 = arith.constant 16 : index
            %parallel_loop3A_376 = tpu.vector_load %arg9[%parallel_loop3A_374, %parallel_loop3A_375] {strides = array<i32>} : memref<80x64xf32, #tpu.memory_space<vmem>>, vector<16xf32>,
            %parallel_loop3A_377 = vector.broadcast %parallel_loop3A_365 : f32 to vector<16xf32>
            %parallel_loop3A_378 = arith.mulf %parallel_loop3A_377, %parallel_loop3A_376 : vector<16xf32>
            %parallel_loop3A_379 = arith.index_cast %parallel_loop3A_363 : i32 to index
            %parallel_loop3A_380 = arith.constant 16 : index
            %parallel_loop3A_381 = tpu.vector_load %arg13[%parallel_loop3A_379, %parallel_loop3A_380] {strides = array<i32>} : memref<1024x64xf32, #tpu.memory_space<vmem>>, vector<16xf32>,
            tpu.vector_store %arg13[%parallel_loop3A_379, %parallel_loop3A_380], %parallel_loop3A_378 {add = true, strides = array<i32>} : memref<1024x64xf32, #tpu.memory_space<vmem>>, vector<16xf32>,
            %parallel_loop3A_382 = arith.index_cast %parallel_loop3A_361 : i32 to index
            %parallel_loop3A_383 = arith.constant 32 : index
            %parallel_loop3A_384 = tpu.vector_load %arg9[%parallel_loop3A_382, %parallel_loop3A_383] {strides = array<i32>} : memref<80x64xf32, #tpu.memory_space<vmem>>, vector<16xf32>,
            %parallel_loop3A_385 = vector.broadcast %parallel_loop3A_365 : f32 to vector<16xf32>
            %parallel_loop3A_386 = arith.mulf %parallel_loop3A_385, %parallel_loop3A_384 : vector<16xf32>
            %parallel_loop3A_387 = arith.index_cast %parallel_loop3A_363 : i32 to index
            %parallel_loop3A_388 = arith.constant 32 : index
            %parallel_loop3A_389 = tpu.vector_load %arg13[%parallel_loop3A_387, %parallel_loop3A_388] {strides = array<i32>} : memref<1024x64xf32, #tpu.memory_space<vmem>>, vector<16xf32>,
            tpu.vector_store %arg13[%parallel_loop3A_387, %parallel_loop3A_388], %parallel_loop3A_386 {add = true, strides = array<i32>} : memref<1024x64xf32, #tpu.memory_space<vmem>>, vector<16xf32>,
            %parallel_loop3A_390 = arith.index_cast %parallel_loop3A_361 : i32 to index
            %parallel_loop3A_391 = arith.constant 48 : index
            %parallel_loop3A_392 = tpu.vector_load %arg9[%parallel_loop3A_390, %parallel_loop3A_391] {strides = array<i32>} : memref<80x64xf32, #tpu.memory_space<vmem>>, vector<16xf32>,
            %parallel_loop3A_393 = vector.broadcast %parallel_loop3A_365 : f32 to vector<16xf32>
            %parallel_loop3A_394 = arith.mulf %parallel_loop3A_393, %parallel_loop3A_392 : vector<16xf32>
            %parallel_loop3A_395 = arith.index_cast %parallel_loop3A_363 : i32 to index
            %parallel_loop3A_396 = arith.constant 48 : index
            %parallel_loop3A_397 = tpu.vector_load %arg13[%parallel_loop3A_395, %parallel_loop3A_396] {strides = array<i32>} : memref<1024x64xf32, #tpu.memory_space<vmem>>, vector<16xf32>,
            tpu.vector_store %arg13[%parallel_loop3A_395, %parallel_loop3A_396], %parallel_loop3A_394 {add = true, strides = array<i32>} : memref<1024x64xf32, #tpu.memory_space<vmem>>, vector<16xf32>,
            %parallel_loop3A_398 = arith.constant 16 : i32
            %parallel_loop3A_399 = arith.muli %parallel_loop3A_63, %parallel_loop3A_398 : i32
            %parallel_loop3A_400 = arith.constant 6 : i32
            %parallel_loop3A_401 = arith.addi %parallel_loop3A_399, %parallel_loop3A_400 : i32
            %parallel_loop3A_402 = vector.extract_strided_slice %parallel_loop3A_70 {offsets = [6], sizes = [1], strides = [1]} : vector<16xi32> to vector<1xi32>
            %parallel_loop3A_403 = vector.extract %parallel_loop3A_402[0] : i32 from vector<1xi32>
            %parallel_loop3A_404 = vector.extract_strided_slice %parallel_loop3A_157 {offsets = [6], sizes = [1], strides = [1]} : vector<16xf32> to vector<1xf32>
            %parallel_loop3A_405 = vector.extract %parallel_loop3A_404[0] : f32 from vector<1xf32>
            %parallel_loop3A_406 = arith.index_cast %parallel_loop3A_401 : i32 to index
            %parallel_loop3A_407 = arith.constant 0 : index
            %parallel_loop3A_408 = tpu.vector_load %arg9[%parallel_loop3A_406, %parallel_loop3A_407] {strides = array<i32>} : memref<80x64xf32, #tpu.memory_space<vmem>>, vector<16xf32>,
            %parallel_loop3A_409 = vector.broadcast %parallel_loop3A_405 : f32 to vector<16xf32>
            %parallel_loop3A_410 = arith.mulf %parallel_loop3A_409, %parallel_loop3A_408 : vector<16xf32>
            %parallel_loop3A_411 = arith.index_cast %parallel_loop3A_403 : i32 to index
            %parallel_loop3A_412 = arith.constant 0 : index
            %parallel_loop3A_413 = tpu.vector_load %arg13[%parallel_loop3A_411, %parallel_loop3A_412] {strides = array<i32>} : memref<1024x64xf32, #tpu.memory_space<vmem>>, vector<16xf32>,
            tpu.vector_store %arg13[%parallel_loop3A_411, %parallel_loop3A_412], %parallel_loop3A_410 {add = true, strides = array<i32>} : memref<1024x64xf32, #tpu.memory_space<vmem>>, vector<16xf32>,
            %parallel_loop3A_414 = arith.index_cast %parallel_loop3A_401 : i32 to index
            %parallel_loop3A_415 = arith.constant 16 : index
            %parallel_loop3A_416 = tpu.vector_load %arg9[%parallel_loop3A_414, %parallel_loop3A_415] {strides = array<i32>} : memref<80x64xf32, #tpu.memory_space<vmem>>, vector<16xf32>,
            %parallel_loop3A_417 = vector.broadcast %parallel_loop3A_405 : f32 to vector<16xf32>
            %parallel_loop3A_418 = arith.mulf %parallel_loop3A_417, %parallel_loop3A_416 : vector<16xf32>
            %parallel_loop3A_419 = arith.index_cast %parallel_loop3A_403 : i32 to index
            %parallel_loop3A_420 = arith.constant 16 : index
            %parallel_loop3A_421 = tpu.vector_load %arg13[%parallel_loop3A_419, %parallel_loop3A_420] {strides = array<i32>} : memref<1024x64xf32, #tpu.memory_space<vmem>>, vector<16xf32>,
            tpu.vector_store %arg13[%parallel_loop3A_419, %parallel_loop3A_420], %parallel_loop3A_418 {add = true, strides = array<i32>} : memref<1024x64xf32, #tpu.memory_space<vmem>>, vector<16xf32>,
            %parallel_loop3A_422 = arith.index_cast %parallel_loop3A_401 : i32 to index
            %parallel_loop3A_423 = arith.constant 32 : index
            %parallel_loop3A_424 = tpu.vector_load %arg9[%parallel_loop3A_422, %parallel_loop3A_423] {strides = array<i32>} : memref<80x64xf32, #tpu.memory_space<vmem>>, vector<16xf32>,
            %parallel_loop3A_425 = vector.broadcast %parallel_loop3A_405 : f32 to vector<16xf32>
            %parallel_loop3A_426 = arith.mulf %parallel_loop3A_425, %parallel_loop3A_424 : vector<16xf32>
            %parallel_loop3A_427 = arith.index_cast %parallel_loop3A_403 : i32 to index
            %parallel_loop3A_428 = arith.constant 32 : index
            %parallel_loop3A_429 = tpu.vector_load %arg13[%parallel_loop3A_427, %parallel_loop3A_428] {strides = array<i32>} : memref<1024x64xf32, #tpu.memory_space<vmem>>, vector<16xf32>,
            tpu.vector_store %arg13[%parallel_loop3A_427, %parallel_loop3A_428], %parallel_loop3A_426 {add = true, strides = array<i32>} : memref<1024x64xf32, #tpu.memory_space<vmem>>, vector<16xf32>,
            %parallel_loop3A_430 = arith.index_cast %parallel_loop3A_401 : i32 to index
            %parallel_loop3A_431 = arith.constant 48 : index
            %parallel_loop3A_432 = tpu.vector_load %arg9[%parallel_loop3A_430, %parallel_loop3A_431] {strides = array<i32>} : memref<80x64xf32, #tpu.memory_space<vmem>>, vector<16xf32>,
            %parallel_loop3A_433 = vector.broadcast %parallel_loop3A_405 : f32 to vector<16xf32>
            %parallel_loop3A_434 = arith.mulf %parallel_loop3A_433, %parallel_loop3A_432 : vector<16xf32>
            %parallel_loop3A_435 = arith.index_cast %parallel_loop3A_403 : i32 to index
            %parallel_loop3A_436 = arith.constant 48 : index
            %parallel_loop3A_437 = tpu.vector_load %arg13[%parallel_loop3A_435, %parallel_loop3A_436] {strides = array<i32>} : memref<1024x64xf32, #tpu.memory_space<vmem>>, vector<16xf32>,
            tpu.vector_store %arg13[%parallel_loop3A_435, %parallel_loop3A_436], %parallel_loop3A_434 {add = true, strides = array<i32>} : memref<1024x64xf32, #tpu.memory_space<vmem>>, vector<16xf32>,
            %parallel_loop3A_438 = arith.constant 16 : i32
            %parallel_loop3A_439 = arith.muli %parallel_loop3A_63, %parallel_loop3A_438 : i32
            %parallel_loop3A_440 = arith.constant 7 : i32
            %parallel_loop3A_441 = arith.addi %parallel_loop3A_439, %parallel_loop3A_440 : i32
            %parallel_loop3A_442 = vector.extract_strided_slice %parallel_loop3A_70 {offsets = [7], sizes = [1], strides = [1]} : vector<16xi32> to vector<1xi32>
            %parallel_loop3A_443 = vector.extract %parallel_loop3A_442[0] : i32 from vector<1xi32>
            %parallel_loop3A_444 = vector.extract_strided_slice %parallel_loop3A_157 {offsets = [7], sizes = [1], strides = [1]} : vector<16xf32> to vector<1xf32>
            %parallel_loop3A_445 = vector.extract %parallel_loop3A_444[0] : f32 from vector<1xf32>
            %parallel_loop3A_446 = arith.index_cast %parallel_loop3A_441 : i32 to index
            %parallel_loop3A_447 = arith.constant 0 : index
            %parallel_loop3A_448 = tpu.vector_load %arg9[%parallel_loop3A_446, %parallel_loop3A_447] {strides = array<i32>} : memref<80x64xf32, #tpu.memory_space<vmem>>, vector<16xf32>,
            %parallel_loop3A_449 = vector.broadcast %parallel_loop3A_445 : f32 to vector<16xf32>
            %parallel_loop3A_450 = arith.mulf %parallel_loop3A_449, %parallel_loop3A_448 : vector<16xf32>
            %parallel_loop3A_451 = arith.index_cast %parallel_loop3A_443 : i32 to index
            %parallel_loop3A_452 = arith.constant 0 : index
            %parallel_loop3A_453 = tpu.vector_load %arg13[%parallel_loop3A_451, %parallel_loop3A_452] {strides = array<i32>} : memref<1024x64xf32, #tpu.memory_space<vmem>>, vector<16xf32>,
            tpu.vector_store %arg13[%parallel_loop3A_451, %parallel_loop3A_452], %parallel_loop3A_450 {add = true, strides = array<i32>} : memref<1024x64xf32, #tpu.memory_space<vmem>>, vector<16xf32>,
            %parallel_loop3A_454 = arith.index_cast %parallel_loop3A_441 : i32 to index
            %parallel_loop3A_455 = arith.constant 16 : index
            %parallel_loop3A_456 = tpu.vector_load %arg9[%parallel_loop3A_454, %parallel_loop3A_455] {strides = array<i32>} : memref<80x64xf32, #tpu.memory_space<vmem>>, vector<16xf32>,
            %parallel_loop3A_457 = vector.broadcast %parallel_loop3A_445 : f32 to vector<16xf32>
            %parallel_loop3A_458 = arith.mulf %parallel_loop3A_457, %parallel_loop3A_456 : vector<16xf32>
            %parallel_loop3A_459 = arith.index_cast %parallel_loop3A_443 : i32 to index
            %parallel_loop3A_460 = arith.constant 16 : index
            %parallel_loop3A_461 = tpu.vector_load %arg13[%parallel_loop3A_459, %parallel_loop3A_460] {strides = array<i32>} : memref<1024x64xf32, #tpu.memory_space<vmem>>, vector<16xf32>,
            tpu.vector_store %arg13[%parallel_loop3A_459, %parallel_loop3A_460], %parallel_loop3A_458 {add = true, strides = array<i32>} : memref<1024x64xf32, #tpu.memory_space<vmem>>, vector<16xf32>,
            %parallel_loop3A_462 = arith.index_cast %parallel_loop3A_441 : i32 to index
            %parallel_loop3A_463 = arith.constant 32 : index
            %parallel_loop3A_464 = tpu.vector_load %arg9[%parallel_loop3A_462, %parallel_loop3A_463] {strides = array<i32>} : memref<80x64xf32, #tpu.memory_space<vmem>>, vector<16xf32>,
            %parallel_loop3A_465 = vector.broadcast %parallel_loop3A_445 : f32 to vector<16xf32>
            %parallel_loop3A_466 = arith.mulf %parallel_loop3A_465, %parallel_loop3A_464 : vector<16xf32>
            %parallel_loop3A_467 = arith.index_cast %parallel_loop3A_443 : i32 to index
            %parallel_loop3A_468 = arith.constant 32 : index
            %parallel_loop3A_469 = tpu.vector_load %arg13[%parallel_loop3A_467, %parallel_loop3A_468] {strides = array<i32>} : memref<1024x64xf32, #tpu.memory_space<vmem>>, vector<16xf32>,
            tpu.vector_store %arg13[%parallel_loop3A_467, %parallel_loop3A_468], %parallel_loop3A_466 {add = true, strides = array<i32>} : memref<1024x64xf32, #tpu.memory_space<vmem>>, vector<16xf32>,
            %parallel_loop3A_470 = arith.index_cast %parallel_loop3A_441 : i32 to index
            %parallel_loop3A_471 = arith.constant 48 : index
            %parallel_loop3A_472 = tpu.vector_load %arg9[%parallel_loop3A_470, %parallel_loop3A_471] {strides = array<i32>} : memref<80x64xf32, #tpu.memory_space<vmem>>, vector<16xf32>,
            %parallel_loop3A_473 = vector.broadcast %parallel_loop3A_445 : f32 to vector<16xf32>
            %parallel_loop3A_474 = arith.mulf %parallel_loop3A_473, %parallel_loop3A_472 : vector<16xf32>
            %parallel_loop3A_475 = arith.index_cast %parallel_loop3A_443 : i32 to index
            %parallel_loop3A_476 = arith.constant 48 : index
            %parallel_loop3A_477 = tpu.vector_load %arg13[%parallel_loop3A_475, %parallel_loop3A_476] {strides = array<i32>} : memref<1024x64xf32, #tpu.memory_space<vmem>>, vector<16xf32>,
            tpu.vector_store %arg13[%parallel_loop3A_475, %parallel_loop3A_476], %parallel_loop3A_474 {add = true, strides = array<i32>} : memref<1024x64xf32, #tpu.memory_space<vmem>>, vector<16xf32>,
            %parallel_loop3A_478 = arith.constant 16 : i32
            %parallel_loop3A_479 = arith.muli %parallel_loop3A_63, %parallel_loop3A_478 : i32
            %parallel_loop3A_480 = arith.constant 8 : i32
            %parallel_loop3A_481 = arith.addi %parallel_loop3A_479, %parallel_loop3A_480 : i32
            %parallel_loop3A_482 = vector.extract_strided_slice %parallel_loop3A_70 {offsets = [8], sizes = [1], strides = [1]} : vector<16xi32> to vector<1xi32>
            %parallel_loop3A_483 = vector.extract %parallel_loop3A_482[0] : i32 from vector<1xi32>
            %parallel_loop3A_484 = vector.extract_strided_slice %parallel_loop3A_157 {offsets = [8], sizes = [1], strides = [1]} : vector<16xf32> to vector<1xf32>
            %parallel_loop3A_485 = vector.extract %parallel_loop3A_484[0] : f32 from vector<1xf32>
            %parallel_loop3A_486 = arith.index_cast %parallel_loop3A_481 : i32 to index
            %parallel_loop3A_487 = arith.constant 0 : index
            %parallel_loop3A_488 = tpu.vector_load %arg9[%parallel_loop3A_486, %parallel_loop3A_487] {strides = array<i32>} : memref<80x64xf32, #tpu.memory_space<vmem>>, vector<16xf32>,
            %parallel_loop3A_489 = vector.broadcast %parallel_loop3A_485 : f32 to vector<16xf32>
            %parallel_loop3A_490 = arith.mulf %parallel_loop3A_489, %parallel_loop3A_488 : vector<16xf32>
            %parallel_loop3A_491 = arith.index_cast %parallel_loop3A_483 : i32 to index
            %parallel_loop3A_492 = arith.constant 0 : index
            %parallel_loop3A_493 = tpu.vector_load %arg13[%parallel_loop3A_491, %parallel_loop3A_492] {strides = array<i32>} : memref<1024x64xf32, #tpu.memory_space<vmem>>, vector<16xf32>,
            tpu.vector_store %arg13[%parallel_loop3A_491, %parallel_loop3A_492], %parallel_loop3A_490 {add = true, strides = array<i32>} : memref<1024x64xf32, #tpu.memory_space<vmem>>, vector<16xf32>,
            %parallel_loop3A_494 = arith.index_cast %parallel_loop3A_481 : i32 to index
            %parallel_loop3A_495 = arith.constant 16 : index
            %parallel_loop3A_496 = tpu.vector_load %arg9[%parallel_loop3A_494, %parallel_loop3A_495] {strides = array<i32>} : memref<80x64xf32, #tpu.memory_space<vmem>>, vector<16xf32>,
            %parallel_loop3A_497 = vector.broadcast %parallel_loop3A_485 : f32 to vector<16xf32>
            %parallel_loop3A_498 = arith.mulf %parallel_loop3A_497, %parallel_loop3A_496 : vector<16xf32>
            %parallel_loop3A_499 = arith.index_cast %parallel_loop3A_483 : i32 to index
            %parallel_loop3A_500 = arith.constant 16 : index
            %parallel_loop3A_501 = tpu.vector_load %arg13[%parallel_loop3A_499, %parallel_loop3A_500] {strides = array<i32>} : memref<1024x64xf32, #tpu.memory_space<vmem>>, vector<16xf32>,
            tpu.vector_store %arg13[%parallel_loop3A_499, %parallel_loop3A_500], %parallel_loop3A_498 {add = true, strides = array<i32>} : memref<1024x64xf32, #tpu.memory_space<vmem>>, vector<16xf32>,
            %parallel_loop3A_502 = arith.index_cast %parallel_loop3A_481 : i32 to index
            %parallel_loop3A_503 = arith.constant 32 : index
            %parallel_loop3A_504 = tpu.vector_load %arg9[%parallel_loop3A_502, %parallel_loop3A_503] {strides = array<i32>} : memref<80x64xf32, #tpu.memory_space<vmem>>, vector<16xf32>,
            %parallel_loop3A_505 = vector.broadcast %parallel_loop3A_485 : f32 to vector<16xf32>
            %parallel_loop3A_506 = arith.mulf %parallel_loop3A_505, %parallel_loop3A_504 : vector<16xf32>
            %parallel_loop3A_507 = arith.index_cast %parallel_loop3A_483 : i32 to index
            %parallel_loop3A_508 = arith.constant 32 : index
            %parallel_loop3A_509 = tpu.vector_load %arg13[%parallel_loop3A_507, %parallel_loop3A_508] {strides = array<i32>} : memref<1024x64xf32, #tpu.memory_space<vmem>>, vector<16xf32>,
            tpu.vector_store %arg13[%parallel_loop3A_507, %parallel_loop3A_508], %parallel_loop3A_506 {add = true, strides = array<i32>} : memref<1024x64xf32, #tpu.memory_space<vmem>>, vector<16xf32>,
            %parallel_loop3A_510 = arith.index_cast %parallel_loop3A_481 : i32 to index
            %parallel_loop3A_511 = arith.constant 48 : index
            %parallel_loop3A_512 = tpu.vector_load %arg9[%parallel_loop3A_510, %parallel_loop3A_511] {strides = array<i32>} : memref<80x64xf32, #tpu.memory_space<vmem>>, vector<16xf32>,
            %parallel_loop3A_513 = vector.broadcast %parallel_loop3A_485 : f32 to vector<16xf32>
            %parallel_loop3A_514 = arith.mulf %parallel_loop3A_513, %parallel_loop3A_512 : vector<16xf32>
            %parallel_loop3A_515 = arith.index_cast %parallel_loop3A_483 : i32 to index
            %parallel_loop3A_516 = arith.constant 48 : index
            %parallel_loop3A_517 = tpu.vector_load %arg13[%parallel_loop3A_515, %parallel_loop3A_516] {strides = array<i32>} : memref<1024x64xf32, #tpu.memory_space<vmem>>, vector<16xf32>,
            tpu.vector_store %arg13[%parallel_loop3A_515, %parallel_loop3A_516], %parallel_loop3A_514 {add = true, strides = array<i32>} : memref<1024x64xf32, #tpu.memory_space<vmem>>, vector<16xf32>,
            %parallel_loop3A_518 = arith.constant 16 : i32
            %parallel_loop3A_519 = arith.muli %parallel_loop3A_63, %parallel_loop3A_518 : i32
            %parallel_loop3A_520 = arith.constant 9 : i32
            %parallel_loop3A_521 = arith.addi %parallel_loop3A_519, %parallel_loop3A_520 : i32
            %parallel_loop3A_522 = vector.extract_strided_slice %parallel_loop3A_70 {offsets = [9], sizes = [1], strides = [1]} : vector<16xi32> to vector<1xi32>
            %parallel_loop3A_523 = vector.extract %parallel_loop3A_522[0] : i32 from vector<1xi32>
            %parallel_loop3A_524 = vector.extract_strided_slice %parallel_loop3A_157 {offsets = [9], sizes = [1], strides = [1]} : vector<16xf32> to vector<1xf32>
            %parallel_loop3A_525 = vector.extract %parallel_loop3A_524[0] : f32 from vector<1xf32>
            %parallel_loop3A_526 = arith.index_cast %parallel_loop3A_521 : i32 to index
            %parallel_loop3A_527 = arith.constant 0 : index
            %parallel_loop3A_528 = tpu.vector_load %arg9[%parallel_loop3A_526, %parallel_loop3A_527] {strides = array<i32>} : memref<80x64xf32, #tpu.memory_space<vmem>>, vector<16xf32>,
            %parallel_loop3A_529 = vector.broadcast %parallel_loop3A_525 : f32 to vector<16xf32>
            %parallel_loop3A_530 = arith.mulf %parallel_loop3A_529, %parallel_loop3A_528 : vector<16xf32>
            %parallel_loop3A_531 = arith.index_cast %parallel_loop3A_523 : i32 to index
            %parallel_loop3A_532 = arith.constant 0 : index
            %parallel_loop3A_533 = tpu.vector_load %arg13[%parallel_loop3A_531, %parallel_loop3A_532] {strides = array<i32>} : memref<1024x64xf32, #tpu.memory_space<vmem>>, vector<16xf32>,
            tpu.vector_store %arg13[%parallel_loop3A_531, %parallel_loop3A_532], %parallel_loop3A_530 {add = true, strides = array<i32>} : memref<1024x64xf32, #tpu.memory_space<vmem>>, vector<16xf32>,
            %parallel_loop3A_534 = arith.index_cast %parallel_loop3A_521 : i32 to index
            %parallel_loop3A_535 = arith.constant 16 : index
            %parallel_loop3A_536 = tpu.vector_load %arg9[%parallel_loop3A_534, %parallel_loop3A_535] {strides = array<i32>} : memref<80x64xf32, #tpu.memory_space<vmem>>, vector<16xf32>,
            %parallel_loop3A_537 = vector.broadcast %parallel_loop3A_525 : f32 to vector<16xf32>
            %parallel_loop3A_538 = arith.mulf %parallel_loop3A_537, %parallel_loop3A_536 : vector<16xf32>
            %parallel_loop3A_539 = arith.index_cast %parallel_loop3A_523 : i32 to index
            %parallel_loop3A_540 = arith.constant 16 : index
            %parallel_loop3A_541 = tpu.vector_load %arg13[%parallel_loop3A_539, %parallel_loop3A_540] {strides = array<i32>} : memref<1024x64xf32, #tpu.memory_space<vmem>>, vector<16xf32>,
            tpu.vector_store %arg13[%parallel_loop3A_539, %parallel_loop3A_540], %parallel_loop3A_538 {add = true, strides = array<i32>} : memref<1024x64xf32, #tpu.memory_space<vmem>>, vector<16xf32>,
            %parallel_loop3A_542 = arith.index_cast %parallel_loop3A_521 : i32 to index
            %parallel_loop3A_543 = arith.constant 32 : index
            %parallel_loop3A_544 = tpu.vector_load %arg9[%parallel_loop3A_542, %parallel_loop3A_543] {strides = array<i32>} : memref<80x64xf32, #tpu.memory_space<vmem>>, vector<16xf32>,
            %parallel_loop3A_545 = vector.broadcast %parallel_loop3A_525 : f32 to vector<16xf32>
            %parallel_loop3A_546 = arith.mulf %parallel_loop3A_545, %parallel_loop3A_544 : vector<16xf32>
            %parallel_loop3A_547 = arith.index_cast %parallel_loop3A_523 : i32 to index
            %parallel_loop3A_548 = arith.constant 32 : index
            %parallel_loop3A_549 = tpu.vector_load %arg13[%parallel_loop3A_547, %parallel_loop3A_548] {strides = array<i32>} : memref<1024x64xf32, #tpu.memory_space<vmem>>, vector<16xf32>,
            tpu.vector_store %arg13[%parallel_loop3A_547, %parallel_loop3A_548], %parallel_loop3A_546 {add = true, strides = array<i32>} : memref<1024x64xf32, #tpu.memory_space<vmem>>, vector<16xf32>,
            %parallel_loop3A_550 = arith.index_cast %parallel_loop3A_521 : i32 to index
            %parallel_loop3A_551 = arith.constant 48 : index
            %parallel_loop3A_552 = tpu.vector_load %arg9[%parallel_loop3A_550, %parallel_loop3A_551] {strides = array<i32>} : memref<80x64xf32, #tpu.memory_space<vmem>>, vector<16xf32>,
            %parallel_loop3A_553 = vector.broadcast %parallel_loop3A_525 : f32 to vector<16xf32>
            %parallel_loop3A_554 = arith.mulf %parallel_loop3A_553, %parallel_loop3A_552 : vector<16xf32>
            %parallel_loop3A_555 = arith.index_cast %parallel_loop3A_523 : i32 to index
            %parallel_loop3A_556 = arith.constant 48 : index
            %parallel_loop3A_557 = tpu.vector_load %arg13[%parallel_loop3A_555, %parallel_loop3A_556] {strides = array<i32>} : memref<1024x64xf32, #tpu.memory_space<vmem>>, vector<16xf32>,
            tpu.vector_store %arg13[%parallel_loop3A_555, %parallel_loop3A_556], %parallel_loop3A_554 {add = true, strides = array<i32>} : memref<1024x64xf32, #tpu.memory_space<vmem>>, vector<16xf32>,
            %parallel_loop3A_558 = arith.constant 16 : i32
            %parallel_loop3A_559 = arith.muli %parallel_loop3A_63, %parallel_loop3A_558 : i32
            %parallel_loop3A_560 = arith.constant 10 : i32
            %parallel_loop3A_561 = arith.addi %parallel_loop3A_559, %parallel_loop3A_560 : i32
            %parallel_loop3A_562 = vector.extract_strided_slice %parallel_loop3A_70 {offsets = [10], sizes = [1], strides = [1]} : vector<16xi32> to vector<1xi32>
            %parallel_loop3A_563 = vector.extract %parallel_loop3A_562[0] : i32 from vector<1xi32>
            %parallel_loop3A_564 = vector.extract_strided_slice %parallel_loop3A_157 {offsets = [10], sizes = [1], strides = [1]} : vector<16xf32> to vector<1xf32>
            %parallel_loop3A_565 = vector.extract %parallel_loop3A_564[0] : f32 from vector<1xf32>
            %parallel_loop3A_566 = arith.index_cast %parallel_loop3A_561 : i32 to index
            %parallel_loop3A_567 = arith.constant 0 : index
            %parallel_loop3A_568 = tpu.vector_load %arg9[%parallel_loop3A_566, %parallel_loop3A_567] {strides = array<i32>} : memref<80x64xf32, #tpu.memory_space<vmem>>, vector<16xf32>,
            %parallel_loop3A_569 = vector.broadcast %parallel_loop3A_565 : f32 to vector<16xf32>
            %parallel_loop3A_570 = arith.mulf %parallel_loop3A_569, %parallel_loop3A_568 : vector<16xf32>
            %parallel_loop3A_571 = arith.index_cast %parallel_loop3A_563 : i32 to index
            %parallel_loop3A_572 = arith.constant 0 : index
            %parallel_loop3A_573 = tpu.vector_load %arg13[%parallel_loop3A_571, %parallel_loop3A_572] {strides = array<i32>} : memref<1024x64xf32, #tpu.memory_space<vmem>>, vector<16xf32>,
            tpu.vector_store %arg13[%parallel_loop3A_571, %parallel_loop3A_572], %parallel_loop3A_570 {add = true, strides = array<i32>} : memref<1024x64xf32, #tpu.memory_space<vmem>>, vector<16xf32>,
            %parallel_loop3A_574 = arith.index_cast %parallel_loop3A_561 : i32 to index
            %parallel_loop3A_575 = arith.constant 16 : index
            %parallel_loop3A_576 = tpu.vector_load %arg9[%parallel_loop3A_574, %parallel_loop3A_575] {strides = array<i32>} : memref<80x64xf32, #tpu.memory_space<vmem>>, vector<16xf32>,
            %parallel_loop3A_577 = vector.broadcast %parallel_loop3A_565 : f32 to vector<16xf32>
            %parallel_loop3A_578 = arith.mulf %parallel_loop3A_577, %parallel_loop3A_576 : vector<16xf32>
            %parallel_loop3A_579 = arith.index_cast %parallel_loop3A_563 : i32 to index
            %parallel_loop3A_580 = arith.constant 16 : index
            %parallel_loop3A_581 = tpu.vector_load %arg13[%parallel_loop3A_579, %parallel_loop3A_580] {strides = array<i32>} : memref<1024x64xf32, #tpu.memory_space<vmem>>, vector<16xf32>,
            tpu.vector_store %arg13[%parallel_loop3A_579, %parallel_loop3A_580], %parallel_loop3A_578 {add = true, strides = array<i32>} : memref<1024x64xf32, #tpu.memory_space<vmem>>, vector<16xf32>,
            %parallel_loop3A_582 = arith.index_cast %parallel_loop3A_561 : i32 to index
            %parallel_loop3A_583 = arith.constant 32 : index
            %parallel_loop3A_584 = tpu.vector_load %arg9[%parallel_loop3A_582, %parallel_loop3A_583] {strides = array<i32>} : memref<80x64xf32, #tpu.memory_space<vmem>>, vector<16xf32>,
            %parallel_loop3A_585 = vector.broadcast %parallel_loop3A_565 : f32 to vector<16xf32>
            %parallel_loop3A_586 = arith.mulf %parallel_loop3A_585, %parallel_loop3A_584 : vector<16xf32>
            %parallel_loop3A_587 = arith.index_cast %parallel_loop3A_563 : i32 to index
            %parallel_loop3A_588 = arith.constant 32 : index
            %parallel_loop3A_589 = tpu.vector_load %arg13[%parallel_loop3A_587, %parallel_loop3A_588] {strides = array<i32>} : memref<1024x64xf32, #tpu.memory_space<vmem>>, vector<16xf32>,
            tpu.vector_store %arg13[%parallel_loop3A_587, %parallel_loop3A_588], %parallel_loop3A_586 {add = true, strides = array<i32>} : memref<1024x64xf32, #tpu.memory_space<vmem>>, vector<16xf32>,
            %parallel_loop3A_590 = arith.index_cast %parallel_loop3A_561 : i32 to index
            %parallel_loop3A_591 = arith.constant 48 : index
            %parallel_loop3A_592 = tpu.vector_load %arg9[%parallel_loop3A_590, %parallel_loop3A_591] {strides = array<i32>} : memref<80x64xf32, #tpu.memory_space<vmem>>, vector<16xf32>,
            %parallel_loop3A_593 = vector.broadcast %parallel_loop3A_565 : f32 to vector<16xf32>
            %parallel_loop3A_594 = arith.mulf %parallel_loop3A_593, %parallel_loop3A_592 : vector<16xf32>
            %parallel_loop3A_595 = arith.index_cast %parallel_loop3A_563 : i32 to index
            %parallel_loop3A_596 = arith.constant 48 : index
            %parallel_loop3A_597 = tpu.vector_load %arg13[%parallel_loop3A_595, %parallel_loop3A_596] {strides = array<i32>} : memref<1024x64xf32, #tpu.memory_space<vmem>>, vector<16xf32>,
            tpu.vector_store %arg13[%parallel_loop3A_595, %parallel_loop3A_596], %parallel_loop3A_594 {add = true, strides = array<i32>} : memref<1024x64xf32, #tpu.memory_space<vmem>>, vector<16xf32>,
            %parallel_loop3A_598 = arith.constant 16 : i32
            %parallel_loop3A_599 = arith.muli %parallel_loop3A_63, %parallel_loop3A_598 : i32
            %parallel_loop3A_600 = arith.constant 11 : i32
            %parallel_loop3A_601 = arith.addi %parallel_loop3A_599, %parallel_loop3A_600 : i32
            %parallel_loop3A_602 = vector.extract_strided_slice %parallel_loop3A_70 {offsets = [11], sizes = [1], strides = [1]} : vector<16xi32> to vector<1xi32>
            %parallel_loop3A_603 = vector.extract %parallel_loop3A_602[0] : i32 from vector<1xi32>
            %parallel_loop3A_604 = vector.extract_strided_slice %parallel_loop3A_157 {offsets = [11], sizes = [1], strides = [1]} : vector<16xf32> to vector<1xf32>
            %parallel_loop3A_605 = vector.extract %parallel_loop3A_604[0] : f32 from vector<1xf32>
            %parallel_loop3A_606 = arith.index_cast %parallel_loop3A_601 : i32 to index
            %parallel_loop3A_607 = arith.constant 0 : index
            %parallel_loop3A_608 = tpu.vector_load %arg9[%parallel_loop3A_606, %parallel_loop3A_607] {strides = array<i32>} : memref<80x64xf32, #tpu.memory_space<vmem>>, vector<16xf32>,
            %parallel_loop3A_609 = vector.broadcast %parallel_loop3A_605 : f32 to vector<16xf32>
            %parallel_loop3A_610 = arith.mulf %parallel_loop3A_609, %parallel_loop3A_608 : vector<16xf32>
            %parallel_loop3A_611 = arith.index_cast %parallel_loop3A_603 : i32 to index
            %parallel_loop3A_612 = arith.constant 0 : index
            %parallel_loop3A_613 = tpu.vector_load %arg13[%parallel_loop3A_611, %parallel_loop3A_612] {strides = array<i32>} : memref<1024x64xf32, #tpu.memory_space<vmem>>, vector<16xf32>,
            tpu.vector_store %arg13[%parallel_loop3A_611, %parallel_loop3A_612], %parallel_loop3A_610 {add = true, strides = array<i32>} : memref<1024x64xf32, #tpu.memory_space<vmem>>, vector<16xf32>,
            %parallel_loop3A_614 = arith.index_cast %parallel_loop3A_601 : i32 to index
            %parallel_loop3A_615 = arith.constant 16 : index
            %parallel_loop3A_616 = tpu.vector_load %arg9[%parallel_loop3A_614, %parallel_loop3A_615] {strides = array<i32>} : memref<80x64xf32, #tpu.memory_space<vmem>>, vector<16xf32>,
            %parallel_loop3A_617 = vector.broadcast %parallel_loop3A_605 : f32 to vector<16xf32>
            %parallel_loop3A_618 = arith.mulf %parallel_loop3A_617, %parallel_loop3A_616 : vector<16xf32>
            %parallel_loop3A_619 = arith.index_cast %parallel_loop3A_603 : i32 to index
            %parallel_loop3A_620 = arith.constant 16 : index
            %parallel_loop3A_621 = tpu.vector_load %arg13[%parallel_loop3A_619, %parallel_loop3A_620] {strides = array<i32>} : memref<1024x64xf32, #tpu.memory_space<vmem>>, vector<16xf32>,
            tpu.vector_store %arg13[%parallel_loop3A_619, %parallel_loop3A_620], %parallel_loop3A_618 {add = true, strides = array<i32>} : memref<1024x64xf32, #tpu.memory_space<vmem>>, vector<16xf32>,
            %parallel_loop3A_622 = arith.index_cast %parallel_loop3A_601 : i32 to index
            %parallel_loop3A_623 = arith.constant 32 : index
            %parallel_loop3A_624 = tpu.vector_load %arg9[%parallel_loop3A_622, %parallel_loop3A_623] {strides = array<i32>} : memref<80x64xf32, #tpu.memory_space<vmem>>, vector<16xf32>,
            %parallel_loop3A_625 = vector.broadcast %parallel_loop3A_605 : f32 to vector<16xf32>
            %parallel_loop3A_626 = arith.mulf %parallel_loop3A_625, %parallel_loop3A_624 : vector<16xf32>
            %parallel_loop3A_627 = arith.index_cast %parallel_loop3A_603 : i32 to index
            %parallel_loop3A_628 = arith.constant 32 : index
            %parallel_loop3A_629 = tpu.vector_load %arg13[%parallel_loop3A_627, %parallel_loop3A_628] {strides = array<i32>} : memref<1024x64xf32, #tpu.memory_space<vmem>>, vector<16xf32>,
            tpu.vector_store %arg13[%parallel_loop3A_627, %parallel_loop3A_628], %parallel_loop3A_626 {add = true, strides = array<i32>} : memref<1024x64xf32, #tpu.memory_space<vmem>>, vector<16xf32>,
            %parallel_loop3A_630 = arith.index_cast %parallel_loop3A_601 : i32 to index
            %parallel_loop3A_631 = arith.constant 48 : index
            %parallel_loop3A_632 = tpu.vector_load %arg9[%parallel_loop3A_630, %parallel_loop3A_631] {strides = array<i32>} : memref<80x64xf32, #tpu.memory_space<vmem>>, vector<16xf32>,
            %parallel_loop3A_633 = vector.broadcast %parallel_loop3A_605 : f32 to vector<16xf32>
            %parallel_loop3A_634 = arith.mulf %parallel_loop3A_633, %parallel_loop3A_632 : vector<16xf32>
            %parallel_loop3A_635 = arith.index_cast %parallel_loop3A_603 : i32 to index
            %parallel_loop3A_636 = arith.constant 48 : index
            %parallel_loop3A_637 = tpu.vector_load %arg13[%parallel_loop3A_635, %parallel_loop3A_636] {strides = array<i32>} : memref<1024x64xf32, #tpu.memory_space<vmem>>, vector<16xf32>,
            tpu.vector_store %arg13[%parallel_loop3A_635, %parallel_loop3A_636], %parallel_loop3A_634 {add = true, strides = array<i32>} : memref<1024x64xf32, #tpu.memory_space<vmem>>, vector<16xf32>,
            %parallel_loop3A_638 = arith.constant 16 : i32
            %parallel_loop3A_639 = arith.muli %parallel_loop3A_63, %parallel_loop3A_638 : i32
            %parallel_loop3A_640 = arith.constant 12 : i32
            %parallel_loop3A_641 = arith.addi %parallel_loop3A_639, %parallel_loop3A_640 : i32
            %parallel_loop3A_642 = vector.extract_strided_slice %parallel_loop3A_70 {offsets = [12], sizes = [1], strides = [1]} : vector<16xi32> to vector<1xi32>
            %parallel_loop3A_643 = vector.extract %parallel_loop3A_642[0] : i32 from vector<1xi32>
            %parallel_loop3A_644 = vector.extract_strided_slice %parallel_loop3A_157 {offsets = [12], sizes = [1], strides = [1]} : vector<16xf32> to vector<1xf32>
            %parallel_loop3A_645 = vector.extract %parallel_loop3A_644[0] : f32 from vector<1xf32>
            %parallel_loop3A_646 = arith.index_cast %parallel_loop3A_641 : i32 to index
            %parallel_loop3A_647 = arith.constant 0 : index
            %parallel_loop3A_648 = tpu.vector_load %arg9[%parallel_loop3A_646, %parallel_loop3A_647] {strides = array<i32>} : memref<80x64xf32, #tpu.memory_space<vmem>>, vector<16xf32>,
            %parallel_loop3A_649 = vector.broadcast %parallel_loop3A_645 : f32 to vector<16xf32>
            %parallel_loop3A_650 = arith.mulf %parallel_loop3A_649, %parallel_loop3A_648 : vector<16xf32>
            %parallel_loop3A_651 = arith.index_cast %parallel_loop3A_643 : i32 to index
            %parallel_loop3A_652 = arith.constant 0 : index
            %parallel_loop3A_653 = tpu.vector_load %arg13[%parallel_loop3A_651, %parallel_loop3A_652] {strides = array<i32>} : memref<1024x64xf32, #tpu.memory_space<vmem>>, vector<16xf32>,
            tpu.vector_store %arg13[%parallel_loop3A_651, %parallel_loop3A_652], %parallel_loop3A_650 {add = true, strides = array<i32>} : memref<1024x64xf32, #tpu.memory_space<vmem>>, vector<16xf32>,
            %parallel_loop3A_654 = arith.index_cast %parallel_loop3A_641 : i32 to index
            %parallel_loop3A_655 = arith.constant 16 : index
            %parallel_loop3A_656 = tpu.vector_load %arg9[%parallel_loop3A_654, %parallel_loop3A_655] {strides = array<i32>} : memref<80x64xf32, #tpu.memory_space<vmem>>, vector<16xf32>,
            %parallel_loop3A_657 = vector.broadcast %parallel_loop3A_645 : f32 to vector<16xf32>
            %parallel_loop3A_658 = arith.mulf %parallel_loop3A_657, %parallel_loop3A_656 : vector<16xf32>
            %parallel_loop3A_659 = arith.index_cast %parallel_loop3A_643 : i32 to index
            %parallel_loop3A_660 = arith.constant 16 : index
            %parallel_loop3A_661 = tpu.vector_load %arg13[%parallel_loop3A_659, %parallel_loop3A_660] {strides = array<i32>} : memref<1024x64xf32, #tpu.memory_space<vmem>>, vector<16xf32>,
            tpu.vector_store %arg13[%parallel_loop3A_659, %parallel_loop3A_660], %parallel_loop3A_658 {add = true, strides = array<i32>} : memref<1024x64xf32, #tpu.memory_space<vmem>>, vector<16xf32>,
            %parallel_loop3A_662 = arith.index_cast %parallel_loop3A_641 : i32 to index
            %parallel_loop3A_663 = arith.constant 32 : index
            %parallel_loop3A_664 = tpu.vector_load %arg9[%parallel_loop3A_662, %parallel_loop3A_663] {strides = array<i32>} : memref<80x64xf32, #tpu.memory_space<vmem>>, vector<16xf32>,
            %parallel_loop3A_665 = vector.broadcast %parallel_loop3A_645 : f32 to vector<16xf32>
            %parallel_loop3A_666 = arith.mulf %parallel_loop3A_665, %parallel_loop3A_664 : vector<16xf32>
            %parallel_loop3A_667 = arith.index_cast %parallel_loop3A_643 : i32 to index
            %parallel_loop3A_668 = arith.constant 32 : index
            %parallel_loop3A_669 = tpu.vector_load %arg13[%parallel_loop3A_667, %parallel_loop3A_668] {strides = array<i32>} : memref<1024x64xf32, #tpu.memory_space<vmem>>, vector<16xf32>,
            tpu.vector_store %arg13[%parallel_loop3A_667, %parallel_loop3A_668], %parallel_loop3A_666 {add = true, strides = array<i32>} : memref<1024x64xf32, #tpu.memory_space<vmem>>, vector<16xf32>,
            %parallel_loop3A_670 = arith.index_cast %parallel_loop3A_641 : i32 to index
            %parallel_loop3A_671 = arith.constant 48 : index
            %parallel_loop3A_672 = tpu.vector_load %arg9[%parallel_loop3A_670, %parallel_loop3A_671] {strides = array<i32>} : memref<80x64xf32, #tpu.memory_space<vmem>>, vector<16xf32>,
            %parallel_loop3A_673 = vector.broadcast %parallel_loop3A_645 : f32 to vector<16xf32>
            %parallel_loop3A_674 = arith.mulf %parallel_loop3A_673, %parallel_loop3A_672 : vector<16xf32>
            %parallel_loop3A_675 = arith.index_cast %parallel_loop3A_643 : i32 to index
            %parallel_loop3A_676 = arith.constant 48 : index
            %parallel_loop3A_677 = tpu.vector_load %arg13[%parallel_loop3A_675, %parallel_loop3A_676] {strides = array<i32>} : memref<1024x64xf32, #tpu.memory_space<vmem>>, vector<16xf32>,
            tpu.vector_store %arg13[%parallel_loop3A_675, %parallel_loop3A_676], %parallel_loop3A_674 {add = true, strides = array<i32>} : memref<1024x64xf32, #tpu.memory_space<vmem>>, vector<16xf32>,
            %parallel_loop3A_678 = arith.constant 16 : i32
            %parallel_loop3A_679 = arith.muli %parallel_loop3A_63, %parallel_loop3A_678 : i32
            %parallel_loop3A_680 = arith.constant 13 : i32
            %parallel_loop3A_681 = arith.addi %parallel_loop3A_679, %parallel_loop3A_680 : i32
            %parallel_loop3A_682 = vector.extract_strided_slice %parallel_loop3A_70 {offsets = [13], sizes = [1], strides = [1]} : vector<16xi32> to vector<1xi32>
            %parallel_loop3A_683 = vector.extract %parallel_loop3A_682[0] : i32 from vector<1xi32>
            %parallel_loop3A_684 = vector.extract_strided_slice %parallel_loop3A_157 {offsets = [13], sizes = [1], strides = [1]} : vector<16xf32> to vector<1xf32>
            %parallel_loop3A_685 = vector.extract %parallel_loop3A_684[0] : f32 from vector<1xf32>
            %parallel_loop3A_686 = arith.index_cast %parallel_loop3A_681 : i32 to index
            %parallel_loop3A_687 = arith.constant 0 : index
            %parallel_loop3A_688 = tpu.vector_load %arg9[%parallel_loop3A_686, %parallel_loop3A_687] {strides = array<i32>} : memref<80x64xf32, #tpu.memory_space<vmem>>, vector<16xf32>,
            %parallel_loop3A_689 = vector.broadcast %parallel_loop3A_685 : f32 to vector<16xf32>
            %parallel_loop3A_690 = arith.mulf %parallel_loop3A_689, %parallel_loop3A_688 : vector<16xf32>
            %parallel_loop3A_691 = arith.index_cast %parallel_loop3A_683 : i32 to index
            %parallel_loop3A_692 = arith.constant 0 : index
            %parallel_loop3A_693 = tpu.vector_load %arg13[%parallel_loop3A_691, %parallel_loop3A_692] {strides = array<i32>} : memref<1024x64xf32, #tpu.memory_space<vmem>>, vector<16xf32>,
            tpu.vector_store %arg13[%parallel_loop3A_691, %parallel_loop3A_692], %parallel_loop3A_690 {add = true, strides = array<i32>} : memref<1024x64xf32, #tpu.memory_space<vmem>>, vector<16xf32>,
            %parallel_loop3A_694 = arith.index_cast %parallel_loop3A_681 : i32 to index
            %parallel_loop3A_695 = arith.constant 16 : index
            %parallel_loop3A_696 = tpu.vector_load %arg9[%parallel_loop3A_694, %parallel_loop3A_695] {strides = array<i32>} : memref<80x64xf32, #tpu.memory_space<vmem>>, vector<16xf32>,
            %parallel_loop3A_697 = vector.broadcast %parallel_loop3A_685 : f32 to vector<16xf32>
            %parallel_loop3A_698 = arith.mulf %parallel_loop3A_697, %parallel_loop3A_696 : vector<16xf32>
            %parallel_loop3A_699 = arith.index_cast %parallel_loop3A_683 : i32 to index
            %parallel_loop3A_700 = arith.constant 16 : index
            %parallel_loop3A_701 = tpu.vector_load %arg13[%parallel_loop3A_699, %parallel_loop3A_700] {strides = array<i32>} : memref<1024x64xf32, #tpu.memory_space<vmem>>, vector<16xf32>,
            tpu.vector_store %arg13[%parallel_loop3A_699, %parallel_loop3A_700], %parallel_loop3A_698 {add = true, strides = array<i32>} : memref<1024x64xf32, #tpu.memory_space<vmem>>, vector<16xf32>,
            %parallel_loop3A_702 = arith.index_cast %parallel_loop3A_681 : i32 to index
            %parallel_loop3A_703 = arith.constant 32 : index
            %parallel_loop3A_704 = tpu.vector_load %arg9[%parallel_loop3A_702, %parallel_loop3A_703] {strides = array<i32>} : memref<80x64xf32, #tpu.memory_space<vmem>>, vector<16xf32>,
            %parallel_loop3A_705 = vector.broadcast %parallel_loop3A_685 : f32 to vector<16xf32>
            %parallel_loop3A_706 = arith.mulf %parallel_loop3A_705, %parallel_loop3A_704 : vector<16xf32>
            %parallel_loop3A_707 = arith.index_cast %parallel_loop3A_683 : i32 to index
            %parallel_loop3A_708 = arith.constant 32 : index
            %parallel_loop3A_709 = tpu.vector_load %arg13[%parallel_loop3A_707, %parallel_loop3A_708] {strides = array<i32>} : memref<1024x64xf32, #tpu.memory_space<vmem>>, vector<16xf32>,
            tpu.vector_store %arg13[%parallel_loop3A_707, %parallel_loop3A_708], %parallel_loop3A_706 {add = true, strides = array<i32>} : memref<1024x64xf32, #tpu.memory_space<vmem>>, vector<16xf32>,
            %parallel_loop3A_710 = arith.index_cast %parallel_loop3A_681 : i32 to index
            %parallel_loop3A_711 = arith.constant 48 : index
            %parallel_loop3A_712 = tpu.vector_load %arg9[%parallel_loop3A_710, %parallel_loop3A_711] {strides = array<i32>} : memref<80x64xf32, #tpu.memory_space<vmem>>, vector<16xf32>,
            %parallel_loop3A_713 = vector.broadcast %parallel_loop3A_685 : f32 to vector<16xf32>
            %parallel_loop3A_714 = arith.mulf %parallel_loop3A_713, %parallel_loop3A_712 : vector<16xf32>
            %parallel_loop3A_715 = arith.index_cast %parallel_loop3A_683 : i32 to index
            %parallel_loop3A_716 = arith.constant 48 : index
            %parallel_loop3A_717 = tpu.vector_load %arg13[%parallel_loop3A_715, %parallel_loop3A_716] {strides = array<i32>} : memref<1024x64xf32, #tpu.memory_space<vmem>>, vector<16xf32>,
            tpu.vector_store %arg13[%parallel_loop3A_715, %parallel_loop3A_716], %parallel_loop3A_714 {add = true, strides = array<i32>} : memref<1024x64xf32, #tpu.memory_space<vmem>>, vector<16xf32>,
            %parallel_loop3A_718 = arith.constant 16 : i32
            %parallel_loop3A_719 = arith.muli %parallel_loop3A_63, %parallel_loop3A_718 : i32
            %parallel_loop3A_720 = arith.constant 14 : i32
            %parallel_loop3A_721 = arith.addi %parallel_loop3A_719, %parallel_loop3A_720 : i32
            %parallel_loop3A_722 = vector.extract_strided_slice %parallel_loop3A_70 {offsets = [14], sizes = [1], strides = [1]} : vector<16xi32> to vector<1xi32>
            %parallel_loop3A_723 = vector.extract %parallel_loop3A_722[0] : i32 from vector<1xi32>
            %parallel_loop3A_724 = vector.extract_strided_slice %parallel_loop3A_157 {offsets = [14], sizes = [1], strides = [1]} : vector<16xf32> to vector<1xf32>
            %parallel_loop3A_725 = vector.extract %parallel_loop3A_724[0] : f32 from vector<1xf32>
            %parallel_loop3A_726 = arith.index_cast %parallel_loop3A_721 : i32 to index
            %parallel_loop3A_727 = arith.constant 0 : index
            %parallel_loop3A_728 = tpu.vector_load %arg9[%parallel_loop3A_726, %parallel_loop3A_727] {strides = array<i32>} : memref<80x64xf32, #tpu.memory_space<vmem>>, vector<16xf32>,
            %parallel_loop3A_729 = vector.broadcast %parallel_loop3A_725 : f32 to vector<16xf32>
            %parallel_loop3A_730 = arith.mulf %parallel_loop3A_729, %parallel_loop3A_728 : vector<16xf32>
            %parallel_loop3A_731 = arith.index_cast %parallel_loop3A_723 : i32 to index
            %parallel_loop3A_732 = arith.constant 0 : index
            %parallel_loop3A_733 = tpu.vector_load %arg13[%parallel_loop3A_731, %parallel_loop3A_732] {strides = array<i32>} : memref<1024x64xf32, #tpu.memory_space<vmem>>, vector<16xf32>,
            tpu.vector_store %arg13[%parallel_loop3A_731, %parallel_loop3A_732], %parallel_loop3A_730 {add = true, strides = array<i32>} : memref<1024x64xf32, #tpu.memory_space<vmem>>, vector<16xf32>,
            %parallel_loop3A_734 = arith.index_cast %parallel_loop3A_721 : i32 to index
            %parallel_loop3A_735 = arith.constant 16 : index
            %parallel_loop3A_736 = tpu.vector_load %arg9[%parallel_loop3A_734, %parallel_loop3A_735] {strides = array<i32>} : memref<80x64xf32, #tpu.memory_space<vmem>>, vector<16xf32>,
            %parallel_loop3A_737 = vector.broadcast %parallel_loop3A_725 : f32 to vector<16xf32>
            %parallel_loop3A_738 = arith.mulf %parallel_loop3A_737, %parallel_loop3A_736 : vector<16xf32>
            %parallel_loop3A_739 = arith.index_cast %parallel_loop3A_723 : i32 to index
            %parallel_loop3A_740 = arith.constant 16 : index
            %parallel_loop3A_741 = tpu.vector_load %arg13[%parallel_loop3A_739, %parallel_loop3A_740] {strides = array<i32>} : memref<1024x64xf32, #tpu.memory_space<vmem>>, vector<16xf32>,
            tpu.vector_store %arg13[%parallel_loop3A_739, %parallel_loop3A_740], %parallel_loop3A_738 {add = true, strides = array<i32>} : memref<1024x64xf32, #tpu.memory_space<vmem>>, vector<16xf32>,
            %parallel_loop3A_742 = arith.index_cast %parallel_loop3A_721 : i32 to index
            %parallel_loop3A_743 = arith.constant 32 : index
            %parallel_loop3A_744 = tpu.vector_load %arg9[%parallel_loop3A_742, %parallel_loop3A_743] {strides = array<i32>} : memref<80x64xf32, #tpu.memory_space<vmem>>, vector<16xf32>,
            %parallel_loop3A_745 = vector.broadcast %parallel_loop3A_725 : f32 to vector<16xf32>
            %parallel_loop3A_746 = arith.mulf %parallel_loop3A_745, %parallel_loop3A_744 : vector<16xf32>
            %parallel_loop3A_747 = arith.index_cast %parallel_loop3A_723 : i32 to index
            %parallel_loop3A_748 = arith.constant 32 : index
            %parallel_loop3A_749 = tpu.vector_load %arg13[%parallel_loop3A_747, %parallel_loop3A_748] {strides = array<i32>} : memref<1024x64xf32, #tpu.memory_space<vmem>>, vector<16xf32>,
            tpu.vector_store %arg13[%parallel_loop3A_747, %parallel_loop3A_748], %parallel_loop3A_746 {add = true, strides = array<i32>} : memref<1024x64xf32, #tpu.memory_space<vmem>>, vector<16xf32>,
            %parallel_loop3A_750 = arith.index_cast %parallel_loop3A_721 : i32 to index
            %parallel_loop3A_751 = arith.constant 48 : index
            %parallel_loop3A_752 = tpu.vector_load %arg9[%parallel_loop3A_750, %parallel_loop3A_751] {strides = array<i32>} : memref<80x64xf32, #tpu.memory_space<vmem>>, vector<16xf32>,
            %parallel_loop3A_753 = vector.broadcast %parallel_loop3A_725 : f32 to vector<16xf32>
            %parallel_loop3A_754 = arith.mulf %parallel_loop3A_753, %parallel_loop3A_752 : vector<16xf32>
            %parallel_loop3A_755 = arith.index_cast %parallel_loop3A_723 : i32 to index
            %parallel_loop3A_756 = arith.constant 48 : index
            %parallel_loop3A_757 = tpu.vector_load %arg13[%parallel_loop3A_755, %parallel_loop3A_756] {strides = array<i32>} : memref<1024x64xf32, #tpu.memory_space<vmem>>, vector<16xf32>,
            tpu.vector_store %arg13[%parallel_loop3A_755, %parallel_loop3A_756], %parallel_loop3A_754 {add = true, strides = array<i32>} : memref<1024x64xf32, #tpu.memory_space<vmem>>, vector<16xf32>,
            %parallel_loop3A_758 = arith.constant 16 : i32
            %parallel_loop3A_759 = arith.muli %parallel_loop3A_63, %parallel_loop3A_758 : i32
            %parallel_loop3A_760 = arith.constant 15 : i32
            %parallel_loop3A_761 = arith.addi %parallel_loop3A_759, %parallel_loop3A_760 : i32
            %parallel_loop3A_762 = vector.extract_strided_slice %parallel_loop3A_70 {offsets = [15], sizes = [1], strides = [1]} : vector<16xi32> to vector<1xi32>
            %parallel_loop3A_763 = vector.extract %parallel_loop3A_762[0] : i32 from vector<1xi32>
            %parallel_loop3A_764 = vector.extract_strided_slice %parallel_loop3A_157 {offsets = [15], sizes = [1], strides = [1]} : vector<16xf32> to vector<1xf32>
            %parallel_loop3A_765 = vector.extract %parallel_loop3A_764[0] : f32 from vector<1xf32>
            %parallel_loop3A_766 = arith.index_cast %parallel_loop3A_761 : i32 to index
            %parallel_loop3A_767 = arith.constant 0 : index
            %parallel_loop3A_768 = tpu.vector_load %arg9[%parallel_loop3A_766, %parallel_loop3A_767] {strides = array<i32>} : memref<80x64xf32, #tpu.memory_space<vmem>>, vector<16xf32>,
            %parallel_loop3A_769 = vector.broadcast %parallel_loop3A_765 : f32 to vector<16xf32>
            %parallel_loop3A_770 = arith.mulf %parallel_loop3A_769, %parallel_loop3A_768 : vector<16xf32>
            %parallel_loop3A_771 = arith.index_cast %parallel_loop3A_763 : i32 to index
            %parallel_loop3A_772 = arith.constant 0 : index
            %parallel_loop3A_773 = tpu.vector_load %arg13[%parallel_loop3A_771, %parallel_loop3A_772] {strides = array<i32>} : memref<1024x64xf32, #tpu.memory_space<vmem>>, vector<16xf32>,
            tpu.vector_store %arg13[%parallel_loop3A_771, %parallel_loop3A_772], %parallel_loop3A_770 {add = true, strides = array<i32>} : memref<1024x64xf32, #tpu.memory_space<vmem>>, vector<16xf32>,
            %parallel_loop3A_774 = arith.index_cast %parallel_loop3A_761 : i32 to index
            %parallel_loop3A_775 = arith.constant 16 : index
            %parallel_loop3A_776 = tpu.vector_load %arg9[%parallel_loop3A_774, %parallel_loop3A_775] {strides = array<i32>} : memref<80x64xf32, #tpu.memory_space<vmem>>, vector<16xf32>,
            %parallel_loop3A_777 = vector.broadcast %parallel_loop3A_765 : f32 to vector<16xf32>
            %parallel_loop3A_778 = arith.mulf %parallel_loop3A_777, %parallel_loop3A_776 : vector<16xf32>
            %parallel_loop3A_779 = arith.index_cast %parallel_loop3A_763 : i32 to index
            %parallel_loop3A_780 = arith.constant 16 : index
            %parallel_loop3A_781 = tpu.vector_load %arg13[%parallel_loop3A_779, %parallel_loop3A_780] {strides = array<i32>} : memref<1024x64xf32, #tpu.memory_space<vmem>>, vector<16xf32>,
            tpu.vector_store %arg13[%parallel_loop3A_779, %parallel_loop3A_780], %parallel_loop3A_778 {add = true, strides = array<i32>} : memref<1024x64xf32, #tpu.memory_space<vmem>>, vector<16xf32>,
            %parallel_loop3A_782 = arith.index_cast %parallel_loop3A_761 : i32 to index
            %parallel_loop3A_783 = arith.constant 32 : index
            %parallel_loop3A_784 = tpu.vector_load %arg9[%parallel_loop3A_782, %parallel_loop3A_783] {strides = array<i32>} : memref<80x64xf32, #tpu.memory_space<vmem>>, vector<16xf32>,
            %parallel_loop3A_785 = vector.broadcast %parallel_loop3A_765 : f32 to vector<16xf32>
            %parallel_loop3A_786 = arith.mulf %parallel_loop3A_785, %parallel_loop3A_784 : vector<16xf32>
            %parallel_loop3A_787 = arith.index_cast %parallel_loop3A_763 : i32 to index
            %parallel_loop3A_788 = arith.constant 32 : index
            %parallel_loop3A_789 = tpu.vector_load %arg13[%parallel_loop3A_787, %parallel_loop3A_788] {strides = array<i32>} : memref<1024x64xf32, #tpu.memory_space<vmem>>, vector<16xf32>,
            tpu.vector_store %arg13[%parallel_loop3A_787, %parallel_loop3A_788], %parallel_loop3A_786 {add = true, strides = array<i32>} : memref<1024x64xf32, #tpu.memory_space<vmem>>, vector<16xf32>,
            %parallel_loop3A_790 = arith.index_cast %parallel_loop3A_761 : i32 to index
            %parallel_loop3A_791 = arith.constant 48 : index
            %parallel_loop3A_792 = tpu.vector_load %arg9[%parallel_loop3A_790, %parallel_loop3A_791] {strides = array<i32>} : memref<80x64xf32, #tpu.memory_space<vmem>>, vector<16xf32>,
            %parallel_loop3A_793 = vector.broadcast %parallel_loop3A_765 : f32 to vector<16xf32>
            %parallel_loop3A_794 = arith.mulf %parallel_loop3A_793, %parallel_loop3A_792 : vector<16xf32>
            %parallel_loop3A_795 = arith.index_cast %parallel_loop3A_763 : i32 to index
            %parallel_loop3A_796 = arith.constant 48 : index
            %parallel_loop3A_797 = tpu.vector_load %arg13[%parallel_loop3A_795, %parallel_loop3A_796] {strides = array<i32>} : memref<1024x64xf32, #tpu.memory_space<vmem>>, vector<16xf32>,
            tpu.vector_store %arg13[%parallel_loop3A_795, %parallel_loop3A_796], %parallel_loop3A_794 {add = true, strides = array<i32>} : memref<1024x64xf32, #tpu.memory_space<vmem>>, vector<16xf32>,
          } {sc.loop_unroll_factor = 5 : i64, sc.parallel_access}
        } else {
        }
        %not3A = arith.constant true
        %not3A_42 = arith.xori %eq3A_40, %not3A : i1
        %convert_element_type3A_43 = arith.extui %not3A_42 : i1 to i32
        %cond3A_44 = arith.constant 0 : i32
        %cond3A_45 = arith.cmpi ne, %convert_element_type3A_43, %cond3A_44 : i32
        scf.if %cond3A_45 {
          %add3A_46 = arith.constant 1 : i32
          %add3A_47 = arith.addi %scan3A_29, %add3A_46 : i32
          %lt3A_48 = arith.constant 25 : i32
          %lt3A_49 = arith.cmpi slt, %add3A_47, %lt3A_48 : i32
          %convert_element_type3A_50 = arith.extui %lt3A_49 : i1 to i32
          %cond3A_51 = arith.constant 0 : i32
          %cond3A_52 = arith.cmpi ne, %convert_element_type3A_50, %cond3A_51 : i32
          scf.if %cond3A_52 {
            %add3A_63 = arith.constant 1 : i32
            %add3A_64 = arith.addi %scan3A_29, %add3A_63 : i32
            %mul3A_65 = arith.constant 80 : i32
            %mul3A_66 = arith.muli %add3A_64, %mul3A_65 : i32
            %dma_start3A_67 = tpu.memref_slice %arg7[%mul3A_66] : memref<2000xi32, #tpu.memory_space<vmem>> -> memref<80xi32, #tpu.memory_space<vmem>>
            %dma_start3A_68 = arith.constant 0 : i32
            %dma_start3A_69 = arith.constant 0 : i32
            %dma_start3A_70 = tpu.memref_slice %arg2[%dma_start3A_68, %dma_start3A_69] : memref<100000x64xf32, #tpu.memory_space<hbm>> -> memref<100000x64xf32, #tpu.memory_space<hbm>>
            tpu.enqueue_indirect_dma source(%dma_start3A_70 : memref<100000x64xf32, #tpu.memory_space<hbm>>) target(%arg9 : memref<80x64xf32, #tpu.memory_space<vmem>>) offsets(%dma_start3A_67 : memref<80xi32, #tpu.memory_space<vmem>>) semaphore(%arg14 : memref<!tpu.dma_semaphore, #tpu.memory_space<semaphore_mem>>)
          } else {
          }
          %mul3A_53 = arith.constant 80 : i32
          %mul3A_54 = arith.muli %scan3A_29, %mul3A_53 : i32
          %dma_wait3A = tpu.memref_slice %arg7[%mul3A_54] : memref<2000xi32, #tpu.memory_space<vmem>> -> memref<80xi32, #tpu.memory_space<vmem>>
          %dma_wait3A_55 = arith.constant 0 : i32
          %dma_wait3A_56 = arith.constant 0 : i32
          %dma_wait3A_57 = tpu.memref_slice %arg2[%dma_wait3A_55, %dma_wait3A_56] : memref<100000x64xf32, #tpu.memory_space<hbm>> -> memref<100000x64xf32, #tpu.memory_space<hbm>>
          tpu.wait_indirect_dma semaphore(%arg15 : memref<!tpu.dma_semaphore, #tpu.memory_space<semaphore_mem>>) src(%dma_wait3A_57 : memref<100000x64xf32, #tpu.memory_space<hbm>>) dst(%arg10 : memref<80x64xf32, #tpu.memory_space<vmem>>)
          %parallel_loop3A = arith.constant 0 : i32
          %parallel_loop3A_58 = arith.constant 80 : i32
          %parallel_loop3A_59 = arith.constant 1 : i32
          scf.for %parallel_loop3A_63 = %parallel_loop3A to %parallel_loop3A_58 step %parallel_loop3A_59  : i32 {
            %parallel_loop3A_64 = arith.index_cast %parallel_loop3A_63 : i32 to index
            %parallel_loop3A_65 = arith.constant 48 : index
            %parallel_loop3A_66 = tpu.vector_load %arg10[%parallel_loop3A_64, %parallel_loop3A_65] {strides = array<i32>} : memref<80x64xf32, #tpu.memory_space<vmem>>, vector<16xf32>,
            %parallel_loop3A_67 = arith.index_cast %parallel_loop3A_63 : i32 to index
            %parallel_loop3A_68 = arith.constant 0 : index
            %parallel_loop3A_69 = tpu.vector_load %arg11[%parallel_loop3A_67, %parallel_loop3A_68] {strides = array<i32>} : memref<80x17xf32, #tpu.memory_space<vmem>>, vector<16xf32>,
            tpu.vector_store %arg11[%parallel_loop3A_67, %parallel_loop3A_68], %parallel_loop3A_66 {strides = array<i32>} : memref<80x17xf32, #tpu.memory_space<vmem>>, vector<16xf32>,
          } {sc.loop_unroll_factor = 8 : i64, sc.parallel_access}
          %parallel_loop3A_60 = arith.constant 0 : i32
          %parallel_loop3A_61 = arith.constant 5 : i32
          %parallel_loop3A_62 = arith.constant 1 : i32
          scf.for %parallel_loop3A_63 = %parallel_loop3A_60 to %parallel_loop3A_61 step %parallel_loop3A_62  : i32 {
            %parallel_loop3A_64 = arith.constant 80 : i32
            %parallel_loop3A_65 = arith.muli %scan3A_29, %parallel_loop3A_64 : i32
            %parallel_loop3A_66 = arith.constant 16 : i32
            %parallel_loop3A_67 = arith.muli %parallel_loop3A_63, %parallel_loop3A_66 : i32
            %parallel_loop3A_68 = arith.addi %parallel_loop3A_65, %parallel_loop3A_67 : i32
            %parallel_loop3A_69 = arith.index_cast %parallel_loop3A_68 : i32 to index
            %parallel_loop3A_70 = tpu.vector_load %arg8[%parallel_loop3A_69] {strides = array<i32>} : memref<2000xi32, #tpu.memory_space<vmem>>, vector<16xi32>,
            %parallel_loop3A_71 = arith.constant 16 : i32
            %parallel_loop3A_72 = arith.muli %parallel_loop3A_63, %parallel_loop3A_71 : i32
            %parallel_loop3A_73 = vector.broadcast %parallel_loop3A_72 : i32 to vector<16xi32>
            %parallel_loop3A_74 = arith.addi %iota3A, %parallel_loop3A_73 : vector<16xi32>
            %parallel_loop3A_75 = arith.constant 0.000000e+00 : f32
            %parallel_loop3A_76 = vector.broadcast %parallel_loop3A_75 : f32 to vector<16xf32>
            %parallel_loop3A_77 = arith.constant 3 : i32
            %parallel_loop3A_78 = vector.broadcast %parallel_loop3A_77 : i32 to vector<16xi32>
            %parallel_loop3A_79 = tpu.vector_load_idx %arg11[%parallel_loop3A_74, %parallel_loop3A_78] : memref<80x17xf32, #tpu.memory_space<vmem>>[vector<16xi32>, vector<16xi32>], vector<16xf32>,
            %parallel_loop3A_80 = arith.constant 0 : i32
            %parallel_loop3A_81 = vector.broadcast %parallel_loop3A_80 : i32 to vector<16xi32>
            %parallel_loop3A_82 = tpu.vector_load_idx %arg12[%parallel_loop3A_70, %parallel_loop3A_81] : memref<1024x17xf32, #tpu.memory_space<vmem>>[vector<16xi32>, vector<16xi32>], vector<16xf32>,
            %parallel_loop3A_83 = arith.mulf %parallel_loop3A_79, %parallel_loop3A_82 : vector<16xf32>
            %parallel_loop3A_84 = arith.addf %parallel_loop3A_76, %parallel_loop3A_83 : vector<16xf32>
            %parallel_loop3A_85 = arith.constant 4 : i32
            %parallel_loop3A_86 = vector.broadcast %parallel_loop3A_85 : i32 to vector<16xi32>
            %parallel_loop3A_87 = tpu.vector_load_idx %arg11[%parallel_loop3A_74, %parallel_loop3A_86] : memref<80x17xf32, #tpu.memory_space<vmem>>[vector<16xi32>, vector<16xi32>], vector<16xf32>,
            %parallel_loop3A_88 = arith.constant 1 : i32
            %parallel_loop3A_89 = vector.broadcast %parallel_loop3A_88 : i32 to vector<16xi32>
            %parallel_loop3A_90 = tpu.vector_load_idx %arg12[%parallel_loop3A_70, %parallel_loop3A_89] : memref<1024x17xf32, #tpu.memory_space<vmem>>[vector<16xi32>, vector<16xi32>], vector<16xf32>,
            %parallel_loop3A_91 = arith.mulf %parallel_loop3A_87, %parallel_loop3A_90 : vector<16xf32>
            %parallel_loop3A_92 = arith.addf %parallel_loop3A_84, %parallel_loop3A_91 : vector<16xf32>
            %parallel_loop3A_93 = arith.constant 5 : i32
            %parallel_loop3A_94 = vector.broadcast %parallel_loop3A_93 : i32 to vector<16xi32>
            %parallel_loop3A_95 = tpu.vector_load_idx %arg11[%parallel_loop3A_74, %parallel_loop3A_94] : memref<80x17xf32, #tpu.memory_space<vmem>>[vector<16xi32>, vector<16xi32>], vector<16xf32>,
            %parallel_loop3A_96 = arith.constant 2 : i32
            %parallel_loop3A_97 = vector.broadcast %parallel_loop3A_96 : i32 to vector<16xi32>
            %parallel_loop3A_98 = tpu.vector_load_idx %arg12[%parallel_loop3A_70, %parallel_loop3A_97] : memref<1024x17xf32, #tpu.memory_space<vmem>>[vector<16xi32>, vector<16xi32>], vector<16xf32>,
            %parallel_loop3A_99 = arith.mulf %parallel_loop3A_95, %parallel_loop3A_98 : vector<16xf32>
            %parallel_loop3A_100 = arith.addf %parallel_loop3A_92, %parallel_loop3A_99 : vector<16xf32>
            %parallel_loop3A_101 = arith.constant 6 : i32
            %parallel_loop3A_102 = vector.broadcast %parallel_loop3A_101 : i32 to vector<16xi32>
            %parallel_loop3A_103 = tpu.vector_load_idx %arg11[%parallel_loop3A_74, %parallel_loop3A_102] : memref<80x17xf32, #tpu.memory_space<vmem>>[vector<16xi32>, vector<16xi32>], vector<16xf32>,
            %parallel_loop3A_104 = arith.constant 3 : i32
            %parallel_loop3A_105 = vector.broadcast %parallel_loop3A_104 : i32 to vector<16xi32>
            %parallel_loop3A_106 = tpu.vector_load_idx %arg12[%parallel_loop3A_70, %parallel_loop3A_105] : memref<1024x17xf32, #tpu.memory_space<vmem>>[vector<16xi32>, vector<16xi32>], vector<16xf32>,
            %parallel_loop3A_107 = arith.mulf %parallel_loop3A_103, %parallel_loop3A_106 : vector<16xf32>
            %parallel_loop3A_108 = arith.addf %parallel_loop3A_100, %parallel_loop3A_107 : vector<16xf32>
            %parallel_loop3A_109 = arith.constant 7 : i32
            %parallel_loop3A_110 = vector.broadcast %parallel_loop3A_109 : i32 to vector<16xi32>
            %parallel_loop3A_111 = tpu.vector_load_idx %arg11[%parallel_loop3A_74, %parallel_loop3A_110] : memref<80x17xf32, #tpu.memory_space<vmem>>[vector<16xi32>, vector<16xi32>], vector<16xf32>,
            %parallel_loop3A_112 = arith.constant 4 : i32
            %parallel_loop3A_113 = vector.broadcast %parallel_loop3A_112 : i32 to vector<16xi32>
            %parallel_loop3A_114 = tpu.vector_load_idx %arg12[%parallel_loop3A_70, %parallel_loop3A_113] : memref<1024x17xf32, #tpu.memory_space<vmem>>[vector<16xi32>, vector<16xi32>], vector<16xf32>,
            %parallel_loop3A_115 = arith.mulf %parallel_loop3A_111, %parallel_loop3A_114 : vector<16xf32>
            %parallel_loop3A_116 = arith.addf %parallel_loop3A_108, %parallel_loop3A_115 : vector<16xf32>
            %parallel_loop3A_117 = arith.constant 8 : i32
            %parallel_loop3A_118 = vector.broadcast %parallel_loop3A_117 : i32 to vector<16xi32>
            %parallel_loop3A_119 = tpu.vector_load_idx %arg11[%parallel_loop3A_74, %parallel_loop3A_118] : memref<80x17xf32, #tpu.memory_space<vmem>>[vector<16xi32>, vector<16xi32>], vector<16xf32>,
            %parallel_loop3A_120 = arith.constant 5 : i32
            %parallel_loop3A_121 = vector.broadcast %parallel_loop3A_120 : i32 to vector<16xi32>
            %parallel_loop3A_122 = tpu.vector_load_idx %arg12[%parallel_loop3A_70, %parallel_loop3A_121] : memref<1024x17xf32, #tpu.memory_space<vmem>>[vector<16xi32>, vector<16xi32>], vector<16xf32>,
            %parallel_loop3A_123 = arith.mulf %parallel_loop3A_119, %parallel_loop3A_122 : vector<16xf32>
            %parallel_loop3A_124 = arith.addf %parallel_loop3A_116, %parallel_loop3A_123 : vector<16xf32>
            %parallel_loop3A_125 = arith.constant 9 : i32
            %parallel_loop3A_126 = vector.broadcast %parallel_loop3A_125 : i32 to vector<16xi32>
            %parallel_loop3A_127 = tpu.vector_load_idx %arg11[%parallel_loop3A_74, %parallel_loop3A_126] : memref<80x17xf32, #tpu.memory_space<vmem>>[vector<16xi32>, vector<16xi32>], vector<16xf32>,
            %parallel_loop3A_128 = arith.constant 6 : i32
            %parallel_loop3A_129 = vector.broadcast %parallel_loop3A_128 : i32 to vector<16xi32>
            %parallel_loop3A_130 = tpu.vector_load_idx %arg12[%parallel_loop3A_70, %parallel_loop3A_129] : memref<1024x17xf32, #tpu.memory_space<vmem>>[vector<16xi32>, vector<16xi32>], vector<16xf32>,
            %parallel_loop3A_131 = arith.mulf %parallel_loop3A_127, %parallel_loop3A_130 : vector<16xf32>
            %parallel_loop3A_132 = arith.addf %parallel_loop3A_124, %parallel_loop3A_131 : vector<16xf32>
            %parallel_loop3A_133 = arith.constant 10 : i32
            %parallel_loop3A_134 = vector.broadcast %parallel_loop3A_133 : i32 to vector<16xi32>
            %parallel_loop3A_135 = tpu.vector_load_idx %arg11[%parallel_loop3A_74, %parallel_loop3A_134] : memref<80x17xf32, #tpu.memory_space<vmem>>[vector<16xi32>, vector<16xi32>], vector<16xf32>,
            %parallel_loop3A_136 = arith.constant 7 : i32
            %parallel_loop3A_137 = vector.broadcast %parallel_loop3A_136 : i32 to vector<16xi32>
            %parallel_loop3A_138 = tpu.vector_load_idx %arg12[%parallel_loop3A_70, %parallel_loop3A_137] : memref<1024x17xf32, #tpu.memory_space<vmem>>[vector<16xi32>, vector<16xi32>], vector<16xf32>,
            %parallel_loop3A_139 = arith.mulf %parallel_loop3A_135, %parallel_loop3A_138 : vector<16xf32>
            %parallel_loop3A_140 = arith.addf %parallel_loop3A_132, %parallel_loop3A_139 : vector<16xf32>
            %parallel_loop3A_141 = arith.constant 11 : i32
            %parallel_loop3A_142 = vector.broadcast %parallel_loop3A_141 : i32 to vector<16xi32>
            %parallel_loop3A_143 = tpu.vector_load_idx %arg11[%parallel_loop3A_74, %parallel_loop3A_142] : memref<80x17xf32, #tpu.memory_space<vmem>>[vector<16xi32>, vector<16xi32>], vector<16xf32>,
            %parallel_loop3A_144 = arith.constant 8 : i32
            %parallel_loop3A_145 = vector.broadcast %parallel_loop3A_144 : i32 to vector<16xi32>
            %parallel_loop3A_146 = tpu.vector_load_idx %arg12[%parallel_loop3A_70, %parallel_loop3A_145] : memref<1024x17xf32, #tpu.memory_space<vmem>>[vector<16xi32>, vector<16xi32>], vector<16xf32>,
            %parallel_loop3A_147 = arith.mulf %parallel_loop3A_143, %parallel_loop3A_146 : vector<16xf32>
            %parallel_loop3A_148 = arith.addf %parallel_loop3A_140, %parallel_loop3A_147 : vector<16xf32>
            %parallel_loop3A_149 = arith.constant 12 : i32
            %parallel_loop3A_150 = vector.broadcast %parallel_loop3A_149 : i32 to vector<16xi32>
            %parallel_loop3A_151 = tpu.vector_load_idx %arg11[%parallel_loop3A_74, %parallel_loop3A_150] : memref<80x17xf32, #tpu.memory_space<vmem>>[vector<16xi32>, vector<16xi32>], vector<16xf32>,
            %parallel_loop3A_152 = arith.constant 9 : i32
            %parallel_loop3A_153 = vector.broadcast %parallel_loop3A_152 : i32 to vector<16xi32>
            %parallel_loop3A_154 = tpu.vector_load_idx %arg12[%parallel_loop3A_70, %parallel_loop3A_153] : memref<1024x17xf32, #tpu.memory_space<vmem>>[vector<16xi32>, vector<16xi32>], vector<16xf32>,
            %parallel_loop3A_155 = arith.mulf %parallel_loop3A_151, %parallel_loop3A_154 : vector<16xf32>
            %parallel_loop3A_156 = arith.addf %parallel_loop3A_148, %parallel_loop3A_155 : vector<16xf32>
            %parallel_loop3A_157 = math.exp %parallel_loop3A_156 : vector<16xf32>
            %parallel_loop3A_158 = arith.constant 16 : i32
            %parallel_loop3A_159 = arith.muli %parallel_loop3A_63, %parallel_loop3A_158 : i32
            %parallel_loop3A_160 = arith.constant 0 : i32
            %parallel_loop3A_161 = arith.addi %parallel_loop3A_159, %parallel_loop3A_160 : i32
            %parallel_loop3A_162 = vector.extract_strided_slice %parallel_loop3A_70 {offsets = [0], sizes = [1], strides = [1]} : vector<16xi32> to vector<1xi32>
            %parallel_loop3A_163 = vector.extract %parallel_loop3A_162[0] : i32 from vector<1xi32>
            %parallel_loop3A_164 = vector.extract_strided_slice %parallel_loop3A_157 {offsets = [0], sizes = [1], strides = [1]} : vector<16xf32> to vector<1xf32>
            %parallel_loop3A_165 = vector.extract %parallel_loop3A_164[0] : f32 from vector<1xf32>
            %parallel_loop3A_166 = arith.index_cast %parallel_loop3A_161 : i32 to index
            %parallel_loop3A_167 = arith.constant 0 : index
            %parallel_loop3A_168 = tpu.vector_load %arg10[%parallel_loop3A_166, %parallel_loop3A_167] {strides = array<i32>} : memref<80x64xf32, #tpu.memory_space<vmem>>, vector<16xf32>,
            %parallel_loop3A_169 = vector.broadcast %parallel_loop3A_165 : f32 to vector<16xf32>
            %parallel_loop3A_170 = arith.mulf %parallel_loop3A_169, %parallel_loop3A_168 : vector<16xf32>
            %parallel_loop3A_171 = arith.index_cast %parallel_loop3A_163 : i32 to index
            %parallel_loop3A_172 = arith.constant 0 : index
            %parallel_loop3A_173 = tpu.vector_load %arg13[%parallel_loop3A_171, %parallel_loop3A_172] {strides = array<i32>} : memref<1024x64xf32, #tpu.memory_space<vmem>>, vector<16xf32>,
            tpu.vector_store %arg13[%parallel_loop3A_171, %parallel_loop3A_172], %parallel_loop3A_170 {add = true, strides = array<i32>} : memref<1024x64xf32, #tpu.memory_space<vmem>>, vector<16xf32>,
            %parallel_loop3A_174 = arith.index_cast %parallel_loop3A_161 : i32 to index
            %parallel_loop3A_175 = arith.constant 16 : index
            %parallel_loop3A_176 = tpu.vector_load %arg10[%parallel_loop3A_174, %parallel_loop3A_175] {strides = array<i32>} : memref<80x64xf32, #tpu.memory_space<vmem>>, vector<16xf32>,
            %parallel_loop3A_177 = vector.broadcast %parallel_loop3A_165 : f32 to vector<16xf32>
            %parallel_loop3A_178 = arith.mulf %parallel_loop3A_177, %parallel_loop3A_176 : vector<16xf32>
            %parallel_loop3A_179 = arith.index_cast %parallel_loop3A_163 : i32 to index
            %parallel_loop3A_180 = arith.constant 16 : index
            %parallel_loop3A_181 = tpu.vector_load %arg13[%parallel_loop3A_179, %parallel_loop3A_180] {strides = array<i32>} : memref<1024x64xf32, #tpu.memory_space<vmem>>, vector<16xf32>,
            tpu.vector_store %arg13[%parallel_loop3A_179, %parallel_loop3A_180], %parallel_loop3A_178 {add = true, strides = array<i32>} : memref<1024x64xf32, #tpu.memory_space<vmem>>, vector<16xf32>,
            %parallel_loop3A_182 = arith.index_cast %parallel_loop3A_161 : i32 to index
            %parallel_loop3A_183 = arith.constant 32 : index
            %parallel_loop3A_184 = tpu.vector_load %arg10[%parallel_loop3A_182, %parallel_loop3A_183] {strides = array<i32>} : memref<80x64xf32, #tpu.memory_space<vmem>>, vector<16xf32>,
            %parallel_loop3A_185 = vector.broadcast %parallel_loop3A_165 : f32 to vector<16xf32>
            %parallel_loop3A_186 = arith.mulf %parallel_loop3A_185, %parallel_loop3A_184 : vector<16xf32>
            %parallel_loop3A_187 = arith.index_cast %parallel_loop3A_163 : i32 to index
            %parallel_loop3A_188 = arith.constant 32 : index
            %parallel_loop3A_189 = tpu.vector_load %arg13[%parallel_loop3A_187, %parallel_loop3A_188] {strides = array<i32>} : memref<1024x64xf32, #tpu.memory_space<vmem>>, vector<16xf32>,
            tpu.vector_store %arg13[%parallel_loop3A_187, %parallel_loop3A_188], %parallel_loop3A_186 {add = true, strides = array<i32>} : memref<1024x64xf32, #tpu.memory_space<vmem>>, vector<16xf32>,
            %parallel_loop3A_190 = arith.index_cast %parallel_loop3A_161 : i32 to index
            %parallel_loop3A_191 = arith.constant 48 : index
            %parallel_loop3A_192 = tpu.vector_load %arg10[%parallel_loop3A_190, %parallel_loop3A_191] {strides = array<i32>} : memref<80x64xf32, #tpu.memory_space<vmem>>, vector<16xf32>,
            %parallel_loop3A_193 = vector.broadcast %parallel_loop3A_165 : f32 to vector<16xf32>
            %parallel_loop3A_194 = arith.mulf %parallel_loop3A_193, %parallel_loop3A_192 : vector<16xf32>
            %parallel_loop3A_195 = arith.index_cast %parallel_loop3A_163 : i32 to index
            %parallel_loop3A_196 = arith.constant 48 : index
            %parallel_loop3A_197 = tpu.vector_load %arg13[%parallel_loop3A_195, %parallel_loop3A_196] {strides = array<i32>} : memref<1024x64xf32, #tpu.memory_space<vmem>>, vector<16xf32>,
            tpu.vector_store %arg13[%parallel_loop3A_195, %parallel_loop3A_196], %parallel_loop3A_194 {add = true, strides = array<i32>} : memref<1024x64xf32, #tpu.memory_space<vmem>>, vector<16xf32>,
            %parallel_loop3A_198 = arith.constant 16 : i32
            %parallel_loop3A_199 = arith.muli %parallel_loop3A_63, %parallel_loop3A_198 : i32
            %parallel_loop3A_200 = arith.constant 1 : i32
            %parallel_loop3A_201 = arith.addi %parallel_loop3A_199, %parallel_loop3A_200 : i32
            %parallel_loop3A_202 = vector.extract_strided_slice %parallel_loop3A_70 {offsets = [1], sizes = [1], strides = [1]} : vector<16xi32> to vector<1xi32>
            %parallel_loop3A_203 = vector.extract %parallel_loop3A_202[0] : i32 from vector<1xi32>
            %parallel_loop3A_204 = vector.extract_strided_slice %parallel_loop3A_157 {offsets = [1], sizes = [1], strides = [1]} : vector<16xf32> to vector<1xf32>
            %parallel_loop3A_205 = vector.extract %parallel_loop3A_204[0] : f32 from vector<1xf32>
            %parallel_loop3A_206 = arith.index_cast %parallel_loop3A_201 : i32 to index
            %parallel_loop3A_207 = arith.constant 0 : index
            %parallel_loop3A_208 = tpu.vector_load %arg10[%parallel_loop3A_206, %parallel_loop3A_207] {strides = array<i32>} : memref<80x64xf32, #tpu.memory_space<vmem>>, vector<16xf32>,
            %parallel_loop3A_209 = vector.broadcast %parallel_loop3A_205 : f32 to vector<16xf32>
            %parallel_loop3A_210 = arith.mulf %parallel_loop3A_209, %parallel_loop3A_208 : vector<16xf32>
            %parallel_loop3A_211 = arith.index_cast %parallel_loop3A_203 : i32 to index
            %parallel_loop3A_212 = arith.constant 0 : index
            %parallel_loop3A_213 = tpu.vector_load %arg13[%parallel_loop3A_211, %parallel_loop3A_212] {strides = array<i32>} : memref<1024x64xf32, #tpu.memory_space<vmem>>, vector<16xf32>,
            tpu.vector_store %arg13[%parallel_loop3A_211, %parallel_loop3A_212], %parallel_loop3A_210 {add = true, strides = array<i32>} : memref<1024x64xf32, #tpu.memory_space<vmem>>, vector<16xf32>,
            %parallel_loop3A_214 = arith.index_cast %parallel_loop3A_201 : i32 to index
            %parallel_loop3A_215 = arith.constant 16 : index
            %parallel_loop3A_216 = tpu.vector_load %arg10[%parallel_loop3A_214, %parallel_loop3A_215] {strides = array<i32>} : memref<80x64xf32, #tpu.memory_space<vmem>>, vector<16xf32>,
            %parallel_loop3A_217 = vector.broadcast %parallel_loop3A_205 : f32 to vector<16xf32>
            %parallel_loop3A_218 = arith.mulf %parallel_loop3A_217, %parallel_loop3A_216 : vector<16xf32>
            %parallel_loop3A_219 = arith.index_cast %parallel_loop3A_203 : i32 to index
            %parallel_loop3A_220 = arith.constant 16 : index
            %parallel_loop3A_221 = tpu.vector_load %arg13[%parallel_loop3A_219, %parallel_loop3A_220] {strides = array<i32>} : memref<1024x64xf32, #tpu.memory_space<vmem>>, vector<16xf32>,
            tpu.vector_store %arg13[%parallel_loop3A_219, %parallel_loop3A_220], %parallel_loop3A_218 {add = true, strides = array<i32>} : memref<1024x64xf32, #tpu.memory_space<vmem>>, vector<16xf32>,
            %parallel_loop3A_222 = arith.index_cast %parallel_loop3A_201 : i32 to index
            %parallel_loop3A_223 = arith.constant 32 : index
            %parallel_loop3A_224 = tpu.vector_load %arg10[%parallel_loop3A_222, %parallel_loop3A_223] {strides = array<i32>} : memref<80x64xf32, #tpu.memory_space<vmem>>, vector<16xf32>,
            %parallel_loop3A_225 = vector.broadcast %parallel_loop3A_205 : f32 to vector<16xf32>
            %parallel_loop3A_226 = arith.mulf %parallel_loop3A_225, %parallel_loop3A_224 : vector<16xf32>
            %parallel_loop3A_227 = arith.index_cast %parallel_loop3A_203 : i32 to index
            %parallel_loop3A_228 = arith.constant 32 : index
            %parallel_loop3A_229 = tpu.vector_load %arg13[%parallel_loop3A_227, %parallel_loop3A_228] {strides = array<i32>} : memref<1024x64xf32, #tpu.memory_space<vmem>>, vector<16xf32>,
            tpu.vector_store %arg13[%parallel_loop3A_227, %parallel_loop3A_228], %parallel_loop3A_226 {add = true, strides = array<i32>} : memref<1024x64xf32, #tpu.memory_space<vmem>>, vector<16xf32>,
            %parallel_loop3A_230 = arith.index_cast %parallel_loop3A_201 : i32 to index
            %parallel_loop3A_231 = arith.constant 48 : index
            %parallel_loop3A_232 = tpu.vector_load %arg10[%parallel_loop3A_230, %parallel_loop3A_231] {strides = array<i32>} : memref<80x64xf32, #tpu.memory_space<vmem>>, vector<16xf32>,
            %parallel_loop3A_233 = vector.broadcast %parallel_loop3A_205 : f32 to vector<16xf32>
            %parallel_loop3A_234 = arith.mulf %parallel_loop3A_233, %parallel_loop3A_232 : vector<16xf32>
            %parallel_loop3A_235 = arith.index_cast %parallel_loop3A_203 : i32 to index
            %parallel_loop3A_236 = arith.constant 48 : index
            %parallel_loop3A_237 = tpu.vector_load %arg13[%parallel_loop3A_235, %parallel_loop3A_236] {strides = array<i32>} : memref<1024x64xf32, #tpu.memory_space<vmem>>, vector<16xf32>,
            tpu.vector_store %arg13[%parallel_loop3A_235, %parallel_loop3A_236], %parallel_loop3A_234 {add = true, strides = array<i32>} : memref<1024x64xf32, #tpu.memory_space<vmem>>, vector<16xf32>,
            %parallel_loop3A_238 = arith.constant 16 : i32
            %parallel_loop3A_239 = arith.muli %parallel_loop3A_63, %parallel_loop3A_238 : i32
            %parallel_loop3A_240 = arith.constant 2 : i32
            %parallel_loop3A_241 = arith.addi %parallel_loop3A_239, %parallel_loop3A_240 : i32
            %parallel_loop3A_242 = vector.extract_strided_slice %parallel_loop3A_70 {offsets = [2], sizes = [1], strides = [1]} : vector<16xi32> to vector<1xi32>
            %parallel_loop3A_243 = vector.extract %parallel_loop3A_242[0] : i32 from vector<1xi32>
            %parallel_loop3A_244 = vector.extract_strided_slice %parallel_loop3A_157 {offsets = [2], sizes = [1], strides = [1]} : vector<16xf32> to vector<1xf32>
            %parallel_loop3A_245 = vector.extract %parallel_loop3A_244[0] : f32 from vector<1xf32>
            %parallel_loop3A_246 = arith.index_cast %parallel_loop3A_241 : i32 to index
            %parallel_loop3A_247 = arith.constant 0 : index
            %parallel_loop3A_248 = tpu.vector_load %arg10[%parallel_loop3A_246, %parallel_loop3A_247] {strides = array<i32>} : memref<80x64xf32, #tpu.memory_space<vmem>>, vector<16xf32>,
            %parallel_loop3A_249 = vector.broadcast %parallel_loop3A_245 : f32 to vector<16xf32>
            %parallel_loop3A_250 = arith.mulf %parallel_loop3A_249, %parallel_loop3A_248 : vector<16xf32>
            %parallel_loop3A_251 = arith.index_cast %parallel_loop3A_243 : i32 to index
            %parallel_loop3A_252 = arith.constant 0 : index
            %parallel_loop3A_253 = tpu.vector_load %arg13[%parallel_loop3A_251, %parallel_loop3A_252] {strides = array<i32>} : memref<1024x64xf32, #tpu.memory_space<vmem>>, vector<16xf32>,
            tpu.vector_store %arg13[%parallel_loop3A_251, %parallel_loop3A_252], %parallel_loop3A_250 {add = true, strides = array<i32>} : memref<1024x64xf32, #tpu.memory_space<vmem>>, vector<16xf32>,
            %parallel_loop3A_254 = arith.index_cast %parallel_loop3A_241 : i32 to index
            %parallel_loop3A_255 = arith.constant 16 : index
            %parallel_loop3A_256 = tpu.vector_load %arg10[%parallel_loop3A_254, %parallel_loop3A_255] {strides = array<i32>} : memref<80x64xf32, #tpu.memory_space<vmem>>, vector<16xf32>,
            %parallel_loop3A_257 = vector.broadcast %parallel_loop3A_245 : f32 to vector<16xf32>
            %parallel_loop3A_258 = arith.mulf %parallel_loop3A_257, %parallel_loop3A_256 : vector<16xf32>
            %parallel_loop3A_259 = arith.index_cast %parallel_loop3A_243 : i32 to index
            %parallel_loop3A_260 = arith.constant 16 : index
            %parallel_loop3A_261 = tpu.vector_load %arg13[%parallel_loop3A_259, %parallel_loop3A_260] {strides = array<i32>} : memref<1024x64xf32, #tpu.memory_space<vmem>>, vector<16xf32>,
            tpu.vector_store %arg13[%parallel_loop3A_259, %parallel_loop3A_260], %parallel_loop3A_258 {add = true, strides = array<i32>} : memref<1024x64xf32, #tpu.memory_space<vmem>>, vector<16xf32>,
            %parallel_loop3A_262 = arith.index_cast %parallel_loop3A_241 : i32 to index
            %parallel_loop3A_263 = arith.constant 32 : index
            %parallel_loop3A_264 = tpu.vector_load %arg10[%parallel_loop3A_262, %parallel_loop3A_263] {strides = array<i32>} : memref<80x64xf32, #tpu.memory_space<vmem>>, vector<16xf32>,
            %parallel_loop3A_265 = vector.broadcast %parallel_loop3A_245 : f32 to vector<16xf32>
            %parallel_loop3A_266 = arith.mulf %parallel_loop3A_265, %parallel_loop3A_264 : vector<16xf32>
            %parallel_loop3A_267 = arith.index_cast %parallel_loop3A_243 : i32 to index
            %parallel_loop3A_268 = arith.constant 32 : index
            %parallel_loop3A_269 = tpu.vector_load %arg13[%parallel_loop3A_267, %parallel_loop3A_268] {strides = array<i32>} : memref<1024x64xf32, #tpu.memory_space<vmem>>, vector<16xf32>,
            tpu.vector_store %arg13[%parallel_loop3A_267, %parallel_loop3A_268], %parallel_loop3A_266 {add = true, strides = array<i32>} : memref<1024x64xf32, #tpu.memory_space<vmem>>, vector<16xf32>,
            %parallel_loop3A_270 = arith.index_cast %parallel_loop3A_241 : i32 to index
            %parallel_loop3A_271 = arith.constant 48 : index
            %parallel_loop3A_272 = tpu.vector_load %arg10[%parallel_loop3A_270, %parallel_loop3A_271] {strides = array<i32>} : memref<80x64xf32, #tpu.memory_space<vmem>>, vector<16xf32>,
            %parallel_loop3A_273 = vector.broadcast %parallel_loop3A_245 : f32 to vector<16xf32>
            %parallel_loop3A_274 = arith.mulf %parallel_loop3A_273, %parallel_loop3A_272 : vector<16xf32>
            %parallel_loop3A_275 = arith.index_cast %parallel_loop3A_243 : i32 to index
            %parallel_loop3A_276 = arith.constant 48 : index
            %parallel_loop3A_277 = tpu.vector_load %arg13[%parallel_loop3A_275, %parallel_loop3A_276] {strides = array<i32>} : memref<1024x64xf32, #tpu.memory_space<vmem>>, vector<16xf32>,
            tpu.vector_store %arg13[%parallel_loop3A_275, %parallel_loop3A_276], %parallel_loop3A_274 {add = true, strides = array<i32>} : memref<1024x64xf32, #tpu.memory_space<vmem>>, vector<16xf32>,
            %parallel_loop3A_278 = arith.constant 16 : i32
            %parallel_loop3A_279 = arith.muli %parallel_loop3A_63, %parallel_loop3A_278 : i32
            %parallel_loop3A_280 = arith.constant 3 : i32
            %parallel_loop3A_281 = arith.addi %parallel_loop3A_279, %parallel_loop3A_280 : i32
            %parallel_loop3A_282 = vector.extract_strided_slice %parallel_loop3A_70 {offsets = [3], sizes = [1], strides = [1]} : vector<16xi32> to vector<1xi32>
            %parallel_loop3A_283 = vector.extract %parallel_loop3A_282[0] : i32 from vector<1xi32>
            %parallel_loop3A_284 = vector.extract_strided_slice %parallel_loop3A_157 {offsets = [3], sizes = [1], strides = [1]} : vector<16xf32> to vector<1xf32>
            %parallel_loop3A_285 = vector.extract %parallel_loop3A_284[0] : f32 from vector<1xf32>
            %parallel_loop3A_286 = arith.index_cast %parallel_loop3A_281 : i32 to index
            %parallel_loop3A_287 = arith.constant 0 : index
            %parallel_loop3A_288 = tpu.vector_load %arg10[%parallel_loop3A_286, %parallel_loop3A_287] {strides = array<i32>} : memref<80x64xf32, #tpu.memory_space<vmem>>, vector<16xf32>,
            %parallel_loop3A_289 = vector.broadcast %parallel_loop3A_285 : f32 to vector<16xf32>
            %parallel_loop3A_290 = arith.mulf %parallel_loop3A_289, %parallel_loop3A_288 : vector<16xf32>
            %parallel_loop3A_291 = arith.index_cast %parallel_loop3A_283 : i32 to index
            %parallel_loop3A_292 = arith.constant 0 : index
            %parallel_loop3A_293 = tpu.vector_load %arg13[%parallel_loop3A_291, %parallel_loop3A_292] {strides = array<i32>} : memref<1024x64xf32, #tpu.memory_space<vmem>>, vector<16xf32>,
            tpu.vector_store %arg13[%parallel_loop3A_291, %parallel_loop3A_292], %parallel_loop3A_290 {add = true, strides = array<i32>} : memref<1024x64xf32, #tpu.memory_space<vmem>>, vector<16xf32>,
            %parallel_loop3A_294 = arith.index_cast %parallel_loop3A_281 : i32 to index
            %parallel_loop3A_295 = arith.constant 16 : index
            %parallel_loop3A_296 = tpu.vector_load %arg10[%parallel_loop3A_294, %parallel_loop3A_295] {strides = array<i32>} : memref<80x64xf32, #tpu.memory_space<vmem>>, vector<16xf32>,
            %parallel_loop3A_297 = vector.broadcast %parallel_loop3A_285 : f32 to vector<16xf32>
            %parallel_loop3A_298 = arith.mulf %parallel_loop3A_297, %parallel_loop3A_296 : vector<16xf32>
            %parallel_loop3A_299 = arith.index_cast %parallel_loop3A_283 : i32 to index
            %parallel_loop3A_300 = arith.constant 16 : index
            %parallel_loop3A_301 = tpu.vector_load %arg13[%parallel_loop3A_299, %parallel_loop3A_300] {strides = array<i32>} : memref<1024x64xf32, #tpu.memory_space<vmem>>, vector<16xf32>,
            tpu.vector_store %arg13[%parallel_loop3A_299, %parallel_loop3A_300], %parallel_loop3A_298 {add = true, strides = array<i32>} : memref<1024x64xf32, #tpu.memory_space<vmem>>, vector<16xf32>,
            %parallel_loop3A_302 = arith.index_cast %parallel_loop3A_281 : i32 to index
            %parallel_loop3A_303 = arith.constant 32 : index
            %parallel_loop3A_304 = tpu.vector_load %arg10[%parallel_loop3A_302, %parallel_loop3A_303] {strides = array<i32>} : memref<80x64xf32, #tpu.memory_space<vmem>>, vector<16xf32>,
            %parallel_loop3A_305 = vector.broadcast %parallel_loop3A_285 : f32 to vector<16xf32>
            %parallel_loop3A_306 = arith.mulf %parallel_loop3A_305, %parallel_loop3A_304 : vector<16xf32>
            %parallel_loop3A_307 = arith.index_cast %parallel_loop3A_283 : i32 to index
            %parallel_loop3A_308 = arith.constant 32 : index
            %parallel_loop3A_309 = tpu.vector_load %arg13[%parallel_loop3A_307, %parallel_loop3A_308] {strides = array<i32>} : memref<1024x64xf32, #tpu.memory_space<vmem>>, vector<16xf32>,
            tpu.vector_store %arg13[%parallel_loop3A_307, %parallel_loop3A_308], %parallel_loop3A_306 {add = true, strides = array<i32>} : memref<1024x64xf32, #tpu.memory_space<vmem>>, vector<16xf32>,
            %parallel_loop3A_310 = arith.index_cast %parallel_loop3A_281 : i32 to index
            %parallel_loop3A_311 = arith.constant 48 : index
            %parallel_loop3A_312 = tpu.vector_load %arg10[%parallel_loop3A_310, %parallel_loop3A_311] {strides = array<i32>} : memref<80x64xf32, #tpu.memory_space<vmem>>, vector<16xf32>,
            %parallel_loop3A_313 = vector.broadcast %parallel_loop3A_285 : f32 to vector<16xf32>
            %parallel_loop3A_314 = arith.mulf %parallel_loop3A_313, %parallel_loop3A_312 : vector<16xf32>
            %parallel_loop3A_315 = arith.index_cast %parallel_loop3A_283 : i32 to index
            %parallel_loop3A_316 = arith.constant 48 : index
            %parallel_loop3A_317 = tpu.vector_load %arg13[%parallel_loop3A_315, %parallel_loop3A_316] {strides = array<i32>} : memref<1024x64xf32, #tpu.memory_space<vmem>>, vector<16xf32>,
            tpu.vector_store %arg13[%parallel_loop3A_315, %parallel_loop3A_316], %parallel_loop3A_314 {add = true, strides = array<i32>} : memref<1024x64xf32, #tpu.memory_space<vmem>>, vector<16xf32>,
            %parallel_loop3A_318 = arith.constant 16 : i32
            %parallel_loop3A_319 = arith.muli %parallel_loop3A_63, %parallel_loop3A_318 : i32
            %parallel_loop3A_320 = arith.constant 4 : i32
            %parallel_loop3A_321 = arith.addi %parallel_loop3A_319, %parallel_loop3A_320 : i32
            %parallel_loop3A_322 = vector.extract_strided_slice %parallel_loop3A_70 {offsets = [4], sizes = [1], strides = [1]} : vector<16xi32> to vector<1xi32>
            %parallel_loop3A_323 = vector.extract %parallel_loop3A_322[0] : i32 from vector<1xi32>
            %parallel_loop3A_324 = vector.extract_strided_slice %parallel_loop3A_157 {offsets = [4], sizes = [1], strides = [1]} : vector<16xf32> to vector<1xf32>
            %parallel_loop3A_325 = vector.extract %parallel_loop3A_324[0] : f32 from vector<1xf32>
            %parallel_loop3A_326 = arith.index_cast %parallel_loop3A_321 : i32 to index
            %parallel_loop3A_327 = arith.constant 0 : index
            %parallel_loop3A_328 = tpu.vector_load %arg10[%parallel_loop3A_326, %parallel_loop3A_327] {strides = array<i32>} : memref<80x64xf32, #tpu.memory_space<vmem>>, vector<16xf32>,
            %parallel_loop3A_329 = vector.broadcast %parallel_loop3A_325 : f32 to vector<16xf32>
            %parallel_loop3A_330 = arith.mulf %parallel_loop3A_329, %parallel_loop3A_328 : vector<16xf32>
            %parallel_loop3A_331 = arith.index_cast %parallel_loop3A_323 : i32 to index
            %parallel_loop3A_332 = arith.constant 0 : index
            %parallel_loop3A_333 = tpu.vector_load %arg13[%parallel_loop3A_331, %parallel_loop3A_332] {strides = array<i32>} : memref<1024x64xf32, #tpu.memory_space<vmem>>, vector<16xf32>,
            tpu.vector_store %arg13[%parallel_loop3A_331, %parallel_loop3A_332], %parallel_loop3A_330 {add = true, strides = array<i32>} : memref<1024x64xf32, #tpu.memory_space<vmem>>, vector<16xf32>,
            %parallel_loop3A_334 = arith.index_cast %parallel_loop3A_321 : i32 to index
            %parallel_loop3A_335 = arith.constant 16 : index
            %parallel_loop3A_336 = tpu.vector_load %arg10[%parallel_loop3A_334, %parallel_loop3A_335] {strides = array<i32>} : memref<80x64xf32, #tpu.memory_space<vmem>>, vector<16xf32>,
            %parallel_loop3A_337 = vector.broadcast %parallel_loop3A_325 : f32 to vector<16xf32>
            %parallel_loop3A_338 = arith.mulf %parallel_loop3A_337, %parallel_loop3A_336 : vector<16xf32>
            %parallel_loop3A_339 = arith.index_cast %parallel_loop3A_323 : i32 to index
            %parallel_loop3A_340 = arith.constant 16 : index
            %parallel_loop3A_341 = tpu.vector_load %arg13[%parallel_loop3A_339, %parallel_loop3A_340] {strides = array<i32>} : memref<1024x64xf32, #tpu.memory_space<vmem>>, vector<16xf32>,
            tpu.vector_store %arg13[%parallel_loop3A_339, %parallel_loop3A_340], %parallel_loop3A_338 {add = true, strides = array<i32>} : memref<1024x64xf32, #tpu.memory_space<vmem>>, vector<16xf32>,
            %parallel_loop3A_342 = arith.index_cast %parallel_loop3A_321 : i32 to index
            %parallel_loop3A_343 = arith.constant 32 : index
            %parallel_loop3A_344 = tpu.vector_load %arg10[%parallel_loop3A_342, %parallel_loop3A_343] {strides = array<i32>} : memref<80x64xf32, #tpu.memory_space<vmem>>, vector<16xf32>,
            %parallel_loop3A_345 = vector.broadcast %parallel_loop3A_325 : f32 to vector<16xf32>
            %parallel_loop3A_346 = arith.mulf %parallel_loop3A_345, %parallel_loop3A_344 : vector<16xf32>
            %parallel_loop3A_347 = arith.index_cast %parallel_loop3A_323 : i32 to index
            %parallel_loop3A_348 = arith.constant 32 : index
            %parallel_loop3A_349 = tpu.vector_load %arg13[%parallel_loop3A_347, %parallel_loop3A_348] {strides = array<i32>} : memref<1024x64xf32, #tpu.memory_space<vmem>>, vector<16xf32>,
            tpu.vector_store %arg13[%parallel_loop3A_347, %parallel_loop3A_348], %parallel_loop3A_346 {add = true, strides = array<i32>} : memref<1024x64xf32, #tpu.memory_space<vmem>>, vector<16xf32>,
            %parallel_loop3A_350 = arith.index_cast %parallel_loop3A_321 : i32 to index
            %parallel_loop3A_351 = arith.constant 48 : index
            %parallel_loop3A_352 = tpu.vector_load %arg10[%parallel_loop3A_350, %parallel_loop3A_351] {strides = array<i32>} : memref<80x64xf32, #tpu.memory_space<vmem>>, vector<16xf32>,
            %parallel_loop3A_353 = vector.broadcast %parallel_loop3A_325 : f32 to vector<16xf32>
            %parallel_loop3A_354 = arith.mulf %parallel_loop3A_353, %parallel_loop3A_352 : vector<16xf32>
            %parallel_loop3A_355 = arith.index_cast %parallel_loop3A_323 : i32 to index
            %parallel_loop3A_356 = arith.constant 48 : index
            %parallel_loop3A_357 = tpu.vector_load %arg13[%parallel_loop3A_355, %parallel_loop3A_356] {strides = array<i32>} : memref<1024x64xf32, #tpu.memory_space<vmem>>, vector<16xf32>,
            tpu.vector_store %arg13[%parallel_loop3A_355, %parallel_loop3A_356], %parallel_loop3A_354 {add = true, strides = array<i32>} : memref<1024x64xf32, #tpu.memory_space<vmem>>, vector<16xf32>,
            %parallel_loop3A_358 = arith.constant 16 : i32
            %parallel_loop3A_359 = arith.muli %parallel_loop3A_63, %parallel_loop3A_358 : i32
            %parallel_loop3A_360 = arith.constant 5 : i32
            %parallel_loop3A_361 = arith.addi %parallel_loop3A_359, %parallel_loop3A_360 : i32
            %parallel_loop3A_362 = vector.extract_strided_slice %parallel_loop3A_70 {offsets = [5], sizes = [1], strides = [1]} : vector<16xi32> to vector<1xi32>
            %parallel_loop3A_363 = vector.extract %parallel_loop3A_362[0] : i32 from vector<1xi32>
            %parallel_loop3A_364 = vector.extract_strided_slice %parallel_loop3A_157 {offsets = [5], sizes = [1], strides = [1]} : vector<16xf32> to vector<1xf32>
            %parallel_loop3A_365 = vector.extract %parallel_loop3A_364[0] : f32 from vector<1xf32>
            %parallel_loop3A_366 = arith.index_cast %parallel_loop3A_361 : i32 to index
            %parallel_loop3A_367 = arith.constant 0 : index
            %parallel_loop3A_368 = tpu.vector_load %arg10[%parallel_loop3A_366, %parallel_loop3A_367] {strides = array<i32>} : memref<80x64xf32, #tpu.memory_space<vmem>>, vector<16xf32>,
            %parallel_loop3A_369 = vector.broadcast %parallel_loop3A_365 : f32 to vector<16xf32>
            %parallel_loop3A_370 = arith.mulf %parallel_loop3A_369, %parallel_loop3A_368 : vector<16xf32>
            %parallel_loop3A_371 = arith.index_cast %parallel_loop3A_363 : i32 to index
            %parallel_loop3A_372 = arith.constant 0 : index
            %parallel_loop3A_373 = tpu.vector_load %arg13[%parallel_loop3A_371, %parallel_loop3A_372] {strides = array<i32>} : memref<1024x64xf32, #tpu.memory_space<vmem>>, vector<16xf32>,
            tpu.vector_store %arg13[%parallel_loop3A_371, %parallel_loop3A_372], %parallel_loop3A_370 {add = true, strides = array<i32>} : memref<1024x64xf32, #tpu.memory_space<vmem>>, vector<16xf32>,
            %parallel_loop3A_374 = arith.index_cast %parallel_loop3A_361 : i32 to index
            %parallel_loop3A_375 = arith.constant 16 : index
            %parallel_loop3A_376 = tpu.vector_load %arg10[%parallel_loop3A_374, %parallel_loop3A_375] {strides = array<i32>} : memref<80x64xf32, #tpu.memory_space<vmem>>, vector<16xf32>,
            %parallel_loop3A_377 = vector.broadcast %parallel_loop3A_365 : f32 to vector<16xf32>
            %parallel_loop3A_378 = arith.mulf %parallel_loop3A_377, %parallel_loop3A_376 : vector<16xf32>
            %parallel_loop3A_379 = arith.index_cast %parallel_loop3A_363 : i32 to index
            %parallel_loop3A_380 = arith.constant 16 : index
            %parallel_loop3A_381 = tpu.vector_load %arg13[%parallel_loop3A_379, %parallel_loop3A_380] {strides = array<i32>} : memref<1024x64xf32, #tpu.memory_space<vmem>>, vector<16xf32>,
            tpu.vector_store %arg13[%parallel_loop3A_379, %parallel_loop3A_380], %parallel_loop3A_378 {add = true, strides = array<i32>} : memref<1024x64xf32, #tpu.memory_space<vmem>>, vector<16xf32>,
            %parallel_loop3A_382 = arith.index_cast %parallel_loop3A_361 : i32 to index
            %parallel_loop3A_383 = arith.constant 32 : index
            %parallel_loop3A_384 = tpu.vector_load %arg10[%parallel_loop3A_382, %parallel_loop3A_383] {strides = array<i32>} : memref<80x64xf32, #tpu.memory_space<vmem>>, vector<16xf32>,
            %parallel_loop3A_385 = vector.broadcast %parallel_loop3A_365 : f32 to vector<16xf32>
            %parallel_loop3A_386 = arith.mulf %parallel_loop3A_385, %parallel_loop3A_384 : vector<16xf32>
            %parallel_loop3A_387 = arith.index_cast %parallel_loop3A_363 : i32 to index
            %parallel_loop3A_388 = arith.constant 32 : index
            %parallel_loop3A_389 = tpu.vector_load %arg13[%parallel_loop3A_387, %parallel_loop3A_388] {strides = array<i32>} : memref<1024x64xf32, #tpu.memory_space<vmem>>, vector<16xf32>,
            tpu.vector_store %arg13[%parallel_loop3A_387, %parallel_loop3A_388], %parallel_loop3A_386 {add = true, strides = array<i32>} : memref<1024x64xf32, #tpu.memory_space<vmem>>, vector<16xf32>,
            %parallel_loop3A_390 = arith.index_cast %parallel_loop3A_361 : i32 to index
            %parallel_loop3A_391 = arith.constant 48 : index
            %parallel_loop3A_392 = tpu.vector_load %arg10[%parallel_loop3A_390, %parallel_loop3A_391] {strides = array<i32>} : memref<80x64xf32, #tpu.memory_space<vmem>>, vector<16xf32>,
            %parallel_loop3A_393 = vector.broadcast %parallel_loop3A_365 : f32 to vector<16xf32>
            %parallel_loop3A_394 = arith.mulf %parallel_loop3A_393, %parallel_loop3A_392 : vector<16xf32>
            %parallel_loop3A_395 = arith.index_cast %parallel_loop3A_363 : i32 to index
            %parallel_loop3A_396 = arith.constant 48 : index
            %parallel_loop3A_397 = tpu.vector_load %arg13[%parallel_loop3A_395, %parallel_loop3A_396] {strides = array<i32>} : memref<1024x64xf32, #tpu.memory_space<vmem>>, vector<16xf32>,
            tpu.vector_store %arg13[%parallel_loop3A_395, %parallel_loop3A_396], %parallel_loop3A_394 {add = true, strides = array<i32>} : memref<1024x64xf32, #tpu.memory_space<vmem>>, vector<16xf32>,
            %parallel_loop3A_398 = arith.constant 16 : i32
            %parallel_loop3A_399 = arith.muli %parallel_loop3A_63, %parallel_loop3A_398 : i32
            %parallel_loop3A_400 = arith.constant 6 : i32
            %parallel_loop3A_401 = arith.addi %parallel_loop3A_399, %parallel_loop3A_400 : i32
            %parallel_loop3A_402 = vector.extract_strided_slice %parallel_loop3A_70 {offsets = [6], sizes = [1], strides = [1]} : vector<16xi32> to vector<1xi32>
            %parallel_loop3A_403 = vector.extract %parallel_loop3A_402[0] : i32 from vector<1xi32>
            %parallel_loop3A_404 = vector.extract_strided_slice %parallel_loop3A_157 {offsets = [6], sizes = [1], strides = [1]} : vector<16xf32> to vector<1xf32>
            %parallel_loop3A_405 = vector.extract %parallel_loop3A_404[0] : f32 from vector<1xf32>
            %parallel_loop3A_406 = arith.index_cast %parallel_loop3A_401 : i32 to index
            %parallel_loop3A_407 = arith.constant 0 : index
            %parallel_loop3A_408 = tpu.vector_load %arg10[%parallel_loop3A_406, %parallel_loop3A_407] {strides = array<i32>} : memref<80x64xf32, #tpu.memory_space<vmem>>, vector<16xf32>,
            %parallel_loop3A_409 = vector.broadcast %parallel_loop3A_405 : f32 to vector<16xf32>
            %parallel_loop3A_410 = arith.mulf %parallel_loop3A_409, %parallel_loop3A_408 : vector<16xf32>
            %parallel_loop3A_411 = arith.index_cast %parallel_loop3A_403 : i32 to index
            %parallel_loop3A_412 = arith.constant 0 : index
            %parallel_loop3A_413 = tpu.vector_load %arg13[%parallel_loop3A_411, %parallel_loop3A_412] {strides = array<i32>} : memref<1024x64xf32, #tpu.memory_space<vmem>>, vector<16xf32>,
            tpu.vector_store %arg13[%parallel_loop3A_411, %parallel_loop3A_412], %parallel_loop3A_410 {add = true, strides = array<i32>} : memref<1024x64xf32, #tpu.memory_space<vmem>>, vector<16xf32>,
            %parallel_loop3A_414 = arith.index_cast %parallel_loop3A_401 : i32 to index
            %parallel_loop3A_415 = arith.constant 16 : index
            %parallel_loop3A_416 = tpu.vector_load %arg10[%parallel_loop3A_414, %parallel_loop3A_415] {strides = array<i32>} : memref<80x64xf32, #tpu.memory_space<vmem>>, vector<16xf32>,
            %parallel_loop3A_417 = vector.broadcast %parallel_loop3A_405 : f32 to vector<16xf32>
            %parallel_loop3A_418 = arith.mulf %parallel_loop3A_417, %parallel_loop3A_416 : vector<16xf32>
            %parallel_loop3A_419 = arith.index_cast %parallel_loop3A_403 : i32 to index
            %parallel_loop3A_420 = arith.constant 16 : index
            %parallel_loop3A_421 = tpu.vector_load %arg13[%parallel_loop3A_419, %parallel_loop3A_420] {strides = array<i32>} : memref<1024x64xf32, #tpu.memory_space<vmem>>, vector<16xf32>,
            tpu.vector_store %arg13[%parallel_loop3A_419, %parallel_loop3A_420], %parallel_loop3A_418 {add = true, strides = array<i32>} : memref<1024x64xf32, #tpu.memory_space<vmem>>, vector<16xf32>,
            %parallel_loop3A_422 = arith.index_cast %parallel_loop3A_401 : i32 to index
            %parallel_loop3A_423 = arith.constant 32 : index
            %parallel_loop3A_424 = tpu.vector_load %arg10[%parallel_loop3A_422, %parallel_loop3A_423] {strides = array<i32>} : memref<80x64xf32, #tpu.memory_space<vmem>>, vector<16xf32>,
            %parallel_loop3A_425 = vector.broadcast %parallel_loop3A_405 : f32 to vector<16xf32>
            %parallel_loop3A_426 = arith.mulf %parallel_loop3A_425, %parallel_loop3A_424 : vector<16xf32>
            %parallel_loop3A_427 = arith.index_cast %parallel_loop3A_403 : i32 to index
            %parallel_loop3A_428 = arith.constant 32 : index
            %parallel_loop3A_429 = tpu.vector_load %arg13[%parallel_loop3A_427, %parallel_loop3A_428] {strides = array<i32>} : memref<1024x64xf32, #tpu.memory_space<vmem>>, vector<16xf32>,
            tpu.vector_store %arg13[%parallel_loop3A_427, %parallel_loop3A_428], %parallel_loop3A_426 {add = true, strides = array<i32>} : memref<1024x64xf32, #tpu.memory_space<vmem>>, vector<16xf32>,
            %parallel_loop3A_430 = arith.index_cast %parallel_loop3A_401 : i32 to index
            %parallel_loop3A_431 = arith.constant 48 : index
            %parallel_loop3A_432 = tpu.vector_load %arg10[%parallel_loop3A_430, %parallel_loop3A_431] {strides = array<i32>} : memref<80x64xf32, #tpu.memory_space<vmem>>, vector<16xf32>,
            %parallel_loop3A_433 = vector.broadcast %parallel_loop3A_405 : f32 to vector<16xf32>
            %parallel_loop3A_434 = arith.mulf %parallel_loop3A_433, %parallel_loop3A_432 : vector<16xf32>
            %parallel_loop3A_435 = arith.index_cast %parallel_loop3A_403 : i32 to index
            %parallel_loop3A_436 = arith.constant 48 : index
            %parallel_loop3A_437 = tpu.vector_load %arg13[%parallel_loop3A_435, %parallel_loop3A_436] {strides = array<i32>} : memref<1024x64xf32, #tpu.memory_space<vmem>>, vector<16xf32>,
            tpu.vector_store %arg13[%parallel_loop3A_435, %parallel_loop3A_436], %parallel_loop3A_434 {add = true, strides = array<i32>} : memref<1024x64xf32, #tpu.memory_space<vmem>>, vector<16xf32>,
            %parallel_loop3A_438 = arith.constant 16 : i32
            %parallel_loop3A_439 = arith.muli %parallel_loop3A_63, %parallel_loop3A_438 : i32
            %parallel_loop3A_440 = arith.constant 7 : i32
            %parallel_loop3A_441 = arith.addi %parallel_loop3A_439, %parallel_loop3A_440 : i32
            %parallel_loop3A_442 = vector.extract_strided_slice %parallel_loop3A_70 {offsets = [7], sizes = [1], strides = [1]} : vector<16xi32> to vector<1xi32>
            %parallel_loop3A_443 = vector.extract %parallel_loop3A_442[0] : i32 from vector<1xi32>
            %parallel_loop3A_444 = vector.extract_strided_slice %parallel_loop3A_157 {offsets = [7], sizes = [1], strides = [1]} : vector<16xf32> to vector<1xf32>
            %parallel_loop3A_445 = vector.extract %parallel_loop3A_444[0] : f32 from vector<1xf32>
            %parallel_loop3A_446 = arith.index_cast %parallel_loop3A_441 : i32 to index
            %parallel_loop3A_447 = arith.constant 0 : index
            %parallel_loop3A_448 = tpu.vector_load %arg10[%parallel_loop3A_446, %parallel_loop3A_447] {strides = array<i32>} : memref<80x64xf32, #tpu.memory_space<vmem>>, vector<16xf32>,
            %parallel_loop3A_449 = vector.broadcast %parallel_loop3A_445 : f32 to vector<16xf32>
            %parallel_loop3A_450 = arith.mulf %parallel_loop3A_449, %parallel_loop3A_448 : vector<16xf32>
            %parallel_loop3A_451 = arith.index_cast %parallel_loop3A_443 : i32 to index
            %parallel_loop3A_452 = arith.constant 0 : index
            %parallel_loop3A_453 = tpu.vector_load %arg13[%parallel_loop3A_451, %parallel_loop3A_452] {strides = array<i32>} : memref<1024x64xf32, #tpu.memory_space<vmem>>, vector<16xf32>,
            tpu.vector_store %arg13[%parallel_loop3A_451, %parallel_loop3A_452], %parallel_loop3A_450 {add = true, strides = array<i32>} : memref<1024x64xf32, #tpu.memory_space<vmem>>, vector<16xf32>,
            %parallel_loop3A_454 = arith.index_cast %parallel_loop3A_441 : i32 to index
            %parallel_loop3A_455 = arith.constant 16 : index
            %parallel_loop3A_456 = tpu.vector_load %arg10[%parallel_loop3A_454, %parallel_loop3A_455] {strides = array<i32>} : memref<80x64xf32, #tpu.memory_space<vmem>>, vector<16xf32>,
            %parallel_loop3A_457 = vector.broadcast %parallel_loop3A_445 : f32 to vector<16xf32>
            %parallel_loop3A_458 = arith.mulf %parallel_loop3A_457, %parallel_loop3A_456 : vector<16xf32>
            %parallel_loop3A_459 = arith.index_cast %parallel_loop3A_443 : i32 to index
            %parallel_loop3A_460 = arith.constant 16 : index
            %parallel_loop3A_461 = tpu.vector_load %arg13[%parallel_loop3A_459, %parallel_loop3A_460] {strides = array<i32>} : memref<1024x64xf32, #tpu.memory_space<vmem>>, vector<16xf32>,
            tpu.vector_store %arg13[%parallel_loop3A_459, %parallel_loop3A_460], %parallel_loop3A_458 {add = true, strides = array<i32>} : memref<1024x64xf32, #tpu.memory_space<vmem>>, vector<16xf32>,
            %parallel_loop3A_462 = arith.index_cast %parallel_loop3A_441 : i32 to index
            %parallel_loop3A_463 = arith.constant 32 : index
            %parallel_loop3A_464 = tpu.vector_load %arg10[%parallel_loop3A_462, %parallel_loop3A_463] {strides = array<i32>} : memref<80x64xf32, #tpu.memory_space<vmem>>, vector<16xf32>,
            %parallel_loop3A_465 = vector.broadcast %parallel_loop3A_445 : f32 to vector<16xf32>
            %parallel_loop3A_466 = arith.mulf %parallel_loop3A_465, %parallel_loop3A_464 : vector<16xf32>
            %parallel_loop3A_467 = arith.index_cast %parallel_loop3A_443 : i32 to index
            %parallel_loop3A_468 = arith.constant 32 : index
            %parallel_loop3A_469 = tpu.vector_load %arg13[%parallel_loop3A_467, %parallel_loop3A_468] {strides = array<i32>} : memref<1024x64xf32, #tpu.memory_space<vmem>>, vector<16xf32>,
            tpu.vector_store %arg13[%parallel_loop3A_467, %parallel_loop3A_468], %parallel_loop3A_466 {add = true, strides = array<i32>} : memref<1024x64xf32, #tpu.memory_space<vmem>>, vector<16xf32>,
            %parallel_loop3A_470 = arith.index_cast %parallel_loop3A_441 : i32 to index
            %parallel_loop3A_471 = arith.constant 48 : index
            %parallel_loop3A_472 = tpu.vector_load %arg10[%parallel_loop3A_470, %parallel_loop3A_471] {strides = array<i32>} : memref<80x64xf32, #tpu.memory_space<vmem>>, vector<16xf32>,
            %parallel_loop3A_473 = vector.broadcast %parallel_loop3A_445 : f32 to vector<16xf32>
            %parallel_loop3A_474 = arith.mulf %parallel_loop3A_473, %parallel_loop3A_472 : vector<16xf32>
            %parallel_loop3A_475 = arith.index_cast %parallel_loop3A_443 : i32 to index
            %parallel_loop3A_476 = arith.constant 48 : index
            %parallel_loop3A_477 = tpu.vector_load %arg13[%parallel_loop3A_475, %parallel_loop3A_476] {strides = array<i32>} : memref<1024x64xf32, #tpu.memory_space<vmem>>, vector<16xf32>,
            tpu.vector_store %arg13[%parallel_loop3A_475, %parallel_loop3A_476], %parallel_loop3A_474 {add = true, strides = array<i32>} : memref<1024x64xf32, #tpu.memory_space<vmem>>, vector<16xf32>,
            %parallel_loop3A_478 = arith.constant 16 : i32
            %parallel_loop3A_479 = arith.muli %parallel_loop3A_63, %parallel_loop3A_478 : i32
            %parallel_loop3A_480 = arith.constant 8 : i32
            %parallel_loop3A_481 = arith.addi %parallel_loop3A_479, %parallel_loop3A_480 : i32
            %parallel_loop3A_482 = vector.extract_strided_slice %parallel_loop3A_70 {offsets = [8], sizes = [1], strides = [1]} : vector<16xi32> to vector<1xi32>
            %parallel_loop3A_483 = vector.extract %parallel_loop3A_482[0] : i32 from vector<1xi32>
            %parallel_loop3A_484 = vector.extract_strided_slice %parallel_loop3A_157 {offsets = [8], sizes = [1], strides = [1]} : vector<16xf32> to vector<1xf32>
            %parallel_loop3A_485 = vector.extract %parallel_loop3A_484[0] : f32 from vector<1xf32>
            %parallel_loop3A_486 = arith.index_cast %parallel_loop3A_481 : i32 to index
            %parallel_loop3A_487 = arith.constant 0 : index
            %parallel_loop3A_488 = tpu.vector_load %arg10[%parallel_loop3A_486, %parallel_loop3A_487] {strides = array<i32>} : memref<80x64xf32, #tpu.memory_space<vmem>>, vector<16xf32>,
            %parallel_loop3A_489 = vector.broadcast %parallel_loop3A_485 : f32 to vector<16xf32>
            %parallel_loop3A_490 = arith.mulf %parallel_loop3A_489, %parallel_loop3A_488 : vector<16xf32>
            %parallel_loop3A_491 = arith.index_cast %parallel_loop3A_483 : i32 to index
            %parallel_loop3A_492 = arith.constant 0 : index
            %parallel_loop3A_493 = tpu.vector_load %arg13[%parallel_loop3A_491, %parallel_loop3A_492] {strides = array<i32>} : memref<1024x64xf32, #tpu.memory_space<vmem>>, vector<16xf32>,
            tpu.vector_store %arg13[%parallel_loop3A_491, %parallel_loop3A_492], %parallel_loop3A_490 {add = true, strides = array<i32>} : memref<1024x64xf32, #tpu.memory_space<vmem>>, vector<16xf32>,
            %parallel_loop3A_494 = arith.index_cast %parallel_loop3A_481 : i32 to index
            %parallel_loop3A_495 = arith.constant 16 : index
            %parallel_loop3A_496 = tpu.vector_load %arg10[%parallel_loop3A_494, %parallel_loop3A_495] {strides = array<i32>} : memref<80x64xf32, #tpu.memory_space<vmem>>, vector<16xf32>,
            %parallel_loop3A_497 = vector.broadcast %parallel_loop3A_485 : f32 to vector<16xf32>
            %parallel_loop3A_498 = arith.mulf %parallel_loop3A_497, %parallel_loop3A_496 : vector<16xf32>
            %parallel_loop3A_499 = arith.index_cast %parallel_loop3A_483 : i32 to index
            %parallel_loop3A_500 = arith.constant 16 : index
            %parallel_loop3A_501 = tpu.vector_load %arg13[%parallel_loop3A_499, %parallel_loop3A_500] {strides = array<i32>} : memref<1024x64xf32, #tpu.memory_space<vmem>>, vector<16xf32>,
            tpu.vector_store %arg13[%parallel_loop3A_499, %parallel_loop3A_500], %parallel_loop3A_498 {add = true, strides = array<i32>} : memref<1024x64xf32, #tpu.memory_space<vmem>>, vector<16xf32>,
            %parallel_loop3A_502 = arith.index_cast %parallel_loop3A_481 : i32 to index
            %parallel_loop3A_503 = arith.constant 32 : index
            %parallel_loop3A_504 = tpu.vector_load %arg10[%parallel_loop3A_502, %parallel_loop3A_503] {strides = array<i32>} : memref<80x64xf32, #tpu.memory_space<vmem>>, vector<16xf32>,
            %parallel_loop3A_505 = vector.broadcast %parallel_loop3A_485 : f32 to vector<16xf32>
            %parallel_loop3A_506 = arith.mulf %parallel_loop3A_505, %parallel_loop3A_504 : vector<16xf32>
            %parallel_loop3A_507 = arith.index_cast %parallel_loop3A_483 : i32 to index
            %parallel_loop3A_508 = arith.constant 32 : index
            %parallel_loop3A_509 = tpu.vector_load %arg13[%parallel_loop3A_507, %parallel_loop3A_508] {strides = array<i32>} : memref<1024x64xf32, #tpu.memory_space<vmem>>, vector<16xf32>,
            tpu.vector_store %arg13[%parallel_loop3A_507, %parallel_loop3A_508], %parallel_loop3A_506 {add = true, strides = array<i32>} : memref<1024x64xf32, #tpu.memory_space<vmem>>, vector<16xf32>,
            %parallel_loop3A_510 = arith.index_cast %parallel_loop3A_481 : i32 to index
            %parallel_loop3A_511 = arith.constant 48 : index
            %parallel_loop3A_512 = tpu.vector_load %arg10[%parallel_loop3A_510, %parallel_loop3A_511] {strides = array<i32>} : memref<80x64xf32, #tpu.memory_space<vmem>>, vector<16xf32>,
            %parallel_loop3A_513 = vector.broadcast %parallel_loop3A_485 : f32 to vector<16xf32>
            %parallel_loop3A_514 = arith.mulf %parallel_loop3A_513, %parallel_loop3A_512 : vector<16xf32>
            %parallel_loop3A_515 = arith.index_cast %parallel_loop3A_483 : i32 to index
            %parallel_loop3A_516 = arith.constant 48 : index
            %parallel_loop3A_517 = tpu.vector_load %arg13[%parallel_loop3A_515, %parallel_loop3A_516] {strides = array<i32>} : memref<1024x64xf32, #tpu.memory_space<vmem>>, vector<16xf32>,
            tpu.vector_store %arg13[%parallel_loop3A_515, %parallel_loop3A_516], %parallel_loop3A_514 {add = true, strides = array<i32>} : memref<1024x64xf32, #tpu.memory_space<vmem>>, vector<16xf32>,
            %parallel_loop3A_518 = arith.constant 16 : i32
            %parallel_loop3A_519 = arith.muli %parallel_loop3A_63, %parallel_loop3A_518 : i32
            %parallel_loop3A_520 = arith.constant 9 : i32
            %parallel_loop3A_521 = arith.addi %parallel_loop3A_519, %parallel_loop3A_520 : i32
            %parallel_loop3A_522 = vector.extract_strided_slice %parallel_loop3A_70 {offsets = [9], sizes = [1], strides = [1]} : vector<16xi32> to vector<1xi32>
            %parallel_loop3A_523 = vector.extract %parallel_loop3A_522[0] : i32 from vector<1xi32>
            %parallel_loop3A_524 = vector.extract_strided_slice %parallel_loop3A_157 {offsets = [9], sizes = [1], strides = [1]} : vector<16xf32> to vector<1xf32>
            %parallel_loop3A_525 = vector.extract %parallel_loop3A_524[0] : f32 from vector<1xf32>
            %parallel_loop3A_526 = arith.index_cast %parallel_loop3A_521 : i32 to index
            %parallel_loop3A_527 = arith.constant 0 : index
            %parallel_loop3A_528 = tpu.vector_load %arg10[%parallel_loop3A_526, %parallel_loop3A_527] {strides = array<i32>} : memref<80x64xf32, #tpu.memory_space<vmem>>, vector<16xf32>,
            %parallel_loop3A_529 = vector.broadcast %parallel_loop3A_525 : f32 to vector<16xf32>
            %parallel_loop3A_530 = arith.mulf %parallel_loop3A_529, %parallel_loop3A_528 : vector<16xf32>
            %parallel_loop3A_531 = arith.index_cast %parallel_loop3A_523 : i32 to index
            %parallel_loop3A_532 = arith.constant 0 : index
            %parallel_loop3A_533 = tpu.vector_load %arg13[%parallel_loop3A_531, %parallel_loop3A_532] {strides = array<i32>} : memref<1024x64xf32, #tpu.memory_space<vmem>>, vector<16xf32>,
            tpu.vector_store %arg13[%parallel_loop3A_531, %parallel_loop3A_532], %parallel_loop3A_530 {add = true, strides = array<i32>} : memref<1024x64xf32, #tpu.memory_space<vmem>>, vector<16xf32>,
            %parallel_loop3A_534 = arith.index_cast %parallel_loop3A_521 : i32 to index
            %parallel_loop3A_535 = arith.constant 16 : index
            %parallel_loop3A_536 = tpu.vector_load %arg10[%parallel_loop3A_534, %parallel_loop3A_535] {strides = array<i32>} : memref<80x64xf32, #tpu.memory_space<vmem>>, vector<16xf32>,
            %parallel_loop3A_537 = vector.broadcast %parallel_loop3A_525 : f32 to vector<16xf32>
            %parallel_loop3A_538 = arith.mulf %parallel_loop3A_537, %parallel_loop3A_536 : vector<16xf32>
            %parallel_loop3A_539 = arith.index_cast %parallel_loop3A_523 : i32 to index
            %parallel_loop3A_540 = arith.constant 16 : index
            %parallel_loop3A_541 = tpu.vector_load %arg13[%parallel_loop3A_539, %parallel_loop3A_540] {strides = array<i32>} : memref<1024x64xf32, #tpu.memory_space<vmem>>, vector<16xf32>,
            tpu.vector_store %arg13[%parallel_loop3A_539, %parallel_loop3A_540], %parallel_loop3A_538 {add = true, strides = array<i32>} : memref<1024x64xf32, #tpu.memory_space<vmem>>, vector<16xf32>,
            %parallel_loop3A_542 = arith.index_cast %parallel_loop3A_521 : i32 to index
            %parallel_loop3A_543 = arith.constant 32 : index
            %parallel_loop3A_544 = tpu.vector_load %arg10[%parallel_loop3A_542, %parallel_loop3A_543] {strides = array<i32>} : memref<80x64xf32, #tpu.memory_space<vmem>>, vector<16xf32>,
            %parallel_loop3A_545 = vector.broadcast %parallel_loop3A_525 : f32 to vector<16xf32>
            %parallel_loop3A_546 = arith.mulf %parallel_loop3A_545, %parallel_loop3A_544 : vector<16xf32>
            %parallel_loop3A_547 = arith.index_cast %parallel_loop3A_523 : i32 to index
            %parallel_loop3A_548 = arith.constant 32 : index
            %parallel_loop3A_549 = tpu.vector_load %arg13[%parallel_loop3A_547, %parallel_loop3A_548] {strides = array<i32>} : memref<1024x64xf32, #tpu.memory_space<vmem>>, vector<16xf32>,
            tpu.vector_store %arg13[%parallel_loop3A_547, %parallel_loop3A_548], %parallel_loop3A_546 {add = true, strides = array<i32>} : memref<1024x64xf32, #tpu.memory_space<vmem>>, vector<16xf32>,
            %parallel_loop3A_550 = arith.index_cast %parallel_loop3A_521 : i32 to index
            %parallel_loop3A_551 = arith.constant 48 : index
            %parallel_loop3A_552 = tpu.vector_load %arg10[%parallel_loop3A_550, %parallel_loop3A_551] {strides = array<i32>} : memref<80x64xf32, #tpu.memory_space<vmem>>, vector<16xf32>,
            %parallel_loop3A_553 = vector.broadcast %parallel_loop3A_525 : f32 to vector<16xf32>
            %parallel_loop3A_554 = arith.mulf %parallel_loop3A_553, %parallel_loop3A_552 : vector<16xf32>
            %parallel_loop3A_555 = arith.index_cast %parallel_loop3A_523 : i32 to index
            %parallel_loop3A_556 = arith.constant 48 : index
            %parallel_loop3A_557 = tpu.vector_load %arg13[%parallel_loop3A_555, %parallel_loop3A_556] {strides = array<i32>} : memref<1024x64xf32, #tpu.memory_space<vmem>>, vector<16xf32>,
            tpu.vector_store %arg13[%parallel_loop3A_555, %parallel_loop3A_556], %parallel_loop3A_554 {add = true, strides = array<i32>} : memref<1024x64xf32, #tpu.memory_space<vmem>>, vector<16xf32>,
            %parallel_loop3A_558 = arith.constant 16 : i32
            %parallel_loop3A_559 = arith.muli %parallel_loop3A_63, %parallel_loop3A_558 : i32
            %parallel_loop3A_560 = arith.constant 10 : i32
            %parallel_loop3A_561 = arith.addi %parallel_loop3A_559, %parallel_loop3A_560 : i32
            %parallel_loop3A_562 = vector.extract_strided_slice %parallel_loop3A_70 {offsets = [10], sizes = [1], strides = [1]} : vector<16xi32> to vector<1xi32>
            %parallel_loop3A_563 = vector.extract %parallel_loop3A_562[0] : i32 from vector<1xi32>
            %parallel_loop3A_564 = vector.extract_strided_slice %parallel_loop3A_157 {offsets = [10], sizes = [1], strides = [1]} : vector<16xf32> to vector<1xf32>
            %parallel_loop3A_565 = vector.extract %parallel_loop3A_564[0] : f32 from vector<1xf32>
            %parallel_loop3A_566 = arith.index_cast %parallel_loop3A_561 : i32 to index
            %parallel_loop3A_567 = arith.constant 0 : index
            %parallel_loop3A_568 = tpu.vector_load %arg10[%parallel_loop3A_566, %parallel_loop3A_567] {strides = array<i32>} : memref<80x64xf32, #tpu.memory_space<vmem>>, vector<16xf32>,
            %parallel_loop3A_569 = vector.broadcast %parallel_loop3A_565 : f32 to vector<16xf32>
            %parallel_loop3A_570 = arith.mulf %parallel_loop3A_569, %parallel_loop3A_568 : vector<16xf32>
            %parallel_loop3A_571 = arith.index_cast %parallel_loop3A_563 : i32 to index
            %parallel_loop3A_572 = arith.constant 0 : index
            %parallel_loop3A_573 = tpu.vector_load %arg13[%parallel_loop3A_571, %parallel_loop3A_572] {strides = array<i32>} : memref<1024x64xf32, #tpu.memory_space<vmem>>, vector<16xf32>,
            tpu.vector_store %arg13[%parallel_loop3A_571, %parallel_loop3A_572], %parallel_loop3A_570 {add = true, strides = array<i32>} : memref<1024x64xf32, #tpu.memory_space<vmem>>, vector<16xf32>,
            %parallel_loop3A_574 = arith.index_cast %parallel_loop3A_561 : i32 to index
            %parallel_loop3A_575 = arith.constant 16 : index
            %parallel_loop3A_576 = tpu.vector_load %arg10[%parallel_loop3A_574, %parallel_loop3A_575] {strides = array<i32>} : memref<80x64xf32, #tpu.memory_space<vmem>>, vector<16xf32>,
            %parallel_loop3A_577 = vector.broadcast %parallel_loop3A_565 : f32 to vector<16xf32>
            %parallel_loop3A_578 = arith.mulf %parallel_loop3A_577, %parallel_loop3A_576 : vector<16xf32>
            %parallel_loop3A_579 = arith.index_cast %parallel_loop3A_563 : i32 to index
            %parallel_loop3A_580 = arith.constant 16 : index
            %parallel_loop3A_581 = tpu.vector_load %arg13[%parallel_loop3A_579, %parallel_loop3A_580] {strides = array<i32>} : memref<1024x64xf32, #tpu.memory_space<vmem>>, vector<16xf32>,
            tpu.vector_store %arg13[%parallel_loop3A_579, %parallel_loop3A_580], %parallel_loop3A_578 {add = true, strides = array<i32>} : memref<1024x64xf32, #tpu.memory_space<vmem>>, vector<16xf32>,
            %parallel_loop3A_582 = arith.index_cast %parallel_loop3A_561 : i32 to index
            %parallel_loop3A_583 = arith.constant 32 : index
            %parallel_loop3A_584 = tpu.vector_load %arg10[%parallel_loop3A_582, %parallel_loop3A_583] {strides = array<i32>} : memref<80x64xf32, #tpu.memory_space<vmem>>, vector<16xf32>,
            %parallel_loop3A_585 = vector.broadcast %parallel_loop3A_565 : f32 to vector<16xf32>
            %parallel_loop3A_586 = arith.mulf %parallel_loop3A_585, %parallel_loop3A_584 : vector<16xf32>
            %parallel_loop3A_587 = arith.index_cast %parallel_loop3A_563 : i32 to index
            %parallel_loop3A_588 = arith.constant 32 : index
            %parallel_loop3A_589 = tpu.vector_load %arg13[%parallel_loop3A_587, %parallel_loop3A_588] {strides = array<i32>} : memref<1024x64xf32, #tpu.memory_space<vmem>>, vector<16xf32>,
            tpu.vector_store %arg13[%parallel_loop3A_587, %parallel_loop3A_588], %parallel_loop3A_586 {add = true, strides = array<i32>} : memref<1024x64xf32, #tpu.memory_space<vmem>>, vector<16xf32>,
            %parallel_loop3A_590 = arith.index_cast %parallel_loop3A_561 : i32 to index
            %parallel_loop3A_591 = arith.constant 48 : index
            %parallel_loop3A_592 = tpu.vector_load %arg10[%parallel_loop3A_590, %parallel_loop3A_591] {strides = array<i32>} : memref<80x64xf32, #tpu.memory_space<vmem>>, vector<16xf32>,
            %parallel_loop3A_593 = vector.broadcast %parallel_loop3A_565 : f32 to vector<16xf32>
            %parallel_loop3A_594 = arith.mulf %parallel_loop3A_593, %parallel_loop3A_592 : vector<16xf32>
            %parallel_loop3A_595 = arith.index_cast %parallel_loop3A_563 : i32 to index
            %parallel_loop3A_596 = arith.constant 48 : index
            %parallel_loop3A_597 = tpu.vector_load %arg13[%parallel_loop3A_595, %parallel_loop3A_596] {strides = array<i32>} : memref<1024x64xf32, #tpu.memory_space<vmem>>, vector<16xf32>,
            tpu.vector_store %arg13[%parallel_loop3A_595, %parallel_loop3A_596], %parallel_loop3A_594 {add = true, strides = array<i32>} : memref<1024x64xf32, #tpu.memory_space<vmem>>, vector<16xf32>,
            %parallel_loop3A_598 = arith.constant 16 : i32
            %parallel_loop3A_599 = arith.muli %parallel_loop3A_63, %parallel_loop3A_598 : i32
            %parallel_loop3A_600 = arith.constant 11 : i32
            %parallel_loop3A_601 = arith.addi %parallel_loop3A_599, %parallel_loop3A_600 : i32
            %parallel_loop3A_602 = vector.extract_strided_slice %parallel_loop3A_70 {offsets = [11], sizes = [1], strides = [1]} : vector<16xi32> to vector<1xi32>
            %parallel_loop3A_603 = vector.extract %parallel_loop3A_602[0] : i32 from vector<1xi32>
            %parallel_loop3A_604 = vector.extract_strided_slice %parallel_loop3A_157 {offsets = [11], sizes = [1], strides = [1]} : vector<16xf32> to vector<1xf32>
            %parallel_loop3A_605 = vector.extract %parallel_loop3A_604[0] : f32 from vector<1xf32>
            %parallel_loop3A_606 = arith.index_cast %parallel_loop3A_601 : i32 to index
            %parallel_loop3A_607 = arith.constant 0 : index
            %parallel_loop3A_608 = tpu.vector_load %arg10[%parallel_loop3A_606, %parallel_loop3A_607] {strides = array<i32>} : memref<80x64xf32, #tpu.memory_space<vmem>>, vector<16xf32>,
            %parallel_loop3A_609 = vector.broadcast %parallel_loop3A_605 : f32 to vector<16xf32>
            %parallel_loop3A_610 = arith.mulf %parallel_loop3A_609, %parallel_loop3A_608 : vector<16xf32>
            %parallel_loop3A_611 = arith.index_cast %parallel_loop3A_603 : i32 to index
            %parallel_loop3A_612 = arith.constant 0 : index
            %parallel_loop3A_613 = tpu.vector_load %arg13[%parallel_loop3A_611, %parallel_loop3A_612] {strides = array<i32>} : memref<1024x64xf32, #tpu.memory_space<vmem>>, vector<16xf32>,
            tpu.vector_store %arg13[%parallel_loop3A_611, %parallel_loop3A_612], %parallel_loop3A_610 {add = true, strides = array<i32>} : memref<1024x64xf32, #tpu.memory_space<vmem>>, vector<16xf32>,
            %parallel_loop3A_614 = arith.index_cast %parallel_loop3A_601 : i32 to index
            %parallel_loop3A_615 = arith.constant 16 : index
            %parallel_loop3A_616 = tpu.vector_load %arg10[%parallel_loop3A_614, %parallel_loop3A_615] {strides = array<i32>} : memref<80x64xf32, #tpu.memory_space<vmem>>, vector<16xf32>,
            %parallel_loop3A_617 = vector.broadcast %parallel_loop3A_605 : f32 to vector<16xf32>
            %parallel_loop3A_618 = arith.mulf %parallel_loop3A_617, %parallel_loop3A_616 : vector<16xf32>
            %parallel_loop3A_619 = arith.index_cast %parallel_loop3A_603 : i32 to index
            %parallel_loop3A_620 = arith.constant 16 : index
            %parallel_loop3A_621 = tpu.vector_load %arg13[%parallel_loop3A_619, %parallel_loop3A_620] {strides = array<i32>} : memref<1024x64xf32, #tpu.memory_space<vmem>>, vector<16xf32>,
            tpu.vector_store %arg13[%parallel_loop3A_619, %parallel_loop3A_620], %parallel_loop3A_618 {add = true, strides = array<i32>} : memref<1024x64xf32, #tpu.memory_space<vmem>>, vector<16xf32>,
            %parallel_loop3A_622 = arith.index_cast %parallel_loop3A_601 : i32 to index
            %parallel_loop3A_623 = arith.constant 32 : index
            %parallel_loop3A_624 = tpu.vector_load %arg10[%parallel_loop3A_622, %parallel_loop3A_623] {strides = array<i32>} : memref<80x64xf32, #tpu.memory_space<vmem>>, vector<16xf32>,
            %parallel_loop3A_625 = vector.broadcast %parallel_loop3A_605 : f32 to vector<16xf32>
            %parallel_loop3A_626 = arith.mulf %parallel_loop3A_625, %parallel_loop3A_624 : vector<16xf32>
            %parallel_loop3A_627 = arith.index_cast %parallel_loop3A_603 : i32 to index
            %parallel_loop3A_628 = arith.constant 32 : index
            %parallel_loop3A_629 = tpu.vector_load %arg13[%parallel_loop3A_627, %parallel_loop3A_628] {strides = array<i32>} : memref<1024x64xf32, #tpu.memory_space<vmem>>, vector<16xf32>,
            tpu.vector_store %arg13[%parallel_loop3A_627, %parallel_loop3A_628], %parallel_loop3A_626 {add = true, strides = array<i32>} : memref<1024x64xf32, #tpu.memory_space<vmem>>, vector<16xf32>,
            %parallel_loop3A_630 = arith.index_cast %parallel_loop3A_601 : i32 to index
            %parallel_loop3A_631 = arith.constant 48 : index
            %parallel_loop3A_632 = tpu.vector_load %arg10[%parallel_loop3A_630, %parallel_loop3A_631] {strides = array<i32>} : memref<80x64xf32, #tpu.memory_space<vmem>>, vector<16xf32>,
            %parallel_loop3A_633 = vector.broadcast %parallel_loop3A_605 : f32 to vector<16xf32>
            %parallel_loop3A_634 = arith.mulf %parallel_loop3A_633, %parallel_loop3A_632 : vector<16xf32>
            %parallel_loop3A_635 = arith.index_cast %parallel_loop3A_603 : i32 to index
            %parallel_loop3A_636 = arith.constant 48 : index
            %parallel_loop3A_637 = tpu.vector_load %arg13[%parallel_loop3A_635, %parallel_loop3A_636] {strides = array<i32>} : memref<1024x64xf32, #tpu.memory_space<vmem>>, vector<16xf32>,
            tpu.vector_store %arg13[%parallel_loop3A_635, %parallel_loop3A_636], %parallel_loop3A_634 {add = true, strides = array<i32>} : memref<1024x64xf32, #tpu.memory_space<vmem>>, vector<16xf32>,
            %parallel_loop3A_638 = arith.constant 16 : i32
            %parallel_loop3A_639 = arith.muli %parallel_loop3A_63, %parallel_loop3A_638 : i32
            %parallel_loop3A_640 = arith.constant 12 : i32
            %parallel_loop3A_641 = arith.addi %parallel_loop3A_639, %parallel_loop3A_640 : i32
            %parallel_loop3A_642 = vector.extract_strided_slice %parallel_loop3A_70 {offsets = [12], sizes = [1], strides = [1]} : vector<16xi32> to vector<1xi32>
            %parallel_loop3A_643 = vector.extract %parallel_loop3A_642[0] : i32 from vector<1xi32>
            %parallel_loop3A_644 = vector.extract_strided_slice %parallel_loop3A_157 {offsets = [12], sizes = [1], strides = [1]} : vector<16xf32> to vector<1xf32>
            %parallel_loop3A_645 = vector.extract %parallel_loop3A_644[0] : f32 from vector<1xf32>
            %parallel_loop3A_646 = arith.index_cast %parallel_loop3A_641 : i32 to index
            %parallel_loop3A_647 = arith.constant 0 : index
            %parallel_loop3A_648 = tpu.vector_load %arg10[%parallel_loop3A_646, %parallel_loop3A_647] {strides = array<i32>} : memref<80x64xf32, #tpu.memory_space<vmem>>, vector<16xf32>,
            %parallel_loop3A_649 = vector.broadcast %parallel_loop3A_645 : f32 to vector<16xf32>
            %parallel_loop3A_650 = arith.mulf %parallel_loop3A_649, %parallel_loop3A_648 : vector<16xf32>
            %parallel_loop3A_651 = arith.index_cast %parallel_loop3A_643 : i32 to index
            %parallel_loop3A_652 = arith.constant 0 : index
            %parallel_loop3A_653 = tpu.vector_load %arg13[%parallel_loop3A_651, %parallel_loop3A_652] {strides = array<i32>} : memref<1024x64xf32, #tpu.memory_space<vmem>>, vector<16xf32>,
            tpu.vector_store %arg13[%parallel_loop3A_651, %parallel_loop3A_652], %parallel_loop3A_650 {add = true, strides = array<i32>} : memref<1024x64xf32, #tpu.memory_space<vmem>>, vector<16xf32>,
            %parallel_loop3A_654 = arith.index_cast %parallel_loop3A_641 : i32 to index
            %parallel_loop3A_655 = arith.constant 16 : index
            %parallel_loop3A_656 = tpu.vector_load %arg10[%parallel_loop3A_654, %parallel_loop3A_655] {strides = array<i32>} : memref<80x64xf32, #tpu.memory_space<vmem>>, vector<16xf32>,
            %parallel_loop3A_657 = vector.broadcast %parallel_loop3A_645 : f32 to vector<16xf32>
            %parallel_loop3A_658 = arith.mulf %parallel_loop3A_657, %parallel_loop3A_656 : vector<16xf32>
            %parallel_loop3A_659 = arith.index_cast %parallel_loop3A_643 : i32 to index
            %parallel_loop3A_660 = arith.constant 16 : index
            %parallel_loop3A_661 = tpu.vector_load %arg13[%parallel_loop3A_659, %parallel_loop3A_660] {strides = array<i32>} : memref<1024x64xf32, #tpu.memory_space<vmem>>, vector<16xf32>,
            tpu.vector_store %arg13[%parallel_loop3A_659, %parallel_loop3A_660], %parallel_loop3A_658 {add = true, strides = array<i32>} : memref<1024x64xf32, #tpu.memory_space<vmem>>, vector<16xf32>,
            %parallel_loop3A_662 = arith.index_cast %parallel_loop3A_641 : i32 to index
            %parallel_loop3A_663 = arith.constant 32 : index
            %parallel_loop3A_664 = tpu.vector_load %arg10[%parallel_loop3A_662, %parallel_loop3A_663] {strides = array<i32>} : memref<80x64xf32, #tpu.memory_space<vmem>>, vector<16xf32>,
            %parallel_loop3A_665 = vector.broadcast %parallel_loop3A_645 : f32 to vector<16xf32>
            %parallel_loop3A_666 = arith.mulf %parallel_loop3A_665, %parallel_loop3A_664 : vector<16xf32>
            %parallel_loop3A_667 = arith.index_cast %parallel_loop3A_643 : i32 to index
            %parallel_loop3A_668 = arith.constant 32 : index
            %parallel_loop3A_669 = tpu.vector_load %arg13[%parallel_loop3A_667, %parallel_loop3A_668] {strides = array<i32>} : memref<1024x64xf32, #tpu.memory_space<vmem>>, vector<16xf32>,
            tpu.vector_store %arg13[%parallel_loop3A_667, %parallel_loop3A_668], %parallel_loop3A_666 {add = true, strides = array<i32>} : memref<1024x64xf32, #tpu.memory_space<vmem>>, vector<16xf32>,
            %parallel_loop3A_670 = arith.index_cast %parallel_loop3A_641 : i32 to index
            %parallel_loop3A_671 = arith.constant 48 : index
            %parallel_loop3A_672 = tpu.vector_load %arg10[%parallel_loop3A_670, %parallel_loop3A_671] {strides = array<i32>} : memref<80x64xf32, #tpu.memory_space<vmem>>, vector<16xf32>,
            %parallel_loop3A_673 = vector.broadcast %parallel_loop3A_645 : f32 to vector<16xf32>
            %parallel_loop3A_674 = arith.mulf %parallel_loop3A_673, %parallel_loop3A_672 : vector<16xf32>
            %parallel_loop3A_675 = arith.index_cast %parallel_loop3A_643 : i32 to index
            %parallel_loop3A_676 = arith.constant 48 : index
            %parallel_loop3A_677 = tpu.vector_load %arg13[%parallel_loop3A_675, %parallel_loop3A_676] {strides = array<i32>} : memref<1024x64xf32, #tpu.memory_space<vmem>>, vector<16xf32>,
            tpu.vector_store %arg13[%parallel_loop3A_675, %parallel_loop3A_676], %parallel_loop3A_674 {add = true, strides = array<i32>} : memref<1024x64xf32, #tpu.memory_space<vmem>>, vector<16xf32>,
            %parallel_loop3A_678 = arith.constant 16 : i32
            %parallel_loop3A_679 = arith.muli %parallel_loop3A_63, %parallel_loop3A_678 : i32
            %parallel_loop3A_680 = arith.constant 13 : i32
            %parallel_loop3A_681 = arith.addi %parallel_loop3A_679, %parallel_loop3A_680 : i32
            %parallel_loop3A_682 = vector.extract_strided_slice %parallel_loop3A_70 {offsets = [13], sizes = [1], strides = [1]} : vector<16xi32> to vector<1xi32>
            %parallel_loop3A_683 = vector.extract %parallel_loop3A_682[0] : i32 from vector<1xi32>
            %parallel_loop3A_684 = vector.extract_strided_slice %parallel_loop3A_157 {offsets = [13], sizes = [1], strides = [1]} : vector<16xf32> to vector<1xf32>
            %parallel_loop3A_685 = vector.extract %parallel_loop3A_684[0] : f32 from vector<1xf32>
            %parallel_loop3A_686 = arith.index_cast %parallel_loop3A_681 : i32 to index
            %parallel_loop3A_687 = arith.constant 0 : index
            %parallel_loop3A_688 = tpu.vector_load %arg10[%parallel_loop3A_686, %parallel_loop3A_687] {strides = array<i32>} : memref<80x64xf32, #tpu.memory_space<vmem>>, vector<16xf32>,
            %parallel_loop3A_689 = vector.broadcast %parallel_loop3A_685 : f32 to vector<16xf32>
            %parallel_loop3A_690 = arith.mulf %parallel_loop3A_689, %parallel_loop3A_688 : vector<16xf32>
            %parallel_loop3A_691 = arith.index_cast %parallel_loop3A_683 : i32 to index
            %parallel_loop3A_692 = arith.constant 0 : index
            %parallel_loop3A_693 = tpu.vector_load %arg13[%parallel_loop3A_691, %parallel_loop3A_692] {strides = array<i32>} : memref<1024x64xf32, #tpu.memory_space<vmem>>, vector<16xf32>,
            tpu.vector_store %arg13[%parallel_loop3A_691, %parallel_loop3A_692], %parallel_loop3A_690 {add = true, strides = array<i32>} : memref<1024x64xf32, #tpu.memory_space<vmem>>, vector<16xf32>,
            %parallel_loop3A_694 = arith.index_cast %parallel_loop3A_681 : i32 to index
            %parallel_loop3A_695 = arith.constant 16 : index
            %parallel_loop3A_696 = tpu.vector_load %arg10[%parallel_loop3A_694, %parallel_loop3A_695] {strides = array<i32>} : memref<80x64xf32, #tpu.memory_space<vmem>>, vector<16xf32>,
            %parallel_loop3A_697 = vector.broadcast %parallel_loop3A_685 : f32 to vector<16xf32>
            %parallel_loop3A_698 = arith.mulf %parallel_loop3A_697, %parallel_loop3A_696 : vector<16xf32>
            %parallel_loop3A_699 = arith.index_cast %parallel_loop3A_683 : i32 to index
            %parallel_loop3A_700 = arith.constant 16 : index
            %parallel_loop3A_701 = tpu.vector_load %arg13[%parallel_loop3A_699, %parallel_loop3A_700] {strides = array<i32>} : memref<1024x64xf32, #tpu.memory_space<vmem>>, vector<16xf32>,
            tpu.vector_store %arg13[%parallel_loop3A_699, %parallel_loop3A_700], %parallel_loop3A_698 {add = true, strides = array<i32>} : memref<1024x64xf32, #tpu.memory_space<vmem>>, vector<16xf32>,
            %parallel_loop3A_702 = arith.index_cast %parallel_loop3A_681 : i32 to index
            %parallel_loop3A_703 = arith.constant 32 : index
            %parallel_loop3A_704 = tpu.vector_load %arg10[%parallel_loop3A_702, %parallel_loop3A_703] {strides = array<i32>} : memref<80x64xf32, #tpu.memory_space<vmem>>, vector<16xf32>,
            %parallel_loop3A_705 = vector.broadcast %parallel_loop3A_685 : f32 to vector<16xf32>
            %parallel_loop3A_706 = arith.mulf %parallel_loop3A_705, %parallel_loop3A_704 : vector<16xf32>
            %parallel_loop3A_707 = arith.index_cast %parallel_loop3A_683 : i32 to index
            %parallel_loop3A_708 = arith.constant 32 : index
            %parallel_loop3A_709 = tpu.vector_load %arg13[%parallel_loop3A_707, %parallel_loop3A_708] {strides = array<i32>} : memref<1024x64xf32, #tpu.memory_space<vmem>>, vector<16xf32>,
            tpu.vector_store %arg13[%parallel_loop3A_707, %parallel_loop3A_708], %parallel_loop3A_706 {add = true, strides = array<i32>} : memref<1024x64xf32, #tpu.memory_space<vmem>>, vector<16xf32>,
            %parallel_loop3A_710 = arith.index_cast %parallel_loop3A_681 : i32 to index
            %parallel_loop3A_711 = arith.constant 48 : index
            %parallel_loop3A_712 = tpu.vector_load %arg10[%parallel_loop3A_710, %parallel_loop3A_711] {strides = array<i32>} : memref<80x64xf32, #tpu.memory_space<vmem>>, vector<16xf32>,
            %parallel_loop3A_713 = vector.broadcast %parallel_loop3A_685 : f32 to vector<16xf32>
            %parallel_loop3A_714 = arith.mulf %parallel_loop3A_713, %parallel_loop3A_712 : vector<16xf32>
            %parallel_loop3A_715 = arith.index_cast %parallel_loop3A_683 : i32 to index
            %parallel_loop3A_716 = arith.constant 48 : index
            %parallel_loop3A_717 = tpu.vector_load %arg13[%parallel_loop3A_715, %parallel_loop3A_716] {strides = array<i32>} : memref<1024x64xf32, #tpu.memory_space<vmem>>, vector<16xf32>,
            tpu.vector_store %arg13[%parallel_loop3A_715, %parallel_loop3A_716], %parallel_loop3A_714 {add = true, strides = array<i32>} : memref<1024x64xf32, #tpu.memory_space<vmem>>, vector<16xf32>,
            %parallel_loop3A_718 = arith.constant 16 : i32
            %parallel_loop3A_719 = arith.muli %parallel_loop3A_63, %parallel_loop3A_718 : i32
            %parallel_loop3A_720 = arith.constant 14 : i32
            %parallel_loop3A_721 = arith.addi %parallel_loop3A_719, %parallel_loop3A_720 : i32
            %parallel_loop3A_722 = vector.extract_strided_slice %parallel_loop3A_70 {offsets = [14], sizes = [1], strides = [1]} : vector<16xi32> to vector<1xi32>
            %parallel_loop3A_723 = vector.extract %parallel_loop3A_722[0] : i32 from vector<1xi32>
            %parallel_loop3A_724 = vector.extract_strided_slice %parallel_loop3A_157 {offsets = [14], sizes = [1], strides = [1]} : vector<16xf32> to vector<1xf32>
            %parallel_loop3A_725 = vector.extract %parallel_loop3A_724[0] : f32 from vector<1xf32>
            %parallel_loop3A_726 = arith.index_cast %parallel_loop3A_721 : i32 to index
            %parallel_loop3A_727 = arith.constant 0 : index
            %parallel_loop3A_728 = tpu.vector_load %arg10[%parallel_loop3A_726, %parallel_loop3A_727] {strides = array<i32>} : memref<80x64xf32, #tpu.memory_space<vmem>>, vector<16xf32>,
            %parallel_loop3A_729 = vector.broadcast %parallel_loop3A_725 : f32 to vector<16xf32>
            %parallel_loop3A_730 = arith.mulf %parallel_loop3A_729, %parallel_loop3A_728 : vector<16xf32>
            %parallel_loop3A_731 = arith.index_cast %parallel_loop3A_723 : i32 to index
            %parallel_loop3A_732 = arith.constant 0 : index
            %parallel_loop3A_733 = tpu.vector_load %arg13[%parallel_loop3A_731, %parallel_loop3A_732] {strides = array<i32>} : memref<1024x64xf32, #tpu.memory_space<vmem>>, vector<16xf32>,
            tpu.vector_store %arg13[%parallel_loop3A_731, %parallel_loop3A_732], %parallel_loop3A_730 {add = true, strides = array<i32>} : memref<1024x64xf32, #tpu.memory_space<vmem>>, vector<16xf32>,
            %parallel_loop3A_734 = arith.index_cast %parallel_loop3A_721 : i32 to index
            %parallel_loop3A_735 = arith.constant 16 : index
            %parallel_loop3A_736 = tpu.vector_load %arg10[%parallel_loop3A_734, %parallel_loop3A_735] {strides = array<i32>} : memref<80x64xf32, #tpu.memory_space<vmem>>, vector<16xf32>,
            %parallel_loop3A_737 = vector.broadcast %parallel_loop3A_725 : f32 to vector<16xf32>
            %parallel_loop3A_738 = arith.mulf %parallel_loop3A_737, %parallel_loop3A_736 : vector<16xf32>
            %parallel_loop3A_739 = arith.index_cast %parallel_loop3A_723 : i32 to index
            %parallel_loop3A_740 = arith.constant 16 : index
            %parallel_loop3A_741 = tpu.vector_load %arg13[%parallel_loop3A_739, %parallel_loop3A_740] {strides = array<i32>} : memref<1024x64xf32, #tpu.memory_space<vmem>>, vector<16xf32>,
            tpu.vector_store %arg13[%parallel_loop3A_739, %parallel_loop3A_740], %parallel_loop3A_738 {add = true, strides = array<i32>} : memref<1024x64xf32, #tpu.memory_space<vmem>>, vector<16xf32>,
            %parallel_loop3A_742 = arith.index_cast %parallel_loop3A_721 : i32 to index
            %parallel_loop3A_743 = arith.constant 32 : index
            %parallel_loop3A_744 = tpu.vector_load %arg10[%parallel_loop3A_742, %parallel_loop3A_743] {strides = array<i32>} : memref<80x64xf32, #tpu.memory_space<vmem>>, vector<16xf32>,
            %parallel_loop3A_745 = vector.broadcast %parallel_loop3A_725 : f32 to vector<16xf32>
            %parallel_loop3A_746 = arith.mulf %parallel_loop3A_745, %parallel_loop3A_744 : vector<16xf32>
            %parallel_loop3A_747 = arith.index_cast %parallel_loop3A_723 : i32 to index
            %parallel_loop3A_748 = arith.constant 32 : index
            %parallel_loop3A_749 = tpu.vector_load %arg13[%parallel_loop3A_747, %parallel_loop3A_748] {strides = array<i32>} : memref<1024x64xf32, #tpu.memory_space<vmem>>, vector<16xf32>,
            tpu.vector_store %arg13[%parallel_loop3A_747, %parallel_loop3A_748], %parallel_loop3A_746 {add = true, strides = array<i32>} : memref<1024x64xf32, #tpu.memory_space<vmem>>, vector<16xf32>,
            %parallel_loop3A_750 = arith.index_cast %parallel_loop3A_721 : i32 to index
            %parallel_loop3A_751 = arith.constant 48 : index
            %parallel_loop3A_752 = tpu.vector_load %arg10[%parallel_loop3A_750, %parallel_loop3A_751] {strides = array<i32>} : memref<80x64xf32, #tpu.memory_space<vmem>>, vector<16xf32>,
            %parallel_loop3A_753 = vector.broadcast %parallel_loop3A_725 : f32 to vector<16xf32>
            %parallel_loop3A_754 = arith.mulf %parallel_loop3A_753, %parallel_loop3A_752 : vector<16xf32>
            %parallel_loop3A_755 = arith.index_cast %parallel_loop3A_723 : i32 to index
            %parallel_loop3A_756 = arith.constant 48 : index
            %parallel_loop3A_757 = tpu.vector_load %arg13[%parallel_loop3A_755, %parallel_loop3A_756] {strides = array<i32>} : memref<1024x64xf32, #tpu.memory_space<vmem>>, vector<16xf32>,
            tpu.vector_store %arg13[%parallel_loop3A_755, %parallel_loop3A_756], %parallel_loop3A_754 {add = true, strides = array<i32>} : memref<1024x64xf32, #tpu.memory_space<vmem>>, vector<16xf32>,
            %parallel_loop3A_758 = arith.constant 16 : i32
            %parallel_loop3A_759 = arith.muli %parallel_loop3A_63, %parallel_loop3A_758 : i32
            %parallel_loop3A_760 = arith.constant 15 : i32
            %parallel_loop3A_761 = arith.addi %parallel_loop3A_759, %parallel_loop3A_760 : i32
            %parallel_loop3A_762 = vector.extract_strided_slice %parallel_loop3A_70 {offsets = [15], sizes = [1], strides = [1]} : vector<16xi32> to vector<1xi32>
            %parallel_loop3A_763 = vector.extract %parallel_loop3A_762[0] : i32 from vector<1xi32>
            %parallel_loop3A_764 = vector.extract_strided_slice %parallel_loop3A_157 {offsets = [15], sizes = [1], strides = [1]} : vector<16xf32> to vector<1xf32>
            %parallel_loop3A_765 = vector.extract %parallel_loop3A_764[0] : f32 from vector<1xf32>
            %parallel_loop3A_766 = arith.index_cast %parallel_loop3A_761 : i32 to index
            %parallel_loop3A_767 = arith.constant 0 : index
            %parallel_loop3A_768 = tpu.vector_load %arg10[%parallel_loop3A_766, %parallel_loop3A_767] {strides = array<i32>} : memref<80x64xf32, #tpu.memory_space<vmem>>, vector<16xf32>,
            %parallel_loop3A_769 = vector.broadcast %parallel_loop3A_765 : f32 to vector<16xf32>
            %parallel_loop3A_770 = arith.mulf %parallel_loop3A_769, %parallel_loop3A_768 : vector<16xf32>
            %parallel_loop3A_771 = arith.index_cast %parallel_loop3A_763 : i32 to index
            %parallel_loop3A_772 = arith.constant 0 : index
            %parallel_loop3A_773 = tpu.vector_load %arg13[%parallel_loop3A_771, %parallel_loop3A_772] {strides = array<i32>} : memref<1024x64xf32, #tpu.memory_space<vmem>>, vector<16xf32>,
            tpu.vector_store %arg13[%parallel_loop3A_771, %parallel_loop3A_772], %parallel_loop3A_770 {add = true, strides = array<i32>} : memref<1024x64xf32, #tpu.memory_space<vmem>>, vector<16xf32>,
            %parallel_loop3A_774 = arith.index_cast %parallel_loop3A_761 : i32 to index
            %parallel_loop3A_775 = arith.constant 16 : index
            %parallel_loop3A_776 = tpu.vector_load %arg10[%parallel_loop3A_774, %parallel_loop3A_775] {strides = array<i32>} : memref<80x64xf32, #tpu.memory_space<vmem>>, vector<16xf32>,
            %parallel_loop3A_777 = vector.broadcast %parallel_loop3A_765 : f32 to vector<16xf32>
            %parallel_loop3A_778 = arith.mulf %parallel_loop3A_777, %parallel_loop3A_776 : vector<16xf32>
            %parallel_loop3A_779 = arith.index_cast %parallel_loop3A_763 : i32 to index
            %parallel_loop3A_780 = arith.constant 16 : index
            %parallel_loop3A_781 = tpu.vector_load %arg13[%parallel_loop3A_779, %parallel_loop3A_780] {strides = array<i32>} : memref<1024x64xf32, #tpu.memory_space<vmem>>, vector<16xf32>,
            tpu.vector_store %arg13[%parallel_loop3A_779, %parallel_loop3A_780], %parallel_loop3A_778 {add = true, strides = array<i32>} : memref<1024x64xf32, #tpu.memory_space<vmem>>, vector<16xf32>,
            %parallel_loop3A_782 = arith.index_cast %parallel_loop3A_761 : i32 to index
            %parallel_loop3A_783 = arith.constant 32 : index
            %parallel_loop3A_784 = tpu.vector_load %arg10[%parallel_loop3A_782, %parallel_loop3A_783] {strides = array<i32>} : memref<80x64xf32, #tpu.memory_space<vmem>>, vector<16xf32>,
            %parallel_loop3A_785 = vector.broadcast %parallel_loop3A_765 : f32 to vector<16xf32>
            %parallel_loop3A_786 = arith.mulf %parallel_loop3A_785, %parallel_loop3A_784 : vector<16xf32>
            %parallel_loop3A_787 = arith.index_cast %parallel_loop3A_763 : i32 to index
            %parallel_loop3A_788 = arith.constant 32 : index
            %parallel_loop3A_789 = tpu.vector_load %arg13[%parallel_loop3A_787, %parallel_loop3A_788] {strides = array<i32>} : memref<1024x64xf32, #tpu.memory_space<vmem>>, vector<16xf32>,
            tpu.vector_store %arg13[%parallel_loop3A_787, %parallel_loop3A_788], %parallel_loop3A_786 {add = true, strides = array<i32>} : memref<1024x64xf32, #tpu.memory_space<vmem>>, vector<16xf32>,
            %parallel_loop3A_790 = arith.index_cast %parallel_loop3A_761 : i32 to index
            %parallel_loop3A_791 = arith.constant 48 : index
            %parallel_loop3A_792 = tpu.vector_load %arg10[%parallel_loop3A_790, %parallel_loop3A_791] {strides = array<i32>} : memref<80x64xf32, #tpu.memory_space<vmem>>, vector<16xf32>,
            %parallel_loop3A_793 = vector.broadcast %parallel_loop3A_765 : f32 to vector<16xf32>
            %parallel_loop3A_794 = arith.mulf %parallel_loop3A_793, %parallel_loop3A_792 : vector<16xf32>
            %parallel_loop3A_795 = arith.index_cast %parallel_loop3A_763 : i32 to index
            %parallel_loop3A_796 = arith.constant 48 : index
            %parallel_loop3A_797 = tpu.vector_load %arg13[%parallel_loop3A_795, %parallel_loop3A_796] {strides = array<i32>} : memref<1024x64xf32, #tpu.memory_space<vmem>>, vector<16xf32>,
            tpu.vector_store %arg13[%parallel_loop3A_795, %parallel_loop3A_796], %parallel_loop3A_794 {add = true, strides = array<i32>} : memref<1024x64xf32, #tpu.memory_space<vmem>>, vector<16xf32>,
          } {sc.loop_unroll_factor = 5 : i64, sc.parallel_access}
        } else {
        }
      }
      %scan3A_28 = arith.constant 25 : i32
    }
    %scan3A_12 = arith.constant 25 : i32
    "tpu.region"() ({
      %run_scoped3A = tpu.sem_alloc : memref<!tpu.dma_semaphore, #tpu.memory_space<semaphore_mem>>
      %dma_start3A = arith.constant 0 : i32
      %dma_start3A_13 = arith.constant 0 : i32
      %dma_start3A_14 = tpu.memref_slice %arg6[%add3A, %dma_start3A, %dma_start3A_13] : memref<32x1024x64xf32, #tpu.memory_space<hbm>> -> memref<1x1024x64xf32, #tpu.memory_space<hbm>>
      %dma_start3A_15 = tpu.memref_squeeze %dma_start3A_14 : memref<1x1024x64xf32, #tpu.memory_space<hbm>> -> memref<1024x64xf32, #tpu.memory_space<hbm>>
      %dma_start3A_16 = arith.constant 0 : i32
      %dma_start3A_17 = arith.constant 0 : i32
      %dma_start3A_18 = tpu.memref_slice %arg6[%add3A, %dma_start3A_16, %dma_start3A_17] : memref<32x1024x64xf32, #tpu.memory_space<hbm>> -> memref<1x1024x64xf32, #tpu.memory_space<hbm>>
      %dma_start3A_19 = tpu.memref_squeeze %dma_start3A_18 : memref<1x1024x64xf32, #tpu.memory_space<hbm>> -> memref<1024x64xf32, #tpu.memory_space<hbm>>
      tpu.enqueue_dma source(%arg13 : memref<1024x64xf32, #tpu.memory_space<vmem>>) target(%dma_start3A_19 : memref<1024x64xf32, #tpu.memory_space<hbm>>) target_semaphore(%run_scoped3A : memref<!tpu.dma_semaphore, #tpu.memory_space<semaphore_mem>>)
      %dma_wait3A = arith.constant 0 : i32
      %dma_wait3A_20 = arith.constant 0 : i32
      %dma_wait3A_21 = tpu.memref_slice %arg6[%add3A, %dma_wait3A, %dma_wait3A_20] : memref<32x1024x64xf32, #tpu.memory_space<hbm>> -> memref<1x1024x64xf32, #tpu.memory_space<hbm>>
      %dma_wait3A_22 = tpu.memref_squeeze %dma_wait3A_21 : memref<1x1024x64xf32, #tpu.memory_space<hbm>> -> memref<1024x64xf32, #tpu.memory_space<hbm>>
      %dma_wait3A_23 = arith.constant 0 : i32
      %dma_wait3A_24 = arith.constant 0 : i32
      %dma_wait3A_25 = tpu.memref_slice %arg6[%add3A, %dma_wait3A_23, %dma_wait3A_24] : memref<32x1024x64xf32, #tpu.memory_space<hbm>> -> memref<1x1024x64xf32, #tpu.memory_space<hbm>>
      %dma_wait3A_26 = tpu.memref_squeeze %dma_wait3A_25 : memref<1x1024x64xf32, #tpu.memory_space<hbm>> -> memref<1024x64xf32, #tpu.memory_space<hbm>>
      tpu.wait_dma2 semaphore(%run_scoped3A : memref<!tpu.dma_semaphore, #tpu.memory_space<semaphore_mem>>) src(%arg13 : memref<1024x64xf32, #tpu.memory_space<vmem>>) dst(%dma_wait3A_26 : memref<1024x64xf32, #tpu.memory_space<hbm>>)
      tpu.yield
    }) : () -> ()
    return
  }
}

module attributes {stable_mosaic.version = 14 : i64} {
  func.func @_proj_body(%arg0: i32, %arg1: memref<2000x50xf32, #tpu.memory_space<vmem>>, %arg2: memref<2000x2xf32, #tpu.memory_space<vmem>>, %arg3: memref<52x10xf32, #tpu.memory_space<vmem>>, %arg4: memref<1x10xf32, #tpu.memory_space<vmem>>, %arg5: memref<52x50xf32, #tpu.memory_space<vmem>>, %arg6: memref<1x50xf32, #tpu.memory_space<vmem>>, %arg7: memref<2000x64xf32, #tpu.memory_space<vmem>>) attributes {dimension_semantics = [#tpu.dimension_semantics<arbitrary>], iteration_bounds = array<i64: 50>, scalar_prefetch = 0 : i64, scratch_operands = 0 : i64, tpu.core_type = #tpu.core_type<tc>, window_params = [{transform_indices = @transform_0, window_bounds = array<i64: 2000, 50>}, {transform_indices = @transform_1, window_bounds = array<i64: 2000, 2>}, {pipeline_mode = #tpu.pipeline_mode<synchronous>, transform_indices = @transform_2, window_bounds = array<i64: 52, 10>}, {pipeline_mode = #tpu.pipeline_mode<synchronous>, transform_indices = @transform_3, window_bounds = array<i64: 1, 10>}, {pipeline_mode = #tpu.pipeline_mode<synchronous>, transform_indices = @transform_4, window_bounds = array<i64: 52, 50>}, {pipeline_mode = #tpu.pipeline_mode<synchronous>, transform_indices = @transform_5, window_bounds = array<i64: 1, 50>}, {transform_indices = @transform_6, window_bounds = array<i64: 2000, 64>}]} {
    %get3A = arith.constant 0 : index
    %get3A_0 = arith.constant 0 : index
    %get3A_1 = vector.load %arg1[%get3A, %get3A_0] : memref<2000x50xf32, #tpu.memory_space<vmem>>, vector<2000x50xf32>
    %get3A_2 = arith.constant 0 : index
    %get3A_3 = arith.constant 0 : index
    %get3A_4 = vector.load %arg2[%get3A_2, %get3A_3] : memref<2000x2xf32, #tpu.memory_space<vmem>>, vector<2000x2xf32>
    %concatenate3A = tpu.concatenate %get3A_1, %get3A_4 in 1 : vector<2000x50xf32>, vector<2000x2xf32> -> vector<2000x52xf32>
    %get3A_5 = arith.constant 0 : index
    %get3A_6 = arith.constant 0 : index
    %get3A_7 = vector.load %arg3[%get3A_5, %get3A_6] : memref<52x10xf32, #tpu.memory_space<vmem>>, vector<52x10xf32>
    %dot_general3A = arith.constant dense<0.000000e+00> : vector<2000x10xf32>
    %dot_general3A_8 = tpu.matmul %concatenate3A, %get3A_7, %dot_general3A {dimension_numbers = #tpu.dot_dimension_numbers<[1], [0], [0], [1], [0, 0, 1, 1], [], []>, transpose_lhs_hint = false} : vector<2000x52xf32>, vector<52x10xf32>, vector<2000x10xf32> -> vector<2000x10xf32>
    %get3A_9 = arith.constant 0 : index
    %get3A_10 = arith.constant 0 : index
    %get3A_11 = vector.load %arg4[%get3A_9, %get3A_10] : memref<1x10xf32, #tpu.memory_space<vmem>>, vector<1x10xf32>
    %add3A = vector.broadcast %get3A_11 : vector<1x10xf32> to vector<2000x10xf32>
    %add3A_12 = arith.addf %dot_general3A_8, %add3A : vector<2000x10xf32>
    %get3A_13 = arith.constant 0 : index
    %get3A_14 = arith.constant 0 : index
    %get3A_15 = vector.load %arg5[%get3A_13, %get3A_14] : memref<52x50xf32, #tpu.memory_space<vmem>>, vector<52x50xf32>
    %dot_general3A_16 = arith.constant dense<0.000000e+00> : vector<2000x50xf32>
    %dot_general3A_17 = tpu.matmul %concatenate3A, %get3A_15, %dot_general3A_16 {dimension_numbers = #tpu.dot_dimension_numbers<[1], [0], [0], [1], [0, 0, 1, 1], [], []>, transpose_lhs_hint = false} : vector<2000x52xf32>, vector<52x50xf32>, vector<2000x50xf32> -> vector<2000x50xf32>
    %get3A_18 = arith.constant 0 : index
    %get3A_19 = arith.constant 0 : index
    %get3A_20 = vector.load %arg6[%get3A_18, %get3A_19] : memref<1x50xf32, #tpu.memory_space<vmem>>, vector<1x50xf32>
    %add3A_21 = vector.broadcast %get3A_20 : vector<1x50xf32> to vector<2000x50xf32>
    %add3A_22 = arith.addf %dot_general3A_17, %add3A_21 : vector<2000x50xf32>
    %broadcast_in_dim3A = arith.constant 1.000000e+00 : f32
    %broadcast_in_dim3A_23 = vector.broadcast %broadcast_in_dim3A : f32 to vector<2000x1xf32>
    %broadcast_in_dim3A_24 = arith.constant 0.000000e+00 : f32
    %broadcast_in_dim3A_25 = vector.broadcast %broadcast_in_dim3A_24 : f32 to vector<2000x3xf32>
    %concatenate3A_26 = tpu.concatenate %add3A_22, %broadcast_in_dim3A_23, %add3A_12, %broadcast_in_dim3A_25 in 1 : vector<2000x50xf32>, vector<2000x1xf32>, vector<2000x10xf32>, vector<2000x3xf32> -> vector<2000x64xf32>
    %swap3A = arith.constant 0 : index
    %swap3A_27 = arith.constant 0 : index
    %swap3A_28 = vector.load %arg7[%swap3A, %swap3A_27] : memref<2000x64xf32, #tpu.memory_space<vmem>>, vector<2000x64xf32>
    tpu.vector_store %arg7[%swap3A, %swap3A_27], %concatenate3A_26 {strides = array<i32>} : memref<2000x64xf32, #tpu.memory_space<vmem>>, vector<2000x64xf32>,
    return
  }
  func.func @transform_0(%arg0: i32) -> (i32, i32) {
    %c0_i32 = arith.constant 0 : i32
    %c0_i32_0 = arith.constant 0 : i32
    return %arg0, %c0_i32 : i32, i32
  }
  func.func @transform_1(%arg0: i32) -> (i32, i32) {
    %c0_i32 = arith.constant 0 : i32
    %c0_i32_0 = arith.constant 0 : i32
    return %arg0, %c0_i32 : i32, i32
  }
  func.func @transform_2(%arg0: i32) -> (i32, i32) {
    %c0_i32 = arith.constant 0 : i32
    %c0_i32_0 = arith.constant 0 : i32
    %c0_i32_1 = arith.constant 0 : i32
    return %c0_i32, %c0_i32_0 : i32, i32
  }
  func.func @transform_3(%arg0: i32) -> (i32, i32) {
    %c0_i32 = arith.constant 0 : i32
    %c0_i32_0 = arith.constant 0 : i32
    %c0_i32_1 = arith.constant 0 : i32
    return %c0_i32, %c0_i32_0 : i32, i32
  }
  func.func @transform_4(%arg0: i32) -> (i32, i32) {
    %c0_i32 = arith.constant 0 : i32
    %c0_i32_0 = arith.constant 0 : i32
    %c0_i32_1 = arith.constant 0 : i32
    return %c0_i32, %c0_i32_0 : i32, i32
  }
  func.func @transform_5(%arg0: i32) -> (i32, i32) {
    %c0_i32 = arith.constant 0 : i32
    %c0_i32_0 = arith.constant 0 : i32
    %c0_i32_1 = arith.constant 0 : i32
    return %c0_i32, %c0_i32_0 : i32, i32
  }
  func.func @transform_6(%arg0: i32) -> (i32, i32) {
    %c0_i32 = arith.constant 0 : i32
    %c0_i32_0 = arith.constant 0 : i32
    return %arg0, %c0_i32 : i32, i32
  }
}

module attributes {stable_mosaic.version = 14 : i64} {
  func.func @_q_body(%arg0: memref<1024x50xf32, #tpu.memory_space<vmem>>, %arg1: memref<1024x50xf32, #tpu.memory_space<vmem>>, %arg2: memref<100x10xf32, #tpu.memory_space<vmem>>, %arg3: memref<1x10xf32, #tpu.memory_space<vmem>>, %arg4: memref<1024x17xf32, #tpu.memory_space<vmem>>) attributes {dimension_semantics = [], scalar_prefetch = 0 : i64, scratch_operands = 0 : i64, tpu.core_type = #tpu.core_type<tc>} {
    %get3A = arith.constant 0 : index
    %get3A_0 = arith.constant 0 : index
    %get3A_1 = vector.load %arg0[%get3A, %get3A_0] : memref<1024x50xf32, #tpu.memory_space<vmem>>, vector<1024x50xf32>
    %get3A_2 = arith.constant 0 : index
    %get3A_3 = arith.constant 0 : index
    %get3A_4 = vector.load %arg1[%get3A_2, %get3A_3] : memref<1024x50xf32, #tpu.memory_space<vmem>>, vector<1024x50xf32>
    %concatenate3A = tpu.concatenate %get3A_1, %get3A_4 in 1 : vector<1024x50xf32>, vector<1024x50xf32> -> vector<1024x100xf32>
    %get3A_5 = arith.constant 0 : index
    %get3A_6 = arith.constant 0 : index
    %get3A_7 = vector.load %arg2[%get3A_5, %get3A_6] : memref<100x10xf32, #tpu.memory_space<vmem>>, vector<100x10xf32>
    %dot_general3A = arith.constant dense<0.000000e+00> : vector<1024x10xf32>
    %dot_general3A_8 = tpu.matmul %concatenate3A, %get3A_7, %dot_general3A {dimension_numbers = #tpu.dot_dimension_numbers<[1], [0], [0], [1], [0, 0, 1, 1], [], []>, transpose_lhs_hint = false} : vector<1024x100xf32>, vector<100x10xf32>, vector<1024x10xf32> -> vector<1024x10xf32>
    %get3A_9 = arith.constant 0 : index
    %get3A_10 = arith.constant 0 : index
    %get3A_11 = vector.load %arg3[%get3A_9, %get3A_10] : memref<1x10xf32, #tpu.memory_space<vmem>>, vector<1x10xf32>
    %add3A = vector.broadcast %get3A_11 : vector<1x10xf32> to vector<1024x10xf32>
    %add3A_12 = arith.addf %dot_general3A_8, %add3A : vector<1024x10xf32>
    %sqrt3A = arith.constant 1.000000e+01 : f32
    %sqrt3A_13 = math.sqrt %sqrt3A : f32
    %div3A = arith.constant 1.000000e+00 : f32
    %div3A_14 = arith.divf %div3A, %sqrt3A_13 : f32
    %mul3A = vector.broadcast %div3A_14 : f32 to vector<1024x10xf32>
    %mul3A_15 = arith.mulf %add3A_12, %mul3A : vector<1024x10xf32>
    %broadcast_in_dim3A = arith.constant 0.000000e+00 : f32
    %broadcast_in_dim3A_16 = vector.broadcast %broadcast_in_dim3A : f32 to vector<1024x7xf32>
    %concatenate3A_17 = tpu.concatenate %mul3A_15, %broadcast_in_dim3A_16 in 1 : vector<1024x10xf32>, vector<1024x7xf32> -> vector<1024x17xf32>
    %swap3A = arith.constant 0 : index
    %swap3A_18 = arith.constant 0 : index
    %swap3A_19 = vector.load %arg4[%swap3A, %swap3A_18] : memref<1024x17xf32, #tpu.memory_space<vmem>>, vector<1024x17xf32>
    tpu.vector_store %arg4[%swap3A, %swap3A_18], %concatenate3A_17 {strides = array<i32>} : memref<1024x17xf32, #tpu.memory_space<vmem>>, vector<1024x17xf32>,
    return
  }
}

module attributes {stable_mosaic.version = 14 : i64} {
  func.func @_tail_body(%arg0: memref<32x1024x64xf32, #tpu.memory_space<vmem>>, %arg1: memref<1024x50xf32, #tpu.memory_space<vmem>>, %arg2: memref<50x150xf32, #tpu.memory_space<vmem>>, %arg3: memref<50x150xf32, #tpu.memory_space<vmem>>, %arg4: memref<1x150xf32, #tpu.memory_space<vmem>>, %arg5: memref<1x150xf32, #tpu.memory_space<vmem>>, %arg6: memref<1x50xf32, #tpu.memory_space<vmem>>, %arg7: memref<1x50xf32, #tpu.memory_space<vmem>>, %arg8: memref<50x64xf32, #tpu.memory_space<vmem>>, %arg9: memref<1x64xf32, #tpu.memory_space<vmem>>, %arg10: memref<64x50xf32, #tpu.memory_space<vmem>>, %arg11: memref<1x50xf32, #tpu.memory_space<vmem>>, %arg12: memref<1024x50xf32, #tpu.memory_space<vmem>>) attributes {dimension_semantics = [], scalar_prefetch = 0 : i64, scratch_operands = 0 : i64, tpu.core_type = #tpu.core_type<tc>} {
    %get3A = arith.constant 0 : index
    %get3A_0 = arith.constant 0 : index
    %get3A_1 = arith.constant 0 : index
    %get3A_2 = vector.load %arg0[%get3A, %get3A_0, %get3A_1] : memref<32x1024x64xf32, #tpu.memory_space<vmem>>, vector<32x1024x64xf32>
    %reduce_sum3A = arith.constant dense<0.000000e+00> : vector<1024x64xf32>
    %reduce_sum3A_3 = vector.multi_reduction <add>, %get3A_2, %reduce_sum3A [0] : vector<32x1024x64xf32> to vector<1024x64xf32>
    %slice3A = vector.extract_strided_slice %reduce_sum3A_3 {offsets = [0, 50], sizes = [1024, 1], strides = [1, 1]} : vector<1024x64xf32> to vector<1024x1xf32>
    %squeeze3A = vector.shape_cast %slice3A : vector<1024x1xf32> to vector<1024xf32>
    %broadcast_in_dim3A = vector.shape_cast %squeeze3A : vector<1024xf32> to vector<1024x1xf32>
    %slice3A_4 = vector.extract_strided_slice %reduce_sum3A_3 {offsets = [0, 0], sizes = [1024, 50], strides = [1, 1]} : vector<1024x64xf32> to vector<1024x50xf32>
    %add3A = arith.constant 1.000000e-16 : f32
    %add3A_5 = vector.broadcast %add3A : f32 to vector<1024x1xf32>
    %add3A_6 = arith.addf %broadcast_in_dim3A, %add3A_5 : vector<1024x1xf32>
    %div3A = vector.broadcast %add3A_6 : vector<1024x1xf32> to vector<1024x50xf32>
    %div3A_7 = arith.divf %slice3A_4, %div3A : vector<1024x50xf32>
    %get3A_8 = arith.constant 0 : index
    %get3A_9 = arith.constant 0 : index
    %get3A_10 = vector.load %arg1[%get3A_8, %get3A_9] : memref<1024x50xf32, #tpu.memory_space<vmem>>, vector<1024x50xf32>
    %get3A_11 = arith.constant 0 : index
    %get3A_12 = arith.constant 0 : index
    %get3A_13 = vector.load %arg2[%get3A_11, %get3A_12] : memref<50x150xf32, #tpu.memory_space<vmem>>, vector<50x150xf32>
    %dot_general3A = arith.constant dense<0.000000e+00> : vector<1024x150xf32>
    %dot_general3A_14 = tpu.matmul %div3A_7, %get3A_13, %dot_general3A {dimension_numbers = #tpu.dot_dimension_numbers<[1], [0], [0], [1], [0, 0, 1, 1], [], []>, transpose_lhs_hint = false} : vector<1024x50xf32>, vector<50x150xf32>, vector<1024x150xf32> -> vector<1024x150xf32>
    %get3A_15 = arith.constant 0 : index
    %get3A_16 = arith.constant 0 : index
    %get3A_17 = vector.load %arg4[%get3A_15, %get3A_16] : memref<1x150xf32, #tpu.memory_space<vmem>>, vector<1x150xf32>
    %add3A_18 = vector.broadcast %get3A_17 : vector<1x150xf32> to vector<1024x150xf32>
    %add3A_19 = arith.addf %dot_general3A_14, %add3A_18 : vector<1024x150xf32>
    %get3A_20 = arith.constant 0 : index
    %get3A_21 = arith.constant 0 : index
    %get3A_22 = vector.load %arg3[%get3A_20, %get3A_21] : memref<50x150xf32, #tpu.memory_space<vmem>>, vector<50x150xf32>
    %dot_general3A_23 = arith.constant dense<0.000000e+00> : vector<1024x150xf32>
    %dot_general3A_24 = tpu.matmul %get3A_10, %get3A_22, %dot_general3A_23 {dimension_numbers = #tpu.dot_dimension_numbers<[1], [0], [0], [1], [0, 0, 1, 1], [], []>, transpose_lhs_hint = false} : vector<1024x50xf32>, vector<50x150xf32>, vector<1024x150xf32> -> vector<1024x150xf32>
    %get3A_25 = arith.constant 0 : index
    %get3A_26 = arith.constant 0 : index
    %get3A_27 = vector.load %arg5[%get3A_25, %get3A_26] : memref<1x150xf32, #tpu.memory_space<vmem>>, vector<1x150xf32>
    %add3A_28 = vector.broadcast %get3A_27 : vector<1x150xf32> to vector<1024x150xf32>
    %add3A_29 = arith.addf %dot_general3A_24, %add3A_28 : vector<1024x150xf32>
    %slice3A_30 = vector.extract_strided_slice %add3A_19 {offsets = [0, 0], sizes = [1024, 50], strides = [1, 1]} : vector<1024x150xf32> to vector<1024x50xf32>
    %slice3A_31 = vector.extract_strided_slice %add3A_29 {offsets = [0, 0], sizes = [1024, 50], strides = [1, 1]} : vector<1024x150xf32> to vector<1024x50xf32>
    %add3A_32 = arith.addf %slice3A_30, %slice3A_31 : vector<1024x50xf32>
    %logistic3A = arith.negf %add3A_32 : vector<1024x50xf32>
    %logistic3A_33 = math.exp %logistic3A : vector<1024x50xf32>
    %logistic3A_34 = arith.constant 1.000000e+00 : f32
    %logistic3A_35 = vector.broadcast %logistic3A_34 : f32 to vector<1024x50xf32>
    %logistic3A_36 = arith.addf %logistic3A_35, %logistic3A_33 : vector<1024x50xf32>
    %logistic3A_37 = arith.divf %logistic3A_35, %logistic3A_36 : vector<1024x50xf32>
    %slice3A_38 = vector.extract_strided_slice %add3A_19 {offsets = [0, 50], sizes = [1024, 50], strides = [1, 1]} : vector<1024x150xf32> to vector<1024x50xf32>
    %slice3A_39 = vector.extract_strided_slice %add3A_29 {offsets = [0, 50], sizes = [1024, 50], strides = [1, 1]} : vector<1024x150xf32> to vector<1024x50xf32>
    %add3A_40 = arith.addf %slice3A_38, %slice3A_39 : vector<1024x50xf32>
    %logistic3A_41 = arith.negf %add3A_40 : vector<1024x50xf32>
    %logistic3A_42 = math.exp %logistic3A_41 : vector<1024x50xf32>
    %logistic3A_43 = arith.constant 1.000000e+00 : f32
    %logistic3A_44 = vector.broadcast %logistic3A_43 : f32 to vector<1024x50xf32>
    %logistic3A_45 = arith.addf %logistic3A_44, %logistic3A_42 : vector<1024x50xf32>
    %logistic3A_46 = arith.divf %logistic3A_44, %logistic3A_45 : vector<1024x50xf32>
    %slice3A_47 = vector.extract_strided_slice %add3A_19 {offsets = [0, 100], sizes = [1024, 50], strides = [1, 1]} : vector<1024x150xf32> to vector<1024x50xf32>
    %slice3A_48 = vector.extract_strided_slice %add3A_29 {offsets = [0, 100], sizes = [1024, 50], strides = [1, 1]} : vector<1024x150xf32> to vector<1024x50xf32>
    %mul3A = arith.mulf %logistic3A_37, %slice3A_48 : vector<1024x50xf32>
    %add3A_49 = arith.addf %slice3A_47, %mul3A : vector<1024x50xf32>
    %tanh3A = math.tanh %add3A_49 : vector<1024x50xf32>
    %sub3A = arith.constant 1.000000e+00 : f32
    %sub3A_50 = vector.broadcast %sub3A : f32 to vector<1024x50xf32>
    %sub3A_51 = arith.subf %sub3A_50, %logistic3A_46 : vector<1024x50xf32>
    %mul3A_52 = arith.mulf %sub3A_51, %tanh3A : vector<1024x50xf32>
    %mul3A_53 = arith.mulf %logistic3A_46, %get3A_10 : vector<1024x50xf32>
    %add3A_54 = arith.addf %mul3A_52, %mul3A_53 : vector<1024x50xf32>
    %reduce_sum3A_55 = arith.constant dense<0.000000e+00> : vector<1024xf32>
    %reduce_sum3A_56 = vector.multi_reduction <add>, %add3A_54, %reduce_sum3A_55 [1] : vector<1024x50xf32> to vector<1024xf32>
    %broadcast_in_dim3A_57 = vector.shape_cast %reduce_sum3A_56 : vector<1024xf32> to vector<1024x1xf32>
    %div3A_58 = arith.constant 5.000000e+01 : f32
    %div3A_59 = vector.broadcast %div3A_58 : f32 to vector<1024x1xf32>
    %div3A_60 = arith.divf %broadcast_in_dim3A_57, %div3A_59 : vector<1024x1xf32>
    %sub3A_61 = vector.broadcast %div3A_60 : vector<1024x1xf32> to vector<1024x50xf32>
    %sub3A_62 = arith.subf %add3A_54, %sub3A_61 : vector<1024x50xf32>
    %sub3A_63 = vector.broadcast %div3A_60 : vector<1024x1xf32> to vector<1024x50xf32>
    %sub3A_64 = arith.subf %add3A_54, %sub3A_63 : vector<1024x50xf32>
    %mul3A_65 = arith.mulf %sub3A_62, %sub3A_64 : vector<1024x50xf32>
    %reduce_sum3A_66 = arith.constant dense<0.000000e+00> : vector<1024xf32>
    %reduce_sum3A_67 = vector.multi_reduction <add>, %mul3A_65, %reduce_sum3A_66 [1] : vector<1024x50xf32> to vector<1024xf32>
    %broadcast_in_dim3A_68 = vector.shape_cast %reduce_sum3A_67 : vector<1024xf32> to vector<1024x1xf32>
    %div3A_69 = arith.constant 5.000000e+01 : f32
    %div3A_70 = vector.broadcast %div3A_69 : f32 to vector<1024x1xf32>
    %div3A_71 = arith.divf %broadcast_in_dim3A_68, %div3A_70 : vector<1024x1xf32>
    %sub3A_72 = vector.broadcast %div3A_60 : vector<1024x1xf32> to vector<1024x50xf32>
    %sub3A_73 = arith.subf %add3A_54, %sub3A_72 : vector<1024x50xf32>
    %add3A_74 = arith.constant 9.99999974E-6 : f32
    %add3A_75 = vector.broadcast %add3A_74 : f32 to vector<1024x1xf32>
    %add3A_76 = arith.addf %div3A_71, %add3A_75 : vector<1024x1xf32>
    %sqrt3A = math.sqrt %add3A_76 : vector<1024x1xf32>
    %div3A_77 = vector.broadcast %sqrt3A : vector<1024x1xf32> to vector<1024x50xf32>
    %div3A_78 = arith.divf %sub3A_73, %div3A_77 : vector<1024x50xf32>
    %get3A_79 = arith.constant 0 : index
    %get3A_80 = arith.constant 0 : index
    %get3A_81 = vector.load %arg6[%get3A_79, %get3A_80] : memref<1x50xf32, #tpu.memory_space<vmem>>, vector<1x50xf32>
    %mul3A_82 = vector.broadcast %get3A_81 : vector<1x50xf32> to vector<1024x50xf32>
    %mul3A_83 = arith.mulf %div3A_78, %mul3A_82 : vector<1024x50xf32>
    %get3A_84 = arith.constant 0 : index
    %get3A_85 = arith.constant 0 : index
    %get3A_86 = vector.load %arg7[%get3A_84, %get3A_85] : memref<1x50xf32, #tpu.memory_space<vmem>>, vector<1x50xf32>
    %add3A_87 = vector.broadcast %get3A_86 : vector<1x50xf32> to vector<1024x50xf32>
    %add3A_88 = arith.addf %mul3A_83, %add3A_87 : vector<1024x50xf32>
    %get3A_89 = arith.constant 0 : index
    %get3A_90 = arith.constant 0 : index
    %get3A_91 = vector.load %arg8[%get3A_89, %get3A_90] : memref<50x64xf32, #tpu.memory_space<vmem>>, vector<50x64xf32>
    %dot_general3A_92 = arith.constant dense<0.000000e+00> : vector<1024x64xf32>
    %dot_general3A_93 = tpu.matmul %add3A_88, %get3A_91, %dot_general3A_92 {dimension_numbers = #tpu.dot_dimension_numbers<[1], [0], [0], [1], [0, 0, 1, 1], [], []>, transpose_lhs_hint = false} : vector<1024x50xf32>, vector<50x64xf32>, vector<1024x64xf32> -> vector<1024x64xf32>
    %get3A_94 = arith.constant 0 : index
    %get3A_95 = arith.constant 0 : index
    %get3A_96 = vector.load %arg9[%get3A_94, %get3A_95] : memref<1x64xf32, #tpu.memory_space<vmem>>, vector<1x64xf32>
    %add3A_97 = vector.broadcast %get3A_96 : vector<1x64xf32> to vector<1024x64xf32>
    %add3A_98 = arith.addf %dot_general3A_93, %add3A_97 : vector<1024x64xf32>
    %max3A = arith.constant 0.000000e+00 : f32
    %max3A_99 = vector.broadcast %max3A : f32 to vector<1024x64xf32>
    %max3A_100 = arith.maximumf %add3A_98, %max3A_99 : vector<1024x64xf32>
    %get3A_101 = arith.constant 0 : index
    %get3A_102 = arith.constant 0 : index
    %get3A_103 = vector.load %arg10[%get3A_101, %get3A_102] : memref<64x50xf32, #tpu.memory_space<vmem>>, vector<64x50xf32>
    %dot_general3A_104 = arith.constant dense<0.000000e+00> : vector<1024x50xf32>
    %dot_general3A_105 = tpu.matmul %max3A_100, %get3A_103, %dot_general3A_104 {dimension_numbers = #tpu.dot_dimension_numbers<[1], [0], [0], [1], [0, 0, 1, 1], [], []>, transpose_lhs_hint = false} : vector<1024x64xf32>, vector<64x50xf32>, vector<1024x50xf32> -> vector<1024x50xf32>
    %get3A_106 = arith.constant 0 : index
    %get3A_107 = arith.constant 0 : index
    %get3A_108 = vector.load %arg11[%get3A_106, %get3A_107] : memref<1x50xf32, #tpu.memory_space<vmem>>, vector<1x50xf32>
    %add3A_109 = vector.broadcast %get3A_108 : vector<1x50xf32> to vector<1024x50xf32>
    %add3A_110 = arith.addf %dot_general3A_105, %add3A_109 : vector<1024x50xf32>
    %add3A_111 = arith.addf %get3A_10, %add3A_110 : vector<1024x50xf32>
    %swap3A = arith.constant 0 : index
    %swap3A_112 = arith.constant 0 : index
    %swap3A_113 = vector.load %arg12[%swap3A, %swap3A_112] : memref<1024x50xf32, #tpu.memory_space<vmem>>, vector<1024x50xf32>
    tpu.vector_store %arg12[%swap3A, %swap3A_112], %add3A_111 {strides = array<i32>} : memref<1024x50xf32, #tpu.memory_space<vmem>>, vector<1024x50xf32>,
    return
  }
}

</mosaic_0001>

<sc_bundles>
// kernel: kernel.6.cloned.1.call-start
scs
__scs_entry_jumppad:
0x0: {  	(pc) =	sbr.rel $0x88, $3  }
0x1: {  	(tag) =	ssettag $0x0;
	lr =	simm.s32 $0x1  }
0x2: {  	[smem:$0x3F8B] =	sst lr;
	_ =	strace $0xD0000000  }
0x3: {  	_ = 	snop  }
0x4: {  	_ = 	snop  }
0x5: {  	_ = 	snop  }
0x6: {  	_ = 	snop  }
0x7: {  	_ = 	snop  }
__scs_overlays_trampoline_lowered:
0x8: {  	[smem:$0x3F9A] =	sst s0  }
0x9: {  	[smem:$0x3F9B] =	sst s1  }
0xa: {  	[smem:$0x3F9C] =	sst s2  }
0xb: {  	[smem:$0x3F9D] =	sst s3  }
0xc: {  	[smem:$0x3F9E] =	sst s4  }
0xd: {  	[smem:$0x3F9F] =	sst s5  }
0xe: {  	[smem:$0x3FA0] =	sst s6  }
0xf: {  	[smem:$0x3FA1] =	sst s7  }
0x10: {  	[smem:$0x3FA2] =	sst s8  }
0x11: {  	[smem:$0x3FA3] =	sst s9;
	s0 =	simm.s32 @!p0 $0x0  }
0x12: {  	s1 =	sld [smem:$0x3F89];
	s0 =	simm.s32 @p0 $0x1  }
0x13: {  	[smem:$0x3FA4] =	sst s0;
	s0 =	simm.s32 @!p1 $0x0  }
0x14: {  	s2 =	sld [smem:$0x3F88];
	s0 =	simm.s32 @p1 $0x1  }
0x15: {  	[smem:$0x3FA5] =	sst s0;
	s0 =	simm.s32 @!p2 $0x0  }
0x16: {  	s3 =	sld [smem:$0x3FDB];
	s0 =	simm.s32 @p2 $0x1  }
0x17: {  	s4 =	simm.s32 $0x1BF5;
	[smem:$0x3FA7] =	sst s0  }
0x18: {  	s0 =	sld [smem:$0x3F8A];
	_ =	swait.ge [sflag:s4], $0x0  }
0x19: {  	s7 =	sld [smem:$0x3F8B]  }
0x1a: {  	s8 =	sadd.s32 $0xFFFFE003, lr  }
0x1b: {  	s9 =	sadd.s32 $0xFFFFFEF7, lr;
	s5 =	simm.s32 $0xFFFFFFFF;
	p2 =	slt.u32 s8, $0xFFFFF086  }
0x1c: {  	p1 =	slt.u32 s9, $0xF7A;
	s5 =	simm.s32 @!p2 $0x0  }
0x1d: {  	s5 =	simm.s32 @p1 $0x1;
	p0 =	seq.s32 s7, s2  }
0x1e: {  	s7 =	smul.u32 @!p0 $0xF7A, s2;
	p2 =	seq.s32 @!p0 s5, $0x0  }
0x1f: {  	s9 =	smul.u32 $0xF7A, s1;
	s8 =	simm.s32 @!p0 $0x1BF5;
	p2 =	por !p2, p0  }
0x20: {  	[sflag:s8] =	ssyncset.s32 @!p0 $0xFFFFF086;
	s6 =	sadd.s32 @!p0 s3, s7;
	s7 =	simm.s32 @!p0 $0x108  }
0x21: {  	s3 =	sadd.s32 s3, s9;
	s6 =	sadd.s32 @!p0 $0x88, s6;
	s7 =	simm.s32 @p2 $0x1082  }
0x22: {  	[simem:s7], [sflag:s8] =	dma.local @!p0 [hbm:s6], $0xF7A  }
0x23: {  	s9 =	sor.u32 $0xD0000000, s2;
	s6 =	simm.s32 $0x108;
	_ =	swait.ge @!p0 [sflag:s8], $0x0  }
0x24: {  	s3 =	sadd.s32 $0x88, s3;
	s6 =	simm.s32 @!p1 $0x1082;
	[sflag:s4] =	ssyncset.s32 $0xFFFFF086  }
0x25: {  	[simem:s6], [sflag:s4] =	dma.local [hbm:s3], $0xF7A  }
0x26: {  	[smem:$0x3F8B] =	sst s1;
	(tag) =	ssettag s2;
	_ =	strace s9  }
0x27: {  	s1 =	sld [smem:$0x3F9B]  }
0x28: {  	s2 =	sld [smem:$0x3F9C]  }
0x29: {  	s4 =	sld [smem:$0x3F9E]  }
0x2a: {  	p0 =	seq.s32 s5, $0x0;
	s5 =	sld [smem:$0x3F9F]  }
0x2b: {  	s6 =	sld [smem:$0x3FA0]  }
0x2c: {  	s7 =	sld [smem:$0x3FA1]  }
0x2d: {  	s3 =	simm.s32 $0x108;
	s8 =	sld [smem:$0x3FA2]  }
0x2e: {  	s3 =	simm.s32 @!p0 $0x1082;
	s9 =	sld [smem:$0x3FA3]  }
0x2f: {  	lr =	sadd.s32 s0, s3;
	s0 =	sld [smem:$0x3F9A]  }
0x30: {  	s3 =	sld [smem:$0x3F9D]  }
0x31: {  	[smem:$0x3FA6] =	sst s10  }
0x32: {  	s10 =	sld [smem:$0x3FA4];
	_ =	sdelay $0x3  }
0x33: {  	p0 =	seq.s32 s10, $0x1;
	s10 =	sld [smem:$0x3FA6];
	_ =	sdelay $0x3  }
0x34: {  	[smem:$0x3FA6] =	sst s10  }
0x35: {  	s10 =	sld [smem:$0x3FA5];
	_ =	sdelay $0x3  }
0x36: {  	p1 =	seq.s32 s10, $0x1;
	s10 =	sld [smem:$0x3FA6];
	_ =	sdelay $0x3  }
0x37: {  	[smem:$0x3FA6] =	sst s10  }
0x38: {  	s10 =	sld [smem:$0x3FA7]  }
0x39: {  	_ = 	snop;
	(pc) =	sbr.ind lr, $3  }
0x3a: {  	_ = 	snop  }
0x3b: {  	_ = 	snop  }
0x3c: {  	p2 =	seq.s32 s10, $0x1;
	s10 =	sld [smem:$0x3FA6]  }
0x3d: {  	_ =	shalt  }
0x3e: {  	_ =	shalt  }
0x3f: {  	_ =	shalt  }
0x40: {  	_ =	shalt  }
0x41: {  	_ =	shalt  }
0x42: {  	_ =	shalt  }
0x43: {  	_ =	shalt  }
0x44: {  	_ =	shalt  }
0x45: {  	_ =	shalt  }
0x46: {  	_ =	shalt  }
0x47: {  	_ =	shalt  }
0x48: {  	_ =	shalt  }
0x49: {  	_ =	shalt  }
0x4a: {  	_ =	shalt  }
0x4b: {  	_ =	shalt  }
0x4c: {  	_ =	shalt  }
0x4d: {  	_ =	shalt  }
0x4e: {  	_ =	shalt  }
0x4f: {  	_ =	shalt  }
0x50: {  	_ =	shalt  }
0x51: {  	_ =	shalt  }
0x52: {  	_ =	shalt  }
0x53: {  	_ =	shalt  }
0x54: {  	_ =	shalt  }
0x55: {  	_ =	shalt  }
0x56: {  	_ =	shalt  }
0x57: {  	_ =	shalt  }
0x58: {  	_ =	shalt  }
0x59: {  	_ =	shalt  }
0x5a: {  	_ =	shalt  }
0x5b: {  	_ =	shalt  }
0x5c: {  	_ =	shalt  }
0x5d: {  	_ =	shalt  }
0x5e: {  	_ =	shalt  }
0x5f: {  	_ =	shalt  }
0x60: {  	_ =	shalt  }
0x61: {  	_ =	shalt  }
0x62: {  	_ =	shalt  }
0x63: {  	_ =	shalt  }
0x64: {  	_ =	shalt  }
0x65: {  	_ =	shalt  }
0x66: {  	_ =	shalt  }
0x67: {  	_ =	shalt  }
0x68: {  	_ =	shalt  }
0x69: {  	_ =	shalt  }
0x6a: {  	_ =	shalt  }
0x6b: {  	_ =	shalt  }
0x6c: {  	_ =	shalt  }
0x6d: {  	_ =	shalt  }
0x6e: {  	_ =	shalt  }
0x6f: {  	_ =	shalt  }
0x70: {  	_ =	shalt  }
0x71: {  	_ =	shalt  }
0x72: {  	_ =	shalt  }
0x73: {  	_ =	shalt  }
0x74: {  	_ =	shalt  }
0x75: {  	_ =	shalt  }
0x76: {  	_ =	shalt  }
0x77: {  	_ =	shalt  }
0x78: {  	_ =	shalt  }
0x79: {  	_ =	shalt  }
0x7a: {  	_ =	shalt  }
0x7b: {  	_ =	shalt  }
0x7c: {  	_ =	shalt  }
0x7d: {  	_ =	shalt  }
0x7e: {  	_ =	shalt  }
0x7f: {  	_ =	shalt  }
0x80: {  	_ =	shalt  }
0x81: {  	_ =	shalt  }
0x82: {  	_ =	shalt  }
0x83: {  	_ =	shalt  }
0x84: {  	_ =	shalt  }
0x85: {  	_ =	shalt  }
0x86: {  	_ =	shalt  }
0x87: {  	_ =	shalt  }
.Lfunc_end0:
.L_simem_size_0:
called_computation_lowered:
.L_overlay_start_0:
0x88: {  	s2 =	sld [smem:$0x3FD9]  }
0x89: {  	s3 =	sld [smem:$0x3FFE];
	_ =	sdelay $0x1  }
0x8a: {  	s1 =	srdreg.scid  }
0x8b: {  	s0 =	sand.u32 $0x1, s1  }
0x8c: {  	s17 =	sshll.u32 s0, $0xA;
	s2 =	sadd.s32 s3, s2  }
0x8d: {  	s2 =	sadd.s32 s2, s17  }
0x8e: {  	[smem:$0x3FB2] =	sst s2  }
0x8f: {  	_ = 	snop  }
0x90: {  	s2 =	sld [smem:$0x3FC5]  }
0x91: {  	s18 =	sld [smem:$0x3FC4]  }
0x92: {  	s4 =	sld [smem:$0x3FD0];
	(tm) =	ssettm $0x1  }
0x93: {  	s5 =	sld [smem:$0x3FFB];
	_ =	sdelay $0x3  }
0x94: {  	_ =	strace s5  }
0x95: {  	s5 =	sld [smem:$0x3FFC];
	_ =	sdelay $0x3  }
0x96: {  	_ =	strace s5  }
0x97: {  	s5 =	sld [smem:$0x3FFD];
	_ =	sdelay $0x3  }
0x98: {  	_ =	strace s5  }
0x99: {  	_ =	strace $0x8FFFFFFF  }
0x9a: {  	s19 =	sld [smem:$0x3FDB];
	_ =	sdelay $0x1  }
0x9b: {  	s6 =	simm.s32 $_scs_section_size  }
0x9c: {  	s7 =	simm.s32 $_size__tile_overlayer_lowered;
	s8 =	simm.s32 $_tile_overlayer_lowered  }
0x9d: {  	s22 =	simm.s32 $0x1BFF;
	s21 =	sshll.u32 s8, $0x1;
	s5 =	sadd.s32 s6, s19  }
0x9e: {  	s9 =	simm.s32 $0x0;
	s20 =	sshll.u32 s7, $0x1;
	s7 =	sadd.s32 s21, s5  }
0x9f: {  	[timem:s9], [sflag:s22] =	dma.local [hbm:s7], s20  }
0xa0: {  	_ =	swait.ge [sflag:s22], s20  }
0xa1: {  	s6 =	ssub.s32 $0x0, s20;
	[sflag:s22] =	ssyncset.done $0x0  }
0xa2: {  	[sflag:s22] =	ssyncadd.s32 s6;
	_ =	sdelay $0x1  }
0xa3: {  	s23 =	simm.s32 $0x1B8B  }
0xa4: {  	_ =	swait.ge [sflag:s23], $0x1  }
0xa5: {  	[sflag:s23] =	ssyncset.done $0x0  }
0xa6: {  	s25 =	simm.s32 $0x1B8E;
	s24 =	sld [smem:$0x3FFE];
	[sflag:s23] =	ssyncadd.s32 $0xFFFFFFFF  }
0xa7: {  	s26 =	simm.s32 $execute0_lowered;
	[smem:$0x3FD2] =	sst s25  }
0xa8: {  	s7 =	sshll.u32 s26, $0x1;
	_ =	strace $0x80000046;
	[dreg:$0x1] =	wrdreg $0xFFFFFFFF  }
0xa9: {  	s28 =	simm.s32 $_size_execute0_lowered;
	s5 =	sadd.s32 s5, s7;
	[dreg:$0x0] =	wrdreg $0x0  }
0xaa: {  	s7 =	sshll.u32 s28, $0x1;
	[dreg:$0x2] =	wrdreg s5  }
0xab: {  	[dreg:$0x3] =	wrdreg s7  }
0xac: {  	[dreg:$0x4] =	wrdreg $0xC0  }
0xad: {  	_ =	task [dreg:s9], $0x5FFFF  }
0xae: {  	[dreg:$0x1] =	wrdreg $0xFFFFFFFF  }
0xaf: {  	[dreg:$0x0] =	wrdreg $0x60  }
0xb0: {  	[dreg:$0x2] =	wrdreg s24  }
0xb1: {  	[dreg:$0x3] =	wrdreg s4  }
0xb2: {  	[dreg:$0x4] =	wrdreg s2  }
0xb3: {  	[dreg:$0x5] =	wrdreg s18  }
0xb4: {  	[dreg:$0x6] =	wrdreg $0x9  }
0xb5: {  	_ =	task.clear_ibuf [dreg:s9], $0x7FFFF;
	_ =	strace $0x90000046  }
0xb6: {  	s29 =	simm.s32 $0x9;
	_ =	strace $0x80000048  }
0xb7: {  	_ =	swait.ge [sflag:s29], $0x1  }
0xb8: {  	[sflag:s29] =	ssyncadd.s32 $0xFFFFFFFF  }
0xb9: {  	_ =	strace $0x90000048  }
0xba: {  	_ =	sfence  }
0xbb: {  	s30 =	sld [smem:$0x0];
	_ =	sdelay $0x2  }
0xbc: {  	s31 =	sshll.u32 s1, $0xD;
	s1 =	sshrl.u32 s1, $0x2  }
0xbd: {  	s3 =	sand.u32 $0x4000, s31;
	s1 =	sadd.s32 s1, s30  }
0xbe: {  	s0 =	sor.u32 s3, s0;
	s1 =	sshll.u32 s1, $0x11  }
0xbf: {  	s0 =	sor.u32 s1, s0  }
0xc0: {  	s0 =	sadd.s32 $0x8F2B, s0  }
0xc1: {  	[sflag:s0] =	ssyncadd.remote.s32 $0x1  }
0xc2: {  	_ =	sfence.sel $0xFFFF  }
0xc3: {  	[dreg:$0x0] =	wrdreg $0xFFFFFFFF;
	(pc) =	sbr.abs _section_cstart, $3  }
0xc4: {  	[dreg:$0x1] =	wrdreg $0xFFFFFFFF  }
0xc5: {  	_ =	task.clear_ibuf [dreg:s9], $0x2FFFF;
	_ =	strace $0x9FFFFFFF  }
0xc6: {  	(tm) =	ssettm $0x7FFFFFFF  }
0xc7: {  	_ =	shalt  }
tec
execute0_lowered:
.L_overlay_start_1:
0x0: {  	(tag) =	ssettag $0x1  }
0x1: {  	v0 =	vlaneseq.u32  }
0x2: {  	v50 =	vmul.u32 $0x18, v0;
	_ =	sdelay $0x1  }
0x3: {  	v1 =	vor.u32 $0x3, v50  }
0x4: {  	[tilespmem:$0x1FEF0] =	vst v1;
	v1 =	vor.u32 $0x4, v50  }
0x5: {  	[tilespmem:$0x1FF00] =	vst v1;
	v1 =	vor.u32 $0x5, v50  }
0x6: {  	[tilespmem:$0x1FF10] =	vst v1;
	v1 =	vor.u32 $0x6, v50  }
0x7: {  	[tilespmem:$0x1FF20] =	vst v1;
	v1 =	vor.u32 $0x7, v50  }
0x8: {  	[tilespmem:$0x1FF30] =	vst v1;
	v1 =	vadd.s32 $0x8, v50  }
0x9: {  	[tilespmem:$0x1FF40] =	vst v1;
	v1 =	vadd.s32 $0x9, v50  }
0xa: {  	v0 =	vimm.f32 $0.0e+00;
	[tilespmem:$0x1FF50] =	vst v1;
	v1 =	vadd.s32 $0xA, v50  }
0xb: {  	v18 =	vadd.s32 $0x18A, v50;
	v19 =	vadd.s32 $0x18B, v50;
	[tilespmem:$0x1FF60] =	vst v1;
	v1 =	vadd.s32 $0xB, v50  }
0xc: {  	v20 =	vadd.s32 $0x18C, v50;
	v21 =	vadd.s32 $0x303, v50;
	[tilespmem:$0x1FF70] =	vst v1;
	v1 =	vadd.s32 $0xC, v50  }
0xd: {  	v22 =	vadd.s32 $0x304, v50;
	v23 =	vadd.s32 $0x305, v50;
	[tilespmem:$0x1FF80] =	vst v1;
	v1 =	vadd.s32 $0x183, v50  }
0xe: {  	v24 =	vadd.s32 $0x306, v50;
	v25 =	vadd.s32 $0x307, v50;
	[tilespmem:$0x1FF90] =	vst v1;
	v1 =	vadd.s32 $0x184, v50  }
0xf: {  	s0 =	rddreg [dreg:$0x0];
	v26 =	vadd.s32 $0x308, v50;
	v27 =	vadd.s32 $0x309, v50;
	[tilespmem:$0x1FFA0] =	vst v1;
	v1 =	vadd.s32 $0x185, v50  }
0x10: {  	s1 =	srdreg.scid;
	s2 =	stileid.u32;
	v28 =	vadd.s32 $0x30A, v50;
	v29 =	vadd.s32 $0x30B, v50;
	[tilespmem:$0x1FFB0] =	vst v1;
	v1 =	vadd.s32 $0x186, v50  }
0x11: {  	s3 =	simm.s32 $0x0;
	s1 =	sand.u32 $0x1, s1;
	s2 =	sshll.u32 s2, $0x1;
	v30 =	vadd.s32 $0x30C, v50;
	v31 =	vadd.s32 $0x483, v50;
	[tilespmem:$0x1FFC0] =	vst v1;
	v1 =	vadd.s32 $0x187, v50  }
0x12: {  	s28 =	simm.s32 $0x3F20;
	[smem:$0x7FF] =	sst s3;
	s2 =	sor.u32 s1, s2;
	v32 =	vadd.s32 $0x484, v50;
	v33 =	vadd.s32 $0x485, v50;
	[tilespmem:$0x1FFD0] =	vst v1;
	v1 =	vadd.s32 $0x188, v50  }
0x13: {  	s1 =	ssub.s32 $0x2, s1;
	s30 =	sshll.u32 s2, $0xD;
	v34 =	vadd.s32 $0x486, v50;
	v35 =	vadd.s32 $0x487, v50;
	s2 =	smul.u32 $0xC350, s2;
	[tilespmem:$0x1FFE0] =	vst v1;
	v1 =	vadd.s32 $0x189, v50  }
.Ltmp0:
0x14: {  	s29 =	sadd.s32 $0x2A00, s0;
	s4 =	sshrl.u32 s1, $0x1;
	v36 =	vadd.s32 $0x488, v50;
	v37 =	vadd.s32 $0x489, v50;
	v38 =	vadd.s32 $0x48A, v50;
	[tilespmem:$0x1FFF0] =	vst v1;
	(pc) =	sbr.rel .LBB2_1-.Ltmp0, $4  }
0x15: {  	v39 =	vadd.s32 $0x48B, v50;
	v40 =	vadd.s32 $0x48C, v50;
	v41 =	vor.u32 $0x603, v50;
	s0 =	sadd.s32 s30, s0;
	_ =	strace $0x80000047;
	[dreg:$0x5] =	wrdreg s29  }
0x16: {  	v42 =	vor.u32 $0x604, v50;
	v43 =	vor.u32 $0x605, v50;
	v44 =	vor.u32 $0x606, v50;
	s1 =	ssub.s32 s1, s4;
	s0 =	sadd.s32 $0xC6000, s0;
	[dreg:$0x6] =	wrdreg s2  }
0x17: {  	s16 =	simm.s32 $0x37A0;
	v45 =	vor.u32 $0x607, v50;
	v46 =	vadd.s32 $0x608, v50;
	v47 =	vadd.s32 $0x609, v50;
	s31 =	smax.u32 s1, $0x1;
	[dreg:$0x7] =	wrdreg s0  }
0x18: {  	v48 =	vadd.s32 $0x60A, v50;
	v49 =	vadd.s32 $0x60B, v50;
	s1 =	simm.s32 $0x0;
	v50 =	vadd.s32 $0x60C, v50;
	[dreg:$0x8] =	wrdreg s31;
	s2 =	simm.s32 $0x0  }
.LBB2_14:
0x19: {  	s1 =	simm.s32 $0x0  }
0x1a: {  	s0 =	rddreg [dreg:$0x7];
	s2 =	simm.s32 $0x9F20;
	s26 =	simm.s32 $0x3  }
0x1b: {  	[hbm4b:s0+s1] =	stream.linear.scatter [tilespmem:s2], [sflag:$0x3], $0x10000, $0x38;
	[tilespmem:$0x19F20] =	vst v63  }
0x1c: {  	_ =	swait.ge [sflag:s26], $0x10000  }
0x1d: {  	s29 =	rddreg [dreg:$0x9]  }
0x1e: {  	s30 =	rddreg [dreg:$0x8];
	s2 =	sadd.s32 $0x1, s29  }
0x1f: {  	p0 =	sne.s32 s2, s30  }
.Ltmp1:
0x20: {  	_ = 	snop;
	(pc) =	sbr.rel @!p0 .LBB2_15-.Ltmp1, $3  }
0x21: {  	_ =	sdelay $0x1  }
0x22: {  	s31 =	simm.s32 $0x3;
	[sflag:s26] =	ssyncset.done $0x0  }
0x23: {  	[sflag:s31] =	ssyncadd.s32 $0xFFFF0000  }
.LBB2_1:
0x24: {  	[dreg:$0x9] =	wrdreg s2  }
0x25: {  	s31 =	simm.s32 $0x3;
	s0 =	rddreg [dreg:$0x1]  }
0x26: {  	[tilespmem:s28], [sflag:$0x3] =	stream.linear.gather [hbm4b:s0+s1], $0x6000, $0x38;
	[tilespmem:$0x19F20] =	vst v63  }
0x27: {  	_ =	swait.ge [sflag:s31], $0x6000  }
0x28: {  	[sflag:s31] =	ssyncset.done $0x0  }
0x29: {  	s1 =	simm.s32 $0x100;
	s0 =	simm.s32 $0x0;
	[sflag:s31] =	ssyncadd.s32 $0xFFFFA000  }
.LBB2_2:
0x2a: {  	p0 =	sne.s32 s1, $0x3FF00;
	[tilespmem:s0+$0x9F50] =	vst v0;
	s2 =	smov.u32 s1;
	s1 =	sadd.s32 $0x100, s1  }
.Ltmp2:
0x2b: {  	[tilespmem:s0+$0x9F40] =	vst v0;
	(pc) =	sbr.rel @p0 .LBB2_2-.Ltmp2, $3  }
0x2c: {  	[tilespmem:s0+$0x9F20] =	vst v0  }
0x2d: {  	[tilespmem:s0+$0x9F30] =	vst v0;
	_ =	sdelay $0x1  }
0x2e: {  	s0 =	sshra.s32 s2, $0x2  }
.Ltmp3:
0x2f: {  	(pc) =	sbr.rel .LBB2_4-.Ltmp3, $4  }
0x30: {  	[tilespmem:s0+$0x9F50] =	vst v0  }
0x31: {  	[tilespmem:s0+$0x9F40] =	vst v0  }
0x32: {  	[tilespmem:s0+$0x9F20] =	vst v0  }
0x33: {  	[tilespmem:s0+$0x9F30] =	vst v0;
	s0 =	simm.s32 $0x0  }
.LBB2_13:
0x34: {  	s0 =	rddreg [dreg:$0xa]  }
0x35: {  	s0 =	sadd.s32 $0x1, s0  }
0x36: {  	p0 =	sne.s32 s0, $0x19  }
.Ltmp4:
0x37: {  	_ = 	snop;
	(pc) =	sbr.rel @!p0 .LBB2_14-.Ltmp4, $1  }
0x38: {  	_ =	sdelay $0x3  }
.LBB2_4:
0x39: {  	s23 =	smul.u32 $0x7D0, s0  }
0x3a: {  	s1 =	rddreg [dreg:$0x6]  }
0x3b: {  	[dreg:$0xa] =	wrdreg s0;
	s0 =	sadd.s32 s1, s23  }
0x3c: {  	s24 =	rddreg [dreg:$0x2];
	s0 =	sshrl.u32 s0, $0x3  }
0x3d: {  	s3 =	simm.s32 $0x0;
	s2 =	simm.s32 $0x3;
	s1 =	sadd.s32 s24, s0  }
0x3e: {  	[tilespmem:s3], [sflag:$0x3] =	stream.linear.gather [hbm4b:s1+s3], $0x7D0, $0x38;
	[tilespmem:$0x19F20] =	vst v63  }
0x3f: {  	_ =	swait.ge [sflag:s2], $0x7D0  }
0x40: {  	[sflag:s2] =	ssyncset.done $0x0  }
0x41: {  	[sflag:s2] =	ssyncadd.s32 $0xFFFFF830  }
0x42: {  	s25 =	rddreg [dreg:$0x3]  }
0x43: {  	s26 =	simm.s32 $0x7D0;
	s0 =	sadd.s32 s25, s0  }
0x44: {  	[tilespmem:s26], [sflag:$0x3] =	stream.linear.gather [hbm4b:s0+s3], $0x7D0, $0x38;
	[tilespmem:$0x19F20] =	vst v63  }
.Ltmp5:
0x45: {  	_ = 	snop;
	(pc) =	sbr.rel .LBB2_5-.Ltmp5, $4  }
0x46: {  	_ =	swait.ge [sflag:s2], $0x7D0  }
0x47: {  	s30 =	simm.s32 $0x50;
	s31 =	simm.s32 $0xFA0;
	[sflag:s2] =	ssyncset.done $0x0  }
0x48: {  	s4 =	simm.s32 $0x0;
	s29 =	rddreg [dreg:$0x5];
	[sflag:s2] =	ssyncadd.s32 $0xFFFFF830  }
0x49: {  	[tilespmem:s31], [sflag:$0x1] =	stream.indirect.gather [hbm4b:s29+s30], $0x40, s3, s30, $0xb8;
	[tilespmem:$0x19F20] =	vst v63  }
.LBB2_11:
0x4a: {  	[tilespmem:s0+$0xFFFFFFE8] =	vst v51  }
0x4b: {  	[tilespmem:s0+$0x0] =	vst v52  }
0x4c: {  	[tilespmem:s0+$0x18] =	vst v53  }
0x4d: {  	[tilespmem:s0+$0x30] =	vst v54  }
0x4e: {  	[tilespmem:s0+$0xFFFFFFA0] =	vst v55  }
0x4f: {  	v1 =	vld [tilespmem:s23+$0x7D0]  }
0x50: {  	v4 =	vld [tilespmem:$0x1FEF0]  }
0x51: {  	v7 =	vld [tilespmem:$0x1FF00]  }
0x52: {  	v9 =	vld [tilespmem:$0x1FF10]  }
0x53: {  	v11 =	vld [tilespmem:$0x1FF20]  }
0x54: {  	v13 =	vld [tilespmem:$0x1FF30]  }
0x55: {  	v15 =	vld [tilespmem:$0x1FF40]  }
0x56: {  	v17 =	vld [tilespmem:s23+$0x7E0]  }
0x57: {  	v51 =	vld [tilespmem:$0x1FF50]  }
0x58: {  	v53 =	vld [tilespmem:$0x1FF60]  }
0x59: {  	v55 =	vld [tilespmem:$0x1FF70]  }
0x5a: {  	v56 =	vld [tilespmem:$0x1FF80]  }
0x5b: {  	v58 =	vld [tilespmem:$0x1FF90]  }
0x5c: {  	v61 =	vld [tilespmem:$0x1FFA0]  }
0x5d: {  	v63 =	vld [tilespmem:$0x1FFB0]  }
0x5e: {  	v4 =	vld.idx.msk [tilespmem:v4+s16+$0x0], $0xffff  }
0x5f: {  	v7 =	vld.idx.msk [tilespmem:v7+s16+$0x0], $0xffff  }
0x60: {  	v9 =	vld.idx.msk [tilespmem:v9+s16+$0x0], $0xffff  }
0x61: {  	v11 =	vld.idx.msk [tilespmem:v11+s16+$0x0], $0xffff  }
0x62: {  	v13 =	vld.idx.msk [tilespmem:v13+s16+$0x0], $0xffff  }
0x63: {  	v15 =	vld.idx.msk [tilespmem:v15+s16+$0x0], $0xffff  }
0x64: {  	v2 =	vmul.u32 $0x18, v1;
	v51 =	vld.idx.msk [tilespmem:v51+s16+$0x0], $0xffff  }
0x65: {  	v54 =	vmul.u32 $0x18, v17;
	v53 =	vld.idx.msk [tilespmem:v53+s16+$0x0], $0xffff  }
0x66: {  	v55 =	vld.idx.msk [tilespmem:v55+s16+$0x0], $0xffff  }
0x67: {  	v3 =	vor.u32 $0x1, v2;
	v56 =	vld.idx.msk [tilespmem:v56+s16+$0x0], $0xffff  }
0x68: {  	v5 =	vor.u32 $0x2, v2;
	v58 =	vld.idx.msk [tilespmem:v58+s16+$0x0], $0xffff  }
0x69: {  	v8 =	vor.u32 $0x3, v2;
	v61 =	vld.idx.msk [tilespmem:v61+s16+$0x0], $0xffff  }
0x6a: {  	v10 =	vor.u32 $0x4, v2;
	v6 =	vld.idx.msk [tilespmem:v2+s28+$0x0], $0xffff  }
0x6b: {  	v62 =	vadd.s32 $0x8, v2;
	v60 =	vld.idx.msk [tilespmem:v54+s28+$0x0], $0xffff  }
0x6c: {  	v57 =	vor.u32 $0x1, v54;
	v3 =	vld.idx.msk [tilespmem:v3+s28+$0x0], $0xffff  }
0x6d: {  	v5 =	vld.idx.msk [tilespmem:v5+s28+$0x0], $0xffff  }
0x6e: {  	v12 =	vor.u32 $0x5, v2;
	v8 =	vld.idx.msk [tilespmem:v8+s28+$0x0], $0xffff  }
0x6f: {  	v10 =	vld.idx.msk [tilespmem:v10+s28+$0x0], $0xffff  }
0x70: {  	v52 =	vld.idx.msk [tilespmem:v62+s28+$0x0], $0xffff;
	v62 =	vor.u32 $0x3, v54  }
0x71: {  	v4 =	vmul.f32 v6, v4;
	v6 =	vld.idx.msk [tilespmem:v57+s28+$0x0], $0xffff  }
0x72: {  	v57 =	vld.idx.msk [tilespmem:v63+s16+$0x0], $0xffff;
	v63 =	vor.u32 $0x4, v54  }
0x73: {  	v12 =	vld.idx.msk [tilespmem:v12+s28+$0x0], $0xffff;
	v3 =	vmul.f32 v3, v7;
	v4 =	vadd.f32 $0.0e+00, v4  }
0x74: {  	v14 =	vor.u32 $0x6, v2;
	v58 =	vmul.f32 v60, v58;
	v60 =	vld [tilespmem:$0x1FFC0]  }
0x75: {  	v3 =	vadd.f32 v3, v4;
	v4 =	vmul.f32 v5, v9;
	v5 =	vld.idx.msk [tilespmem:v62+s28+$0x0], $0xffff  }
0x76: {  	v59 =	vor.u32 $0x2, v54;
	v6 =	vmul.f32 v6, v61;
	v61 =	vld [tilespmem:$0x1FFD0]  }
0x77: {  	v62 =	vmul.f32 v8, v11;
	v8 =	vld.idx.msk [tilespmem:v63+s28+$0x0], $0xffff  }
0x78: {  	v1 =	vshll.u32 v1, $0x8;
	v16 =	vor.u32 $0x7, v2;
	v63 =	vld [tilespmem:$0x1FFE0];
	v3 =	vadd.f32 v4, v3  }
0x79: {  	v1 =	vshra.s32 v1, $0x2;
	v14 =	vld.idx.msk [tilespmem:v14+s28+$0x0], $0xffff  }
0x7a: {  	(v2sf) =	vpush v1, $0x0;
	v2 =	vadd.s32 $0x9, v2;
	v3 =	vadd.f32 v62, v3;
	v62 =	vld [tilespmem:$0x1FFF0]  }
0x7b: {  	(v2sf) =	vpush v1, $0x1;
	v7 =	vld.idx.msk [tilespmem:v59+s28+$0x0], $0xffff  }
0x7c: {  	(v2sf) =	vpush v1, $0x2;
	v59 =	vld.idx.msk [tilespmem:v60+s16+$0x0], $0xffff;
	v60 =	vor.u32 $0x5, v54  }
0x7d: {  	(v2sf) =	vpush v1, $0x3;
	v16 =	vld.idx.msk [tilespmem:v16+s28+$0x0], $0xffff  }
0x7e: {  	(v2sf) =	vpush v1, $0x4;
	v9 =	vadd.f32 $0.0e+00, v58;
	v58 =	vld.idx.msk [tilespmem:v61+s16+$0x0], $0xffff;
	v61 =	vor.u32 $0x6, v54  }
0x7f: {  	(v2sf) =	vpush v1, $0x5;
	v2 =	vld.idx.msk [tilespmem:v2+s28+$0x0], $0xffff;
	v11 =	vor.u32 $0x7, v54  }
0x80: {  	(v2sf) =	vpush v1, $0x6;
	v7 =	vmul.f32 v7, v57;
	v6 =	vadd.f32 v6, v9;
	v9 =	vld.idx.msk [tilespmem:v63+s16+$0x0], $0xffff  }
0x81: {  	(v2sf) =	vpush v1, $0x7;
	v57 =	vmul.f32 v10, v13;
	v10 =	vld.idx.msk [tilespmem:v60+s28+$0x0], $0xffff  }
0x82: {  	v13 =	vadd.s32 $0x8, v54;
	v6 =	vadd.f32 v7, v6;
	v5 =	vmul.f32 v5, v59;
	v7 =	vld.idx.msk [tilespmem:v62+s16+$0x0], $0xffff  }
0x83: {  	(v2sf) =	vpush v1, $0x8;
	v3 =	vadd.f32 v57, v3;
	v63 =	vmul.f32 v12, v15;
	v57 =	vld.idx.msk [tilespmem:v61+s28+$0x0], $0xffff  }
0x84: {  	v11 =	vld.idx.msk [tilespmem:v11+s28+$0x0], $0xffff;
	v60 =	vadd.s32 $0x9, v54;
	v5 =	vadd.f32 v5, v6;
	v58 =	vmul.f32 v8, v58  }
0x85: {  	(v2sf) =	vpush v1, $0x9;
	v59 =	vld.idx.msk [tilespmem:v18+s16+$0x0], $0xffff;
	v3 =	vadd.f32 v63, v3  }
0x86: {  	v63 =	vld.idx.msk [tilespmem:v19+s16+$0x0], $0xffff;
	v61 =	vmul.f32 v14, v51;
	v62 =	vmul.f32 v10, v9;
	v5 =	vadd.f32 v58, v5  }
0x87: {  	(v2sf) =	vpush v1, $0xA;
	v14 =	vmul.f32 v16, v53;
	v51 =	vld.idx.msk [tilespmem:v13+s28+$0x0], $0xffff  }
0x88: {  	v54 =	vld.idx.msk [tilespmem:v20+s16+$0x0], $0xffff;
	v3 =	vadd.f32 v61, v3;
	v5 =	vadd.f32 v62, v5;
	v53 =	vmul.f32 v57, v7  }
0x89: {  	v55 =	vmul.f32 v52, v55;
	(v2sf) =	vpush v1, $0xB;
	v57 =	vld.idx.msk [tilespmem:v60+s28+$0x0], $0xffff  }
0x8a: {  	v58 =	vmul.f32 v11, v59;
	v3 =	vadd.f32 v14, v3;
	v5 =	vadd.f32 v53, v5  }
0x8b: {  	(v2sf) =	vpush v1, $0xC;
	v2 =	vmul.f32 v2, v56  }
0x8c: {  	v60 =	vmul.f32 v51, v63;
	v3 =	vadd.f32 v55, v3;
	v59 =	vadd.f32 v58, v5  }
0x8d: {  	(v2sf) =	vpush v1, $0xD  }
0x8e: {  	v2 =	vadd.f32 v2, v3;
	v61 =	vmul.f32 v57, v54;
	v3 =	vadd.f32 v60, v59  }
0x8f: {  	(v2sf) =	vpush v1, $0xE  }
0x90: {  	v62 =	vshll.u32 v17, $0x8;
	v2 =	vmul.f32 $1.442695020e+00, v2;
	v3 =	vadd.f32 v61, v3  }
0x91: {  	s10 =	spop (v2sf);
	(v2sf) =	vpush v1, $0xF;
	v51 =	vshra.s32 v62, $0x2  }
0x92: {  	s13 =	spop (v2sf);
	(v2sf) =	vpush v51, $0x0;
	(erf) = vpow2.f32 v2;
	v1 =	vmul.f32 $1.442695020e+00, v3  }
0x93: {  	s6 =	spop (v2sf)  }
0x94: {  	s12 =	spop (v2sf);
	(erf) = vpow2.f32 v1  }
0x95: {  	s11 =	spop (v2sf)  }
0x96: {  	s9 =	spop (v2sf)  }
0x97: {  	s8 =	spop (v2sf)  }
0x98: {  	s7 =	spop (v2sf)  }
0x99: {  	s5 =	spop (v2sf);
	v1 =	vld [tilespmem:$0x23A0]  }
0x9a: {  	s3 =	spop (v2sf)  }
0x9b: {  	s4 =	spop (v2sf);
	v2 =	vld [tilespmem:$0x27A0];
	v52 =	vpop (erf)  }
0x9c: {  	s1 =	spop (v2sf);
	v3 =	vbroadcast v52, $0x0  }
0x9d: {  	s21 =	spop (v2sf);
	v53 =	vpop (erf)  }
0x9e: {  	s2 =	spop (v2sf);
	v1 =	vmul.f32 v3, v1;
	v63 =	vbroadcast v53, $0x0  }
0x9f: {  	s25 =	spop (v2sf)  }
0xa0: {  	s24 =	spop (v2sf);
	[tilespmem:s10+$0x9F20] =	vst.add.f32.msk $0xffff, v1;
	v1 =	vmul.f32 v63, v2  }
0xa1: {  	s14 =	spop (v2sf);
	v2 =	vld [tilespmem:$0x23B0]  }
0xa2: {  	[tilespmem:s14+$0x9F20] =	vst.add.f32.msk $0xffff, v1  }
0xa3: {  	v1 =	vld [tilespmem:$0x27B0];
	_ =	sdelay $0x2  }
0xa4: {  	v2 =	vmul.f32 v3, v2;
	_ =	sdelay $0x1  }
0xa5: {  	[tilespmem:s10+$0x9F30] =	vst.add.f32.msk $0xffff, v2;
	v1 =	vmul.f32 v63, v1  }
0xa6: {  	v2 =	vld [tilespmem:$0x23C0]  }
0xa7: {  	[tilespmem:s14+$0x9F30] =	vst.add.f32.msk $0xffff, v1  }
0xa8: {  	v1 =	vld [tilespmem:$0x27C0];
	_ =	sdelay $0x2  }
0xa9: {  	v2 =	vmul.f32 v2, v3;
	_ =	sdelay $0x1  }
0xaa: {  	[tilespmem:s10+$0x9F40] =	vst.add.f32.msk $0xffff, v2;
	v1 =	vmul.f32 v1, v63  }
0xab: {  	v2 =	vld [tilespmem:$0x23D0]  }
0xac: {  	(v2sf) =	vpush v51, $0x1;
	[tilespmem:s14+$0x9F40] =	vst.add.f32.msk $0xffff, v1  }
0xad: {  	v1 =	vld [tilespmem:$0x27D0];
	_ =	sdelay $0x2  }
0xae: {  	v2 =	vmul.f32 v2, v3;
	_ =	sdelay $0x1  }
0xaf: {  	[tilespmem:s10+$0x9F50] =	vst.add.f32.msk $0xffff, v2;
	v1 =	vmul.f32 v1, v63  }
0xb0: {  	v2 =	vld [tilespmem:$0x23E0]  }
0xb1: {  	[tilespmem:s14+$0x9F50] =	vst.add.f32.msk $0xffff, v1  }
0xb2: {  	v1 =	vld [tilespmem:$0x27E0]  }
0xb3: {  	v3 =	vbroadcast v52, $0x1;
	_ =	sdelay $0x1  }
0xb4: {  	v8 =	vbroadcast v53, $0x1;
	v2 =	vmul.f32 v2, v3;
	_ =	sdelay $0x1  }
0xb5: {  	[tilespmem:s13+$0x9F20] =	vst.add.f32.msk $0xffff, v2;
	v1 =	vmul.f32 v1, v8  }
0xb6: {  	s22 =	spop (v2sf);
	v2 =	vld [tilespmem:$0x23F0]  }
0xb7: {  	[tilespmem:s22+$0x9F20] =	vst.add.f32.msk $0xffff, v1  }
0xb8: {  	v1 =	vld [tilespmem:$0x27F0];
	_ =	sdelay $0x2  }
0xb9: {  	v2 =	vmul.f32 v2, v3;
	_ =	sdelay $0x1  }
0xba: {  	[tilespmem:s13+$0x9F30] =	vst.add.f32.msk $0xffff, v2;
	v1 =	vmul.f32 v1, v8  }
0xbb: {  	v2 =	vld [tilespmem:$0x2400]  }
0xbc: {  	[tilespmem:s22+$0x9F30] =	vst.add.f32.msk $0xffff, v1  }
0xbd: {  	v1 =	vld [tilespmem:$0x2800];
	_ =	sdelay $0x2  }
0xbe: {  	v2 =	vmul.f32 v2, v3;
	_ =	sdelay $0x1  }
0xbf: {  	[tilespmem:s13+$0x9F40] =	vst.add.f32.msk $0xffff, v2;
	v1 =	vmul.f32 v1, v8  }
0xc0: {  	v2 =	vld [tilespmem:$0x2410]  }
0xc1: {  	(v2sf) =	vpush v51, $0x2;
	[tilespmem:s22+$0x9F40] =	vst.add.f32.msk $0xffff, v1  }
0xc2: {  	v1 =	vld [tilespmem:$0x2810];
	_ =	sdelay $0x2  }
0xc3: {  	v2 =	vmul.f32 v2, v3;
	_ =	sdelay $0x1  }
0xc4: {  	[tilespmem:s13+$0x9F50] =	vst.add.f32.msk $0xffff, v2;
	v1 =	vmul.f32 v1, v8  }
0xc5: {  	v2 =	vld [tilespmem:$0x2420]  }
0xc6: {  	[tilespmem:s22+$0x9F50] =	vst.add.f32.msk $0xffff, v1  }
0xc7: {  	v1 =	vld [tilespmem:$0x2820]  }
0xc8: {  	v3 =	vbroadcast v52, $0x2;
	_ =	sdelay $0x1  }
0xc9: {  	v9 =	vbroadcast v53, $0x2;
	v2 =	vmul.f32 v2, v3;
	_ =	sdelay $0x1  }
0xca: {  	[tilespmem:s6+$0x9F20] =	vst.add.f32.msk $0xffff, v2;
	v1 =	vmul.f32 v1, v9  }
0xcb: {  	s26 =	spop (v2sf);
	v2 =	vld [tilespmem:$0x2430]  }
0xcc: {  	[tilespmem:s26+$0x9F20] =	vst.add.f32.msk $0xffff, v1  }
0xcd: {  	v1 =	vld [tilespmem:$0x2830];
	_ =	sdelay $0x2  }
0xce: {  	v2 =	vmul.f32 v2, v3;
	_ =	sdelay $0x1  }
0xcf: {  	[tilespmem:s6+$0x9F30] =	vst.add.f32.msk $0xffff, v2;
	v1 =	vmul.f32 v1, v9  }
0xd0: {  	v2 =	vld [tilespmem:$0x2440]  }
0xd1: {  	[tilespmem:s26+$0x9F30] =	vst.add.f32.msk $0xffff, v1  }
0xd2: {  	v1 =	vld [tilespmem:$0x2840];
	_ =	sdelay $0x2  }
0xd3: {  	v2 =	vmul.f32 v2, v3;
	_ =	sdelay $0x1  }
0xd4: {  	[tilespmem:s6+$0x9F40] =	vst.add.f32.msk $0xffff, v2;
	v1 =	vmul.f32 v1, v9  }
0xd5: {  	v2 =	vld [tilespmem:$0x2450]  }
0xd6: {  	(v2sf) =	vpush v51, $0x3;
	[tilespmem:s26+$0x9F40] =	vst.add.f32.msk $0xffff, v1  }
0xd7: {  	v1 =	vld [tilespmem:$0x2850];
	_ =	sdelay $0x2  }
0xd8: {  	v2 =	vmul.f32 v2, v3;
	_ =	sdelay $0x1  }
0xd9: {  	[tilespmem:s6+$0x9F50] =	vst.add.f32.msk $0xffff, v2;
	v1 =	vmul.f32 v1, v9  }
0xda: {  	v2 =	vld [tilespmem:$0x2460]  }
0xdb: {  	[tilespmem:s26+$0x9F50] =	vst.add.f32.msk $0xffff, v1  }
0xdc: {  	v1 =	vld [tilespmem:$0x2860]  }
0xdd: {  	v3 =	vbroadcast v52, $0x3;
	_ =	sdelay $0x1  }
0xde: {  	v10 =	vbroadcast v53, $0x3;
	v2 =	vmul.f32 v2, v3;
	_ =	sdelay $0x1  }
0xdf: {  	[tilespmem:s12+$0x9F20] =	vst.add.f32.msk $0xffff, v2;
	v1 =	vmul.f32 v1, v10  }
0xe0: {  	s29 =	spop (v2sf);
	v2 =	vld [tilespmem:$0x2470]  }
0xe1: {  	[tilespmem:s29+$0x9F20] =	vst.add.f32.msk $0xffff, v1  }
0xe2: {  	v1 =	vld [tilespmem:$0x2870];
	_ =	sdelay $0x2  }
0xe3: {  	v2 =	vmul.f32 v2, v3;
	_ =	sdelay $0x1  }
0xe4: {  	[tilespmem:s12+$0x9F30] =	vst.add.f32.msk $0xffff, v2;
	v1 =	vmul.f32 v1, v10  }
0xe5: {  	v2 =	vld [tilespmem:$0x2480]  }
0xe6: {  	[tilespmem:s29+$0x9F30] =	vst.add.f32.msk $0xffff, v1  }
0xe7: {  	v1 =	vld [tilespmem:$0x2880];
	_ =	sdelay $0x2  }
0xe8: {  	v2 =	vmul.f32 v2, v3;
	_ =	sdelay $0x1  }
0xe9: {  	[tilespmem:s12+$0x9F40] =	vst.add.f32.msk $0xffff, v2;
	v1 =	vmul.f32 v1, v10  }
0xea: {  	v2 =	vld [tilespmem:$0x2490]  }
0xeb: {  	(v2sf) =	vpush v51, $0x4;
	[tilespmem:s29+$0x9F40] =	vst.add.f32.msk $0xffff, v1  }
0xec: {  	v1 =	vld [tilespmem:$0x2890];
	_ =	sdelay $0x2  }
0xed: {  	v2 =	vmul.f32 v2, v3;
	_ =	sdelay $0x1  }
0xee: {  	[tilespmem:s12+$0x9F50] =	vst.add.f32.msk $0xffff, v2;
	v1 =	vmul.f32 v1, v10  }
0xef: {  	v2 =	vld [tilespmem:$0x24A0]  }
0xf0: {  	[tilespmem:s29+$0x9F50] =	vst.add.f32.msk $0xffff, v1  }
0xf1: {  	v1 =	vld [tilespmem:$0x28A0]  }
0xf2: {  	v3 =	vbroadcast v52, $0x4;
	_ =	sdelay $0x1  }
0xf3: {  	v11 =	vbroadcast v53, $0x4;
	v2 =	vmul.f32 v2, v3;
	_ =	sdelay $0x1  }
0xf4: {  	[tilespmem:s11+$0x9F20] =	vst.add.f32.msk $0xffff, v2;
	v1 =	vmul.f32 v1, v11  }
0xf5: {  	s30 =	spop (v2sf);
	v2 =	vld [tilespmem:$0x24B0]  }
0xf6: {  	[tilespmem:s30+$0x9F20] =	vst.add.f32.msk $0xffff, v1  }
0xf7: {  	v1 =	vld [tilespmem:$0x28B0];
	_ =	sdelay $0x2  }
0xf8: {  	v2 =	vmul.f32 v2, v3;
	_ =	sdelay $0x1  }
0xf9: {  	[tilespmem:s11+$0x9F30] =	vst.add.f32.msk $0xffff, v2;
	v1 =	vmul.f32 v1, v11  }
0xfa: {  	v2 =	vld [tilespmem:$0x24C0]  }
0xfb: {  	[tilespmem:s30+$0x9F30] =	vst.add.f32.msk $0xffff, v1  }
0xfc: {  	v1 =	vld [tilespmem:$0x28C0];
	_ =	sdelay $0x2  }
0xfd: {  	v2 =	vmul.f32 v2, v3;
	_ =	sdelay $0x1  }
0xfe: {  	[tilespmem:s11+$0x9F40] =	vst.add.f32.msk $0xffff, v2;
	v1 =	vmul.f32 v1, v11  }
0xff: {  	v2 =	vld [tilespmem:$0x24D0]  }
0x100: {  	(v2sf) =	vpush v51, $0x5;
	[tilespmem:s30+$0x9F40] =	vst.add.f32.msk $0xffff, v1  }
0x101: {  	v1 =	vld [tilespmem:$0x28D0];
	_ =	sdelay $0x2  }
0x102: {  	v2 =	vmul.f32 v2, v3;
	_ =	sdelay $0x1  }
0x103: {  	[tilespmem:s11+$0x9F50] =	vst.add.f32.msk $0xffff, v2;
	v1 =	vmul.f32 v1, v11  }
0x104: {  	v2 =	vld [tilespmem:$0x24E0]  }
0x105: {  	[tilespmem:s30+$0x9F50] =	vst.add.f32.msk $0xffff, v1  }
0x106: {  	v1 =	vld [tilespmem:$0x28E0]  }
0x107: {  	v3 =	vbroadcast v52, $0x5;
	_ =	sdelay $0x1  }
0x108: {  	v12 =	vbroadcast v53, $0x5;
	v2 =	vmul.f32 v2, v3;
	_ =	sdelay $0x1  }
0x109: {  	[tilespmem:s9+$0x9F20] =	vst.add.f32.msk $0xffff, v2;
	v1 =	vmul.f32 v1, v12  }
0x10a: {  	s31 =	spop (v2sf);
	v2 =	vld [tilespmem:$0x24F0]  }
0x10b: {  	[tilespmem:s31+$0x9F20] =	vst.add.f32.msk $0xffff, v1  }
0x10c: {  	v1 =	vld [tilespmem:$0x28F0];
	_ =	sdelay $0x2  }
0x10d: {  	v2 =	vmul.f32 v2, v3;
	_ =	sdelay $0x1  }
0x10e: {  	[tilespmem:s9+$0x9F30] =	vst.add.f32.msk $0xffff, v2;
	v1 =	vmul.f32 v1, v12  }
0x10f: {  	v2 =	vld [tilespmem:$0x2500]  }
0x110: {  	[tilespmem:s31+$0x9F30] =	vst.add.f32.msk $0xffff, v1  }
0x111: {  	v1 =	vld [tilespmem:$0x2900];
	_ =	sdelay $0x2  }
0x112: {  	v2 =	vmul.f32 v2, v3;
	_ =	sdelay $0x1  }
0x113: {  	[tilespmem:s9+$0x9F40] =	vst.add.f32.msk $0xffff, v2;
	v1 =	vmul.f32 v1, v12  }
0x114: {  	v2 =	vld [tilespmem:$0x2510]  }
0x115: {  	(v2sf) =	vpush v51, $0x6;
	[tilespmem:s31+$0x9F40] =	vst.add.f32.msk $0xffff, v1  }
0x116: {  	v1 =	vld [tilespmem:$0x2910];
	_ =	sdelay $0x2  }
0x117: {  	v2 =	vmul.f32 v2, v3;
	_ =	sdelay $0x1  }
0x118: {  	[tilespmem:s9+$0x9F50] =	vst.add.f32.msk $0xffff, v2;
	v1 =	vmul.f32 v1, v12  }
0x119: {  	v2 =	vld [tilespmem:$0x2520]  }
0x11a: {  	[tilespmem:s31+$0x9F50] =	vst.add.f32.msk $0xffff, v1  }
0x11b: {  	v1 =	vld [tilespmem:$0x2920]  }
0x11c: {  	v3 =	vbroadcast v52, $0x6;
	_ =	sdelay $0x1  }
0x11d: {  	v13 =	vbroadcast v53, $0x6;
	v2 =	vmul.f32 v2, v3;
	_ =	sdelay $0x1  }
0x11e: {  	[tilespmem:s8+$0x9F20] =	vst.add.f32.msk $0xffff, v2;
	v1 =	vmul.f32 v1, v13  }
0x11f: {  	s9 =	spop (v2sf);
	v2 =	vld [tilespmem:$0x2530]  }
0x120: {  	[tilespmem:s9+$0x9F20] =	vst.add.f32.msk $0xffff, v1  }
0x121: {  	v1 =	vld [tilespmem:$0x2930];
	_ =	sdelay $0x2  }
0x122: {  	v2 =	vmul.f32 v2, v3;
	_ =	sdelay $0x1  }
0x123: {  	[tilespmem:s8+$0x9F30] =	vst.add.f32.msk $0xffff, v2;
	v1 =	vmul.f32 v1, v13  }
0x124: {  	v2 =	vld [tilespmem:$0x2540]  }
0x125: {  	[tilespmem:s9+$0x9F30] =	vst.add.f32.msk $0xffff, v1  }
0x126: {  	v1 =	vld [tilespmem:$0x2940];
	_ =	sdelay $0x2  }
0x127: {  	v2 =	vmul.f32 v2, v3;
	_ =	sdelay $0x1  }
0x128: {  	[tilespmem:s8+$0x9F40] =	vst.add.f32.msk $0xffff, v2;
	v1 =	vmul.f32 v1, v13  }
0x129: {  	v2 =	vld [tilespmem:$0x2550]  }
0x12a: {  	(v2sf) =	vpush v51, $0x7;
	[tilespmem:s9+$0x9F40] =	vst.add.f32.msk $0xffff, v1  }
0x12b: {  	v1 =	vld [tilespmem:$0x2950];
	_ =	sdelay $0x2  }
0x12c: {  	v2 =	vmul.f32 v2, v3;
	_ =	sdelay $0x1  }
0x12d: {  	[tilespmem:s8+$0x9F50] =	vst.add.f32.msk $0xffff, v2;
	v1 =	vmul.f32 v1, v13  }
0x12e: {  	v2 =	vld [tilespmem:$0x2560]  }
0x12f: {  	[tilespmem:s9+$0x9F50] =	vst.add.f32.msk $0xffff, v1  }
0x130: {  	v1 =	vld [tilespmem:$0x2960]  }
0x131: {  	v3 =	vbroadcast v52, $0x7;
	_ =	sdelay $0x1  }
0x132: {  	v14 =	vbroadcast v53, $0x7;
	v2 =	vmul.f32 v2, v3;
	_ =	sdelay $0x1  }
0x133: {  	[tilespmem:s7+$0x9F20] =	vst.add.f32.msk $0xffff, v2;
	v1 =	vmul.f32 v1, v14  }
0x134: {  	s10 =	spop (v2sf);
	v2 =	vld [tilespmem:$0x2570]  }
0x135: {  	[tilespmem:s10+$0x9F20] =	vst.add.f32.msk $0xffff, v1  }
0x136: {  	v1 =	vld [tilespmem:$0x2970];
	_ =	sdelay $0x2  }
0x137: {  	v2 =	vmul.f32 v2, v3;
	_ =	sdelay $0x1  }
0x138: {  	[tilespmem:s7+$0x9F30] =	vst.add.f32.msk $0xffff, v2;
	v1 =	vmul.f32 v1, v14  }
0x139: {  	v2 =	vld [tilespmem:$0x2580]  }
0x13a: {  	[tilespmem:s10+$0x9F30] =	vst.add.f32.msk $0xffff, v1  }
0x13b: {  	v1 =	vld [tilespmem:$0x2980];
	_ =	sdelay $0x2  }
0x13c: {  	v2 =	vmul.f32 v2, v3;
	_ =	sdelay $0x1  }
0x13d: {  	[tilespmem:s7+$0x9F40] =	vst.add.f32.msk $0xffff, v2;
	v1 =	vmul.f32 v1, v14  }
0x13e: {  	v2 =	vld [tilespmem:$0x2590]  }
0x13f: {  	(v2sf) =	vpush v51, $0x8;
	[tilespmem:s10+$0x9F40] =	vst.add.f32.msk $0xffff, v1  }
0x140: {  	v1 =	vld [tilespmem:$0x2990];
	_ =	sdelay $0x2  }
0x141: {  	v2 =	vmul.f32 v2, v3;
	_ =	sdelay $0x1  }
0x142: {  	[tilespmem:s7+$0x9F50] =	vst.add.f32.msk $0xffff, v2;
	v1 =	vmul.f32 v1, v14  }
0x143: {  	v2 =	vld [tilespmem:$0x25A0]  }
0x144: {  	[tilespmem:s10+$0x9F50] =	vst.add.f32.msk $0xffff, v1  }
0x145: {  	v1 =	vld [tilespmem:$0x29A0]  }
0x146: {  	v3 =	vbroadcast v52, $0x8;
	_ =	sdelay $0x1  }
0x147: {  	v15 =	vbroadcast v53, $0x8;
	v2 =	vmul.f32 v2, v3;
	_ =	sdelay $0x1  }
0x148: {  	[tilespmem:s5+$0x9F20] =	vst.add.f32.msk $0xffff, v2;
	v1 =	vmul.f32 v1, v15  }
0x149: {  	s11 =	spop (v2sf);
	v2 =	vld [tilespmem:$0x25B0]  }
0x14a: {  	[tilespmem:s11+$0x9F20] =	vst.add.f32.msk $0xffff, v1  }
0x14b: {  	v1 =	vld [tilespmem:$0x29B0];
	_ =	sdelay $0x2  }
0x14c: {  	v2 =	vmul.f32 v2, v3;
	_ =	sdelay $0x1  }
0x14d: {  	[tilespmem:s5+$0x9F30] =	vst.add.f32.msk $0xffff, v2;
	v1 =	vmul.f32 v1, v15  }
0x14e: {  	v2 =	vld [tilespmem:$0x25C0]  }
0x14f: {  	[tilespmem:s11+$0x9F30] =	vst.add.f32.msk $0xffff, v1  }
0x150: {  	v1 =	vld [tilespmem:$0x29C0];
	_ =	sdelay $0x2  }
0x151: {  	v2 =	vmul.f32 v2, v3;
	_ =	sdelay $0x1  }
0x152: {  	[tilespmem:s5+$0x9F40] =	vst.add.f32.msk $0xffff, v2;
	v1 =	vmul.f32 v1, v15  }
0x153: {  	v2 =	vld [tilespmem:$0x25D0]  }
0x154: {  	(v2sf) =	vpush v51, $0x9;
	[tilespmem:s11+$0x9F40] =	vst.add.f32.msk $0xffff, v1  }
0x155: {  	v1 =	vld [tilespmem:$0x29D0];
	_ =	sdelay $0x2  }
0x156: {  	v2 =	vmul.f32 v2, v3;
	_ =	sdelay $0x1  }
0x157: {  	[tilespmem:s5+$0x9F50] =	vst.add.f32.msk $0xffff, v2;
	v1 =	vmul.f32 v1, v15  }
0x158: {  	v2 =	vld [tilespmem:$0x25E0]  }
0x159: {  	[tilespmem:s11+$0x9F50] =	vst.add.f32.msk $0xffff, v1  }
0x15a: {  	v1 =	vld [tilespmem:$0x29E0]  }
0x15b: {  	v3 =	vbroadcast v52, $0x9;
	_ =	sdelay $0x1  }
0x15c: {  	v54 =	vbroadcast v53, $0x9;
	v2 =	vmul.f32 v2, v3;
	_ =	sdelay $0x1  }
0x15d: {  	[tilespmem:s3+$0x9F20] =	vst.add.f32.msk $0xffff, v2;
	v1 =	vmul.f32 v1, v54  }
0x15e: {  	s12 =	spop (v2sf);
	v2 =	vld [tilespmem:$0x25F0]  }
0x15f: {  	[tilespmem:s12+$0x9F20] =	vst.add.f32.msk $0xffff, v1  }
0x160: {  	v1 =	vld [tilespmem:$0x29F0];
	_ =	sdelay $0x2  }
0x161: {  	v2 =	vmul.f32 v2, v3;
	_ =	sdelay $0x1  }
0x162: {  	[tilespmem:s3+$0x9F30] =	vst.add.f32.msk $0xffff, v2;
	v1 =	vmul.f32 v1, v54  }
0x163: {  	v2 =	vld [tilespmem:$0x2600]  }
0x164: {  	[tilespmem:s12+$0x9F30] =	vst.add.f32.msk $0xffff, v1  }
0x165: {  	v1 =	vld [tilespmem:$0x2A00];
	_ =	sdelay $0x2  }
0x166: {  	v2 =	vmul.f32 v2, v3;
	_ =	sdelay $0x1  }
0x167: {  	[tilespmem:s3+$0x9F40] =	vst.add.f32.msk $0xffff, v2;
	v1 =	vmul.f32 v1, v54  }
0x168: {  	v2 =	vld [tilespmem:$0x2610]  }
0x169: {  	(v2sf) =	vpush v51, $0xA;
	[tilespmem:s12+$0x9F40] =	vst.add.f32.msk $0xffff, v1  }
0x16a: {  	v1 =	vld [tilespmem:$0x2A10];
	_ =	sdelay $0x2  }
0x16b: {  	v2 =	vmul.f32 v2, v3;
	_ =	sdelay $0x1  }
0x16c: {  	[tilespmem:s3+$0x9F50] =	vst.add.f32.msk $0xffff, v2;
	v1 =	vmul.f32 v1, v54  }
0x16d: {  	v2 =	vld [tilespmem:$0x2620]  }
0x16e: {  	[tilespmem:s12+$0x9F50] =	vst.add.f32.msk $0xffff, v1  }
0x16f: {  	v1 =	vld [tilespmem:$0x2A20]  }
0x170: {  	v3 =	vbroadcast v52, $0xA;
	_ =	sdelay $0x1  }
0x171: {  	v55 =	vbroadcast v53, $0xA;
	v2 =	vmul.f32 v2, v3;
	_ =	sdelay $0x1  }
0x172: {  	[tilespmem:s4+$0x9F20] =	vst.add.f32.msk $0xffff, v2;
	v1 =	vmul.f32 v1, v55  }
0x173: {  	s13 =	spop (v2sf);
	v2 =	vld [tilespmem:$0x2630]  }
0x174: {  	[tilespmem:s13+$0x9F20] =	vst.add.f32.msk $0xffff, v1  }
0x175: {  	v1 =	vld [tilespmem:$0x2A30];
	_ =	sdelay $0x2  }
0x176: {  	v2 =	vmul.f32 v2, v3;
	_ =	sdelay $0x1  }
0x177: {  	[tilespmem:s4+$0x9F30] =	vst.add.f32.msk $0xffff, v2;
	v1 =	vmul.f32 v1, v55  }
0x178: {  	v2 =	vld [tilespmem:$0x2640]  }
0x179: {  	[tilespmem:s13+$0x9F30] =	vst.add.f32.msk $0xffff, v1  }
0x17a: {  	v1 =	vld [tilespmem:$0x2A40];
	_ =	sdelay $0x2  }
0x17b: {  	v2 =	vmul.f32 v2, v3;
	_ =	sdelay $0x1  }
0x17c: {  	[tilespmem:s4+$0x9F40] =	vst.add.f32.msk $0xffff, v2;
	v1 =	vmul.f32 v1, v55  }
0x17d: {  	v2 =	vld [tilespmem:$0x2650]  }
0x17e: {  	(v2sf) =	vpush v51, $0xB;
	[tilespmem:s13+$0x9F40] =	vst.add.f32.msk $0xffff, v1  }
0x17f: {  	v1 =	vld [tilespmem:$0x2A50];
	_ =	sdelay $0x2  }
0x180: {  	v2 =	vmul.f32 v2, v3;
	_ =	sdelay $0x1  }
0x181: {  	[tilespmem:s4+$0x9F50] =	vst.add.f32.msk $0xffff, v2;
	v1 =	vmul.f32 v1, v55  }
0x182: {  	v2 =	vld [tilespmem:$0x2660]  }
0x183: {  	[tilespmem:s13+$0x9F50] =	vst.add.f32.msk $0xffff, v1  }
0x184: {  	v1 =	vld [tilespmem:$0x2A60]  }
0x185: {  	v3 =	vbroadcast v52, $0xB;
	_ =	sdelay $0x1  }
0x186: {  	v56 =	vbroadcast v53, $0xB;
	v2 =	vmul.f32 v2, v3;
	_ =	sdelay $0x1  }
0x187: {  	[tilespmem:s1+$0x9F20] =	vst.add.f32.msk $0xffff, v2;
	v1 =	vmul.f32 v1, v56  }
0x188: {  	s14 =	spop (v2sf);
	v2 =	vld [tilespmem:$0x2670]  }
0x189: {  	[tilespmem:s14+$0x9F20] =	vst.add.f32.msk $0xffff, v1  }
0x18a: {  	v1 =	vld [tilespmem:$0x2A70];
	_ =	sdelay $0x2  }
0x18b: {  	v2 =	vmul.f32 v2, v3;
	_ =	sdelay $0x1  }
0x18c: {  	[tilespmem:s1+$0x9F30] =	vst.add.f32.msk $0xffff, v2;
	v1 =	vmul.f32 v1, v56  }
0x18d: {  	v2 =	vld [tilespmem:$0x2680]  }
0x18e: {  	[tilespmem:s14+$0x9F30] =	vst.add.f32.msk $0xffff, v1  }
0x18f: {  	v1 =	vld [tilespmem:$0x2A80];
	_ =	sdelay $0x2  }
0x190: {  	v2 =	vmul.f32 v2, v3;
	_ =	sdelay $0x1  }
0x191: {  	[tilespmem:s1+$0x9F40] =	vst.add.f32.msk $0xffff, v2;
	v1 =	vmul.f32 v1, v56  }
0x192: {  	v2 =	vld [tilespmem:$0x2690]  }
0x193: {  	(v2sf) =	vpush v51, $0xC;
	[tilespmem:s14+$0x9F40] =	vst.add.f32.msk $0xffff, v1  }
0x194: {  	v1 =	vld [tilespmem:$0x2A90];
	_ =	sdelay $0x2  }
0x195: {  	v2 =	vmul.f32 v2, v3;
	_ =	sdelay $0x1  }
0x196: {  	[tilespmem:s1+$0x9F50] =	vst.add.f32.msk $0xffff, v2;
	v1 =	vmul.f32 v1, v56  }
0x197: {  	v2 =	vld [tilespmem:$0x26A0]  }
0x198: {  	[tilespmem:s14+$0x9F50] =	vst.add.f32.msk $0xffff, v1  }
0x199: {  	v1 =	vld [tilespmem:$0x2AA0]  }
0x19a: {  	v3 =	vbroadcast v52, $0xC;
	_ =	sdelay $0x1  }
0x19b: {  	v4 =	vbroadcast v53, $0xC;
	v2 =	vmul.f32 v2, v3;
	_ =	sdelay $0x1  }
0x19c: {  	[tilespmem:s21+$0x9F20] =	vst.add.f32.msk $0xffff, v2;
	v1 =	vmul.f32 v1, v4  }
0x19d: {  	s15 =	spop (v2sf);
	v2 =	vld [tilespmem:$0x26B0]  }
0x19e: {  	[tilespmem:s15+$0x9F20] =	vst.add.f32.msk $0xffff, v1  }
0x19f: {  	v1 =	vld [tilespmem:$0x2AB0];
	_ =	sdelay $0x2  }
0x1a0: {  	v2 =	vmul.f32 v2, v3;
	_ =	sdelay $0x1  }
0x1a1: {  	[tilespmem:s21+$0x9F30] =	vst.add.f32.msk $0xffff, v2;
	v1 =	vmul.f32 v1, v4  }
0x1a2: {  	v2 =	vld [tilespmem:$0x26C0]  }
0x1a3: {  	[tilespmem:s15+$0x9F30] =	vst.add.f32.msk $0xffff, v1  }
0x1a4: {  	v1 =	vld [tilespmem:s23+$0x7F0]  }
0x1a5: {  	v57 =	vld [tilespmem:$0x2AC0];
	_ =	sdelay $0x2  }
0x1a6: {  	v2 =	vmul.f32 v2, v3  }
0x1a7: {  	v6 =	vmul.u32 $0x18, v1  }
0x1a8: {  	[tilespmem:s21+$0x9F40] =	vst.add.f32.msk $0xffff, v2;
	v2 =	vmul.f32 v57, v4  }
0x1a9: {  	v58 =	vld.idx.msk [tilespmem:v21+s16+$0x0], $0xffff  }
0x1aa: {  	[tilespmem:s15+$0x9F40] =	vst.add.f32.msk $0xffff, v2;
	v2 =	vor.u32 $0x1, v6  }
0x1ab: {  	v61 =	vld.idx.msk [tilespmem:v22+s16+$0x0], $0xffff  }
0x1ac: {  	v63 =	vld.idx.msk [tilespmem:v23+s16+$0x0], $0xffff;
	v59 =	vor.u32 $0x2, v6  }
0x1ad: {  	v60 =	vld.idx.msk [tilespmem:v6+s28+$0x0], $0xffff  }
0x1ae: {  	v55 =	vld.idx.msk [tilespmem:v24+s16+$0x0], $0xffff;
	v62 =	vor.u32 $0x3, v6  }
0x1af: {  	v2 =	vld.idx.msk [tilespmem:v2+s28+$0x0], $0xffff  }
0x1b0: {  	v5 =	vld [tilespmem:$0x26D0];
	v54 =	vor.u32 $0x4, v6  }
0x1b1: {  	v9 =	vld.idx.msk [tilespmem:v59+s28+$0x0], $0xffff  }
0x1b2: {  	v57 =	vld.idx.msk [tilespmem:v25+s16+$0x0], $0xffff;
	v56 =	vor.u32 $0x5, v6;
	v8 =	vmul.f32 v60, v58  }
0x1b3: {  	v12 =	vld.idx.msk [tilespmem:v62+s28+$0x0], $0xffff  }
0x1b4: {  	v16 =	vor.u32 $0x6, v6;
	v7 =	vld [tilespmem:$0x2AD0];
	v8 =	vadd.f32 $0.0e+00, v8;
	v2 =	vmul.f32 v2, v61  }
0x1b5: {  	v14 =	vld.idx.msk [tilespmem:v54+s28+$0x0], $0xffff  }
0x1b6: {  	v59 =	vld.idx.msk [tilespmem:v26+s16+$0x0], $0xffff;
	v60 =	vor.u32 $0x7, v6;
	v58 =	vmul.f32 v9, v63;
	v2 =	vadd.f32 v2, v8  }
0x1b7: {  	v15 =	vld.idx.msk [tilespmem:v56+s28+$0x0], $0xffff  }
0x1b8: {  	v62 =	vld.idx.msk [tilespmem:v27+s16+$0x0], $0xffff;
	v63 =	vadd.s32 $0x8, v6;
	v61 =	vmul.f32 v12, v55;
	v2 =	vadd.f32 v58, v2  }
0x1b9: {  	v16 =	vld.idx.msk [tilespmem:v16+s28+$0x0], $0xffff  }
0x1ba: {  	v54 =	vmul.f32 v14, v57;
	v6 =	vadd.s32 $0x9, v6;
	v55 =	vld.idx.msk [tilespmem:v28+s16+$0x0], $0xffff;
	v2 =	vadd.f32 v61, v2  }
0x1bb: {  	v13 =	vld.idx.msk [tilespmem:v60+s28+$0x0], $0xffff  }
0x1bc: {  	v56 =	vmul.f32 v15, v59;
	v57 =	vld.idx.msk [tilespmem:v29+s16+$0x0], $0xffff;
	v2 =	vadd.f32 v54, v2  }
0x1bd: {  	v12 =	vld.idx.msk [tilespmem:v63+s28+$0x0], $0xffff  }
0x1be: {  	(v2sf) =	vpush v51, $0xD;
	v59 =	vld.idx.msk [tilespmem:v30+s16+$0x0], $0xffff;
	v58 =	vmul.f32 v16, v62;
	v2 =	vadd.f32 v56, v2  }
0x1bf: {  	v6 =	vld.idx.msk [tilespmem:v6+s28+$0x0], $0xffff  }
0x1c0: {  	v60 =	vmul.f32 v13, v55;
	v2 =	vadd.f32 v58, v2  }
0x1c1: {  	v3 =	vmul.f32 v5, v3  }
0x1c2: {  	v61 =	vmul.f32 v12, v57;
	v2 =	vadd.f32 v60, v2  }
0x1c3: {  	[tilespmem:s21+$0x9F50] =	vst.add.f32.msk $0xffff, v3  }
0x1c4: {  	v3 =	vld [tilespmem:$0x26E0];
	v4 =	vmul.f32 v7, v4;
	v62 =	vmul.f32 v6, v59;
	v2 =	vadd.f32 v61, v2;
	_ =	sdelay $0x1  }
0x1c5: {  	(v2sf) =	vpush v51, $0xE;
	v1 =	vshll.u32 v1, $0x8;
	[tilespmem:s15+$0x9F50] =	vst.add.f32.msk $0xffff, v4;
	v2 =	vadd.f32 v62, v2  }
0x1c6: {  	(v2sf) =	vpush v51, $0xF;
	v8 =	vld [tilespmem:$0x2AE0];
	v63 =	vbroadcast v52, $0xD;
	v54 =	vshra.s32 v1, $0x2  }
0x1c7: {  	(v2sf) =	vpush v54, $0x0;
	v1 =	vmul.f32 $1.442695020e+00, v2  }
0x1c8: {  	v2 =	vmul.f32 v3, v63  }
0x1c9: {  	v3 =	vbroadcast v53, $0xD;
	(erf) = vpow2.f32 v1;
	_ =	sdelay $0x1  }
0x1ca: {  	[tilespmem:s2+$0x9F20] =	vst.add.f32.msk $0xffff, v2;
	v1 =	vmul.f32 v8, v3  }
0x1cb: {  	s17 =	spop (v2sf);
	v2 =	vld [tilespmem:$0x26F0]  }
0x1cc: {  	[tilespmem:s17+$0x9F20] =	vst.add.f32.msk $0xffff, v1  }
0x1cd: {  	v1 =	vld [tilespmem:$0x2AF0];
	_ =	sdelay $0x1  }
0x1ce: {  	v9 =	vld [tilespmem:$0x2BA0]  }
0x1cf: {  	v2 =	vmul.f32 v2, v63  }
0x1d0: {  	v51 =	vpop (erf)  }
0x1d1: {  	[tilespmem:s2+$0x9F30] =	vst.add.f32.msk $0xffff, v2;
	v1 =	vmul.f32 v1, v3;
	v2 =	vbroadcast v51, $0x0  }
0x1d2: {  	s18 =	spop (v2sf);
	v10 =	vld [tilespmem:$0x2700]  }
0x1d3: {  	s19 =	spop (v2sf);
	[tilespmem:s17+$0x9F30] =	vst.add.f32.msk $0xffff, v1;
	v1 =	vmul.f32 v2, v9  }
0x1d4: {  	s21 =	spop (v2sf)  }
0x1d5: {  	[tilespmem:s21+$0x9F20] =	vst.add.f32.msk $0xffff, v1  }
0x1d6: {  	v1 =	vld [tilespmem:$0x2BB0]  }
0x1d7: {  	v6 =	vmul.f32 v10, v63  }
0x1d8: {  	v11 =	vld [tilespmem:$0x2B00]  }
0x1d9: {  	[tilespmem:s2+$0x9F40] =	vst.add.f32.msk $0xffff, v6  }
0x1da: {  	v6 =	vld [tilespmem:$0x2710]  }
0x1db: {  	v1 =	vmul.f32 v2, v1;
	_ =	sdelay $0x1  }
0x1dc: {  	v5 =	vmul.f32 v11, v3;
	[tilespmem:s21+$0x9F30] =	vst.add.f32.msk $0xffff, v1  }
0x1dd: {  	v1 =	vld [tilespmem:$0x2BC0]  }
0x1de: {  	[tilespmem:s17+$0x9F40] =	vst.add.f32.msk $0xffff, v5;
	v4 =	vmul.f32 v6, v63  }
0x1df: {  	v5 =	vld [tilespmem:$0x2B10]  }
0x1e0: {  	[tilespmem:s2+$0x9F50] =	vst.add.f32.msk $0xffff, v4  }
0x1e1: {  	v4 =	vld [tilespmem:$0x2720]  }
0x1e2: {  	v1 =	vmul.f32 v1, v2;
	_ =	sdelay $0x1  }
0x1e3: {  	v12 =	vbroadcast v52, $0xE;
	(v2sf) =	vpush v54, $0x1;
	v3 =	vmul.f32 v5, v3;
	[tilespmem:s21+$0x9F40] =	vst.add.f32.msk $0xffff, v1  }
0x1e4: {  	v1 =	vld [tilespmem:$0x2BD0]  }
0x1e5: {  	[tilespmem:s17+$0x9F50] =	vst.add.f32.msk $0xffff, v3;
	v4 =	vmul.f32 v4, v12  }
0x1e6: {  	v3 =	vld [tilespmem:$0x2B20]  }
0x1e7: {  	[tilespmem:s25+$0x9F20] =	vst.add.f32.msk $0xffff, v4  }
0x1e8: {  	v4 =	vld [tilespmem:$0x2730]  }
0x1e9: {  	v13 =	vbroadcast v53, $0xE;
	v1 =	vmul.f32 v1, v2;
	_ =	sdelay $0x1  }
0x1ea: {  	v3 =	vmul.f32 v3, v13;
	[tilespmem:s21+$0x9F50] =	vst.add.f32.msk $0xffff, v1  }
0x1eb: {  	v1 =	vld [tilespmem:$0x2BE0]  }
0x1ec: {  	[tilespmem:s18+$0x9F20] =	vst.add.f32.msk $0xffff, v3;
	v3 =	vmul.f32 v4, v12;
	_ =	sdelay $0x1  }
0x1ed: {  	[tilespmem:s25+$0x9F30] =	vst.add.f32.msk $0xffff, v3;
	v3 =	vbroadcast v51, $0x1;
	_ =	sdelay $0x1  }
0x1ee: {  	v1 =	vmul.f32 v1, v3  }
0x1ef: {  	s22 =	spop (v2sf);
	v2 =	vld [tilespmem:$0x2B30]  }
0x1f0: {  	[tilespmem:s22+$0x9F20] =	vst.add.f32.msk $0xffff, v1  }
0x1f1: {  	v1 =	vld [tilespmem:$0x2BF0];
	_ =	sdelay $0x2  }
0x1f2: {  	v2 =	vmul.f32 v2, v13  }
0x1f3: {  	v14 =	vld [tilespmem:$0x2740]  }
0x1f4: {  	[tilespmem:s18+$0x9F30] =	vst.add.f32.msk $0xffff, v2;
	v1 =	vmul.f32 v1, v3  }
0x1f5: {  	v2 =	vld [tilespmem:$0x2B40]  }
0x1f6: {  	[tilespmem:s22+$0x9F30] =	vst.add.f32.msk $0xffff, v1  }
0x1f7: {  	v1 =	vld [tilespmem:$0x2C00]  }
0x1f8: {  	v4 =	vmul.f32 v14, v12;
	_ =	sdelay $0x1  }
0x1f9: {  	[tilespmem:s25+$0x9F40] =	vst.add.f32.msk $0xffff, v4;
	v2 =	vmul.f32 v2, v13  }
0x1fa: {  	v4 =	vld [tilespmem:$0x2750]  }
0x1fb: {  	[tilespmem:s18+$0x9F40] =	vst.add.f32.msk $0xffff, v2;
	v1 =	vmul.f32 v1, v3  }
0x1fc: {  	v2 =	vld [tilespmem:$0x2B50]  }
0x1fd: {  	(v2sf) =	vpush v54, $0x2;
	[tilespmem:s22+$0x9F40] =	vst.add.f32.msk $0xffff, v1  }
0x1fe: {  	v1 =	vld [tilespmem:$0x2C10]  }
0x1ff: {  	v4 =	vmul.f32 v4, v12;
	_ =	sdelay $0x1  }
0x200: {  	[tilespmem:s25+$0x9F50] =	vst.add.f32.msk $0xffff, v4;
	v2 =	vmul.f32 v2, v13  }
0x201: {  	v4 =	vld [tilespmem:$0x2760]  }
0x202: {  	[tilespmem:s18+$0x9F50] =	vst.add.f32.msk $0xffff, v2;
	v1 =	vmul.f32 v1, v3  }
0x203: {  	v2 =	vld [tilespmem:$0x2B60]  }
0x204: {  	v15 =	vbroadcast v52, $0xF;
	[tilespmem:s22+$0x9F50] =	vst.add.f32.msk $0xffff, v1  }
0x205: {  	v1 =	vld [tilespmem:$0x2C20]  }
0x206: {  	v52 =	vbroadcast v53, $0xF;
	v4 =	vmul.f32 v4, v15;
	_ =	sdelay $0x1  }
0x207: {  	v56 =	vbroadcast v51, $0x2;
	[tilespmem:s24+$0x9F20] =	vst.add.f32.msk $0xffff, v4;
	v2 =	vmul.f32 v2, v52  }
0x208: {  	v4 =	vld [tilespmem:$0x2770]  }
0x209: {  	[tilespmem:s19+$0x9F20] =	vst.add.f32.msk $0xffff, v2;
	v1 =	vmul.f32 v1, v56  }
0x20a: {  	s20 =	spop (v2sf);
	v2 =	vld [tilespmem:$0x2B70]  }
0x20b: {  	[tilespmem:s20+$0x9F20] =	vst.add.f32.msk $0xffff, v1  }
0x20c: {  	v1 =	vld [tilespmem:$0x2C30]  }
0x20d: {  	v3 =	vmul.f32 v4, v15;
	_ =	sdelay $0x1  }
0x20e: {  	[tilespmem:s24+$0x9F30] =	vst.add.f32.msk $0xffff, v3;
	v2 =	vmul.f32 v2, v52  }
0x20f: {  	v3 =	vld [tilespmem:$0x2780]  }
0x210: {  	[tilespmem:s19+$0x9F30] =	vst.add.f32.msk $0xffff, v2;
	v1 =	vmul.f32 v1, v56  }
0x211: {  	v2 =	vld [tilespmem:$0x2B80]  }
0x212: {  	[tilespmem:s20+$0x9F30] =	vst.add.f32.msk $0xffff, v1  }
0x213: {  	v1 =	vld [tilespmem:$0x2C40]  }
0x214: {  	v3 =	vmul.f32 v3, v15;
	_ =	sdelay $0x1  }
0x215: {  	[tilespmem:s24+$0x9F40] =	vst.add.f32.msk $0xffff, v3;
	v2 =	vmul.f32 v2, v52  }
0x216: {  	v3 =	vld [tilespmem:$0x2790]  }
0x217: {  	[tilespmem:s19+$0x9F40] =	vst.add.f32.msk $0xffff, v2;
	v1 =	vmul.f32 v1, v56  }
0x218: {  	v2 =	vld [tilespmem:$0x2B90]  }
0x219: {  	[tilespmem:s20+$0x9F40] =	vst.add.f32.msk $0xffff, v1  }
0x21a: {  	v1 =	vld [tilespmem:s23+$0x800];
	_ =	sdelay $0x2  }
0x21b: {  	v2 =	vmul.f32 v2, v52;
	_ =	sdelay $0x1  }
0x21c: {  	v3 =	vmul.f32 v3, v15;
	[tilespmem:s19+$0x9F50] =	vst.add.f32.msk $0xffff, v2;
	v2 =	vmul.u32 $0x18, v1;
	_ =	sdelay $0x1  }
0x21d: {  	[tilespmem:s24+$0x9F50] =	vst.add.f32.msk $0xffff, v3;
	v3 =	vor.u32 $0x1, v2;
	_ =	sdelay $0x1  }
0x21e: {  	v7 =	vld.idx.msk [tilespmem:v32+s16+$0x0], $0xffff;
	v53 =	vor.u32 $0x2, v2  }
0x21f: {  	v4 =	vld.idx.msk [tilespmem:v31+s16+$0x0], $0xffff  }
0x220: {  	v55 =	vor.u32 $0x3, v2;
	v6 =	vld.idx.msk [tilespmem:v2+s28+$0x0], $0xffff  }
0x221: {  	v3 =	vld.idx.msk [tilespmem:v3+s28+$0x0], $0xffff  }
0x222: {  	v57 =	vor.u32 $0x4, v2;
	v9 =	vld.idx.msk [tilespmem:v33+s16+$0x0], $0xffff  }
0x223: {  	v5 =	vld.idx.msk [tilespmem:v53+s28+$0x0], $0xffff  }
0x224: {  	v11 =	vld.idx.msk [tilespmem:v34+s16+$0x0], $0xffff  }
0x225: {  	v58 =	vor.u32 $0x5, v2;
	v8 =	vld.idx.msk [tilespmem:v55+s28+$0x0], $0xffff  }
0x226: {  	v13 =	vld.idx.msk [tilespmem:v35+s16+$0x0], $0xffff  }
0x227: {  	v59 =	vor.u32 $0x6, v2;
	v10 =	vld.idx.msk [tilespmem:v57+s28+$0x0], $0xffff  }
0x228: {  	v15 =	vld [tilespmem:s23+$0x810]  }
0x229: {  	v17 =	vor.u32 $0x7, v2;
	v16 =	vld.idx.msk [tilespmem:v36+s16+$0x0], $0xffff  }
0x22a: {  	v12 =	vld.idx.msk [tilespmem:v58+s28+$0x0], $0xffff  }
0x22b: {  	v60 =	vadd.s32 $0x8, v2;
	v52 =	vld.idx.msk [tilespmem:v37+s16+$0x0], $0xffff  }
0x22c: {  	v14 =	vld.idx.msk [tilespmem:v59+s28+$0x0], $0xffff;
	(v2sf) =	vpush v54, $0x3  }
0x22d: {  	v55 =	vld.idx.msk [tilespmem:v38+s16+$0x0], $0xffff;
	(v2sf) =	vpush v54, $0x4;
	v57 =	vmul.u32 $0x18, v15  }
0x22e: {  	v17 =	vld.idx.msk [tilespmem:v17+s28+$0x0], $0xffff;
	(v2sf) =	vpush v54, $0x5  }
0x22f: {  	v58 =	vld.idx.msk [tilespmem:v39+s16+$0x0], $0xffff;
	(v2sf) =	vpush v54, $0x6  }
0x230: {  	v53 =	vld.idx.msk [tilespmem:v60+s28+$0x0], $0xffff;
	(v2sf) =	vpush v54, $0x7;
	v59 =	vor.u32 $0x1, v57  }
0x231: {  	v60 =	vld.idx.msk [tilespmem:v40+s16+$0x0], $0xffff;
	(v2sf) =	vpush v54, $0x8  }
0x232: {  	v4 =	vmul.f32 v6, v4;
	v6 =	vld.idx.msk [tilespmem:v41+s16+$0x0], $0xffff;
	(v2sf) =	vpush v54, $0x9;
	v61 =	vor.u32 $0x2, v57  }
0x233: {  	v1 =	vshll.u32 v1, $0x8;
	v63 =	vor.u32 $0x3, v57;
	(v2sf) =	vpush v54, $0xA;
	v62 =	vld.idx.msk [tilespmem:v57+s28+$0x0], $0xffff  }
0x234: {  	v3 =	vmul.f32 v3, v7;
	v7 =	vld.idx.msk [tilespmem:v42+s16+$0x0], $0xffff;
	v4 =	vadd.f32 $0.0e+00, v4;
	(v2sf) =	vpush v54, $0xB  }
0x235: {  	v1 =	vshra.s32 v1, $0x2;
	v2 =	vadd.s32 $0x9, v2;
	(v2sf) =	vpush v54, $0xC;
	v59 =	vld.idx.msk [tilespmem:v59+s28+$0x0], $0xffff  }
0x236: {  	v3 =	vadd.f32 v3, v4;
	v4 =	vmul.f32 v5, v9;
	v5 =	vld.idx.msk [tilespmem:v43+s16+$0x0], $0xffff;
	(v2sf) =	vpush v54, $0xD  }
0x237: {  	v8 =	vmul.f32 v8, v11;
	(v2sf) =	vpush v54, $0xE;
	v9 =	vld.idx.msk [tilespmem:v61+s28+$0x0], $0xffff;
	v61 =	vor.u32 $0x4, v57  }
0x238: {  	v3 =	vadd.f32 v4, v3;
	v11 =	vld.idx.msk [tilespmem:v63+s28+$0x0], $0xffff;
	(v2sf) =	vpush v54, $0xF;
	v4 =	vmul.f32 v62, v6  }
0x239: {  	(v2sf) =	vpush v1, $0x0;
	v6 =	vld.idx.msk [tilespmem:v44+s16+$0x0], $0xffff;
	v62 =	vor.u32 $0x5, v57  }
0x23a: {  	v2 =	vld.idx.msk [tilespmem:v2+s28+$0x0], $0xffff;
	(v2sf) =	vpush v1, $0x1;
	v7 =	vmul.f32 v59, v7;
	v4 =	vadd.f32 $0.0e+00, v4  }
0x23b: {  	v54 =	vld.idx.msk [tilespmem:v45+s16+$0x0], $0xffff;
	v3 =	vadd.f32 v8, v3;
	s14 =	spop (v2sf);
	(v2sf) =	vpush v1, $0x2;
	v59 =	vor.u32 $0x6, v57  }
0x23c: {  	s21 =	spop (v2sf);
	(v2sf) =	vpush v1, $0x3;
	v5 =	vmul.f32 v9, v5;
	v4 =	vadd.f32 v7, v4;
	v7 =	vld.idx.msk [tilespmem:v61+s28+$0x0], $0xffff  }
0x23d: {  	v9 =	vld.idx.msk [tilespmem:v46+s16+$0x0], $0xffff;
	s7 =	spop (v2sf);
	(v2sf) =	vpush v1, $0x4;
	v61 =	vmul.f32 v10, v13;
	v10 =	vor.u32 $0x7, v57  }
0x23e: {  	s3 =	spop (v2sf);
	(v2sf) =	vpush v1, $0x5;
	v63 =	vmul.f32 v11, v6;
	v6 =	vld.idx.msk [tilespmem:v62+s28+$0x0], $0xffff  }
0x23f: {  	v8 =	vld.idx.msk [tilespmem:v47+s16+$0x0], $0xffff;
	v4 =	vadd.f32 v5, v4;
	v3 =	vadd.f32 v61, v3;
	v61 =	vadd.s32 $0x8, v57  }
0x240: {  	v12 =	vmul.f32 v12, v16;
	v16 =	vadd.s32 $0x9, v57;
	s19 =	spop (v2sf);
	(v2sf) =	vpush v1, $0x6;
	v62 =	vld.idx.msk [tilespmem:v59+s28+$0x0], $0xffff  }
0x241: {  	s8 =	spop (v2sf);
	(v2sf) =	vpush v1, $0x7;
	v4 =	vadd.f32 v63, v4;
	v63 =	vld.idx.msk [tilespmem:v48+s16+$0x0], $0xffff;
	v7 =	vmul.f32 v7, v54  }
0x242: {  	v52 =	vmul.f32 v14, v52;
	s5 =	spop (v2sf);
	(v2sf) =	vpush v1, $0x8;
	v10 =	vld.idx.msk [tilespmem:v10+s28+$0x0], $0xffff  }
0x243: {  	v3 =	vadd.f32 v12, v3;
	v54 =	vld.idx.msk [tilespmem:v49+s16+$0x0], $0xffff;
	v6 =	vmul.f32 v6, v9;
	v4 =	vadd.f32 v7, v4  }
0x244: {  	v55 =	vmul.f32 v17, v55;
	s2 =	spop (v2sf);
	(v2sf) =	vpush v1, $0x9;
	v11 =	vld.idx.msk [tilespmem:v61+s28+$0x0], $0xffff  }
0x245: {  	v57 =	vld.idx.msk [tilespmem:v50+s16+$0x0], $0xffff;
	v3 =	vadd.f32 v52, v3;
	v5 =	vmul.f32 v62, v8;
	v4 =	vadd.f32 v6, v4  }
0x246: {  	v59 =	vmul.f32 v53, v58;
	s10 =	spop (v2sf);
	(v2sf) =	vpush v1, $0xA;
	v61 =	vld.idx.msk [tilespmem:v16+s28+$0x0], $0xffff  }
0x247: {  	v3 =	vadd.f32 v55, v3;
	v62 =	vmul.f32 v10, v63;
	v4 =	vadd.f32 v5, v4  }
0x248: {  	v2 =	vmul.f32 v2, v60;
	s30 =	spop (v2sf);
	(v2sf) =	vpush v1, $0xB  }
0x249: {  	v3 =	vadd.f32 v59, v3;
	v63 =	vmul.f32 v11, v54;
	v4 =	vadd.f32 v62, v4  }
0x24a: {  	s23 =	spop (v2sf);
	(v2sf) =	vpush v1, $0xC  }
0x24b: {  	v2 =	vadd.f32 v2, v3;
	v8 =	vmul.f32 v61, v57;
	v3 =	vadd.f32 v63, v4  }
0x24c: {  	s25 =	spop (v2sf);
	(v2sf) =	vpush v1, $0xD;
	v52 =	vshll.u32 v15, $0x8  }
0x24d: {  	s24 =	spop (v2sf);
	(v2sf) =	vpush v1, $0xE;
	v2 =	vmul.f32 $1.442695020e+00, v2;
	v3 =	vadd.f32 v8, v3  }
0x24e: {  	v53 =	vshra.s32 v52, $0x2;
	s0 =	spop (v2sf);
	(v2sf) =	vpush v1, $0xF  }
0x24f: {  	s22 =	spop (v2sf);
	(v2sf) =	vpush v53, $0x0;
	(erf) = vpow2.f32 v2;
	v1 =	vmul.f32 $1.442695020e+00, v3  }
0x250: {  	s6 =	spop (v2sf)  }
0x251: {  	s18 =	spop (v2sf);
	(erf) = vpow2.f32 v1  }
0x252: {  	s15 =	spop (v2sf)  }
0x253: {  	s13 =	spop (v2sf)  }
0x254: {  	s11 =	spop (v2sf)  }
0x255: {  	s12 =	spop (v2sf)  }
0x256: {  	s1 =	spop (v2sf);
	v1 =	vld [tilespmem:$0x2FA0]  }
0x257: {  	s9 =	spop (v2sf)  }
0x258: {  	v2 =	vld [tilespmem:$0x33A0];
	s17 =	spop (v2sf);
	v54 =	vpop (erf)  }
0x259: {  	s4 =	spop (v2sf);
	v3 =	vbroadcast v54, $0x0  }
0x25a: {  	s31 =	spop (v2sf);
	v55 =	vpop (erf)  }
0x25b: {  	s29 =	spop (v2sf);
	v1 =	vmul.f32 v3, v1;
	v9 =	vbroadcast v55, $0x0  }
0x25c: {  	[dreg:$0xc] =	wrdreg s24;
	s24 =	spop (v2sf)  }
0x25d: {  	s26 =	spop (v2sf);
	[tilespmem:s0+$0x9F20] =	vst.add.f32.msk $0xffff, v1;
	v1 =	vmul.f32 v9, v2  }
0x25e: {  	[dreg:$0xe] =	wrdreg s26;
	s26 =	spop (v2sf);
	v2 =	vld [tilespmem:$0x2FB0]  }
0x25f: {  	[tilespmem:s26+$0x9F20] =	vst.add.f32.msk $0xffff, v1  }
0x260: {  	v1 =	vld [tilespmem:$0x33B0];
	_ =	sdelay $0x2  }
0x261: {  	v2 =	vmul.f32 v3, v2;
	_ =	sdelay $0x1  }
0x262: {  	[tilespmem:s0+$0x9F30] =	vst.add.f32.msk $0xffff, v2;
	v1 =	vmul.f32 v9, v1  }
0x263: {  	v2 =	vld [tilespmem:$0x2FC0]  }
0x264: {  	[tilespmem:s26+$0x9F30] =	vst.add.f32.msk $0xffff, v1  }
0x265: {  	v1 =	vld [tilespmem:$0x33C0];
	_ =	sdelay $0x2  }
0x266: {  	v2 =	vmul.f32 v2, v3;
	_ =	sdelay $0x1  }
0x267: {  	[tilespmem:s0+$0x9F40] =	vst.add.f32.msk $0xffff, v2;
	v1 =	vmul.f32 v1, v9  }
0x268: {  	v2 =	vld [tilespmem:$0x2FD0]  }
0x269: {  	(v2sf) =	vpush v53, $0x1;
	[tilespmem:s26+$0x9F40] =	vst.add.f32.msk $0xffff, v1  }
0x26a: {  	v1 =	vld [tilespmem:$0x33D0];
	_ =	sdelay $0x2  }
0x26b: {  	v2 =	vmul.f32 v2, v3;
	_ =	sdelay $0x1  }
0x26c: {  	[tilespmem:s0+$0x9F50] =	vst.add.f32.msk $0xffff, v2;
	v1 =	vmul.f32 v1, v9  }
0x26d: {  	v2 =	vld [tilespmem:$0x2FE0]  }
0x26e: {  	[tilespmem:s26+$0x9F50] =	vst.add.f32.msk $0xffff, v1  }
0x26f: {  	v1 =	vld [tilespmem:$0x33E0]  }
0x270: {  	v3 =	vbroadcast v54, $0x1;
	_ =	sdelay $0x1  }
0x271: {  	v10 =	vbroadcast v55, $0x1;
	v2 =	vmul.f32 v2, v3;
	_ =	sdelay $0x1  }
0x272: {  	[tilespmem:s22+$0x9F20] =	vst.add.f32.msk $0xffff, v2;
	v1 =	vmul.f32 v1, v10  }
0x273: {  	s26 =	spop (v2sf);
	v2 =	vld [tilespmem:$0x2FF0]  }
0x274: {  	[tilespmem:s26+$0x9F20] =	vst.add.f32.msk $0xffff, v1  }
0x275: {  	v1 =	vld [tilespmem:$0x33F0];
	_ =	sdelay $0x2  }
0x276: {  	v2 =	vmul.f32 v2, v3;
	_ =	sdelay $0x1  }
0x277: {  	[tilespmem:s22+$0x9F30] =	vst.add.f32.msk $0xffff, v2;
	v1 =	vmul.f32 v1, v10  }
0x278: {  	v2 =	vld [tilespmem:$0x3000]  }
0x279: {  	[tilespmem:s26+$0x9F30] =	vst.add.f32.msk $0xffff, v1  }
0x27a: {  	v1 =	vld [tilespmem:$0x3400];
	_ =	sdelay $0x2  }
0x27b: {  	v2 =	vmul.f32 v2, v3;
	_ =	sdelay $0x1  }
0x27c: {  	[tilespmem:s22+$0x9F40] =	vst.add.f32.msk $0xffff, v2;
	v1 =	vmul.f32 v1, v10  }
0x27d: {  	v2 =	vld [tilespmem:$0x3010]  }
0x27e: {  	(v2sf) =	vpush v53, $0x2;
	[tilespmem:s26+$0x9F40] =	vst.add.f32.msk $0xffff, v1  }
0x27f: {  	v1 =	vld [tilespmem:$0x3410];
	_ =	sdelay $0x2  }
0x280: {  	v2 =	vmul.f32 v2, v3;
	_ =	sdelay $0x1  }
0x281: {  	[tilespmem:s22+$0x9F50] =	vst.add.f32.msk $0xffff, v2;
	v1 =	vmul.f32 v1, v10  }
0x282: {  	v2 =	vld [tilespmem:$0x3020]  }
0x283: {  	[tilespmem:s26+$0x9F50] =	vst.add.f32.msk $0xffff, v1  }
0x284: {  	v1 =	vld [tilespmem:$0x3420]  }
0x285: {  	v3 =	vbroadcast v54, $0x2;
	_ =	sdelay $0x1  }
0x286: {  	v11 =	vbroadcast v55, $0x2;
	v2 =	vmul.f32 v2, v3;
	_ =	sdelay $0x1  }
0x287: {  	[tilespmem:s6+$0x9F20] =	vst.add.f32.msk $0xffff, v2;
	v1 =	vmul.f32 v1, v11  }
0x288: {  	s26 =	spop (v2sf);
	v2 =	vld [tilespmem:$0x3030]  }
0x289: {  	[tilespmem:s26+$0x9F20] =	vst.add.f32.msk $0xffff, v1  }
0x28a: {  	v1 =	vld [tilespmem:$0x3430];
	_ =	sdelay $0x2  }
0x28b: {  	v2 =	vmul.f32 v2, v3;
	_ =	sdelay $0x1  }
0x28c: {  	[tilespmem:s6+$0x9F30] =	vst.add.f32.msk $0xffff, v2;
	v1 =	vmul.f32 v1, v11  }
0x28d: {  	v2 =	vld [tilespmem:$0x3040]  }
0x28e: {  	[tilespmem:s26+$0x9F30] =	vst.add.f32.msk $0xffff, v1  }
0x28f: {  	v1 =	vld [tilespmem:$0x3440];
	_ =	sdelay $0x2  }
0x290: {  	v2 =	vmul.f32 v2, v3  }
0x291: {  	v12 =	vld [tilespmem:$0x2C50]  }
0x292: {  	[tilespmem:s6+$0x9F40] =	vst.add.f32.msk $0xffff, v2;
	v1 =	vmul.f32 v1, v11  }
0x293: {  	v2 =	vld [tilespmem:$0x3050]  }
0x294: {  	(v2sf) =	vpush v53, $0x3;
	[tilespmem:s26+$0x9F40] =	vst.add.f32.msk $0xffff, v1  }
0x295: {  	v1 =	vld [tilespmem:$0x3450]  }
0x296: {  	v5 =	vmul.f32 v12, v56;
	_ =	sdelay $0x1  }
0x297: {  	[tilespmem:s20+$0x9F50] =	vst.add.f32.msk $0xffff, v5;
	v2 =	vmul.f32 v2, v3  }
0x298: {  	v3 =	vld [tilespmem:$0x2C60]  }
0x299: {  	[tilespmem:s6+$0x9F50] =	vst.add.f32.msk $0xffff, v2;
	v1 =	vmul.f32 v1, v11  }
0x29a: {  	v2 =	vld [tilespmem:$0x3060]  }
0x29b: {  	[tilespmem:s26+$0x9F50] =	vst.add.f32.msk $0xffff, v1;
	v1 =	vbroadcast v51, $0x3  }
0x29c: {  	v13 =	vld [tilespmem:$0x3460]  }
0x29d: {  	v14 =	vbroadcast v54, $0x3;
	v3 =	vmul.f32 v3, v1;
	_ =	sdelay $0x1  }
0x29e: {  	v2 =	vmul.f32 v2, v14;
	[tilespmem:s14+$0x9F20] =	vst.add.f32.msk $0xffff, v3;
	v3 =	vbroadcast v55, $0x3  }
0x29f: {  	v15 =	vld [tilespmem:$0x2C70]  }
0x2a0: {  	[tilespmem:s18+$0x9F20] =	vst.add.f32.msk $0xffff, v2;
	v2 =	vmul.f32 v13, v3  }
0x2a1: {  	s22 =	spop (v2sf);
	v56 =	vld [tilespmem:$0x3070]  }
0x2a2: {  	[tilespmem:s22+$0x9F20] =	vst.add.f32.msk $0xffff, v2  }
0x2a3: {  	v2 =	vld [tilespmem:$0x3470]  }
0x2a4: {  	v6 =	vmul.f32 v15, v1;
	_ =	sdelay $0x1  }
0x2a5: {  	v4 =	vmul.f32 v56, v14;
	[tilespmem:s14+$0x9F30] =	vst.add.f32.msk $0xffff, v6  }
0x2a6: {  	v6 =	vld [tilespmem:$0x2C80]  }
0x2a7: {  	[tilespmem:s18+$0x9F30] =	vst.add.f32.msk $0xffff, v4;
	v2 =	vmul.f32 v2, v3  }
0x2a8: {  	v4 =	vld [tilespmem:$0x3080]  }
0x2a9: {  	[tilespmem:s22+$0x9F30] =	vst.add.f32.msk $0xffff, v2  }
0x2aa: {  	v2 =	vld [tilespmem:$0x3480]  }
0x2ab: {  	v6 =	vmul.f32 v6, v1;
	_ =	sdelay $0x1  }
0x2ac: {  	v4 =	vmul.f32 v4, v14;
	[tilespmem:s14+$0x9F40] =	vst.add.f32.msk $0xffff, v6  }
0x2ad: {  	v6 =	vld [tilespmem:$0x2C90]  }
0x2ae: {  	[tilespmem:s18+$0x9F40] =	vst.add.f32.msk $0xffff, v4;
	v2 =	vmul.f32 v2, v3  }
0x2af: {  	v4 =	vld [tilespmem:$0x3090]  }
0x2b0: {  	(v2sf) =	vpush v53, $0x4;
	[tilespmem:s22+$0x9F40] =	vst.add.f32.msk $0xffff, v2  }
0x2b1: {  	v2 =	vld [tilespmem:$0x3490]  }
0x2b2: {  	v1 =	vmul.f32 v6, v1;
	_ =	sdelay $0x1  }
0x2b3: {  	[tilespmem:s14+$0x9F50] =	vst.add.f32.msk $0xffff, v1;
	v1 =	vmul.f32 v4, v14  }
0x2b4: {  	v57 =	vld [tilespmem:$0x2CA0]  }
0x2b5: {  	[tilespmem:s18+$0x9F50] =	vst.add.f32.msk $0xffff, v1;
	v1 =	vmul.f32 v2, v3  }
0x2b6: {  	v2 =	vld [tilespmem:$0x30A0]  }
0x2b7: {  	v3 =	vbroadcast v51, $0x4;
	[tilespmem:s22+$0x9F50] =	vst.add.f32.msk $0xffff, v1  }
0x2b8: {  	v1 =	vld [tilespmem:$0x34A0]  }
0x2b9: {  	v58 =	vbroadcast v54, $0x4;
	v4 =	vmul.f32 v57, v3;
	_ =	sdelay $0x1  }
0x2ba: {  	v59 =	vbroadcast v55, $0x4;
	[tilespmem:s21+$0x9F20] =	vst.add.f32.msk $0xffff, v4;
	v2 =	vmul.f32 v2, v58  }
0x2bb: {  	v60 =	vld [tilespmem:$0x2CB0]  }
0x2bc: {  	[tilespmem:s15+$0x9F20] =	vst.add.f32.msk $0xffff, v2;
	v1 =	vmul.f32 v1, v59  }
0x2bd: {  	s26 =	spop (v2sf);
	v2 =	vld [tilespmem:$0x30B0]  }
0x2be: {  	[tilespmem:s26+$0x9F20] =	vst.add.f32.msk $0xffff, v1  }
0x2bf: {  	v1 =	vld [tilespmem:$0x34B0]  }
0x2c0: {  	v6 =	vmul.f32 v60, v3;
	_ =	sdelay $0x1  }
0x2c1: {  	[tilespmem:s21+$0x9F30] =	vst.add.f32.msk $0xffff, v6;
	v2 =	vmul.f32 v2, v58  }
0x2c2: {  	v6 =	vld [tilespmem:$0x2CC0]  }
0x2c3: {  	[tilespmem:s15+$0x9F30] =	vst.add.f32.msk $0xffff, v2;
	v1 =	vmul.f32 v1, v59  }
0x2c4: {  	v2 =	vld [tilespmem:$0x30C0]  }
0x2c5: {  	[tilespmem:s26+$0x9F30] =	vst.add.f32.msk $0xffff, v1  }
0x2c6: {  	v1 =	vld [tilespmem:$0x34C0]  }
0x2c7: {  	v6 =	vmul.f32 v6, v3;
	_ =	sdelay $0x1  }
0x2c8: {  	[tilespmem:s21+$0x9F40] =	vst.add.f32.msk $0xffff, v6;
	v2 =	vmul.f32 v2, v58  }
0x2c9: {  	v6 =	vld [tilespmem:$0x2CD0]  }
0x2ca: {  	[tilespmem:s15+$0x9F40] =	vst.add.f32.msk $0xffff, v2;
	v1 =	vmul.f32 v1, v59  }
0x2cb: {  	v2 =	vld [tilespmem:$0x30D0]  }
0x2cc: {  	(v2sf) =	vpush v53, $0x5;
	[tilespmem:s26+$0x9F40] =	vst.add.f32.msk $0xffff, v1  }
0x2cd: {  	v1 =	vld [tilespmem:$0x34D0]  }
0x2ce: {  	v3 =	vmul.f32 v6, v3;
	_ =	sdelay $0x1  }
0x2cf: {  	[tilespmem:s21+$0x9F50] =	vst.add.f32.msk $0xffff, v3;
	v2 =	vmul.f32 v2, v58  }
0x2d0: {  	v3 =	vld [tilespmem:$0x2CE0]  }
0x2d1: {  	[tilespmem:s15+$0x9F50] =	vst.add.f32.msk $0xffff, v2;
	v1 =	vmul.f32 v1, v59  }
0x2d2: {  	v2 =	vld [tilespmem:$0x30E0]  }
0x2d3: {  	v61 =	vbroadcast v51, $0x5;
	[tilespmem:s26+$0x9F50] =	vst.add.f32.msk $0xffff, v1  }
0x2d4: {  	v1 =	vld [tilespmem:$0x34E0]  }
0x2d5: {  	v62 =	vbroadcast v54, $0x5;
	v3 =	vmul.f32 v3, v61;
	_ =	sdelay $0x1  }
0x2d6: {  	[tilespmem:s7+$0x9F20] =	vst.add.f32.msk $0xffff, v3;
	v2 =	vmul.f32 v2, v62;
	v3 =	vbroadcast v55, $0x5  }
0x2d7: {  	v63 =	vld [tilespmem:$0x2CF0]  }
0x2d8: {  	[tilespmem:s13+$0x9F20] =	vst.add.f32.msk $0xffff, v2;
	v1 =	vmul.f32 v1, v3  }
0x2d9: {  	s6 =	spop (v2sf);
	v2 =	vld [tilespmem:$0x30F0]  }
0x2da: {  	[tilespmem:s6+$0x9F20] =	vst.add.f32.msk $0xffff, v1  }
0x2db: {  	v1 =	vld [tilespmem:$0x34F0]  }
0x2dc: {  	v6 =	vmul.f32 v63, v61;
	_ =	sdelay $0x1  }
0x2dd: {  	[tilespmem:s7+$0x9F30] =	vst.add.f32.msk $0xffff, v6;
	v2 =	vmul.f32 v2, v62  }
0x2de: {  	v6 =	vld [tilespmem:$0x2D00]  }
0x2df: {  	[tilespmem:s13+$0x9F30] =	vst.add.f32.msk $0xffff, v2;
	v1 =	vmul.f32 v1, v3  }
0x2e0: {  	v2 =	vld [tilespmem:$0x3100]  }
0x2e1: {  	[tilespmem:s6+$0x9F30] =	vst.add.f32.msk $0xffff, v1  }
0x2e2: {  	v1 =	vld [tilespmem:$0x3500]  }
0x2e3: {  	v6 =	vmul.f32 v6, v61;
	_ =	sdelay $0x1  }
0x2e4: {  	[tilespmem:s7+$0x9F40] =	vst.add.f32.msk $0xffff, v6;
	v2 =	vmul.f32 v2, v62  }
0x2e5: {  	v6 =	vld [tilespmem:$0x2D10]  }
0x2e6: {  	[tilespmem:s13+$0x9F40] =	vst.add.f32.msk $0xffff, v2;
	v1 =	vmul.f32 v1, v3  }
0x2e7: {  	v2 =	vld [tilespmem:$0x3110]  }
0x2e8: {  	(v2sf) =	vpush v53, $0x6;
	[tilespmem:s6+$0x9F40] =	vst.add.f32.msk $0xffff, v1  }
0x2e9: {  	v1 =	vld [tilespmem:$0x3510]  }
0x2ea: {  	v4 =	vmul.f32 v6, v61;
	_ =	sdelay $0x1  }
0x2eb: {  	[tilespmem:s7+$0x9F50] =	vst.add.f32.msk $0xffff, v4;
	v2 =	vmul.f32 v2, v62  }
0x2ec: {  	v4 =	vld [tilespmem:$0x2D20]  }
0x2ed: {  	[tilespmem:s13+$0x9F50] =	vst.add.f32.msk $0xffff, v2;
	v1 =	vmul.f32 v1, v3  }
0x2ee: {  	v2 =	vld [tilespmem:$0x3120]  }
0x2ef: {  	v3 =	vbroadcast v51, $0x6;
	[tilespmem:s6+$0x9F50] =	vst.add.f32.msk $0xffff, v1  }
0x2f0: {  	v1 =	vld [tilespmem:$0x3520]  }
0x2f1: {  	v9 =	vbroadcast v54, $0x6;
	v4 =	vmul.f32 v4, v3;
	_ =	sdelay $0x1  }
0x2f2: {  	v10 =	vbroadcast v55, $0x6;
	[tilespmem:s3+$0x9F20] =	vst.add.f32.msk $0xffff, v4;
	v2 =	vmul.f32 v2, v9  }
0x2f3: {  	v11 =	vld [tilespmem:$0x2D30]  }
0x2f4: {  	[tilespmem:s11+$0x9F20] =	vst.add.f32.msk $0xffff, v2;
	v1 =	vmul.f32 v1, v10  }
0x2f5: {  	s13 =	spop (v2sf);
	v2 =	vld [tilespmem:$0x3130]  }
0x2f6: {  	[tilespmem:s13+$0x9F20] =	vst.add.f32.msk $0xffff, v1  }
0x2f7: {  	v1 =	vld [tilespmem:$0x3530]  }
0x2f8: {  	v6 =	vmul.f32 v11, v3;
	_ =	sdelay $0x1  }
0x2f9: {  	[tilespmem:s3+$0x9F30] =	vst.add.f32.msk $0xffff, v6;
	v2 =	vmul.f32 v2, v9  }
0x2fa: {  	v6 =	vld [tilespmem:$0x2D40]  }
0x2fb: {  	[tilespmem:s11+$0x9F30] =	vst.add.f32.msk $0xffff, v2;
	v1 =	vmul.f32 v1, v10  }
0x2fc: {  	v2 =	vld [tilespmem:$0x3140]  }
0x2fd: {  	[tilespmem:s13+$0x9F30] =	vst.add.f32.msk $0xffff, v1  }
0x2fe: {  	v1 =	vld [tilespmem:$0x3540]  }
0x2ff: {  	v6 =	vmul.f32 v6, v3;
	_ =	sdelay $0x1  }
0x300: {  	[tilespmem:s3+$0x9F40] =	vst.add.f32.msk $0xffff, v6;
	v2 =	vmul.f32 v2, v9  }
0x301: {  	v6 =	vld [tilespmem:$0x2D50]  }
0x302: {  	[tilespmem:s11+$0x9F40] =	vst.add.f32.msk $0xffff, v2;
	v1 =	vmul.f32 v1, v10  }
0x303: {  	v2 =	vld [tilespmem:$0x3150]  }
0x304: {  	(v2sf) =	vpush v53, $0x7;
	[tilespmem:s13+$0x9F40] =	vst.add.f32.msk $0xffff, v1  }
0x305: {  	v1 =	vld [tilespmem:$0x3550]  }
0x306: {  	v3 =	vmul.f32 v6, v3;
	_ =	sdelay $0x1  }
0x307: {  	[tilespmem:s3+$0x9F50] =	vst.add.f32.msk $0xffff, v3;
	v2 =	vmul.f32 v2, v9  }
0x308: {  	v3 =	vld [tilespmem:$0x2D60]  }
0x309: {  	[tilespmem:s11+$0x9F50] =	vst.add.f32.msk $0xffff, v2;
	v1 =	vmul.f32 v1, v10  }
0x30a: {  	v2 =	vld [tilespmem:$0x3160]  }
0x30b: {  	v12 =	vbroadcast v51, $0x7;
	[tilespmem:s13+$0x9F50] =	vst.add.f32.msk $0xffff, v1  }
0x30c: {  	v1 =	vld [tilespmem:$0x3560]  }
0x30d: {  	v13 =	vbroadcast v54, $0x7;
	v3 =	vmul.f32 v3, v12;
	_ =	sdelay $0x1  }
0x30e: {  	[tilespmem:s19+$0x9F20] =	vst.add.f32.msk $0xffff, v3;
	v2 =	vmul.f32 v2, v13;
	v3 =	vbroadcast v55, $0x7  }
0x30f: {  	v14 =	vld [tilespmem:$0x2D70]  }
0x310: {  	[tilespmem:s12+$0x9F20] =	vst.add.f32.msk $0xffff, v2;
	v1 =	vmul.f32 v1, v3  }
0x311: {  	s14 =	spop (v2sf);
	v2 =	vld [tilespmem:$0x3170]  }
0x312: {  	[tilespmem:s14+$0x9F20] =	vst.add.f32.msk $0xffff, v1  }
0x313: {  	v1 =	vld [tilespmem:$0x3570]  }
0x314: {  	v6 =	vmul.f32 v14, v12;
	_ =	sdelay $0x1  }
0x315: {  	[tilespmem:s19+$0x9F30] =	vst.add.f32.msk $0xffff, v6;
	v2 =	vmul.f32 v2, v13  }
0x316: {  	v6 =	vld [tilespmem:$0x2D80]  }
0x317: {  	[tilespmem:s12+$0x9F30] =	vst.add.f32.msk $0xffff, v2;
	v1 =	vmul.f32 v1, v3  }
0x318: {  	v2 =	vld [tilespmem:$0x3180]  }
0x319: {  	[tilespmem:s14+$0x9F30] =	vst.add.f32.msk $0xffff, v1  }
0x31a: {  	v1 =	vld [tilespmem:$0x3580]  }
0x31b: {  	v6 =	vmul.f32 v6, v12;
	_ =	sdelay $0x1  }
0x31c: {  	[tilespmem:s19+$0x9F40] =	vst.add.f32.msk $0xffff, v6;
	v2 =	vmul.f32 v2, v13  }
0x31d: {  	v6 =	vld [tilespmem:$0x2D90]  }
0x31e: {  	[tilespmem:s12+$0x9F40] =	vst.add.f32.msk $0xffff, v2;
	v1 =	vmul.f32 v1, v3  }
0x31f: {  	v2 =	vld [tilespmem:$0x3190]  }
0x320: {  	(v2sf) =	vpush v53, $0x8;
	[tilespmem:s14+$0x9F40] =	vst.add.f32.msk $0xffff, v1  }
0x321: {  	v1 =	vld [tilespmem:$0x3590]  }
0x322: {  	v4 =	vmul.f32 v6, v12;
	_ =	sdelay $0x1  }
0x323: {  	[tilespmem:s19+$0x9F50] =	vst.add.f32.msk $0xffff, v4;
	v2 =	vmul.f32 v2, v13  }
0x324: {  	v4 =	vld [tilespmem:$0x2DA0]  }
0x325: {  	[tilespmem:s12+$0x9F50] =	vst.add.f32.msk $0xffff, v2;
	v1 =	vmul.f32 v1, v3  }
0x326: {  	v2 =	vld [tilespmem:$0x31A0]  }
0x327: {  	v3 =	vbroadcast v51, $0x8;
	[tilespmem:s14+$0x9F50] =	vst.add.f32.msk $0xffff, v1  }
0x328: {  	v1 =	vld [tilespmem:$0x35A0]  }
0x329: {  	v15 =	vbroadcast v54, $0x8;
	v4 =	vmul.f32 v4, v3;
	_ =	sdelay $0x1  }
0x32a: {  	v56 =	vbroadcast v55, $0x8;
	[tilespmem:s8+$0x9F20] =	vst.add.f32.msk $0xffff, v4;
	v2 =	vmul.f32 v2, v15  }
0x32b: {  	v57 =	vld [tilespmem:$0x2DB0]  }
0x32c: {  	[tilespmem:s1+$0x9F20] =	vst.add.f32.msk $0xffff, v2;
	v1 =	vmul.f32 v1, v56  }
0x32d: {  	s15 =	spop (v2sf);
	v2 =	vld [tilespmem:$0x31B0]  }
0x32e: {  	[tilespmem:s15+$0x9F20] =	vst.add.f32.msk $0xffff, v1  }
0x32f: {  	v1 =	vld [tilespmem:$0x35B0]  }
0x330: {  	v6 =	vmul.f32 v57, v3;
	_ =	sdelay $0x1  }
0x331: {  	[tilespmem:s8+$0x9F30] =	vst.add.f32.msk $0xffff, v6;
	v2 =	vmul.f32 v2, v15  }
0x332: {  	v6 =	vld [tilespmem:$0x2DC0]  }
0x333: {  	[tilespmem:s1+$0x9F30] =	vst.add.f32.msk $0xffff, v2;
	v1 =	vmul.f32 v1, v56  }
0x334: {  	v2 =	vld [tilespmem:$0x31C0]  }
0x335: {  	[tilespmem:s15+$0x9F30] =	vst.add.f32.msk $0xffff, v1  }
0x336: {  	v1 =	vld [tilespmem:$0x35C0]  }
0x337: {  	v6 =	vmul.f32 v6, v3;
	_ =	sdelay $0x1  }
0x338: {  	[tilespmem:s8+$0x9F40] =	vst.add.f32.msk $0xffff, v6;
	v2 =	vmul.f32 v2, v15  }
0x339: {  	v6 =	vld [tilespmem:$0x2DD0]  }
0x33a: {  	[tilespmem:s1+$0x9F40] =	vst.add.f32.msk $0xffff, v2;
	v1 =	vmul.f32 v1, v56  }
0x33b: {  	v2 =	vld [tilespmem:$0x31D0]  }
0x33c: {  	(v2sf) =	vpush v53, $0x9;
	[tilespmem:s15+$0x9F40] =	vst.add.f32.msk $0xffff, v1  }
0x33d: {  	v1 =	vld [tilespmem:$0x35D0]  }
0x33e: {  	v3 =	vmul.f32 v6, v3;
	_ =	sdelay $0x1  }
0x33f: {  	[tilespmem:s8+$0x9F50] =	vst.add.f32.msk $0xffff, v3;
	v2 =	vmul.f32 v2, v15  }
0x340: {  	v3 =	vld [tilespmem:$0x2DE0]  }
0x341: {  	[tilespmem:s1+$0x9F50] =	vst.add.f32.msk $0xffff, v2;
	v1 =	vmul.f32 v1, v56  }
0x342: {  	v2 =	vld [tilespmem:$0x31E0]  }
0x343: {  	v58 =	vbroadcast v51, $0x9;
	[tilespmem:s15+$0x9F50] =	vst.add.f32.msk $0xffff, v1  }
0x344: {  	v1 =	vld [tilespmem:$0x35E0]  }
0x345: {  	v59 =	vbroadcast v54, $0x9;
	v3 =	vmul.f32 v3, v58;
	_ =	sdelay $0x1  }
0x346: {  	[tilespmem:s5+$0x9F20] =	vst.add.f32.msk $0xffff, v3;
	v2 =	vmul.f32 v2, v59;
	v3 =	vbroadcast v55, $0x9  }
0x347: {  	v60 =	vld [tilespmem:$0x2DF0]  }
0x348: {  	[tilespmem:s9+$0x9F20] =	vst.add.f32.msk $0xffff, v2;
	v1 =	vmul.f32 v1, v3  }
0x349: {  	s18 =	spop (v2sf);
	v2 =	vld [tilespmem:$0x31F0]  }
0x34a: {  	[tilespmem:s18+$0x9F20] =	vst.add.f32.msk $0xffff, v1  }
0x34b: {  	v1 =	vld [tilespmem:$0x35F0]  }
0x34c: {  	v6 =	vmul.f32 v60, v58;
	_ =	sdelay $0x1  }
0x34d: {  	[tilespmem:s5+$0x9F30] =	vst.add.f32.msk $0xffff, v6;
	v2 =	vmul.f32 v2, v59  }
0x34e: {  	v6 =	vld [tilespmem:$0x2E00]  }
0x34f: {  	[tilespmem:s9+$0x9F30] =	vst.add.f32.msk $0xffff, v2;
	v1 =	vmul.f32 v1, v3  }
0x350: {  	v2 =	vld [tilespmem:$0x3200]  }
0x351: {  	[tilespmem:s18+$0x9F30] =	vst.add.f32.msk $0xffff, v1  }
0x352: {  	v1 =	vld [tilespmem:$0x3600]  }
0x353: {  	v6 =	vmul.f32 v6, v58;
	_ =	sdelay $0x1  }
0x354: {  	[tilespmem:s5+$0x9F40] =	vst.add.f32.msk $0xffff, v6;
	v2 =	vmul.f32 v2, v59  }
0x355: {  	v6 =	vld [tilespmem:$0x2E10]  }
0x356: {  	[tilespmem:s9+$0x9F40] =	vst.add.f32.msk $0xffff, v2;
	v1 =	vmul.f32 v1, v3  }
0x357: {  	v2 =	vld [tilespmem:$0x3210]  }
0x358: {  	(v2sf) =	vpush v53, $0xA;
	[tilespmem:s18+$0x9F40] =	vst.add.f32.msk $0xffff, v1  }
0x359: {  	v1 =	vld [tilespmem:$0x3610]  }
0x35a: {  	v4 =	vmul.f32 v6, v58;
	_ =	sdelay $0x1  }
0x35b: {  	[tilespmem:s5+$0x9F50] =	vst.add.f32.msk $0xffff, v4;
	v2 =	vmul.f32 v2, v59  }
0x35c: {  	v4 =	vld [tilespmem:$0x2E20]  }
0x35d: {  	[tilespmem:s9+$0x9F50] =	vst.add.f32.msk $0xffff, v2;
	v1 =	vmul.f32 v1, v3  }
0x35e: {  	v2 =	vld [tilespmem:$0x3220]  }
0x35f: {  	v3 =	vbroadcast v51, $0xA;
	[tilespmem:s18+$0x9F50] =	vst.add.f32.msk $0xffff, v1  }
0x360: {  	v1 =	vld [tilespmem:$0x3620]  }
0x361: {  	v61 =	vbroadcast v54, $0xA;
	v4 =	vmul.f32 v4, v3;
	_ =	sdelay $0x1  }
0x362: {  	v62 =	vbroadcast v55, $0xA;
	[tilespmem:s2+$0x9F20] =	vst.add.f32.msk $0xffff, v4;
	v2 =	vmul.f32 v2, v61  }
0x363: {  	v63 =	vld [tilespmem:$0x2E30]  }
0x364: {  	[tilespmem:s17+$0x9F20] =	vst.add.f32.msk $0xffff, v2;
	v1 =	vmul.f32 v1, v62  }
0x365: {  	s19 =	spop (v2sf);
	v2 =	vld [tilespmem:$0x3230]  }
0x366: {  	[tilespmem:s19+$0x9F20] =	vst.add.f32.msk $0xffff, v1  }
0x367: {  	v1 =	vld [tilespmem:$0x3630]  }
0x368: {  	v6 =	vmul.f32 v63, v3;
	_ =	sdelay $0x1  }
0x369: {  	[tilespmem:s2+$0x9F30] =	vst.add.f32.msk $0xffff, v6;
	v2 =	vmul.f32 v2, v61  }
0x36a: {  	v6 =	vld [tilespmem:$0x2E40]  }
0x36b: {  	[tilespmem:s17+$0x9F30] =	vst.add.f32.msk $0xffff, v2;
	v1 =	vmul.f32 v1, v62  }
0x36c: {  	v2 =	vld [tilespmem:$0x3240]  }
0x36d: {  	[tilespmem:s19+$0x9F30] =	vst.add.f32.msk $0xffff, v1  }
0x36e: {  	v1 =	vld [tilespmem:$0x3640]  }
0x36f: {  	v6 =	vmul.f32 v6, v3;
	_ =	sdelay $0x1  }
0x370: {  	[tilespmem:s2+$0x9F40] =	vst.add.f32.msk $0xffff, v6;
	v2 =	vmul.f32 v2, v61  }
0x371: {  	v6 =	vld [tilespmem:$0x2E50]  }
0x372: {  	[tilespmem:s17+$0x9F40] =	vst.add.f32.msk $0xffff, v2;
	v1 =	vmul.f32 v1, v62  }
0x373: {  	v2 =	vld [tilespmem:$0x3250]  }
0x374: {  	(v2sf) =	vpush v53, $0xB;
	[tilespmem:s19+$0x9F40] =	vst.add.f32.msk $0xffff, v1  }
0x375: {  	v1 =	vld [tilespmem:$0x3650]  }
0x376: {  	v3 =	vmul.f32 v6, v3;
	_ =	sdelay $0x1  }
0x377: {  	[tilespmem:s2+$0x9F50] =	vst.add.f32.msk $0xffff, v3;
	v2 =	vmul.f32 v2, v61  }
0x378: {  	v3 =	vld [tilespmem:$0x2E60]  }
0x379: {  	[tilespmem:s17+$0x9F50] =	vst.add.f32.msk $0xffff, v2;
	v1 =	vmul.f32 v1, v62  }
0x37a: {  	v2 =	vld [tilespmem:$0x3260]  }
0x37b: {  	v9 =	vbroadcast v51, $0xB;
	[tilespmem:s19+$0x9F50] =	vst.add.f32.msk $0xffff, v1  }
0x37c: {  	v1 =	vld [tilespmem:$0x3660]  }
0x37d: {  	v10 =	vbroadcast v54, $0xB;
	v3 =	vmul.f32 v3, v9;
	_ =	sdelay $0x1  }
0x37e: {  	[tilespmem:s10+$0x9F20] =	vst.add.f32.msk $0xffff, v3;
	v2 =	vmul.f32 v2, v10;
	v3 =	vbroadcast v55, $0xB  }
0x37f: {  	v11 =	vld [tilespmem:$0x2E70]  }
0x380: {  	[tilespmem:s4+$0x9F20] =	vst.add.f32.msk $0xffff, v2;
	v1 =	vmul.f32 v1, v3  }
0x381: {  	s20 =	spop (v2sf);
	v2 =	vld [tilespmem:$0x3270]  }
0x382: {  	[tilespmem:s20+$0x9F20] =	vst.add.f32.msk $0xffff, v1  }
0x383: {  	v1 =	vld [tilespmem:$0x3670]  }
0x384: {  	v6 =	vmul.f32 v11, v9;
	_ =	sdelay $0x1  }
0x385: {  	[tilespmem:s10+$0x9F30] =	vst.add.f32.msk $0xffff, v6;
	v2 =	vmul.f32 v2, v10  }
0x386: {  	v6 =	vld [tilespmem:$0x2E80]  }
0x387: {  	[tilespmem:s4+$0x9F30] =	vst.add.f32.msk $0xffff, v2;
	v1 =	vmul.f32 v1, v3  }
0x388: {  	v2 =	vld [tilespmem:$0x3280]  }
0x389: {  	[tilespmem:s20+$0x9F30] =	vst.add.f32.msk $0xffff, v1  }
0x38a: {  	v1 =	vld [tilespmem:$0x3680]  }
0x38b: {  	v6 =	vmul.f32 v6, v9;
	_ =	sdelay $0x1  }
0x38c: {  	[tilespmem:s10+$0x9F40] =	vst.add.f32.msk $0xffff, v6;
	v2 =	vmul.f32 v2, v10  }
0x38d: {  	v6 =	vld [tilespmem:$0x2E90]  }
0x38e: {  	[tilespmem:s4+$0x9F40] =	vst.add.f32.msk $0xffff, v2;
	v1 =	vmul.f32 v1, v3  }
0x38f: {  	v2 =	vld [tilespmem:$0x3290]  }
0x390: {  	(v2sf) =	vpush v53, $0xC;
	[tilespmem:s20+$0x9F40] =	vst.add.f32.msk $0xffff, v1  }
0x391: {  	v1 =	vld [tilespmem:$0x3690]  }
0x392: {  	v4 =	vmul.f32 v6, v9;
	_ =	sdelay $0x1  }
0x393: {  	[tilespmem:s10+$0x9F50] =	vst.add.f32.msk $0xffff, v4;
	v2 =	vmul.f32 v2, v10  }
0x394: {  	v4 =	vld [tilespmem:$0x2EA0]  }
0x395: {  	[tilespmem:s4+$0x9F50] =	vst.add.f32.msk $0xffff, v2;
	v1 =	vmul.f32 v1, v3  }
0x396: {  	v2 =	vld [tilespmem:$0x32A0]  }
0x397: {  	v3 =	vbroadcast v51, $0xC;
	[tilespmem:s20+$0x9F50] =	vst.add.f32.msk $0xffff, v1  }
0x398: {  	v1 =	vld [tilespmem:$0x36A0]  }
0x399: {  	v12 =	vbroadcast v54, $0xC;
	v4 =	vmul.f32 v4, v3;
	_ =	sdelay $0x1  }
0x39a: {  	v13 =	vbroadcast v55, $0xC;
	[tilespmem:s30+$0x9F20] =	vst.add.f32.msk $0xffff, v4;
	v2 =	vmul.f32 v2, v12  }
0x39b: {  	v14 =	vld [tilespmem:$0x2EB0]  }
0x39c: {  	[tilespmem:s31+$0x9F20] =	vst.add.f32.msk $0xffff, v2;
	v1 =	vmul.f32 v1, v13  }
0x39d: {  	s21 =	spop (v2sf);
	v2 =	vld [tilespmem:$0x32B0]  }
0x39e: {  	[tilespmem:s21+$0x9F20] =	vst.add.f32.msk $0xffff, v1  }
0x39f: {  	v1 =	vld [tilespmem:$0x36B0]  }
0x3a0: {  	v6 =	vmul.f32 v14, v3;
	_ =	sdelay $0x1  }
0x3a1: {  	[tilespmem:s30+$0x9F30] =	vst.add.f32.msk $0xffff, v6;
	v2 =	vmul.f32 v2, v12  }
0x3a2: {  	v6 =	vld [tilespmem:$0x2EC0]  }
0x3a3: {  	[tilespmem:s31+$0x9F30] =	vst.add.f32.msk $0xffff, v2;
	v1 =	vmul.f32 v1, v13  }
0x3a4: {  	v2 =	vld [tilespmem:$0x32C0]  }
0x3a5: {  	[tilespmem:s21+$0x9F30] =	vst.add.f32.msk $0xffff, v1  }
0x3a6: {  	v1 =	vld [tilespmem:$0x36C0]  }
0x3a7: {  	v6 =	vmul.f32 v6, v3;
	_ =	sdelay $0x1  }
0x3a8: {  	[tilespmem:s30+$0x9F40] =	vst.add.f32.msk $0xffff, v6;
	v2 =	vmul.f32 v2, v12  }
0x3a9: {  	v6 =	vld [tilespmem:$0x2ED0]  }
0x3aa: {  	[tilespmem:s31+$0x9F40] =	vst.add.f32.msk $0xffff, v2;
	v1 =	vmul.f32 v1, v13  }
0x3ab: {  	v2 =	vld [tilespmem:$0x32D0]  }
0x3ac: {  	(v2sf) =	vpush v53, $0xD;
	[tilespmem:s21+$0x9F40] =	vst.add.f32.msk $0xffff, v1  }
0x3ad: {  	v1 =	vld [tilespmem:$0x36D0]  }
0x3ae: {  	v3 =	vmul.f32 v6, v3;
	_ =	sdelay $0x1  }
0x3af: {  	[tilespmem:s30+$0x9F50] =	vst.add.f32.msk $0xffff, v3;
	v2 =	vmul.f32 v2, v12  }
0x3b0: {  	v3 =	vld [tilespmem:$0x2EE0]  }
0x3b1: {  	[tilespmem:s31+$0x9F50] =	vst.add.f32.msk $0xffff, v2;
	v1 =	vmul.f32 v1, v13  }
0x3b2: {  	v2 =	vld [tilespmem:$0x32E0]  }
0x3b3: {  	v15 =	vbroadcast v51, $0xD;
	[tilespmem:s21+$0x9F50] =	vst.add.f32.msk $0xffff, v1  }
0x3b4: {  	v1 =	vld [tilespmem:$0x36E0]  }
0x3b5: {  	v56 =	vbroadcast v54, $0xD;
	v3 =	vmul.f32 v3, v15;
	_ =	sdelay $0x1  }
0x3b6: {  	[tilespmem:s23+$0x9F20] =	vst.add.f32.msk $0xffff, v3;
	v2 =	vmul.f32 v2, v56;
	v3 =	vbroadcast v55, $0xD  }
0x3b7: {  	v57 =	vld [tilespmem:$0x2EF0]  }
0x3b8: {  	[tilespmem:s29+$0x9F20] =	vst.add.f32.msk $0xffff, v2;
	v1 =	vmul.f32 v1, v3  }
0x3b9: {  	s22 =	spop (v2sf);
	v2 =	vld [tilespmem:$0x32F0]  }
0x3ba: {  	[tilespmem:s22+$0x9F20] =	vst.add.f32.msk $0xffff, v1  }
0x3bb: {  	v1 =	vld [tilespmem:$0x36F0]  }
0x3bc: {  	v6 =	vmul.f32 v57, v15;
	_ =	sdelay $0x1  }
0x3bd: {  	[tilespmem:s23+$0x9F30] =	vst.add.f32.msk $0xffff, v6;
	v2 =	vmul.f32 v2, v56  }
0x3be: {  	v6 =	vld [tilespmem:$0x2F00]  }
0x3bf: {  	[tilespmem:s29+$0x9F30] =	vst.add.f32.msk $0xffff, v2;
	v1 =	vmul.f32 v1, v3  }
0x3c0: {  	v2 =	vld [tilespmem:$0x3300]  }
0x3c1: {  	[tilespmem:s22+$0x9F30] =	vst.add.f32.msk $0xffff, v1  }
0x3c2: {  	v1 =	vld [tilespmem:$0x3700]  }
0x3c3: {  	v6 =	vmul.f32 v6, v15;
	_ =	sdelay $0x1  }
0x3c4: {  	[tilespmem:s23+$0x9F40] =	vst.add.f32.msk $0xffff, v6;
	v2 =	vmul.f32 v2, v56  }
0x3c5: {  	v6 =	vld [tilespmem:$0x2F10]  }
0x3c6: {  	[tilespmem:s29+$0x9F40] =	vst.add.f32.msk $0xffff, v2;
	v1 =	vmul.f32 v1, v3  }
0x3c7: {  	v2 =	vld [tilespmem:$0x3310]  }
0x3c8: {  	(v2sf) =	vpush v53, $0xE;
	[tilespmem:s22+$0x9F40] =	vst.add.f32.msk $0xffff, v1  }
0x3c9: {  	v1 =	vld [tilespmem:$0x3710]  }
0x3ca: {  	v4 =	vmul.f32 v6, v15;
	_ =	sdelay $0x1  }
0x3cb: {  	[tilespmem:s23+$0x9F50] =	vst.add.f32.msk $0xffff, v4;
	v2 =	vmul.f32 v2, v56  }
0x3cc: {  	v4 =	vld [tilespmem:$0x2F20]  }
0x3cd: {  	[tilespmem:s29+$0x9F50] =	vst.add.f32.msk $0xffff, v2;
	v1 =	vmul.f32 v1, v3  }
0x3ce: {  	v2 =	vld [tilespmem:$0x3320]  }
0x3cf: {  	v3 =	vbroadcast v51, $0xE;
	[tilespmem:s22+$0x9F50] =	vst.add.f32.msk $0xffff, v1  }
0x3d0: {  	v1 =	vld [tilespmem:$0x3720]  }
0x3d1: {  	v58 =	vbroadcast v54, $0xE;
	v4 =	vmul.f32 v4, v3;
	_ =	sdelay $0x1  }
0x3d2: {  	v59 =	vbroadcast v55, $0xE;
	[tilespmem:s25+$0x9F20] =	vst.add.f32.msk $0xffff, v4;
	v2 =	vmul.f32 v2, v58  }
0x3d3: {  	v60 =	vld [tilespmem:$0x2F30]  }
0x3d4: {  	[tilespmem:s24+$0x9F20] =	vst.add.f32.msk $0xffff, v2;
	v1 =	vmul.f32 v1, v59  }
0x3d5: {  	s26 =	spop (v2sf);
	v2 =	vld [tilespmem:$0x3330]  }
0x3d6: {  	[tilespmem:s26+$0x9F20] =	vst.add.f32.msk $0xffff, v1  }
0x3d7: {  	v1 =	vld [tilespmem:$0x3730]  }
0x3d8: {  	v6 =	vmul.f32 v60, v3;
	_ =	sdelay $0x1  }
0x3d9: {  	[tilespmem:s25+$0x9F30] =	vst.add.f32.msk $0xffff, v6;
	v2 =	vmul.f32 v2, v58  }
0x3da: {  	v6 =	vld [tilespmem:$0x2F40]  }
0x3db: {  	[tilespmem:s24+$0x9F30] =	vst.add.f32.msk $0xffff, v2;
	v1 =	vmul.f32 v1, v59  }
0x3dc: {  	v2 =	vld [tilespmem:$0x3340]  }
0x3dd: {  	[tilespmem:s26+$0x9F30] =	vst.add.f32.msk $0xffff, v1  }
0x3de: {  	v1 =	vld [tilespmem:$0x3740]  }
0x3df: {  	v6 =	vmul.f32 v6, v3;
	_ =	sdelay $0x1  }
0x3e0: {  	[tilespmem:s25+$0x9F40] =	vst.add.f32.msk $0xffff, v6;
	v2 =	vmul.f32 v2, v58  }
0x3e1: {  	v6 =	vld [tilespmem:$0x2F50]  }
0x3e2: {  	[tilespmem:s24+$0x9F40] =	vst.add.f32.msk $0xffff, v2;
	v1 =	vmul.f32 v1, v59  }
0x3e3: {  	(v2sf) =	vpush v52, $0xF;
	v2 =	vld [tilespmem:$0x3350]  }
0x3e4: {  	(v2sf) =	vpush v53, $0xF;
	[tilespmem:s26+$0x9F40] =	vst.add.f32.msk $0xffff, v1  }
0x3e5: {  	v1 =	vld [tilespmem:$0x3750]  }
0x3e6: {  	v3 =	vmul.f32 v6, v3;
	_ =	sdelay $0x1  }
0x3e7: {  	[tilespmem:s25+$0x9F50] =	vst.add.f32.msk $0xffff, v3;
	v2 =	vmul.f32 v2, v58  }
0x3e8: {  	v3 =	vld [tilespmem:$0x2F60]  }
0x3e9: {  	[tilespmem:s24+$0x9F50] =	vst.add.f32.msk $0xffff, v2;
	v1 =	vmul.f32 v1, v59  }
0x3ea: {  	v2 =	vld [tilespmem:$0x3360]  }
0x3eb: {  	v61 =	vbroadcast v51, $0xF;
	[tilespmem:s26+$0x9F50] =	vst.add.f32.msk $0xffff, v1  }
0x3ec: {  	v1 =	vld [tilespmem:$0x3760]  }
0x3ed: {  	v62 =	vbroadcast v54, $0xF;
	v3 =	vmul.f32 v3, v61  }
0x3ee: {  	s29 =	rddreg [dreg:$0xc]  }
0x3ef: {  	[tilespmem:s29+$0x9F20] =	vst.add.f32.msk $0xffff, v3;
	v2 =	vmul.f32 v2, v62;
	v3 =	vbroadcast v55, $0xF  }
0x3f0: {  	s30 =	rddreg [dreg:$0xe];
	v63 =	vld [tilespmem:$0x2F70]  }
0x3f1: {  	s0 =	spop (v2sf);
	[tilespmem:s30+$0x9F20] =	vst.add.f32.msk $0xffff, v2;
	v1 =	vmul.f32 v1, v3  }
0x3f2: {  	s31 =	spop (v2sf);
	v2 =	vld [tilespmem:$0x3370]  }
0x3f3: {  	[tilespmem:s31+$0x9F20] =	vst.add.f32.msk $0xffff, v1  }
0x3f4: {  	v1 =	vld [tilespmem:$0x3770]  }
0x3f5: {  	v6 =	vmul.f32 v63, v61;
	_ =	sdelay $0x1  }
0x3f6: {  	[tilespmem:s29+$0x9F30] =	vst.add.f32.msk $0xffff, v6;
	v2 =	vmul.f32 v2, v62  }
0x3f7: {  	v6 =	vld [tilespmem:$0x2F80]  }
0x3f8: {  	[tilespmem:s30+$0x9F30] =	vst.add.f32.msk $0xffff, v2;
	v1 =	vmul.f32 v1, v3  }
0x3f9: {  	v2 =	vld [tilespmem:$0x3380]  }
0x3fa: {  	[tilespmem:s31+$0x9F30] =	vst.add.f32.msk $0xffff, v1  }
0x3fb: {  	v1 =	vld [tilespmem:$0x3780]  }
0x3fc: {  	v6 =	vmul.f32 v6, v61;
	_ =	sdelay $0x1  }
0x3fd: {  	[tilespmem:s29+$0x9F40] =	vst.add.f32.msk $0xffff, v6;
	v2 =	vmul.f32 v2, v62  }
0x3fe: {  	v6 =	vld [tilespmem:$0x2F90]  }
0x3ff: {  	[tilespmem:s30+$0x9F40] =	vst.add.f32.msk $0xffff, v2;
	v1 =	vmul.f32 v1, v3  }
0x400: {  	v2 =	vld [tilespmem:$0x3390]  }
0x401: {  	[tilespmem:s31+$0x9F40] =	vst.add.f32.msk $0xffff, v1  }
0x402: {  	v1 =	vld [tilespmem:$0x3790];
	_ =	sdelay $0x1  }
0x403: {  	v4 =	vmul.f32 v6, v61  }
0x404: {  	v2 =	vmul.f32 v2, v62  }
0x405: {  	[tilespmem:s29+$0x9F50] =	vst.add.f32.msk $0xffff, v4  }
0x406: {  	s4 =	rddreg [dreg:$0xb];
	[tilespmem:s30+$0x9F50] =	vst.add.f32.msk $0xffff, v2;
	v51 =	vmul.f32 v1, v3  }
.LBB2_12:
0x407: {  	s4 =	sadd.s32 $0x1, s4  }
0x408: {  	p0 =	sne.s32 s4, $0x19  }
.Ltmp6:
0x409: {  	_ = 	snop;
	(pc) =	sbr.rel @!p0 .LBB2_13-.Ltmp6, $3  }
0x40a: {  	_ =	sdelay $0x1  }
0x40b: {  	s0 =	sshra.s32 s0, $0x2  }
0x40c: {  	[tilespmem:s0+$0x9F50] =	vst.add.f32.msk $0xffff, v51  }
.LBB2_5:
0x40d: {  	s0 =	sand.u32 $0x1, s4  }
0x40e: {  	p0 =	seq.s32 s0, $0x1  }
.Ltmp7:
0x40f: {  	_ = 	snop;
	(pc) =	sbr.rel @p0 .LBB2_9-.Ltmp7, $2  }
0x410: {  	_ =	sdelay $0x2  }
0x411: {  	[dreg:$0xb] =	wrdreg s4  }
0x412: {  	s0 =	sor.u32 $0x1, s4  }
0x413: {  	p0 =	sgt.u32 s0, $0x18  }
0x414: {  	s0 =	smul.u32 @!p0 $0x140, s0  }
0x415: {  	s3 =	rddreg [dreg:$0x5];
	s30 =	simm.s32 $0x1  }
0x416: {  	s1 =	simm.s32 @!p0 $0x50;
	s2 =	simm.s32 @!p0 $0x23A0;
	s0 =	sshra.s32 @!p0 s0, $0x2  }
0x417: {  	[tilespmem:s2], [sflag:$0x2] =	stream.indirect.gather @!p0 [hbm4b:s3+s1], $0x40, s0, s1, $0xb8;
	[tilespmem:$0x19F20] =	vst v63  }
0x418: {  	_ =	swait.ge [sflag:s30], $0x1400  }
0x419: {  	[sflag:s30] =	ssyncset.done $0x0  }
0x41a: {  	s31 =	simm.s32 $0x10D0;
	[sflag:s30] =	ssyncadd.s32 $0xFFFFEC00  }
0x41b: {  	v54 =	vld [tilespmem:s31+$0xC0]  }
0x41c: {  	v55 =	vld [tilespmem:s31+$0xFFFFFF40]  }
0x41d: {  	v56 =	vld [tilespmem:s31+$0xFFFFFF80]  }
0x41e: {  	v51 =	vld [tilespmem:s31+$0xFFFFFFC0]  }
0x41f: {  	s0 =	simm.s32 $0x3800;
	v52 =	vld [tilespmem:s31+$0x0]  }
0x420: {  	v53 =	vld [tilespmem:s31+$0x40];
	[tilespmem:s0+$0x48] =	vst v54  }
0x421: {  	[tilespmem:s0+$0xFFFFFFB8] =	vst v55;
	v54 =	vld [tilespmem:s31+$0x80]  }
0x422: {  	s1 =	simm.s32 $0x0;
	s2 =	simm.s32 $0x12D0;
	v55 =	vld [tilespmem:s31+$0xFFFFFF00];
	[tilespmem:s0+$0xFFFFFFD0] =	vst v56  }
.LBB2_7:
0x423: {  	v56 =	vld [tilespmem:s2+$0xC0];
	s1 =	sadd.s32 $0x8, s1;
	[tilespmem:s0+$0xFFFFFFE8] =	vst v51  }
0x424: {  	v57 =	vld [tilespmem:s2+$0xFFFFFF40];
	p0 =	slt.u32 s1, $0x48;
	[tilespmem:s0+$0x0] =	vst v52  }
0x425: {  	v58 =	vld [tilespmem:s2+$0xFFFFFF80];
	[tilespmem:s0+$0x18] =	vst v53  }
.Ltmp8:
0x426: {  	v51 =	vld [tilespmem:s2+$0xFFFFFFC0];
	[tilespmem:s0+$0x30] =	vst v54;
	(pc) =	sbr.rel @p0 .LBB2_7-.Ltmp8, $4  }
0x427: {  	v52 =	vld [tilespmem:s2+$0x0];
	[tilespmem:s0+$0xFFFFFFA0] =	vst v55;
	s0 =	sadd.s32 $0xC0, s0  }
0x428: {  	v53 =	vld [tilespmem:s2+$0x40];
	[tilespmem:s0+$0x48] =	vst v56  }
0x429: {  	[tilespmem:s0+$0xFFFFFFB8] =	vst v57;
	v54 =	vld [tilespmem:s2+$0x80]  }
0x42a: {  	v55 =	vld [tilespmem:s2+$0xFFFFFF00];
	[tilespmem:s0+$0xFFFFFFD0] =	vst v58;
	s2 =	sadd.s32 $0x200, s2  }
0x42b: {  	[tilespmem:s0+$0xFFFFFFE8] =	vst v51  }
0x42c: {  	[tilespmem:s0+$0x0] =	vst v52  }
0x42d: {  	[tilespmem:s0+$0x18] =	vst v53  }
0x42e: {  	[tilespmem:s0+$0x30] =	vst v54  }
0x42f: {  	[tilespmem:s0+$0xFFFFFFA0] =	vst v55  }
0x430: {  	v1 =	vld [tilespmem:$0x1FEF0];
	_ =	sdelay $0x7  }
0x431: {  	v54 =	vld.idx.msk [tilespmem:v1+s16+$0x0], $0xffff  }
0x432: {  	v1 =	vld [tilespmem:$0x1FF00];
	_ =	sdelay $0x1  }
0x433: {  	s1 =	smul.u32 $0x140, s4;
	_ =	sdelay $0x1  }
0x434: {  	s23 =	sshra.s32 s1, $0x2  }
0x435: {  	v51 =	vld [tilespmem:s23+$0x7D0]  }
0x436: {  	v2 =	vld [tilespmem:$0x1FF40]  }
0x437: {  	v4 =	vld [tilespmem:s23+$0x7E0]  }
0x438: {  	v57 =	vld.idx.msk [tilespmem:v1+s16+$0x0], $0xffff  }
0x439: {  	v1 =	vld [tilespmem:$0x1FF10]  }
0x43a: {  	v5 =	vld [tilespmem:$0x1FF50]  }
0x43b: {  	v7 =	vld [tilespmem:$0x1FF60]  }
0x43c: {  	v9 =	vld [tilespmem:$0x1FF70]  }
0x43d: {  	v10 =	vld [tilespmem:$0x1FF80]  }
0x43e: {  	v12 =	vld [tilespmem:$0x1FF90]  }
0x43f: {  	v17 =	vld [tilespmem:$0x1FFB0]  }
0x440: {  	v2 =	vld.idx.msk [tilespmem:v2+s16+$0x0], $0xffff  }
0x441: {  	v59 =	vld.idx.msk [tilespmem:v1+s16+$0x0], $0xffff  }
0x442: {  	v13 =	vmul.u32 $0x18, v51;
	v1 =	vld [tilespmem:$0x1FF20]  }
0x443: {  	v5 =	vld.idx.msk [tilespmem:v5+s16+$0x0], $0xffff  }
0x444: {  	v14 =	vor.u32 $0x1, v13;
	v7 =	vld.idx.msk [tilespmem:v7+s16+$0x0], $0xffff  }
0x445: {  	v9 =	vld.idx.msk [tilespmem:v9+s16+$0x0], $0xffff  }
0x446: {  	v10 =	vld.idx.msk [tilespmem:v10+s16+$0x0], $0xffff  }
0x447: {  	v15 =	vor.u32 $0x2, v13;
	v12 =	vld.idx.msk [tilespmem:v12+s16+$0x0], $0xffff  }
0x448: {  	v58 =	vor.u32 $0x3, v13;
	v56 =	vld.idx.msk [tilespmem:v13+s28+$0x0], $0xffff  }
0x449: {  	v53 =	vld.idx.msk [tilespmem:v14+s28+$0x0], $0xffff  }
0x44a: {  	v60 =	vor.u32 $0x4, v13;
	v61 =	vld.idx.msk [tilespmem:v1+s16+$0x0], $0xffff  }
0x44b: {  	v8 =	vmul.u32 $0x18, v4;
	v62 =	vor.u32 $0x5, v13;
	v1 =	vld [tilespmem:$0x1FF30]  }
0x44c: {  	v55 =	vld.idx.msk [tilespmem:v15+s28+$0x0], $0xffff  }
0x44d: {  	v11 =	vor.u32 $0x1, v8;
	v58 =	vld.idx.msk [tilespmem:v58+s28+$0x0], $0xffff  }
0x44e: {  	v15 =	vld [tilespmem:$0x1FFA0];
	v54 =	vmul.f32 v56, v54  }
0x44f: {  	v60 =	vld.idx.msk [tilespmem:v60+s28+$0x0], $0xffff  }
0x450: {  	v62 =	vld.idx.msk [tilespmem:v62+s28+$0x0], $0xffff;
	v54 =	vadd.f32 $0.0e+00, v54;
	v53 =	vmul.f32 v53, v57  }
0x451: {  	v3 =	vor.u32 $0x7, v13;
	v14 =	vld.idx.msk [tilespmem:v8+s28+$0x0], $0xffff  }
0x452: {  	v6 =	vadd.s32 $0x8, v13;
	v52 =	vadd.s32 $0x9, v13;
	v11 =	vld.idx.msk [tilespmem:v11+s28+$0x0], $0xffff;
	v53 =	vadd.f32 v53, v54  }
0x453: {  	v54 =	vmul.f32 v55, v59;
	v63 =	vld.idx.msk [tilespmem:v1+s16+$0x0], $0xffff;
	v1 =	vor.u32 $0x6, v13;
	v13 =	vor.u32 $0x2, v8  }
0x454: {  	v56 =	vld.idx.msk [tilespmem:v17+s16+$0x0], $0xffff  }
0x455: {  	v53 =	vadd.f32 v54, v53;
	v54 =	vmul.f32 v58, v61;
	v61 =	vld [tilespmem:$0x1FFE0]  }
0x456: {  	v15 =	vld.idx.msk [tilespmem:v15+s16+$0x0], $0xffff  }
0x457: {  	v57 =	vld [tilespmem:$0x1FFC0]  }
0x458: {  	v13 =	vld.idx.msk [tilespmem:v13+s28+$0x0], $0xffff  }
0x459: {  	v3 =	vld.idx.msk [tilespmem:v3+s28+$0x0], $0xffff;
	v12 =	vmul.f32 v14, v12  }
0x45a: {  	v59 =	vld [tilespmem:$0x1FFD0]  }
0x45b: {  	v16 =	vor.u32 $0x3, v8;
	v6 =	vld.idx.msk [tilespmem:v6+s28+$0x0], $0xffff;
	v12 =	vadd.f32 $0.0e+00, v12;
	v11 =	vmul.f32 v11, v15  }
0x45c: {  	v52 =	vld.idx.msk [tilespmem:v52+s28+$0x0], $0xffff;
	v17 =	vor.u32 $0x4, v8  }
0x45d: {  	v51 =	vshll.u32 v51, $0x8;
	v11 =	vadd.f32 v11, v12;
	v12 =	vmul.f32 v13, v56;
	v13 =	vld.idx.msk [tilespmem:v61+s16+$0x0], $0xffff  }
0x45e: {  	v51 =	vshra.s32 v51, $0x2;
	v61 =	vld [tilespmem:$0x1FFF0]  }
0x45f: {  	(v2sf) =	vpush v51, $0x0;
	v14 =	vld.idx.msk [tilespmem:v57+s16+$0x0], $0xffff;
	v57 =	vor.u32 $0x5, v8  }
0x460: {  	(v2sf) =	vpush v51, $0x1;
	v16 =	vld.idx.msk [tilespmem:v16+s28+$0x0], $0xffff;
	v55 =	vor.u32 $0x6, v8  }
0x461: {  	(v2sf) =	vpush v51, $0x2;
	v17 =	vld.idx.msk [tilespmem:v17+s28+$0x0], $0xffff  }
0x462: {  	(v2sf) =	vpush v51, $0x3;
	v15 =	vld.idx.msk [tilespmem:v59+s16+$0x0], $0xffff  }
0x463: {  	(v2sf) =	vpush v51, $0x4;
	v1 =	vld.idx.msk [tilespmem:v1+s28+$0x0], $0xffff;
	v56 =	vor.u32 $0x7, v8  }
0x464: {  	v2 =	vmul.f32 v62, v2;
	v57 =	vld.idx.msk [tilespmem:v57+s28+$0x0], $0xffff;
	v53 =	vadd.f32 v54, v53;
	v63 =	vmul.f32 v60, v63  }
0x465: {  	v62 =	vld.idx.msk [tilespmem:v55+s28+$0x0], $0xffff;
	v60 =	vmul.f32 v16, v14;
	v16 =	vadd.s32 $0x8, v8;
	v11 =	vadd.f32 v12, v11  }
0x466: {  	(v2sf) =	vpush v51, $0x5;
	v53 =	vadd.f32 v63, v53;
	v14 =	vld.idx.msk [tilespmem:v61+s16+$0x0], $0xffff  }
0x467: {  	v55 =	vld.idx.msk [tilespmem:v18+s16+$0x0], $0xffff;
	v63 =	vmul.f32 v17, v15;
	v8 =	vadd.s32 $0x9, v8;
	v11 =	vadd.f32 v60, v11  }
0x468: {  	(v2sf) =	vpush v51, $0x6;
	v2 =	vadd.f32 v2, v53;
	v1 =	vmul.f32 v1, v5;
	v56 =	vld.idx.msk [tilespmem:v56+s28+$0x0], $0xffff  }
0x469: {  	(v2sf) =	vpush v51, $0x7;
	v58 =	vld.idx.msk [tilespmem:v19+s16+$0x0], $0xffff;
	v57 =	vmul.f32 v57, v13;
	v11 =	vadd.f32 v63, v11  }
0x46a: {  	(v2sf) =	vpush v51, $0x8;
	v1 =	vadd.f32 v1, v2;
	v2 =	vmul.f32 v3, v7;
	v3 =	vld.idx.msk [tilespmem:v16+s28+$0x0], $0xffff  }
0x46b: {  	(v2sf) =	vpush v51, $0x9;
	v59 =	vadd.f32 v57, v11;
	v61 =	vld.idx.msk [tilespmem:v20+s16+$0x0], $0xffff;
	v60 =	vmul.f32 v62, v14  }
0x46c: {  	(v2sf) =	vpush v51, $0xA;
	v1 =	vadd.f32 v2, v1;
	v2 =	vmul.f32 v6, v9;
	v62 =	vld.idx.msk [tilespmem:v8+s28+$0x0], $0xffff  }
0x46d: {  	(v2sf) =	vpush v51, $0xB;
	v5 =	vmul.f32 v56, v55;
	v7 =	vadd.f32 v60, v59  }
0x46e: {  	(v2sf) =	vpush v51, $0xC;
	v1 =	vadd.f32 v2, v1  }
0x46f: {  	v2 =	vmul.f32 v52, v10;
	v3 =	vmul.f32 v3, v58;
	v5 =	vadd.f32 v5, v7  }
0x470: {  	(v2sf) =	vpush v51, $0xD  }
0x471: {  	v1 =	vadd.f32 v2, v1;
	v2 =	vadd.f32 v3, v5;
	v3 =	vmul.f32 v62, v61  }
0x472: {  	(v2sf) =	vpush v51, $0xE  }
0x473: {  	v1 =	vmul.f32 $1.442695020e+00, v1;
	v2 =	vadd.f32 v3, v2;
	v3 =	vshll.u32 v4, $0x8  }
0x474: {  	s14 =	spop (v2sf);
	(v2sf) =	vpush v51, $0xF;
	v51 =	vshra.s32 v3, $0x2  }
0x475: {  	s13 =	spop (v2sf);
	(erf) = vpow2.f32 v1;
	v1 =	vmul.f32 $1.442695020e+00, v2;
	(v2sf) =	vpush v51, $0x0  }
0x476: {  	s6 =	spop (v2sf)  }
0x477: {  	s12 =	spop (v2sf);
	(erf) = vpow2.f32 v1  }
0x478: {  	s11 =	spop (v2sf)  }
0x479: {  	s9 =	spop (v2sf)  }
0x47a: {  	s8 =	spop (v2sf)  }
0x47b: {  	s7 =	spop (v2sf)  }
0x47c: {  	s5 =	spop (v2sf);
	v1 =	vld [tilespmem:$0xFA0]  }
0x47d: {  	s3 =	spop (v2sf)  }
0x47e: {  	s31 =	spop (v2sf);
	v52 =	vpop (erf);
	v2 =	vld [tilespmem:$0x13A0]  }
0x47f: {  	s0 =	spop (v2sf);
	v3 =	vbroadcast v52, $0x0  }
0x480: {  	s10 =	spop (v2sf);
	v53 =	vpop (erf)  }
0x481: {  	s2 =	spop (v2sf);
	v1 =	vmul.f32 v3, v1;
	v63 =	vbroadcast v53, $0x0  }
0x482: {  	s25 =	spop (v2sf)  }
0x483: {  	s24 =	spop (v2sf);
	[tilespmem:s14+$0x9F20] =	vst.add.f32.msk $0xffff, v1;
	v1 =	vmul.f32 v63, v2  }
0x484: {  	v2 =	vld [tilespmem:$0xFB0];
	s15 =	spop (v2sf)  }
0x485: {  	[tilespmem:s15+$0x9F20] =	vst.add.f32.msk $0xffff, v1  }
0x486: {  	v1 =	vld [tilespmem:$0x13B0];
	_ =	sdelay $0x2  }
0x487: {  	v2 =	vmul.f32 v3, v2;
	_ =	sdelay $0x1  }
0x488: {  	[tilespmem:s14+$0x9F30] =	vst.add.f32.msk $0xffff, v2;
	v1 =	vmul.f32 v63, v1  }
0x489: {  	v2 =	vld [tilespmem:$0xFC0]  }
0x48a: {  	[tilespmem:s15+$0x9F30] =	vst.add.f32.msk $0xffff, v1  }
0x48b: {  	v1 =	vld [tilespmem:$0x13C0];
	_ =	sdelay $0x2  }
0x48c: {  	v2 =	vmul.f32 v2, v3;
	_ =	sdelay $0x1  }
0x48d: {  	[tilespmem:s14+$0x9F40] =	vst.add.f32.msk $0xffff, v2;
	v1 =	vmul.f32 v1, v63  }
0x48e: {  	v2 =	vld [tilespmem:$0xFD0]  }
0x48f: {  	(v2sf) =	vpush v51, $0x1;
	[tilespmem:s15+$0x9F40] =	vst.add.f32.msk $0xffff, v1  }
0x490: {  	v1 =	vld [tilespmem:$0x13D0];
	_ =	sdelay $0x2  }
0x491: {  	v2 =	vmul.f32 v2, v3;
	_ =	sdelay $0x1  }
0x492: {  	[tilespmem:s14+$0x9F50] =	vst.add.f32.msk $0xffff, v2;
	v1 =	vmul.f32 v1, v63  }
0x493: {  	v2 =	vld [tilespmem:$0xFE0]  }
0x494: {  	[tilespmem:s15+$0x9F50] =	vst.add.f32.msk $0xffff, v1  }
0x495: {  	v1 =	vld [tilespmem:$0x13E0]  }
0x496: {  	v3 =	vbroadcast v52, $0x1;
	_ =	sdelay $0x1  }
0x497: {  	v8 =	vbroadcast v53, $0x1;
	v2 =	vmul.f32 v2, v3;
	_ =	sdelay $0x1  }
0x498: {  	[tilespmem:s13+$0x9F20] =	vst.add.f32.msk $0xffff, v2;
	v1 =	vmul.f32 v1, v8  }
0x499: {  	s15 =	spop (v2sf);
	v2 =	vld [tilespmem:$0xFF0]  }
0x49a: {  	[tilespmem:s15+$0x9F20] =	vst.add.f32.msk $0xffff, v1  }
0x49b: {  	v1 =	vld [tilespmem:$0x13F0];
	_ =	sdelay $0x2  }
0x49c: {  	v2 =	vmul.f32 v2, v3;
	_ =	sdelay $0x1  }
0x49d: {  	[tilespmem:s13+$0x9F30] =	vst.add.f32.msk $0xffff, v2;
	v1 =	vmul.f32 v1, v8  }
0x49e: {  	v2 =	vld [tilespmem:$0x1000]  }
0x49f: {  	[tilespmem:s15+$0x9F30] =	vst.add.f32.msk $0xffff, v1  }
0x4a0: {  	v1 =	vld [tilespmem:$0x1400];
	_ =	sdelay $0x2  }
0x4a1: {  	v2 =	vmul.f32 v2, v3;
	_ =	sdelay $0x1  }
0x4a2: {  	[tilespmem:s13+$0x9F40] =	vst.add.f32.msk $0xffff, v2;
	v1 =	vmul.f32 v1, v8  }
0x4a3: {  	v2 =	vld [tilespmem:$0x1010]  }
0x4a4: {  	(v2sf) =	vpush v51, $0x2;
	[tilespmem:s15+$0x9F40] =	vst.add.f32.msk $0xffff, v1  }
0x4a5: {  	v1 =	vld [tilespmem:$0x1410];
	_ =	sdelay $0x2  }
0x4a6: {  	v2 =	vmul.f32 v2, v3;
	_ =	sdelay $0x1  }
0x4a7: {  	[tilespmem:s13+$0x9F50] =	vst.add.f32.msk $0xffff, v2;
	v1 =	vmul.f32 v1, v8  }
0x4a8: {  	v2 =	vld [tilespmem:$0x1020]  }
0x4a9: {  	[tilespmem:s15+$0x9F50] =	vst.add.f32.msk $0xffff, v1  }
0x4aa: {  	v1 =	vld [tilespmem:$0x1420]  }
0x4ab: {  	v3 =	vbroadcast v52, $0x2;
	_ =	sdelay $0x1  }
0x4ac: {  	v9 =	vbroadcast v53, $0x2;
	v2 =	vmul.f32 v2, v3;
	_ =	sdelay $0x1  }
0x4ad: {  	[tilespmem:s6+$0x9F20] =	vst.add.f32.msk $0xffff, v2;
	v1 =	vmul.f32 v1, v9  }
0x4ae: {  	s17 =	spop (v2sf);
	v2 =	vld [tilespmem:$0x1030]  }
0x4af: {  	[tilespmem:s17+$0x9F20] =	vst.add.f32.msk $0xffff, v1  }
0x4b0: {  	v1 =	vld [tilespmem:$0x1430];
	_ =	sdelay $0x2  }
0x4b1: {  	v2 =	vmul.f32 v2, v3;
	_ =	sdelay $0x1  }
0x4b2: {  	[tilespmem:s6+$0x9F30] =	vst.add.f32.msk $0xffff, v2;
	v1 =	vmul.f32 v1, v9  }
0x4b3: {  	v2 =	vld [tilespmem:$0x1040]  }
0x4b4: {  	[tilespmem:s17+$0x9F30] =	vst.add.f32.msk $0xffff, v1  }
0x4b5: {  	v1 =	vld [tilespmem:$0x1440];
	_ =	sdelay $0x2  }
0x4b6: {  	v2 =	vmul.f32 v2, v3;
	_ =	sdelay $0x1  }
0x4b7: {  	[tilespmem:s6+$0x9F40] =	vst.add.f32.msk $0xffff, v2;
	v1 =	vmul.f32 v1, v9  }
0x4b8: {  	v2 =	vld [tilespmem:$0x1050]  }
0x4b9: {  	(v2sf) =	vpush v51, $0x3;
	[tilespmem:s17+$0x9F40] =	vst.add.f32.msk $0xffff, v1  }
0x4ba: {  	v1 =	vld [tilespmem:$0x1450];
	_ =	sdelay $0x2  }
0x4bb: {  	v2 =	vmul.f32 v2, v3;
	_ =	sdelay $0x1  }
0x4bc: {  	[tilespmem:s6+$0x9F50] =	vst.add.f32.msk $0xffff, v2;
	v1 =	vmul.f32 v1, v9  }
0x4bd: {  	v2 =	vld [tilespmem:$0x1060]  }
0x4be: {  	[tilespmem:s17+$0x9F50] =	vst.add.f32.msk $0xffff, v1  }
0x4bf: {  	v1 =	vld [tilespmem:$0x1460]  }
0x4c0: {  	v3 =	vbroadcast v52, $0x3;
	_ =	sdelay $0x1  }
0x4c1: {  	v10 =	vbroadcast v53, $0x3;
	v2 =	vmul.f32 v2, v3;
	_ =	sdelay $0x1  }
0x4c2: {  	[tilespmem:s12+$0x9F20] =	vst.add.f32.msk $0xffff, v2;
	v1 =	vmul.f32 v1, v10  }
0x4c3: {  	s18 =	spop (v2sf);
	v2 =	vld [tilespmem:$0x1070]  }
0x4c4: {  	[tilespmem:s18+$0x9F20] =	vst.add.f32.msk $0xffff, v1  }
0x4c5: {  	v1 =	vld [tilespmem:$0x1470];
	_ =	sdelay $0x2  }
0x4c6: {  	v2 =	vmul.f32 v2, v3;
	_ =	sdelay $0x1  }
0x4c7: {  	[tilespmem:s12+$0x9F30] =	vst.add.f32.msk $0xffff, v2;
	v1 =	vmul.f32 v1, v10  }
0x4c8: {  	v2 =	vld [tilespmem:$0x1080]  }
0x4c9: {  	[tilespmem:s18+$0x9F30] =	vst.add.f32.msk $0xffff, v1  }
0x4ca: {  	v1 =	vld [tilespmem:$0x1480];
	_ =	sdelay $0x2  }
0x4cb: {  	v2 =	vmul.f32 v2, v3;
	_ =	sdelay $0x1  }
0x4cc: {  	[tilespmem:s12+$0x9F40] =	vst.add.f32.msk $0xffff, v2;
	v1 =	vmul.f32 v1, v10  }
0x4cd: {  	v2 =	vld [tilespmem:$0x1090]  }
0x4ce: {  	(v2sf) =	vpush v51, $0x4;
	[tilespmem:s18+$0x9F40] =	vst.add.f32.msk $0xffff, v1  }
0x4cf: {  	v1 =	vld [tilespmem:$0x1490];
	_ =	sdelay $0x2  }
0x4d0: {  	v2 =	vmul.f32 v2, v3;
	_ =	sdelay $0x1  }
0x4d1: {  	[tilespmem:s12+$0x9F50] =	vst.add.f32.msk $0xffff, v2;
	v1 =	vmul.f32 v1, v10  }
0x4d2: {  	v2 =	vld [tilespmem:$0x10A0]  }
0x4d3: {  	[tilespmem:s18+$0x9F50] =	vst.add.f32.msk $0xffff, v1  }
0x4d4: {  	v1 =	vld [tilespmem:$0x14A0]  }
0x4d5: {  	v3 =	vbroadcast v52, $0x4;
	_ =	sdelay $0x1  }
0x4d6: {  	v11 =	vbroadcast v53, $0x4;
	v2 =	vmul.f32 v2, v3;
	_ =	sdelay $0x1  }
0x4d7: {  	[tilespmem:s11+$0x9F20] =	vst.add.f32.msk $0xffff, v2;
	v1 =	vmul.f32 v1, v11  }
0x4d8: {  	s19 =	spop (v2sf);
	v2 =	vld [tilespmem:$0x10B0]  }
0x4d9: {  	[tilespmem:s19+$0x9F20] =	vst.add.f32.msk $0xffff, v1  }
0x4da: {  	v1 =	vld [tilespmem:$0x14B0];
	_ =	sdelay $0x2  }
0x4db: {  	v2 =	vmul.f32 v2, v3;
	_ =	sdelay $0x1  }
0x4dc: {  	[tilespmem:s11+$0x9F30] =	vst.add.f32.msk $0xffff, v2;
	v1 =	vmul.f32 v1, v11  }
0x4dd: {  	v2 =	vld [tilespmem:$0x10C0]  }
0x4de: {  	[tilespmem:s19+$0x9F30] =	vst.add.f32.msk $0xffff, v1  }
0x4df: {  	v1 =	vld [tilespmem:$0x14C0];
	_ =	sdelay $0x2  }
0x4e0: {  	v2 =	vmul.f32 v2, v3;
	_ =	sdelay $0x1  }
0x4e1: {  	[tilespmem:s11+$0x9F40] =	vst.add.f32.msk $0xffff, v2;
	v1 =	vmul.f32 v1, v11  }
0x4e2: {  	v2 =	vld [tilespmem:$0x10D0]  }
0x4e3: {  	(v2sf) =	vpush v51, $0x5;
	[tilespmem:s19+$0x9F40] =	vst.add.f32.msk $0xffff, v1  }
0x4e4: {  	v1 =	vld [tilespmem:$0x14D0];
	_ =	sdelay $0x2  }
0x4e5: {  	v2 =	vmul.f32 v2, v3;
	_ =	sdelay $0x1  }
0x4e6: {  	[tilespmem:s11+$0x9F50] =	vst.add.f32.msk $0xffff, v2;
	v1 =	vmul.f32 v1, v11  }
0x4e7: {  	v2 =	vld [tilespmem:$0x10E0]  }
0x4e8: {  	[tilespmem:s19+$0x9F50] =	vst.add.f32.msk $0xffff, v1  }
0x4e9: {  	v1 =	vld [tilespmem:$0x14E0]  }
0x4ea: {  	v3 =	vbroadcast v52, $0x5;
	_ =	sdelay $0x1  }
0x4eb: {  	v12 =	vbroadcast v53, $0x5;
	v2 =	vmul.f32 v2, v3;
	_ =	sdelay $0x1  }
0x4ec: {  	[tilespmem:s9+$0x9F20] =	vst.add.f32.msk $0xffff, v2;
	v1 =	vmul.f32 v1, v12  }
0x4ed: {  	s20 =	spop (v2sf);
	v2 =	vld [tilespmem:$0x10F0]  }
0x4ee: {  	[tilespmem:s20+$0x9F20] =	vst.add.f32.msk $0xffff, v1  }
0x4ef: {  	v1 =	vld [tilespmem:$0x14F0];
	_ =	sdelay $0x2  }
0x4f0: {  	v2 =	vmul.f32 v2, v3;
	_ =	sdelay $0x1  }
0x4f1: {  	[tilespmem:s9+$0x9F30] =	vst.add.f32.msk $0xffff, v2;
	v1 =	vmul.f32 v1, v12  }
0x4f2: {  	v2 =	vld [tilespmem:$0x1100]  }
0x4f3: {  	[tilespmem:s20+$0x9F30] =	vst.add.f32.msk $0xffff, v1  }
0x4f4: {  	v1 =	vld [tilespmem:$0x1500];
	_ =	sdelay $0x2  }
0x4f5: {  	v2 =	vmul.f32 v2, v3;
	_ =	sdelay $0x1  }
0x4f6: {  	[tilespmem:s9+$0x9F40] =	vst.add.f32.msk $0xffff, v2;
	v1 =	vmul.f32 v1, v12  }
0x4f7: {  	v2 =	vld [tilespmem:$0x1110]  }
0x4f8: {  	(v2sf) =	vpush v51, $0x6;
	[tilespmem:s20+$0x9F40] =	vst.add.f32.msk $0xffff, v1  }
0x4f9: {  	v1 =	vld [tilespmem:$0x1510];
	_ =	sdelay $0x2  }
0x4fa: {  	v2 =	vmul.f32 v2, v3;
	_ =	sdelay $0x1  }
0x4fb: {  	[tilespmem:s9+$0x9F50] =	vst.add.f32.msk $0xffff, v2;
	v1 =	vmul.f32 v1, v12  }
0x4fc: {  	v2 =	vld [tilespmem:$0x1120]  }
0x4fd: {  	[tilespmem:s20+$0x9F50] =	vst.add.f32.msk $0xffff, v1  }
0x4fe: {  	v1 =	vld [tilespmem:$0x1520]  }
0x4ff: {  	v3 =	vbroadcast v52, $0x6;
	_ =	sdelay $0x1  }
0x500: {  	v13 =	vbroadcast v53, $0x6;
	v2 =	vmul.f32 v2, v3;
	_ =	sdelay $0x1  }
0x501: {  	[tilespmem:s8+$0x9F20] =	vst.add.f32.msk $0xffff, v2;
	v1 =	vmul.f32 v1, v13  }
0x502: {  	s21 =	spop (v2sf);
	v2 =	vld [tilespmem:$0x1130]  }
0x503: {  	[tilespmem:s21+$0x9F20] =	vst.add.f32.msk $0xffff, v1  }
0x504: {  	v1 =	vld [tilespmem:$0x1530];
	_ =	sdelay $0x2  }
0x505: {  	v2 =	vmul.f32 v2, v3;
	_ =	sdelay $0x1  }
0x506: {  	[tilespmem:s8+$0x9F30] =	vst.add.f32.msk $0xffff, v2;
	v1 =	vmul.f32 v1, v13  }
0x507: {  	v2 =	vld [tilespmem:$0x1140]  }
0x508: {  	[tilespmem:s21+$0x9F30] =	vst.add.f32.msk $0xffff, v1  }
0x509: {  	v1 =	vld [tilespmem:$0x1540];
	_ =	sdelay $0x2  }
0x50a: {  	v2 =	vmul.f32 v2, v3;
	_ =	sdelay $0x1  }
0x50b: {  	[tilespmem:s8+$0x9F40] =	vst.add.f32.msk $0xffff, v2;
	v1 =	vmul.f32 v1, v13  }
0x50c: {  	v2 =	vld [tilespmem:$0x1150]  }
0x50d: {  	(v2sf) =	vpush v51, $0x7;
	[tilespmem:s21+$0x9F40] =	vst.add.f32.msk $0xffff, v1  }
0x50e: {  	v1 =	vld [tilespmem:$0x1550];
	_ =	sdelay $0x2  }
0x50f: {  	v2 =	vmul.f32 v2, v3;
	_ =	sdelay $0x1  }
0x510: {  	[tilespmem:s8+$0x9F50] =	vst.add.f32.msk $0xffff, v2;
	v1 =	vmul.f32 v1, v13  }
0x511: {  	v2 =	vld [tilespmem:$0x1160]  }
0x512: {  	[tilespmem:s21+$0x9F50] =	vst.add.f32.msk $0xffff, v1  }
0x513: {  	v1 =	vld [tilespmem:$0x1560]  }
0x514: {  	v3 =	vbroadcast v52, $0x7;
	_ =	sdelay $0x1  }
0x515: {  	v14 =	vbroadcast v53, $0x7;
	v2 =	vmul.f32 v2, v3;
	_ =	sdelay $0x1  }
0x516: {  	[tilespmem:s7+$0x9F20] =	vst.add.f32.msk $0xffff, v2;
	v1 =	vmul.f32 v1, v14  }
0x517: {  	s22 =	spop (v2sf);
	v2 =	vld [tilespmem:$0x1170]  }
0x518: {  	[tilespmem:s22+$0x9F20] =	vst.add.f32.msk $0xffff, v1  }
0x519: {  	v1 =	vld [tilespmem:$0x1570];
	_ =	sdelay $0x2  }
0x51a: {  	v2 =	vmul.f32 v2, v3;
	_ =	sdelay $0x1  }
0x51b: {  	[tilespmem:s7+$0x9F30] =	vst.add.f32.msk $0xffff, v2;
	v1 =	vmul.f32 v1, v14  }
0x51c: {  	v2 =	vld [tilespmem:$0x1180]  }
0x51d: {  	[tilespmem:s22+$0x9F30] =	vst.add.f32.msk $0xffff, v1  }
0x51e: {  	v1 =	vld [tilespmem:$0x1580];
	_ =	sdelay $0x2  }
0x51f: {  	v2 =	vmul.f32 v2, v3;
	_ =	sdelay $0x1  }
0x520: {  	[tilespmem:s7+$0x9F40] =	vst.add.f32.msk $0xffff, v2;
	v1 =	vmul.f32 v1, v14  }
0x521: {  	v2 =	vld [tilespmem:$0x1190]  }
0x522: {  	(v2sf) =	vpush v51, $0x8;
	[tilespmem:s22+$0x9F40] =	vst.add.f32.msk $0xffff, v1  }
0x523: {  	v1 =	vld [tilespmem:$0x1590];
	_ =	sdelay $0x2  }
0x524: {  	v2 =	vmul.f32 v2, v3;
	_ =	sdelay $0x1  }
0x525: {  	[tilespmem:s7+$0x9F50] =	vst.add.f32.msk $0xffff, v2;
	v1 =	vmul.f32 v1, v14  }
0x526: {  	v2 =	vld [tilespmem:$0x11A0]  }
0x527: {  	[tilespmem:s22+$0x9F50] =	vst.add.f32.msk $0xffff, v1  }
0x528: {  	v1 =	vld [tilespmem:$0x15A0]  }
0x529: {  	v3 =	vbroadcast v52, $0x8;
	_ =	sdelay $0x1  }
0x52a: {  	v15 =	vbroadcast v53, $0x8;
	v2 =	vmul.f32 v2, v3;
	_ =	sdelay $0x1  }
0x52b: {  	[tilespmem:s5+$0x9F20] =	vst.add.f32.msk $0xffff, v2;
	v1 =	vmul.f32 v1, v15  }
0x52c: {  	s26 =	spop (v2sf);
	v2 =	vld [tilespmem:$0x11B0]  }
0x52d: {  	[tilespmem:s26+$0x9F20] =	vst.add.f32.msk $0xffff, v1  }
0x52e: {  	v1 =	vld [tilespmem:$0x15B0];
	_ =	sdelay $0x2  }
0x52f: {  	v2 =	vmul.f32 v2, v3;
	_ =	sdelay $0x1  }
0x530: {  	[tilespmem:s5+$0x9F30] =	vst.add.f32.msk $0xffff, v2;
	v1 =	vmul.f32 v1, v15  }
0x531: {  	v2 =	vld [tilespmem:$0x11C0]  }
0x532: {  	[tilespmem:s26+$0x9F30] =	vst.add.f32.msk $0xffff, v1  }
0x533: {  	v1 =	vld [tilespmem:$0x15C0];
	_ =	sdelay $0x2  }
0x534: {  	v2 =	vmul.f32 v2, v3;
	_ =	sdelay $0x1  }
0x535: {  	[tilespmem:s5+$0x9F40] =	vst.add.f32.msk $0xffff, v2;
	v1 =	vmul.f32 v1, v15  }
0x536: {  	v2 =	vld [tilespmem:$0x11D0]  }
0x537: {  	(v2sf) =	vpush v51, $0x9;
	[tilespmem:s26+$0x9F40] =	vst.add.f32.msk $0xffff, v1  }
0x538: {  	v1 =	vld [tilespmem:$0x15D0];
	_ =	sdelay $0x2  }
0x539: {  	v2 =	vmul.f32 v2, v3;
	_ =	sdelay $0x1  }
0x53a: {  	[tilespmem:s5+$0x9F50] =	vst.add.f32.msk $0xffff, v2;
	v1 =	vmul.f32 v1, v15  }
0x53b: {  	v2 =	vld [tilespmem:$0x11E0]  }
0x53c: {  	[tilespmem:s26+$0x9F50] =	vst.add.f32.msk $0xffff, v1  }
0x53d: {  	v1 =	vld [tilespmem:$0x15E0]  }
0x53e: {  	v3 =	vbroadcast v52, $0x9;
	_ =	sdelay $0x1  }
0x53f: {  	v54 =	vbroadcast v53, $0x9;
	v2 =	vmul.f32 v2, v3;
	_ =	sdelay $0x1  }
0x540: {  	[tilespmem:s3+$0x9F20] =	vst.add.f32.msk $0xffff, v2;
	v1 =	vmul.f32 v1, v54  }
0x541: {  	s29 =	spop (v2sf);
	v2 =	vld [tilespmem:$0x11F0]  }
0x542: {  	[tilespmem:s29+$0x9F20] =	vst.add.f32.msk $0xffff, v1  }
0x543: {  	v1 =	vld [tilespmem:$0x15F0];
	_ =	sdelay $0x2  }
0x544: {  	v2 =	vmul.f32 v2, v3;
	_ =	sdelay $0x1  }
0x545: {  	[tilespmem:s3+$0x9F30] =	vst.add.f32.msk $0xffff, v2;
	v1 =	vmul.f32 v1, v54  }
0x546: {  	v2 =	vld [tilespmem:$0x1200]  }
0x547: {  	[tilespmem:s29+$0x9F30] =	vst.add.f32.msk $0xffff, v1  }
0x548: {  	v1 =	vld [tilespmem:$0x1600];
	_ =	sdelay $0x2  }
0x549: {  	v2 =	vmul.f32 v2, v3;
	_ =	sdelay $0x1  }
0x54a: {  	[tilespmem:s3+$0x9F40] =	vst.add.f32.msk $0xffff, v2;
	v1 =	vmul.f32 v1, v54  }
0x54b: {  	v2 =	vld [tilespmem:$0x1210]  }
0x54c: {  	(v2sf) =	vpush v51, $0xA;
	[tilespmem:s29+$0x9F40] =	vst.add.f32.msk $0xffff, v1  }
0x54d: {  	v1 =	vld [tilespmem:$0x1610];
	_ =	sdelay $0x2  }
0x54e: {  	v2 =	vmul.f32 v2, v3;
	_ =	sdelay $0x1  }
0x54f: {  	[tilespmem:s3+$0x9F50] =	vst.add.f32.msk $0xffff, v2;
	v1 =	vmul.f32 v1, v54  }
0x550: {  	v2 =	vld [tilespmem:$0x1220]  }
0x551: {  	[tilespmem:s29+$0x9F50] =	vst.add.f32.msk $0xffff, v1  }
0x552: {  	v1 =	vld [tilespmem:$0x1620]  }
0x553: {  	v3 =	vbroadcast v52, $0xA;
	_ =	sdelay $0x1  }
0x554: {  	v55 =	vbroadcast v53, $0xA;
	v2 =	vmul.f32 v2, v3;
	_ =	sdelay $0x1  }
0x555: {  	[tilespmem:s31+$0x9F20] =	vst.add.f32.msk $0xffff, v2;
	v1 =	vmul.f32 v1, v55  }
0x556: {  	s30 =	spop (v2sf);
	v2 =	vld [tilespmem:$0x1230]  }
0x557: {  	[tilespmem:s30+$0x9F20] =	vst.add.f32.msk $0xffff, v1  }
0x558: {  	v1 =	vld [tilespmem:$0x1630];
	_ =	sdelay $0x2  }
0x559: {  	v2 =	vmul.f32 v2, v3;
	_ =	sdelay $0x1  }
0x55a: {  	[tilespmem:s31+$0x9F30] =	vst.add.f32.msk $0xffff, v2;
	v1 =	vmul.f32 v1, v55  }
0x55b: {  	v2 =	vld [tilespmem:$0x1240]  }
0x55c: {  	[tilespmem:s30+$0x9F30] =	vst.add.f32.msk $0xffff, v1  }
0x55d: {  	v1 =	vld [tilespmem:$0x1640];
	_ =	sdelay $0x2  }
0x55e: {  	v2 =	vmul.f32 v2, v3;
	_ =	sdelay $0x1  }
0x55f: {  	[tilespmem:s31+$0x9F40] =	vst.add.f32.msk $0xffff, v2;
	v1 =	vmul.f32 v1, v55  }
0x560: {  	v2 =	vld [tilespmem:$0x1250]  }
0x561: {  	(v2sf) =	vpush v51, $0xB;
	[tilespmem:s30+$0x9F40] =	vst.add.f32.msk $0xffff, v1  }
0x562: {  	v1 =	vld [tilespmem:$0x1650];
	_ =	sdelay $0x2  }
0x563: {  	v2 =	vmul.f32 v2, v3;
	_ =	sdelay $0x1  }
0x564: {  	[tilespmem:s31+$0x9F50] =	vst.add.f32.msk $0xffff, v2;
	v1 =	vmul.f32 v1, v55  }
0x565: {  	v2 =	vld [tilespmem:$0x1260]  }
0x566: {  	[tilespmem:s30+$0x9F50] =	vst.add.f32.msk $0xffff, v1  }
0x567: {  	v1 =	vld [tilespmem:$0x1660]  }
0x568: {  	v3 =	vbroadcast v52, $0xB;
	_ =	sdelay $0x1  }
0x569: {  	v56 =	vbroadcast v53, $0xB;
	v2 =	vmul.f32 v2, v3;
	_ =	sdelay $0x1  }
0x56a: {  	[tilespmem:s0+$0x9F20] =	vst.add.f32.msk $0xffff, v2;
	v1 =	vmul.f32 v1, v56  }
0x56b: {  	s31 =	spop (v2sf);
	v2 =	vld [tilespmem:$0x1270]  }
0x56c: {  	[tilespmem:s31+$0x9F20] =	vst.add.f32.msk $0xffff, v1  }
0x56d: {  	v1 =	vld [tilespmem:$0x1670];
	_ =	sdelay $0x2  }
0x56e: {  	v2 =	vmul.f32 v2, v3;
	_ =	sdelay $0x1  }
0x56f: {  	[tilespmem:s0+$0x9F30] =	vst.add.f32.msk $0xffff, v2;
	v1 =	vmul.f32 v1, v56  }
0x570: {  	v2 =	vld [tilespmem:$0x1280]  }
0x571: {  	[tilespmem:s31+$0x9F30] =	vst.add.f32.msk $0xffff, v1  }
0x572: {  	v1 =	vld [tilespmem:$0x1680];
	_ =	sdelay $0x2  }
0x573: {  	v2 =	vmul.f32 v2, v3;
	_ =	sdelay $0x1  }
0x574: {  	[tilespmem:s0+$0x9F40] =	vst.add.f32.msk $0xffff, v2;
	v1 =	vmul.f32 v1, v56  }
0x575: {  	v2 =	vld [tilespmem:$0x1290]  }
0x576: {  	(v2sf) =	vpush v51, $0xC;
	[tilespmem:s31+$0x9F40] =	vst.add.f32.msk $0xffff, v1  }
0x577: {  	v1 =	vld [tilespmem:$0x1690];
	_ =	sdelay $0x2  }
0x578: {  	v2 =	vmul.f32 v2, v3;
	_ =	sdelay $0x1  }
0x579: {  	[tilespmem:s0+$0x9F50] =	vst.add.f32.msk $0xffff, v2;
	v1 =	vmul.f32 v1, v56  }
0x57a: {  	v2 =	vld [tilespmem:$0x12A0]  }
0x57b: {  	[tilespmem:s31+$0x9F50] =	vst.add.f32.msk $0xffff, v1  }
0x57c: {  	v1 =	vld [tilespmem:$0x16A0]  }
0x57d: {  	v3 =	vbroadcast v52, $0xC;
	_ =	sdelay $0x1  }
0x57e: {  	v4 =	vbroadcast v53, $0xC;
	v2 =	vmul.f32 v2, v3;
	_ =	sdelay $0x1  }
0x57f: {  	[tilespmem:s10+$0x9F20] =	vst.add.f32.msk $0xffff, v2;
	v1 =	vmul.f32 v1, v4  }
0x580: {  	s3 =	spop (v2sf);
	v2 =	vld [tilespmem:$0x12B0]  }
0x581: {  	[tilespmem:s3+$0x9F20] =	vst.add.f32.msk $0xffff, v1  }
0x582: {  	v1 =	vld [tilespmem:$0x16B0];
	_ =	sdelay $0x2  }
0x583: {  	v2 =	vmul.f32 v2, v3;
	_ =	sdelay $0x1  }
0x584: {  	[tilespmem:s10+$0x9F30] =	vst.add.f32.msk $0xffff, v2;
	v1 =	vmul.f32 v1, v4  }
0x585: {  	v2 =	vld [tilespmem:$0x12C0]  }
0x586: {  	[tilespmem:s3+$0x9F30] =	vst.add.f32.msk $0xffff, v1  }
0x587: {  	v1 =	vld [tilespmem:s23+$0x7F0]  }
0x588: {  	v57 =	vld [tilespmem:$0x16C0];
	_ =	sdelay $0x2  }
0x589: {  	v2 =	vmul.f32 v2, v3  }
0x58a: {  	v6 =	vmul.u32 $0x18, v1  }
0x58b: {  	[tilespmem:s10+$0x9F40] =	vst.add.f32.msk $0xffff, v2;
	v2 =	vmul.f32 v57, v4  }
0x58c: {  	v58 =	vld.idx.msk [tilespmem:v21+s16+$0x0], $0xffff  }
0x58d: {  	[tilespmem:s3+$0x9F40] =	vst.add.f32.msk $0xffff, v2;
	v2 =	vor.u32 $0x1, v6  }
0x58e: {  	v61 =	vld.idx.msk [tilespmem:v22+s16+$0x0], $0xffff  }
0x58f: {  	v63 =	vld.idx.msk [tilespmem:v23+s16+$0x0], $0xffff;
	v59 =	vor.u32 $0x2, v6  }
0x590: {  	v60 =	vld.idx.msk [tilespmem:v6+s28+$0x0], $0xffff  }
0x591: {  	v55 =	vld.idx.msk [tilespmem:v24+s16+$0x0], $0xffff;
	v62 =	vor.u32 $0x3, v6  }
0x592: {  	v2 =	vld.idx.msk [tilespmem:v2+s28+$0x0], $0xffff  }
0x593: {  	v5 =	vld [tilespmem:$0x12D0];
	v54 =	vor.u32 $0x4, v6  }
0x594: {  	v9 =	vld.idx.msk [tilespmem:v59+s28+$0x0], $0xffff  }
0x595: {  	v57 =	vld.idx.msk [tilespmem:v25+s16+$0x0], $0xffff;
	v56 =	vor.u32 $0x5, v6;
	v8 =	vmul.f32 v60, v58  }
0x596: {  	v12 =	vld.idx.msk [tilespmem:v62+s28+$0x0], $0xffff  }
0x597: {  	v16 =	vor.u32 $0x6, v6;
	v7 =	vld [tilespmem:$0x16D0];
	v8 =	vadd.f32 $0.0e+00, v8;
	v2 =	vmul.f32 v2, v61  }
0x598: {  	v14 =	vld.idx.msk [tilespmem:v54+s28+$0x0], $0xffff  }
0x599: {  	v59 =	vld.idx.msk [tilespmem:v26+s16+$0x0], $0xffff;
	v60 =	vor.u32 $0x7, v6;
	v58 =	vmul.f32 v9, v63;
	v2 =	vadd.f32 v2, v8  }
0x59a: {  	v15 =	vld.idx.msk [tilespmem:v56+s28+$0x0], $0xffff  }
0x59b: {  	v62 =	vld.idx.msk [tilespmem:v27+s16+$0x0], $0xffff;
	v63 =	vadd.s32 $0x8, v6;
	v61 =	vmul.f32 v12, v55;
	v2 =	vadd.f32 v58, v2  }
0x59c: {  	v16 =	vld.idx.msk [tilespmem:v16+s28+$0x0], $0xffff  }
0x59d: {  	v54 =	vmul.f32 v14, v57;
	v6 =	vadd.s32 $0x9, v6;
	v55 =	vld.idx.msk [tilespmem:v28+s16+$0x0], $0xffff;
	v2 =	vadd.f32 v61, v2  }
0x59e: {  	v13 =	vld.idx.msk [tilespmem:v60+s28+$0x0], $0xffff  }
0x59f: {  	v56 =	vmul.f32 v15, v59;
	v57 =	vld.idx.msk [tilespmem:v29+s16+$0x0], $0xffff;
	v2 =	vadd.f32 v54, v2  }
0x5a0: {  	v12 =	vld.idx.msk [tilespmem:v63+s28+$0x0], $0xffff  }
0x5a1: {  	(v2sf) =	vpush v51, $0xD;
	v59 =	vld.idx.msk [tilespmem:v30+s16+$0x0], $0xffff;
	v58 =	vmul.f32 v16, v62;
	v2 =	vadd.f32 v56, v2  }
0x5a2: {  	v6 =	vld.idx.msk [tilespmem:v6+s28+$0x0], $0xffff  }
0x5a3: {  	v60 =	vmul.f32 v13, v55;
	v2 =	vadd.f32 v58, v2  }
0x5a4: {  	v3 =	vmul.f32 v5, v3  }
0x5a5: {  	v61 =	vmul.f32 v12, v57;
	v2 =	vadd.f32 v60, v2  }
0x5a6: {  	[tilespmem:s10+$0x9F50] =	vst.add.f32.msk $0xffff, v3  }
0x5a7: {  	v3 =	vld [tilespmem:$0x12E0];
	v4 =	vmul.f32 v7, v4;
	v62 =	vmul.f32 v6, v59;
	v2 =	vadd.f32 v61, v2;
	_ =	sdelay $0x1  }
0x5a8: {  	(v2sf) =	vpush v51, $0xE;
	v1 =	vshll.u32 v1, $0x8;
	[tilespmem:s3+$0x9F50] =	vst.add.f32.msk $0xffff, v4;
	v2 =	vadd.f32 v62, v2  }
0x5a9: {  	(v2sf) =	vpush v51, $0xF;
	v8 =	vld [tilespmem:$0x16E0];
	v63 =	vbroadcast v52, $0xD;
	v54 =	vshra.s32 v1, $0x2  }
0x5aa: {  	(v2sf) =	vpush v54, $0x0;
	v1 =	vmul.f32 $1.442695020e+00, v2  }
0x5ab: {  	v2 =	vmul.f32 v3, v63  }
0x5ac: {  	v3 =	vbroadcast v53, $0xD;
	(erf) = vpow2.f32 v1;
	_ =	sdelay $0x1  }
0x5ad: {  	[tilespmem:s2+$0x9F20] =	vst.add.f32.msk $0xffff, v2;
	v1 =	vmul.f32 v8, v3  }
0x5ae: {  	s4 =	spop (v2sf);
	v2 =	vld [tilespmem:$0x12F0]  }
0x5af: {  	[tilespmem:s4+$0x9F20] =	vst.add.f32.msk $0xffff, v1  }
0x5b0: {  	v1 =	vld [tilespmem:$0x16F0];
	_ =	sdelay $0x1  }
0x5b1: {  	v9 =	vld [tilespmem:$0x17A0]  }
0x5b2: {  	v2 =	vmul.f32 v2, v63  }
0x5b3: {  	v51 =	vpop (erf)  }
0x5b4: {  	[tilespmem:s2+$0x9F30] =	vst.add.f32.msk $0xffff, v2;
	v1 =	vmul.f32 v1, v3;
	v2 =	vbroadcast v51, $0x0  }
0x5b5: {  	s5 =	spop (v2sf);
	v10 =	vld [tilespmem:$0x1300]  }
0x5b6: {  	s6 =	spop (v2sf);
	[tilespmem:s4+$0x9F30] =	vst.add.f32.msk $0xffff, v1;
	v1 =	vmul.f32 v2, v9  }
0x5b7: {  	s7 =	spop (v2sf)  }
0x5b8: {  	[tilespmem:s7+$0x9F20] =	vst.add.f32.msk $0xffff, v1  }
0x5b9: {  	v1 =	vld [tilespmem:$0x17B0]  }
0x5ba: {  	v6 =	vmul.f32 v10, v63  }
0x5bb: {  	v11 =	vld [tilespmem:$0x1700]  }
0x5bc: {  	[tilespmem:s2+$0x9F40] =	vst.add.f32.msk $0xffff, v6  }
0x5bd: {  	v6 =	vld [tilespmem:$0x1310]  }
0x5be: {  	v1 =	vmul.f32 v2, v1;
	_ =	sdelay $0x1  }
0x5bf: {  	v5 =	vmul.f32 v11, v3;
	[tilespmem:s7+$0x9F30] =	vst.add.f32.msk $0xffff, v1  }
0x5c0: {  	v1 =	vld [tilespmem:$0x17C0]  }
0x5c1: {  	[tilespmem:s4+$0x9F40] =	vst.add.f32.msk $0xffff, v5;
	v4 =	vmul.f32 v6, v63  }
0x5c2: {  	v5 =	vld [tilespmem:$0x1710]  }
0x5c3: {  	[tilespmem:s2+$0x9F50] =	vst.add.f32.msk $0xffff, v4  }
0x5c4: {  	v4 =	vld [tilespmem:$0x1320]  }
0x5c5: {  	v1 =	vmul.f32 v1, v2;
	_ =	sdelay $0x1  }
0x5c6: {  	v12 =	vbroadcast v52, $0xE;
	(v2sf) =	vpush v54, $0x1;
	v3 =	vmul.f32 v5, v3;
	[tilespmem:s7+$0x9F40] =	vst.add.f32.msk $0xffff, v1  }
0x5c7: {  	v1 =	vld [tilespmem:$0x17D0]  }
0x5c8: {  	[tilespmem:s4+$0x9F50] =	vst.add.f32.msk $0xffff, v3;
	v4 =	vmul.f32 v4, v12  }
0x5c9: {  	v3 =	vld [tilespmem:$0x1720]  }
0x5ca: {  	[tilespmem:s25+$0x9F20] =	vst.add.f32.msk $0xffff, v4  }
0x5cb: {  	v4 =	vld [tilespmem:$0x1330]  }
0x5cc: {  	v13 =	vbroadcast v53, $0xE;
	v1 =	vmul.f32 v1, v2;
	_ =	sdelay $0x1  }
0x5cd: {  	v3 =	vmul.f32 v3, v13;
	[tilespmem:s7+$0x9F50] =	vst.add.f32.msk $0xffff, v1  }
0x5ce: {  	v1 =	vld [tilespmem:$0x17E0]  }
0x5cf: {  	[tilespmem:s5+$0x9F20] =	vst.add.f32.msk $0xffff, v3;
	v3 =	vmul.f32 v4, v12;
	_ =	sdelay $0x1  }
0x5d0: {  	[tilespmem:s25+$0x9F30] =	vst.add.f32.msk $0xffff, v3;
	v3 =	vbroadcast v51, $0x1;
	_ =	sdelay $0x1  }
0x5d1: {  	v1 =	vmul.f32 v1, v3  }
0x5d2: {  	s8 =	spop (v2sf);
	v2 =	vld [tilespmem:$0x1730]  }
0x5d3: {  	[tilespmem:s8+$0x9F20] =	vst.add.f32.msk $0xffff, v1  }
0x5d4: {  	v1 =	vld [tilespmem:$0x17F0];
	_ =	sdelay $0x2  }
0x5d5: {  	v2 =	vmul.f32 v2, v13  }
0x5d6: {  	v14 =	vld [tilespmem:$0x1340]  }
0x5d7: {  	[tilespmem:s5+$0x9F30] =	vst.add.f32.msk $0xffff, v2;
	v1 =	vmul.f32 v1, v3  }
0x5d8: {  	v2 =	vld [tilespmem:$0x1740]  }
0x5d9: {  	[tilespmem:s8+$0x9F30] =	vst.add.f32.msk $0xffff, v1  }
0x5da: {  	v1 =	vld [tilespmem:$0x1800]  }
0x5db: {  	v4 =	vmul.f32 v14, v12;
	_ =	sdelay $0x1  }
0x5dc: {  	[tilespmem:s25+$0x9F40] =	vst.add.f32.msk $0xffff, v4;
	v2 =	vmul.f32 v2, v13  }
0x5dd: {  	v4 =	vld [tilespmem:$0x1350]  }
0x5de: {  	[tilespmem:s5+$0x9F40] =	vst.add.f32.msk $0xffff, v2;
	v1 =	vmul.f32 v1, v3  }
0x5df: {  	v2 =	vld [tilespmem:$0x1750]  }
0x5e0: {  	(v2sf) =	vpush v54, $0x2;
	[tilespmem:s8+$0x9F40] =	vst.add.f32.msk $0xffff, v1  }
0x5e1: {  	v1 =	vld [tilespmem:$0x1810]  }
0x5e2: {  	v4 =	vmul.f32 v4, v12;
	_ =	sdelay $0x1  }
0x5e3: {  	[tilespmem:s25+$0x9F50] =	vst.add.f32.msk $0xffff, v4;
	v2 =	vmul.f32 v2, v13  }
0x5e4: {  	v4 =	vld [tilespmem:$0x1360]  }
0x5e5: {  	[tilespmem:s5+$0x9F50] =	vst.add.f32.msk $0xffff, v2;
	v1 =	vmul.f32 v1, v3  }
0x5e6: {  	v2 =	vld [tilespmem:$0x1760]  }
0x5e7: {  	v15 =	vbroadcast v52, $0xF;
	[tilespmem:s8+$0x9F50] =	vst.add.f32.msk $0xffff, v1  }
0x5e8: {  	v1 =	vld [tilespmem:$0x1820]  }
0x5e9: {  	v52 =	vbroadcast v53, $0xF;
	v4 =	vmul.f32 v4, v15;
	_ =	sdelay $0x1  }
0x5ea: {  	v56 =	vbroadcast v51, $0x2;
	[tilespmem:s24+$0x9F20] =	vst.add.f32.msk $0xffff, v4;
	v2 =	vmul.f32 v2, v52  }
0x5eb: {  	v4 =	vld [tilespmem:$0x1370]  }
0x5ec: {  	[tilespmem:s6+$0x9F20] =	vst.add.f32.msk $0xffff, v2;
	v1 =	vmul.f32 v1, v56  }
0x5ed: {  	s20 =	spop (v2sf);
	v2 =	vld [tilespmem:$0x1770]  }
0x5ee: {  	[tilespmem:s20+$0x9F20] =	vst.add.f32.msk $0xffff, v1  }
0x5ef: {  	v1 =	vld [tilespmem:$0x1830]  }
0x5f0: {  	v3 =	vmul.f32 v4, v15;
	_ =	sdelay $0x1  }
0x5f1: {  	[tilespmem:s24+$0x9F30] =	vst.add.f32.msk $0xffff, v3;
	v2 =	vmul.f32 v2, v52  }
0x5f2: {  	v3 =	vld [tilespmem:$0x1380]  }
0x5f3: {  	[tilespmem:s6+$0x9F30] =	vst.add.f32.msk $0xffff, v2;
	v1 =	vmul.f32 v1, v56  }
0x5f4: {  	v2 =	vld [tilespmem:$0x1780]  }
0x5f5: {  	[tilespmem:s20+$0x9F30] =	vst.add.f32.msk $0xffff, v1  }
0x5f6: {  	v1 =	vld [tilespmem:$0x1840]  }
0x5f7: {  	v3 =	vmul.f32 v3, v15;
	_ =	sdelay $0x1  }
0x5f8: {  	[tilespmem:s24+$0x9F40] =	vst.add.f32.msk $0xffff, v3;
	v2 =	vmul.f32 v2, v52  }
0x5f9: {  	v3 =	vld [tilespmem:$0x1390]  }
0x5fa: {  	[tilespmem:s6+$0x9F40] =	vst.add.f32.msk $0xffff, v2;
	v1 =	vmul.f32 v1, v56  }
0x5fb: {  	v2 =	vld [tilespmem:$0x1790]  }
0x5fc: {  	[tilespmem:s20+$0x9F40] =	vst.add.f32.msk $0xffff, v1  }
0x5fd: {  	v1 =	vld [tilespmem:s23+$0x800];
	_ =	sdelay $0x2  }
0x5fe: {  	v2 =	vmul.f32 v2, v52;
	_ =	sdelay $0x1  }
0x5ff: {  	v3 =	vmul.f32 v3, v15;
	[tilespmem:s6+$0x9F50] =	vst.add.f32.msk $0xffff, v2;
	v2 =	vmul.u32 $0x18, v1;
	_ =	sdelay $0x1  }
0x600: {  	[tilespmem:s24+$0x9F50] =	vst.add.f32.msk $0xffff, v3;
	v3 =	vor.u32 $0x1, v2;
	_ =	sdelay $0x1  }
0x601: {  	v7 =	vld.idx.msk [tilespmem:v32+s16+$0x0], $0xffff;
	v53 =	vor.u32 $0x2, v2  }
0x602: {  	v4 =	vld.idx.msk [tilespmem:v31+s16+$0x0], $0xffff  }
0x603: {  	v55 =	vor.u32 $0x3, v2;
	v6 =	vld.idx.msk [tilespmem:v2+s28+$0x0], $0xffff  }
0x604: {  	v3 =	vld.idx.msk [tilespmem:v3+s28+$0x0], $0xffff  }
0x605: {  	v57 =	vor.u32 $0x4, v2;
	v9 =	vld.idx.msk [tilespmem:v33+s16+$0x0], $0xffff  }
0x606: {  	v5 =	vld.idx.msk [tilespmem:v53+s28+$0x0], $0xffff  }
0x607: {  	v11 =	vld.idx.msk [tilespmem:v34+s16+$0x0], $0xffff  }
0x608: {  	v58 =	vor.u32 $0x5, v2;
	v8 =	vld.idx.msk [tilespmem:v55+s28+$0x0], $0xffff  }
0x609: {  	v13 =	vld.idx.msk [tilespmem:v35+s16+$0x0], $0xffff  }
0x60a: {  	v59 =	vor.u32 $0x6, v2;
	v10 =	vld.idx.msk [tilespmem:v57+s28+$0x0], $0xffff  }
0x60b: {  	v15 =	vld [tilespmem:s23+$0x810]  }
0x60c: {  	v17 =	vor.u32 $0x7, v2;
	v16 =	vld.idx.msk [tilespmem:v36+s16+$0x0], $0xffff  }
0x60d: {  	v12 =	vld.idx.msk [tilespmem:v58+s28+$0x0], $0xffff  }
0x60e: {  	v60 =	vadd.s32 $0x8, v2;
	v52 =	vld.idx.msk [tilespmem:v37+s16+$0x0], $0xffff  }
0x60f: {  	v14 =	vld.idx.msk [tilespmem:v59+s28+$0x0], $0xffff;
	(v2sf) =	vpush v54, $0x3  }
0x610: {  	v55 =	vld.idx.msk [tilespmem:v38+s16+$0x0], $0xffff;
	(v2sf) =	vpush v54, $0x4;
	v57 =	vmul.u32 $0x18, v15  }
0x611: {  	v17 =	vld.idx.msk [tilespmem:v17+s28+$0x0], $0xffff;
	(v2sf) =	vpush v54, $0x5  }
0x612: {  	v58 =	vld.idx.msk [tilespmem:v39+s16+$0x0], $0xffff;
	(v2sf) =	vpush v54, $0x6  }
0x613: {  	v53 =	vld.idx.msk [tilespmem:v60+s28+$0x0], $0xffff;
	(v2sf) =	vpush v54, $0x7;
	v59 =	vor.u32 $0x1, v57  }
0x614: {  	v60 =	vld.idx.msk [tilespmem:v40+s16+$0x0], $0xffff;
	(v2sf) =	vpush v54, $0x8  }
0x615: {  	v4 =	vmul.f32 v6, v4;
	v6 =	vld.idx.msk [tilespmem:v41+s16+$0x0], $0xffff;
	(v2sf) =	vpush v54, $0x9;
	v61 =	vor.u32 $0x2, v57  }
0x616: {  	v1 =	vshll.u32 v1, $0x8;
	v63 =	vor.u32 $0x3, v57;
	(v2sf) =	vpush v54, $0xA;
	v62 =	vld.idx.msk [tilespmem:v57+s28+$0x0], $0xffff  }
0x617: {  	v3 =	vmul.f32 v3, v7;
	v7 =	vld.idx.msk [tilespmem:v42+s16+$0x0], $0xffff;
	v4 =	vadd.f32 $0.0e+00, v4;
	(v2sf) =	vpush v54, $0xB  }
0x618: {  	v1 =	vshra.s32 v1, $0x2;
	v2 =	vadd.s32 $0x9, v2;
	(v2sf) =	vpush v54, $0xC;
	v59 =	vld.idx.msk [tilespmem:v59+s28+$0x0], $0xffff  }
0x619: {  	v3 =	vadd.f32 v3, v4;
	v4 =	vmul.f32 v5, v9;
	v5 =	vld.idx.msk [tilespmem:v43+s16+$0x0], $0xffff;
	(v2sf) =	vpush v54, $0xD  }
0x61a: {  	v8 =	vmul.f32 v8, v11;
	(v2sf) =	vpush v54, $0xE;
	v9 =	vld.idx.msk [tilespmem:v61+s28+$0x0], $0xffff;
	v61 =	vor.u32 $0x4, v57  }
0x61b: {  	v3 =	vadd.f32 v4, v3;
	v11 =	vld.idx.msk [tilespmem:v63+s28+$0x0], $0xffff;
	(v2sf) =	vpush v54, $0xF;
	v4 =	vmul.f32 v62, v6  }
0x61c: {  	(v2sf) =	vpush v1, $0x0;
	v6 =	vld.idx.msk [tilespmem:v44+s16+$0x0], $0xffff;
	v62 =	vor.u32 $0x5, v57  }
0x61d: {  	v2 =	vld.idx.msk [tilespmem:v2+s28+$0x0], $0xffff;
	(v2sf) =	vpush v1, $0x1;
	v7 =	vmul.f32 v59, v7;
	v4 =	vadd.f32 $0.0e+00, v4  }
0x61e: {  	v54 =	vld.idx.msk [tilespmem:v45+s16+$0x0], $0xffff;
	v3 =	vadd.f32 v8, v3;
	s14 =	spop (v2sf);
	(v2sf) =	vpush v1, $0x2;
	v59 =	vor.u32 $0x6, v57  }
0x61f: {  	s21 =	spop (v2sf);
	(v2sf) =	vpush v1, $0x3;
	v5 =	vmul.f32 v9, v5;
	v4 =	vadd.f32 v7, v4;
	v7 =	vld.idx.msk [tilespmem:v61+s28+$0x0], $0xffff  }
0x620: {  	v9 =	vld.idx.msk [tilespmem:v46+s16+$0x0], $0xffff;
	s7 =	spop (v2sf);
	(v2sf) =	vpush v1, $0x4;
	v61 =	vmul.f32 v10, v13;
	v10 =	vor.u32 $0x7, v57  }
0x621: {  	s3 =	spop (v2sf);
	(v2sf) =	vpush v1, $0x5;
	v63 =	vmul.f32 v11, v6;
	v6 =	vld.idx.msk [tilespmem:v62+s28+$0x0], $0xffff  }
0x622: {  	v8 =	vld.idx.msk [tilespmem:v47+s16+$0x0], $0xffff;
	v4 =	vadd.f32 v5, v4;
	v3 =	vadd.f32 v61, v3;
	v61 =	vadd.s32 $0x8, v57  }
0x623: {  	v12 =	vmul.f32 v12, v16;
	v16 =	vadd.s32 $0x9, v57;
	s19 =	spop (v2sf);
	(v2sf) =	vpush v1, $0x6;
	v62 =	vld.idx.msk [tilespmem:v59+s28+$0x0], $0xffff  }
0x624: {  	s8 =	spop (v2sf);
	(v2sf) =	vpush v1, $0x7;
	v4 =	vadd.f32 v63, v4;
	v63 =	vld.idx.msk [tilespmem:v48+s16+$0x0], $0xffff;
	v7 =	vmul.f32 v7, v54  }
0x625: {  	v52 =	vmul.f32 v14, v52;
	s5 =	spop (v2sf);
	(v2sf) =	vpush v1, $0x8;
	v10 =	vld.idx.msk [tilespmem:v10+s28+$0x0], $0xffff  }
0x626: {  	v3 =	vadd.f32 v12, v3;
	v54 =	vld.idx.msk [tilespmem:v49+s16+$0x0], $0xffff;
	v6 =	vmul.f32 v6, v9;
	v4 =	vadd.f32 v7, v4  }
0x627: {  	v55 =	vmul.f32 v17, v55;
	s2 =	spop (v2sf);
	(v2sf) =	vpush v1, $0x9;
	v11 =	vld.idx.msk [tilespmem:v61+s28+$0x0], $0xffff  }
0x628: {  	v57 =	vld.idx.msk [tilespmem:v50+s16+$0x0], $0xffff;
	v3 =	vadd.f32 v52, v3;
	v5 =	vmul.f32 v62, v8;
	v4 =	vadd.f32 v6, v4  }
0x629: {  	v59 =	vmul.f32 v53, v58;
	s23 =	spop (v2sf);
	(v2sf) =	vpush v1, $0xA;
	v61 =	vld.idx.msk [tilespmem:v16+s28+$0x0], $0xffff  }
0x62a: {  	v3 =	vadd.f32 v55, v3;
	v62 =	vmul.f32 v10, v63;
	v4 =	vadd.f32 v5, v4  }
0x62b: {  	v2 =	vmul.f32 v2, v60;
	s30 =	spop (v2sf);
	(v2sf) =	vpush v1, $0xB  }
0x62c: {  	v3 =	vadd.f32 v59, v3;
	v63 =	vmul.f32 v11, v54;
	v4 =	vadd.f32 v62, v4  }
0x62d: {  	s26 =	spop (v2sf);
	(v2sf) =	vpush v1, $0xC  }
0x62e: {  	v2 =	vadd.f32 v2, v3;
	v8 =	vmul.f32 v61, v57;
	v3 =	vadd.f32 v63, v4  }
0x62f: {  	s25 =	spop (v2sf);
	(v2sf) =	vpush v1, $0xD;
	v52 =	vshll.u32 v15, $0x8  }
0x630: {  	s9 =	spop (v2sf);
	(v2sf) =	vpush v1, $0xE;
	v2 =	vmul.f32 $1.442695020e+00, v2;
	v3 =	vadd.f32 v8, v3  }
0x631: {  	v53 =	vshra.s32 v52, $0x2;
	s0 =	spop (v2sf);
	(v2sf) =	vpush v1, $0xF  }
0x632: {  	s22 =	spop (v2sf);
	(v2sf) =	vpush v53, $0x0;
	(erf) = vpow2.f32 v2;
	v1 =	vmul.f32 $1.442695020e+00, v3  }
0x633: {  	s6 =	spop (v2sf)  }
0x634: {  	s18 =	spop (v2sf);
	(erf) = vpow2.f32 v1  }
0x635: {  	s15 =	spop (v2sf)  }
0x636: {  	s13 =	spop (v2sf)  }
0x637: {  	s11 =	spop (v2sf)  }
0x638: {  	s12 =	spop (v2sf)  }
0x639: {  	s1 =	spop (v2sf);
	v1 =	vld [tilespmem:$0x1BA0]  }
0x63a: {  	[dreg:$0xd] =	wrdreg s9;
	s9 =	spop (v2sf)  }
0x63b: {  	v2 =	vld [tilespmem:$0x1FA0];
	s17 =	spop (v2sf);
	v54 =	vpop (erf)  }
0x63c: {  	s4 =	spop (v2sf);
	v3 =	vbroadcast v54, $0x0  }
0x63d: {  	s31 =	spop (v2sf);
	v55 =	vpop (erf)  }
0x63e: {  	s29 =	spop (v2sf);
	v1 =	vmul.f32 v3, v1;
	v9 =	vbroadcast v55, $0x0  }
0x63f: {  	s24 =	spop (v2sf)  }
0x640: {  	s10 =	spop (v2sf);
	[tilespmem:s0+$0x9F20] =	vst.add.f32.msk $0xffff, v1;
	v1 =	vmul.f32 v9, v2  }
0x641: {  	[dreg:$0xf] =	wrdreg s10;
	s10 =	spop (v2sf);
	v2 =	vld [tilespmem:$0x1BB0]  }
0x642: {  	[tilespmem:s10+$0x9F20] =	vst.add.f32.msk $0xffff, v1  }
0x643: {  	v1 =	vld [tilespmem:$0x1FB0];
	_ =	sdelay $0x2  }
0x644: {  	v2 =	vmul.f32 v3, v2;
	_ =	sdelay $0x1  }
0x645: {  	[tilespmem:s0+$0x9F30] =	vst.add.f32.msk $0xffff, v2;
	v1 =	vmul.f32 v9, v1  }
0x646: {  	v2 =	vld [tilespmem:$0x1BC0]  }
0x647: {  	[tilespmem:s10+$0x9F30] =	vst.add.f32.msk $0xffff, v1  }
0x648: {  	v1 =	vld [tilespmem:$0x1FC0];
	_ =	sdelay $0x2  }
0x649: {  	v2 =	vmul.f32 v2, v3;
	_ =	sdelay $0x1  }
0x64a: {  	[tilespmem:s0+$0x9F40] =	vst.add.f32.msk $0xffff, v2;
	v1 =	vmul.f32 v1, v9  }
0x64b: {  	v2 =	vld [tilespmem:$0x1BD0]  }
0x64c: {  	(v2sf) =	vpush v53, $0x1;
	[tilespmem:s10+$0x9F40] =	vst.add.f32.msk $0xffff, v1  }
0x64d: {  	v1 =	vld [tilespmem:$0x1FD0];
	_ =	sdelay $0x2  }
0x64e: {  	v2 =	vmul.f32 v2, v3;
	_ =	sdelay $0x1  }
0x64f: {  	[tilespmem:s0+$0x9F50] =	vst.add.f32.msk $0xffff, v2;
	v1 =	vmul.f32 v1, v9  }
0x650: {  	v2 =	vld [tilespmem:$0x1BE0]  }
0x651: {  	[tilespmem:s10+$0x9F50] =	vst.add.f32.msk $0xffff, v1  }
0x652: {  	v1 =	vld [tilespmem:$0x1FE0]  }
0x653: {  	v3 =	vbroadcast v54, $0x1;
	_ =	sdelay $0x1  }
0x654: {  	v10 =	vbroadcast v55, $0x1;
	v2 =	vmul.f32 v2, v3;
	_ =	sdelay $0x1  }
0x655: {  	[tilespmem:s22+$0x9F20] =	vst.add.f32.msk $0xffff, v2;
	v1 =	vmul.f32 v1, v10  }
0x656: {  	s10 =	spop (v2sf);
	v2 =	vld [tilespmem:$0x1BF0]  }
0x657: {  	[tilespmem:s10+$0x9F20] =	vst.add.f32.msk $0xffff, v1  }
0x658: {  	v1 =	vld [tilespmem:$0x1FF0];
	_ =	sdelay $0x2  }
0x659: {  	v2 =	vmul.f32 v2, v3;
	_ =	sdelay $0x1  }
0x65a: {  	[tilespmem:s22+$0x9F30] =	vst.add.f32.msk $0xffff, v2;
	v1 =	vmul.f32 v1, v10  }
0x65b: {  	v2 =	vld [tilespmem:$0x1C00]  }
0x65c: {  	[tilespmem:s10+$0x9F30] =	vst.add.f32.msk $0xffff, v1  }
0x65d: {  	v1 =	vld [tilespmem:$0x2000];
	_ =	sdelay $0x2  }
0x65e: {  	v2 =	vmul.f32 v2, v3;
	_ =	sdelay $0x1  }
0x65f: {  	[tilespmem:s22+$0x9F40] =	vst.add.f32.msk $0xffff, v2;
	v1 =	vmul.f32 v1, v10  }
0x660: {  	v2 =	vld [tilespmem:$0x1C10]  }
0x661: {  	(v2sf) =	vpush v53, $0x2;
	[tilespmem:s10+$0x9F40] =	vst.add.f32.msk $0xffff, v1  }
0x662: {  	v1 =	vld [tilespmem:$0x2010];
	_ =	sdelay $0x2  }
0x663: {  	v2 =	vmul.f32 v2, v3;
	_ =	sdelay $0x1  }
0x664: {  	[tilespmem:s22+$0x9F50] =	vst.add.f32.msk $0xffff, v2;
	v1 =	vmul.f32 v1, v10  }
0x665: {  	v2 =	vld [tilespmem:$0x1C20]  }
0x666: {  	[tilespmem:s10+$0x9F50] =	vst.add.f32.msk $0xffff, v1  }
0x667: {  	v1 =	vld [tilespmem:$0x2020]  }
0x668: {  	v3 =	vbroadcast v54, $0x2;
	_ =	sdelay $0x1  }
0x669: {  	v11 =	vbroadcast v55, $0x2;
	v2 =	vmul.f32 v2, v3;
	_ =	sdelay $0x1  }
0x66a: {  	[tilespmem:s6+$0x9F20] =	vst.add.f32.msk $0xffff, v2;
	v1 =	vmul.f32 v1, v11  }
0x66b: {  	s10 =	spop (v2sf);
	v2 =	vld [tilespmem:$0x1C30]  }
0x66c: {  	[tilespmem:s10+$0x9F20] =	vst.add.f32.msk $0xffff, v1  }
0x66d: {  	v1 =	vld [tilespmem:$0x2030];
	_ =	sdelay $0x2  }
0x66e: {  	v2 =	vmul.f32 v2, v3;
	_ =	sdelay $0x1  }
0x66f: {  	[tilespmem:s6+$0x9F30] =	vst.add.f32.msk $0xffff, v2;
	v1 =	vmul.f32 v1, v11  }
0x670: {  	v2 =	vld [tilespmem:$0x1C40]  }
0x671: {  	[tilespmem:s10+$0x9F30] =	vst.add.f32.msk $0xffff, v1  }
0x672: {  	v1 =	vld [tilespmem:$0x2040];
	_ =	sdelay $0x2  }
0x673: {  	v2 =	vmul.f32 v2, v3  }
0x674: {  	v12 =	vld [tilespmem:$0x1850]  }
0x675: {  	[tilespmem:s6+$0x9F40] =	vst.add.f32.msk $0xffff, v2;
	v1 =	vmul.f32 v1, v11  }
0x676: {  	v2 =	vld [tilespmem:$0x1C50]  }
0x677: {  	(v2sf) =	vpush v53, $0x3;
	[tilespmem:s10+$0x9F40] =	vst.add.f32.msk $0xffff, v1  }
0x678: {  	v1 =	vld [tilespmem:$0x2050]  }
0x679: {  	v5 =	vmul.f32 v12, v56;
	_ =	sdelay $0x1  }
0x67a: {  	[tilespmem:s20+$0x9F50] =	vst.add.f32.msk $0xffff, v5;
	v2 =	vmul.f32 v2, v3  }
0x67b: {  	v3 =	vld [tilespmem:$0x1860]  }
0x67c: {  	[tilespmem:s6+$0x9F50] =	vst.add.f32.msk $0xffff, v2;
	v1 =	vmul.f32 v1, v11  }
0x67d: {  	v2 =	vld [tilespmem:$0x1C60]  }
0x67e: {  	[tilespmem:s10+$0x9F50] =	vst.add.f32.msk $0xffff, v1;
	v1 =	vbroadcast v51, $0x3  }
0x67f: {  	v13 =	vld [tilespmem:$0x2060]  }
0x680: {  	v14 =	vbroadcast v54, $0x3;
	v3 =	vmul.f32 v3, v1;
	_ =	sdelay $0x1  }
0x681: {  	v2 =	vmul.f32 v2, v14;
	[tilespmem:s14+$0x9F20] =	vst.add.f32.msk $0xffff, v3;
	v3 =	vbroadcast v55, $0x3  }
0x682: {  	v15 =	vld [tilespmem:$0x1870]  }
0x683: {  	[tilespmem:s18+$0x9F20] =	vst.add.f32.msk $0xffff, v2;
	v2 =	vmul.f32 v13, v3  }
0x684: {  	s22 =	spop (v2sf);
	v56 =	vld [tilespmem:$0x1C70]  }
0x685: {  	[tilespmem:s22+$0x9F20] =	vst.add.f32.msk $0xffff, v2  }
0x686: {  	v2 =	vld [tilespmem:$0x2070]  }
0x687: {  	v6 =	vmul.f32 v15, v1;
	_ =	sdelay $0x1  }
0x688: {  	v4 =	vmul.f32 v56, v14;
	[tilespmem:s14+$0x9F30] =	vst.add.f32.msk $0xffff, v6  }
0x689: {  	v6 =	vld [tilespmem:$0x1880]  }
0x68a: {  	[tilespmem:s18+$0x9F30] =	vst.add.f32.msk $0xffff, v4;
	v2 =	vmul.f32 v2, v3  }
0x68b: {  	v4 =	vld [tilespmem:$0x1C80]  }
0x68c: {  	[tilespmem:s22+$0x9F30] =	vst.add.f32.msk $0xffff, v2  }
0x68d: {  	v2 =	vld [tilespmem:$0x2080]  }
0x68e: {  	v6 =	vmul.f32 v6, v1;
	_ =	sdelay $0x1  }
0x68f: {  	v4 =	vmul.f32 v4, v14;
	[tilespmem:s14+$0x9F40] =	vst.add.f32.msk $0xffff, v6  }
0x690: {  	v6 =	vld [tilespmem:$0x1890]  }
0x691: {  	[tilespmem:s18+$0x9F40] =	vst.add.f32.msk $0xffff, v4;
	v2 =	vmul.f32 v2, v3  }
0x692: {  	v4 =	vld [tilespmem:$0x1C90]  }
0x693: {  	(v2sf) =	vpush v53, $0x4;
	[tilespmem:s22+$0x9F40] =	vst.add.f32.msk $0xffff, v2  }
0x694: {  	v2 =	vld [tilespmem:$0x2090]  }
0x695: {  	v1 =	vmul.f32 v6, v1;
	_ =	sdelay $0x1  }
0x696: {  	[tilespmem:s14+$0x9F50] =	vst.add.f32.msk $0xffff, v1;
	v1 =	vmul.f32 v4, v14  }
0x697: {  	v57 =	vld [tilespmem:$0x18A0]  }
0x698: {  	[tilespmem:s18+$0x9F50] =	vst.add.f32.msk $0xffff, v1;
	v1 =	vmul.f32 v2, v3  }
0x699: {  	v2 =	vld [tilespmem:$0x1CA0]  }
0x69a: {  	v3 =	vbroadcast v51, $0x4;
	[tilespmem:s22+$0x9F50] =	vst.add.f32.msk $0xffff, v1  }
0x69b: {  	v1 =	vld [tilespmem:$0x20A0]  }
0x69c: {  	v58 =	vbroadcast v54, $0x4;
	v4 =	vmul.f32 v57, v3;
	_ =	sdelay $0x1  }
0x69d: {  	v59 =	vbroadcast v55, $0x4;
	[tilespmem:s21+$0x9F20] =	vst.add.f32.msk $0xffff, v4;
	v2 =	vmul.f32 v2, v58  }
0x69e: {  	v60 =	vld [tilespmem:$0x18B0]  }
0x69f: {  	[tilespmem:s15+$0x9F20] =	vst.add.f32.msk $0xffff, v2;
	v1 =	vmul.f32 v1, v59  }
0x6a0: {  	s6 =	spop (v2sf);
	v2 =	vld [tilespmem:$0x1CB0]  }
0x6a1: {  	[tilespmem:s6+$0x9F20] =	vst.add.f32.msk $0xffff, v1  }
0x6a2: {  	v1 =	vld [tilespmem:$0x20B0]  }
0x6a3: {  	v6 =	vmul.f32 v60, v3;
	_ =	sdelay $0x1  }
0x6a4: {  	[tilespmem:s21+$0x9F30] =	vst.add.f32.msk $0xffff, v6;
	v2 =	vmul.f32 v2, v58  }
0x6a5: {  	v6 =	vld [tilespmem:$0x18C0]  }
0x6a6: {  	[tilespmem:s15+$0x9F30] =	vst.add.f32.msk $0xffff, v2;
	v1 =	vmul.f32 v1, v59  }
0x6a7: {  	v2 =	vld [tilespmem:$0x1CC0]  }
0x6a8: {  	[tilespmem:s6+$0x9F30] =	vst.add.f32.msk $0xffff, v1  }
0x6a9: {  	v1 =	vld [tilespmem:$0x20C0]  }
0x6aa: {  	v6 =	vmul.f32 v6, v3;
	_ =	sdelay $0x1  }
0x6ab: {  	[tilespmem:s21+$0x9F40] =	vst.add.f32.msk $0xffff, v6;
	v2 =	vmul.f32 v2, v58  }
0x6ac: {  	v6 =	vld [tilespmem:$0x18D0]  }
0x6ad: {  	[tilespmem:s15+$0x9F40] =	vst.add.f32.msk $0xffff, v2;
	v1 =	vmul.f32 v1, v59  }
0x6ae: {  	v2 =	vld [tilespmem:$0x1CD0]  }
0x6af: {  	(v2sf) =	vpush v53, $0x5;
	[tilespmem:s6+$0x9F40] =	vst.add.f32.msk $0xffff, v1  }
0x6b0: {  	v1 =	vld [tilespmem:$0x20D0]  }
0x6b1: {  	v3 =	vmul.f32 v6, v3;
	_ =	sdelay $0x1  }
0x6b2: {  	[tilespmem:s21+$0x9F50] =	vst.add.f32.msk $0xffff, v3;
	v2 =	vmul.f32 v2, v58  }
0x6b3: {  	v3 =	vld [tilespmem:$0x18E0]  }
0x6b4: {  	[tilespmem:s15+$0x9F50] =	vst.add.f32.msk $0xffff, v2;
	v1 =	vmul.f32 v1, v59  }
0x6b5: {  	v2 =	vld [tilespmem:$0x1CE0]  }
0x6b6: {  	v61 =	vbroadcast v51, $0x5;
	[tilespmem:s6+$0x9F50] =	vst.add.f32.msk $0xffff, v1  }
0x6b7: {  	v1 =	vld [tilespmem:$0x20E0]  }
0x6b8: {  	v62 =	vbroadcast v54, $0x5;
	v3 =	vmul.f32 v3, v61;
	_ =	sdelay $0x1  }
0x6b9: {  	[tilespmem:s7+$0x9F20] =	vst.add.f32.msk $0xffff, v3;
	v2 =	vmul.f32 v2, v62;
	v3 =	vbroadcast v55, $0x5  }
0x6ba: {  	v63 =	vld [tilespmem:$0x18F0]  }
0x6bb: {  	[tilespmem:s13+$0x9F20] =	vst.add.f32.msk $0xffff, v2;
	v1 =	vmul.f32 v1, v3  }
0x6bc: {  	s10 =	spop (v2sf);
	v2 =	vld [tilespmem:$0x1CF0]  }
0x6bd: {  	[tilespmem:s10+$0x9F20] =	vst.add.f32.msk $0xffff, v1  }
0x6be: {  	v1 =	vld [tilespmem:$0x20F0]  }
0x6bf: {  	v6 =	vmul.f32 v63, v61;
	_ =	sdelay $0x1  }
0x6c0: {  	[tilespmem:s7+$0x9F30] =	vst.add.f32.msk $0xffff, v6;
	v2 =	vmul.f32 v2, v62  }
0x6c1: {  	v6 =	vld [tilespmem:$0x1900]  }
0x6c2: {  	[tilespmem:s13+$0x9F30] =	vst.add.f32.msk $0xffff, v2;
	v1 =	vmul.f32 v1, v3  }
0x6c3: {  	v2 =	vld [tilespmem:$0x1D00]  }
0x6c4: {  	[tilespmem:s10+$0x9F30] =	vst.add.f32.msk $0xffff, v1  }
0x6c5: {  	v1 =	vld [tilespmem:$0x2100]  }
0x6c6: {  	v6 =	vmul.f32 v6, v61;
	_ =	sdelay $0x1  }
0x6c7: {  	[tilespmem:s7+$0x9F40] =	vst.add.f32.msk $0xffff, v6;
	v2 =	vmul.f32 v2, v62  }
0x6c8: {  	v6 =	vld [tilespmem:$0x1910]  }
0x6c9: {  	[tilespmem:s13+$0x9F40] =	vst.add.f32.msk $0xffff, v2;
	v1 =	vmul.f32 v1, v3  }
0x6ca: {  	v2 =	vld [tilespmem:$0x1D10]  }
0x6cb: {  	(v2sf) =	vpush v53, $0x6;
	[tilespmem:s10+$0x9F40] =	vst.add.f32.msk $0xffff, v1  }
0x6cc: {  	v1 =	vld [tilespmem:$0x2110]  }
0x6cd: {  	v4 =	vmul.f32 v6, v61;
	_ =	sdelay $0x1  }
0x6ce: {  	[tilespmem:s7+$0x9F50] =	vst.add.f32.msk $0xffff, v4;
	v2 =	vmul.f32 v2, v62  }
0x6cf: {  	v4 =	vld [tilespmem:$0x1920]  }
0x6d0: {  	[tilespmem:s13+$0x9F50] =	vst.add.f32.msk $0xffff, v2;
	v1 =	vmul.f32 v1, v3  }
0x6d1: {  	v2 =	vld [tilespmem:$0x1D20]  }
0x6d2: {  	v3 =	vbroadcast v51, $0x6;
	[tilespmem:s10+$0x9F50] =	vst.add.f32.msk $0xffff, v1  }
0x6d3: {  	v1 =	vld [tilespmem:$0x2120]  }
0x6d4: {  	v9 =	vbroadcast v54, $0x6;
	v4 =	vmul.f32 v4, v3;
	_ =	sdelay $0x1  }
0x6d5: {  	v10 =	vbroadcast v55, $0x6;
	[tilespmem:s3+$0x9F20] =	vst.add.f32.msk $0xffff, v4;
	v2 =	vmul.f32 v2, v9  }
0x6d6: {  	v11 =	vld [tilespmem:$0x1930]  }
0x6d7: {  	[tilespmem:s11+$0x9F20] =	vst.add.f32.msk $0xffff, v2;
	v1 =	vmul.f32 v1, v10  }
0x6d8: {  	s14 =	spop (v2sf);
	v2 =	vld [tilespmem:$0x1D30]  }
0x6d9: {  	[tilespmem:s14+$0x9F20] =	vst.add.f32.msk $0xffff, v1  }
0x6da: {  	v1 =	vld [tilespmem:$0x2130]  }
0x6db: {  	v6 =	vmul.f32 v11, v3;
	_ =	sdelay $0x1  }
0x6dc: {  	[tilespmem:s3+$0x9F30] =	vst.add.f32.msk $0xffff, v6;
	v2 =	vmul.f32 v2, v9  }
0x6dd: {  	v6 =	vld [tilespmem:$0x1940]  }
0x6de: {  	[tilespmem:s11+$0x9F30] =	vst.add.f32.msk $0xffff, v2;
	v1 =	vmul.f32 v1, v10  }
0x6df: {  	v2 =	vld [tilespmem:$0x1D40]  }
0x6e0: {  	[tilespmem:s14+$0x9F30] =	vst.add.f32.msk $0xffff, v1  }
0x6e1: {  	v1 =	vld [tilespmem:$0x2140]  }
0x6e2: {  	v6 =	vmul.f32 v6, v3;
	_ =	sdelay $0x1  }
0x6e3: {  	[tilespmem:s3+$0x9F40] =	vst.add.f32.msk $0xffff, v6;
	v2 =	vmul.f32 v2, v9  }
0x6e4: {  	v6 =	vld [tilespmem:$0x1950]  }
0x6e5: {  	[tilespmem:s11+$0x9F40] =	vst.add.f32.msk $0xffff, v2;
	v1 =	vmul.f32 v1, v10  }
0x6e6: {  	v2 =	vld [tilespmem:$0x1D50]  }
0x6e7: {  	(v2sf) =	vpush v53, $0x7;
	[tilespmem:s14+$0x9F40] =	vst.add.f32.msk $0xffff, v1  }
0x6e8: {  	v1 =	vld [tilespmem:$0x2150]  }
0x6e9: {  	v3 =	vmul.f32 v6, v3;
	_ =	sdelay $0x1  }
0x6ea: {  	[tilespmem:s3+$0x9F50] =	vst.add.f32.msk $0xffff, v3;
	v2 =	vmul.f32 v2, v9  }
0x6eb: {  	v3 =	vld [tilespmem:$0x1960]  }
0x6ec: {  	[tilespmem:s11+$0x9F50] =	vst.add.f32.msk $0xffff, v2;
	v1 =	vmul.f32 v1, v10  }
0x6ed: {  	v2 =	vld [tilespmem:$0x1D60]  }
0x6ee: {  	v12 =	vbroadcast v51, $0x7;
	[tilespmem:s14+$0x9F50] =	vst.add.f32.msk $0xffff, v1  }
0x6ef: {  	v1 =	vld [tilespmem:$0x2160]  }
0x6f0: {  	v13 =	vbroadcast v54, $0x7;
	v3 =	vmul.f32 v3, v12;
	_ =	sdelay $0x1  }
0x6f1: {  	[tilespmem:s19+$0x9F20] =	vst.add.f32.msk $0xffff, v3;
	v2 =	vmul.f32 v2, v13;
	v3 =	vbroadcast v55, $0x7  }
0x6f2: {  	v14 =	vld [tilespmem:$0x1970]  }
0x6f3: {  	[tilespmem:s12+$0x9F20] =	vst.add.f32.msk $0xffff, v2;
	v1 =	vmul.f32 v1, v3  }
0x6f4: {  	s15 =	spop (v2sf);
	v2 =	vld [tilespmem:$0x1D70]  }
0x6f5: {  	[tilespmem:s15+$0x9F20] =	vst.add.f32.msk $0xffff, v1  }
0x6f6: {  	v1 =	vld [tilespmem:$0x2170]  }
0x6f7: {  	v6 =	vmul.f32 v14, v12;
	_ =	sdelay $0x1  }
0x6f8: {  	[tilespmem:s19+$0x9F30] =	vst.add.f32.msk $0xffff, v6;
	v2 =	vmul.f32 v2, v13  }
0x6f9: {  	v6 =	vld [tilespmem:$0x1980]  }
0x6fa: {  	[tilespmem:s12+$0x9F30] =	vst.add.f32.msk $0xffff, v2;
	v1 =	vmul.f32 v1, v3  }
0x6fb: {  	v2 =	vld [tilespmem:$0x1D80]  }
0x6fc: {  	[tilespmem:s15+$0x9F30] =	vst.add.f32.msk $0xffff, v1  }
0x6fd: {  	v1 =	vld [tilespmem:$0x2180]  }
0x6fe: {  	v6 =	vmul.f32 v6, v12;
	_ =	sdelay $0x1  }
0x6ff: {  	[tilespmem:s19+$0x9F40] =	vst.add.f32.msk $0xffff, v6;
	v2 =	vmul.f32 v2, v13  }
0x700: {  	v6 =	vld [tilespmem:$0x1990]  }
0x701: {  	[tilespmem:s12+$0x9F40] =	vst.add.f32.msk $0xffff, v2;
	v1 =	vmul.f32 v1, v3  }
0x702: {  	v2 =	vld [tilespmem:$0x1D90]  }
0x703: {  	(v2sf) =	vpush v53, $0x8;
	[tilespmem:s15+$0x9F40] =	vst.add.f32.msk $0xffff, v1  }
0x704: {  	v1 =	vld [tilespmem:$0x2190]  }
0x705: {  	v4 =	vmul.f32 v6, v12;
	_ =	sdelay $0x1  }
0x706: {  	[tilespmem:s19+$0x9F50] =	vst.add.f32.msk $0xffff, v4;
	v2 =	vmul.f32 v2, v13  }
0x707: {  	v4 =	vld [tilespmem:$0x19A0]  }
0x708: {  	[tilespmem:s12+$0x9F50] =	vst.add.f32.msk $0xffff, v2;
	v1 =	vmul.f32 v1, v3  }
0x709: {  	v2 =	vld [tilespmem:$0x1DA0]  }
0x70a: {  	v3 =	vbroadcast v51, $0x8;
	[tilespmem:s15+$0x9F50] =	vst.add.f32.msk $0xffff, v1  }
0x70b: {  	v1 =	vld [tilespmem:$0x21A0]  }
0x70c: {  	v15 =	vbroadcast v54, $0x8;
	v4 =	vmul.f32 v4, v3;
	_ =	sdelay $0x1  }
0x70d: {  	v56 =	vbroadcast v55, $0x8;
	[tilespmem:s8+$0x9F20] =	vst.add.f32.msk $0xffff, v4;
	v2 =	vmul.f32 v2, v15  }
0x70e: {  	v57 =	vld [tilespmem:$0x19B0]  }
0x70f: {  	[tilespmem:s1+$0x9F20] =	vst.add.f32.msk $0xffff, v2;
	v1 =	vmul.f32 v1, v56  }
0x710: {  	s18 =	spop (v2sf);
	v2 =	vld [tilespmem:$0x1DB0]  }
0x711: {  	[tilespmem:s18+$0x9F20] =	vst.add.f32.msk $0xffff, v1  }
0x712: {  	v1 =	vld [tilespmem:$0x21B0]  }
0x713: {  	v6 =	vmul.f32 v57, v3;
	_ =	sdelay $0x1  }
0x714: {  	[tilespmem:s8+$0x9F30] =	vst.add.f32.msk $0xffff, v6;
	v2 =	vmul.f32 v2, v15  }
0x715: {  	v6 =	vld [tilespmem:$0x19C0]  }
0x716: {  	[tilespmem:s1+$0x9F30] =	vst.add.f32.msk $0xffff, v2;
	v1 =	vmul.f32 v1, v56  }
0x717: {  	v2 =	vld [tilespmem:$0x1DC0]  }
0x718: {  	[tilespmem:s18+$0x9F30] =	vst.add.f32.msk $0xffff, v1  }
0x719: {  	v1 =	vld [tilespmem:$0x21C0]  }
0x71a: {  	v6 =	vmul.f32 v6, v3;
	_ =	sdelay $0x1  }
0x71b: {  	[tilespmem:s8+$0x9F40] =	vst.add.f32.msk $0xffff, v6;
	v2 =	vmul.f32 v2, v15  }
0x71c: {  	v6 =	vld [tilespmem:$0x19D0]  }
0x71d: {  	[tilespmem:s1+$0x9F40] =	vst.add.f32.msk $0xffff, v2;
	v1 =	vmul.f32 v1, v56  }
0x71e: {  	v2 =	vld [tilespmem:$0x1DD0]  }
0x71f: {  	(v2sf) =	vpush v53, $0x9;
	[tilespmem:s18+$0x9F40] =	vst.add.f32.msk $0xffff, v1  }
0x720: {  	v1 =	vld [tilespmem:$0x21D0]  }
0x721: {  	v3 =	vmul.f32 v6, v3;
	_ =	sdelay $0x1  }
0x722: {  	[tilespmem:s8+$0x9F50] =	vst.add.f32.msk $0xffff, v3;
	v2 =	vmul.f32 v2, v15  }
0x723: {  	v3 =	vld [tilespmem:$0x19E0]  }
0x724: {  	[tilespmem:s1+$0x9F50] =	vst.add.f32.msk $0xffff, v2;
	v1 =	vmul.f32 v1, v56  }
0x725: {  	v2 =	vld [tilespmem:$0x1DE0]  }
0x726: {  	v58 =	vbroadcast v51, $0x9;
	[tilespmem:s18+$0x9F50] =	vst.add.f32.msk $0xffff, v1  }
0x727: {  	v1 =	vld [tilespmem:$0x21E0]  }
0x728: {  	v59 =	vbroadcast v54, $0x9;
	v3 =	vmul.f32 v3, v58;
	_ =	sdelay $0x1  }
0x729: {  	[tilespmem:s5+$0x9F20] =	vst.add.f32.msk $0xffff, v3;
	v2 =	vmul.f32 v2, v59;
	v3 =	vbroadcast v55, $0x9  }
0x72a: {  	v60 =	vld [tilespmem:$0x19F0]  }
0x72b: {  	[tilespmem:s9+$0x9F20] =	vst.add.f32.msk $0xffff, v2;
	v1 =	vmul.f32 v1, v3  }
0x72c: {  	s19 =	spop (v2sf);
	v2 =	vld [tilespmem:$0x1DF0]  }
0x72d: {  	[tilespmem:s19+$0x9F20] =	vst.add.f32.msk $0xffff, v1  }
0x72e: {  	v1 =	vld [tilespmem:$0x21F0]  }
0x72f: {  	v6 =	vmul.f32 v60, v58;
	_ =	sdelay $0x1  }
0x730: {  	[tilespmem:s5+$0x9F30] =	vst.add.f32.msk $0xffff, v6;
	v2 =	vmul.f32 v2, v59  }
0x731: {  	v6 =	vld [tilespmem:$0x1A00]  }
0x732: {  	[tilespmem:s9+$0x9F30] =	vst.add.f32.msk $0xffff, v2;
	v1 =	vmul.f32 v1, v3  }
0x733: {  	v2 =	vld [tilespmem:$0x1E00]  }
0x734: {  	[tilespmem:s19+$0x9F30] =	vst.add.f32.msk $0xffff, v1  }
0x735: {  	v1 =	vld [tilespmem:$0x2200]  }
0x736: {  	v6 =	vmul.f32 v6, v58;
	_ =	sdelay $0x1  }
0x737: {  	[tilespmem:s5+$0x9F40] =	vst.add.f32.msk $0xffff, v6;
	v2 =	vmul.f32 v2, v59  }
0x738: {  	v6 =	vld [tilespmem:$0x1A10]  }
0x739: {  	[tilespmem:s9+$0x9F40] =	vst.add.f32.msk $0xffff, v2;
	v1 =	vmul.f32 v1, v3  }
0x73a: {  	v2 =	vld [tilespmem:$0x1E10]  }
0x73b: {  	(v2sf) =	vpush v53, $0xA;
	[tilespmem:s19+$0x9F40] =	vst.add.f32.msk $0xffff, v1  }
0x73c: {  	v1 =	vld [tilespmem:$0x2210]  }
0x73d: {  	v4 =	vmul.f32 v6, v58;
	_ =	sdelay $0x1  }
0x73e: {  	[tilespmem:s5+$0x9F50] =	vst.add.f32.msk $0xffff, v4;
	v2 =	vmul.f32 v2, v59  }
0x73f: {  	v4 =	vld [tilespmem:$0x1A20]  }
0x740: {  	[tilespmem:s9+$0x9F50] =	vst.add.f32.msk $0xffff, v2;
	v1 =	vmul.f32 v1, v3  }
0x741: {  	v2 =	vld [tilespmem:$0x1E20]  }
0x742: {  	v3 =	vbroadcast v51, $0xA;
	[tilespmem:s19+$0x9F50] =	vst.add.f32.msk $0xffff, v1  }
0x743: {  	v1 =	vld [tilespmem:$0x2220]  }
0x744: {  	v61 =	vbroadcast v54, $0xA;
	v4 =	vmul.f32 v4, v3;
	_ =	sdelay $0x1  }
0x745: {  	v62 =	vbroadcast v55, $0xA;
	[tilespmem:s2+$0x9F20] =	vst.add.f32.msk $0xffff, v4;
	v2 =	vmul.f32 v2, v61  }
0x746: {  	v63 =	vld [tilespmem:$0x1A30]  }
0x747: {  	[tilespmem:s17+$0x9F20] =	vst.add.f32.msk $0xffff, v2;
	v1 =	vmul.f32 v1, v62  }
0x748: {  	s20 =	spop (v2sf);
	v2 =	vld [tilespmem:$0x1E30]  }
0x749: {  	[tilespmem:s20+$0x9F20] =	vst.add.f32.msk $0xffff, v1  }
0x74a: {  	v1 =	vld [tilespmem:$0x2230]  }
0x74b: {  	v6 =	vmul.f32 v63, v3;
	_ =	sdelay $0x1  }
0x74c: {  	[tilespmem:s2+$0x9F30] =	vst.add.f32.msk $0xffff, v6;
	v2 =	vmul.f32 v2, v61  }
0x74d: {  	v6 =	vld [tilespmem:$0x1A40]  }
0x74e: {  	[tilespmem:s17+$0x9F30] =	vst.add.f32.msk $0xffff, v2;
	v1 =	vmul.f32 v1, v62  }
0x74f: {  	v2 =	vld [tilespmem:$0x1E40]  }
0x750: {  	[tilespmem:s20+$0x9F30] =	vst.add.f32.msk $0xffff, v1  }
0x751: {  	v1 =	vld [tilespmem:$0x2240]  }
0x752: {  	v6 =	vmul.f32 v6, v3;
	_ =	sdelay $0x1  }
0x753: {  	[tilespmem:s2+$0x9F40] =	vst.add.f32.msk $0xffff, v6;
	v2 =	vmul.f32 v2, v61  }
0x754: {  	v6 =	vld [tilespmem:$0x1A50]  }
0x755: {  	[tilespmem:s17+$0x9F40] =	vst.add.f32.msk $0xffff, v2;
	v1 =	vmul.f32 v1, v62  }
0x756: {  	v2 =	vld [tilespmem:$0x1E50]  }
0x757: {  	(v2sf) =	vpush v53, $0xB;
	[tilespmem:s20+$0x9F40] =	vst.add.f32.msk $0xffff, v1  }
0x758: {  	v1 =	vld [tilespmem:$0x2250]  }
0x759: {  	v3 =	vmul.f32 v6, v3;
	_ =	sdelay $0x1  }
0x75a: {  	[tilespmem:s2+$0x9F50] =	vst.add.f32.msk $0xffff, v3;
	v2 =	vmul.f32 v2, v61  }
0x75b: {  	v3 =	vld [tilespmem:$0x1A60]  }
0x75c: {  	[tilespmem:s17+$0x9F50] =	vst.add.f32.msk $0xffff, v2;
	v1 =	vmul.f32 v1, v62  }
0x75d: {  	v2 =	vld [tilespmem:$0x1E60]  }
0x75e: {  	v9 =	vbroadcast v51, $0xB;
	[tilespmem:s20+$0x9F50] =	vst.add.f32.msk $0xffff, v1  }
0x75f: {  	v1 =	vld [tilespmem:$0x2260]  }
0x760: {  	v10 =	vbroadcast v54, $0xB;
	v3 =	vmul.f32 v3, v9;
	_ =	sdelay $0x1  }
0x761: {  	[tilespmem:s23+$0x9F20] =	vst.add.f32.msk $0xffff, v3;
	v2 =	vmul.f32 v2, v10;
	v3 =	vbroadcast v55, $0xB  }
0x762: {  	v11 =	vld [tilespmem:$0x1A70]  }
0x763: {  	[tilespmem:s4+$0x9F20] =	vst.add.f32.msk $0xffff, v2;
	v1 =	vmul.f32 v1, v3  }
0x764: {  	s21 =	spop (v2sf);
	v2 =	vld [tilespmem:$0x1E70]  }
0x765: {  	[tilespmem:s21+$0x9F20] =	vst.add.f32.msk $0xffff, v1  }
0x766: {  	v1 =	vld [tilespmem:$0x2270]  }
0x767: {  	v6 =	vmul.f32 v11, v9;
	_ =	sdelay $0x1  }
0x768: {  	[tilespmem:s23+$0x9F30] =	vst.add.f32.msk $0xffff, v6;
	v2 =	vmul.f32 v2, v10  }
0x769: {  	v6 =	vld [tilespmem:$0x1A80]  }
0x76a: {  	[tilespmem:s4+$0x9F30] =	vst.add.f32.msk $0xffff, v2;
	v1 =	vmul.f32 v1, v3  }
0x76b: {  	v2 =	vld [tilespmem:$0x1E80]  }
0x76c: {  	[tilespmem:s21+$0x9F30] =	vst.add.f32.msk $0xffff, v1  }
0x76d: {  	v1 =	vld [tilespmem:$0x2280]  }
0x76e: {  	v6 =	vmul.f32 v6, v9;
	_ =	sdelay $0x1  }
0x76f: {  	[tilespmem:s23+$0x9F40] =	vst.add.f32.msk $0xffff, v6;
	v2 =	vmul.f32 v2, v10  }
0x770: {  	v6 =	vld [tilespmem:$0x1A90]  }
0x771: {  	[tilespmem:s4+$0x9F40] =	vst.add.f32.msk $0xffff, v2;
	v1 =	vmul.f32 v1, v3  }
0x772: {  	v2 =	vld [tilespmem:$0x1E90]  }
0x773: {  	(v2sf) =	vpush v53, $0xC;
	[tilespmem:s21+$0x9F40] =	vst.add.f32.msk $0xffff, v1  }
0x774: {  	v1 =	vld [tilespmem:$0x2290]  }
0x775: {  	v4 =	vmul.f32 v6, v9;
	_ =	sdelay $0x1  }
0x776: {  	[tilespmem:s23+$0x9F50] =	vst.add.f32.msk $0xffff, v4;
	v2 =	vmul.f32 v2, v10  }
0x777: {  	v4 =	vld [tilespmem:$0x1AA0]  }
0x778: {  	[tilespmem:s4+$0x9F50] =	vst.add.f32.msk $0xffff, v2;
	v1 =	vmul.f32 v1, v3  }
0x779: {  	v2 =	vld [tilespmem:$0x1EA0]  }
0x77a: {  	v3 =	vbroadcast v51, $0xC;
	[tilespmem:s21+$0x9F50] =	vst.add.f32.msk $0xffff, v1  }
0x77b: {  	v1 =	vld [tilespmem:$0x22A0]  }
0x77c: {  	v12 =	vbroadcast v54, $0xC;
	v4 =	vmul.f32 v4, v3;
	_ =	sdelay $0x1  }
0x77d: {  	v13 =	vbroadcast v55, $0xC;
	[tilespmem:s30+$0x9F20] =	vst.add.f32.msk $0xffff, v4;
	v2 =	vmul.f32 v2, v12  }
0x77e: {  	v14 =	vld [tilespmem:$0x1AB0]  }
0x77f: {  	[tilespmem:s31+$0x9F20] =	vst.add.f32.msk $0xffff, v2;
	v1 =	vmul.f32 v1, v13  }
0x780: {  	s22 =	spop (v2sf);
	v2 =	vld [tilespmem:$0x1EB0]  }
0x781: {  	[tilespmem:s22+$0x9F20] =	vst.add.f32.msk $0xffff, v1  }
0x782: {  	v1 =	vld [tilespmem:$0x22B0]  }
0x783: {  	v6 =	vmul.f32 v14, v3;
	_ =	sdelay $0x1  }
0x784: {  	[tilespmem:s30+$0x9F30] =	vst.add.f32.msk $0xffff, v6;
	v2 =	vmul.f32 v2, v12  }
0x785: {  	v6 =	vld [tilespmem:$0x1AC0]  }
0x786: {  	[tilespmem:s31+$0x9F30] =	vst.add.f32.msk $0xffff, v2;
	v1 =	vmul.f32 v1, v13  }
0x787: {  	v2 =	vld [tilespmem:$0x1EC0]  }
0x788: {  	[tilespmem:s22+$0x9F30] =	vst.add.f32.msk $0xffff, v1  }
0x789: {  	v1 =	vld [tilespmem:$0x22C0]  }
0x78a: {  	v6 =	vmul.f32 v6, v3;
	_ =	sdelay $0x1  }
0x78b: {  	[tilespmem:s30+$0x9F40] =	vst.add.f32.msk $0xffff, v6;
	v2 =	vmul.f32 v2, v12  }
0x78c: {  	v6 =	vld [tilespmem:$0x1AD0]  }
0x78d: {  	[tilespmem:s31+$0x9F40] =	vst.add.f32.msk $0xffff, v2;
	v1 =	vmul.f32 v1, v13  }
0x78e: {  	v2 =	vld [tilespmem:$0x1ED0]  }
0x78f: {  	(v2sf) =	vpush v53, $0xD;
	[tilespmem:s22+$0x9F40] =	vst.add.f32.msk $0xffff, v1  }
0x790: {  	v1 =	vld [tilespmem:$0x22D0]  }
0x791: {  	v3 =	vmul.f32 v6, v3;
	_ =	sdelay $0x1  }
0x792: {  	[tilespmem:s30+$0x9F50] =	vst.add.f32.msk $0xffff, v3;
	v2 =	vmul.f32 v2, v12  }
0x793: {  	v3 =	vld [tilespmem:$0x1AE0]  }
0x794: {  	[tilespmem:s31+$0x9F50] =	vst.add.f32.msk $0xffff, v2;
	v1 =	vmul.f32 v1, v13  }
0x795: {  	v2 =	vld [tilespmem:$0x1EE0]  }
0x796: {  	v15 =	vbroadcast v51, $0xD;
	[tilespmem:s22+$0x9F50] =	vst.add.f32.msk $0xffff, v1  }
0x797: {  	v1 =	vld [tilespmem:$0x22E0]  }
0x798: {  	v56 =	vbroadcast v54, $0xD;
	v3 =	vmul.f32 v3, v15;
	_ =	sdelay $0x1  }
0x799: {  	[tilespmem:s26+$0x9F20] =	vst.add.f32.msk $0xffff, v3;
	v2 =	vmul.f32 v2, v56;
	v3 =	vbroadcast v55, $0xD  }
0x79a: {  	v57 =	vld [tilespmem:$0x1AF0]  }
0x79b: {  	[tilespmem:s29+$0x9F20] =	vst.add.f32.msk $0xffff, v2;
	v1 =	vmul.f32 v1, v3  }
0x79c: {  	s23 =	spop (v2sf);
	v2 =	vld [tilespmem:$0x1EF0]  }
0x79d: {  	[tilespmem:s23+$0x9F20] =	vst.add.f32.msk $0xffff, v1  }
0x79e: {  	v1 =	vld [tilespmem:$0x22F0]  }
0x79f: {  	v6 =	vmul.f32 v57, v15;
	_ =	sdelay $0x1  }
0x7a0: {  	[tilespmem:s26+$0x9F30] =	vst.add.f32.msk $0xffff, v6;
	v2 =	vmul.f32 v2, v56  }
0x7a1: {  	v6 =	vld [tilespmem:$0x1B00]  }
0x7a2: {  	[tilespmem:s29+$0x9F30] =	vst.add.f32.msk $0xffff, v2;
	v1 =	vmul.f32 v1, v3  }
0x7a3: {  	v2 =	vld [tilespmem:$0x1F00]  }
0x7a4: {  	[tilespmem:s23+$0x9F30] =	vst.add.f32.msk $0xffff, v1  }
0x7a5: {  	v1 =	vld [tilespmem:$0x2300]  }
0x7a6: {  	v6 =	vmul.f32 v6, v15;
	_ =	sdelay $0x1  }
0x7a7: {  	[tilespmem:s26+$0x9F40] =	vst.add.f32.msk $0xffff, v6;
	v2 =	vmul.f32 v2, v56  }
0x7a8: {  	v6 =	vld [tilespmem:$0x1B10]  }
0x7a9: {  	[tilespmem:s29+$0x9F40] =	vst.add.f32.msk $0xffff, v2;
	v1 =	vmul.f32 v1, v3  }
0x7aa: {  	v2 =	vld [tilespmem:$0x1F10]  }
0x7ab: {  	(v2sf) =	vpush v53, $0xE;
	[tilespmem:s23+$0x9F40] =	vst.add.f32.msk $0xffff, v1  }
0x7ac: {  	v1 =	vld [tilespmem:$0x2310]  }
0x7ad: {  	v4 =	vmul.f32 v6, v15;
	_ =	sdelay $0x1  }
0x7ae: {  	[tilespmem:s26+$0x9F50] =	vst.add.f32.msk $0xffff, v4;
	v2 =	vmul.f32 v2, v56  }
0x7af: {  	v4 =	vld [tilespmem:$0x1B20]  }
0x7b0: {  	[tilespmem:s29+$0x9F50] =	vst.add.f32.msk $0xffff, v2;
	v1 =	vmul.f32 v1, v3  }
0x7b1: {  	v2 =	vld [tilespmem:$0x1F20]  }
0x7b2: {  	v3 =	vbroadcast v51, $0xE;
	[tilespmem:s23+$0x9F50] =	vst.add.f32.msk $0xffff, v1  }
0x7b3: {  	v1 =	vld [tilespmem:$0x2320]  }
0x7b4: {  	v58 =	vbroadcast v54, $0xE;
	v4 =	vmul.f32 v4, v3;
	_ =	sdelay $0x1  }
0x7b5: {  	v59 =	vbroadcast v55, $0xE;
	[tilespmem:s25+$0x9F20] =	vst.add.f32.msk $0xffff, v4;
	v2 =	vmul.f32 v2, v58  }
0x7b6: {  	v60 =	vld [tilespmem:$0x1B30]  }
0x7b7: {  	[tilespmem:s24+$0x9F20] =	vst.add.f32.msk $0xffff, v2;
	v1 =	vmul.f32 v1, v59  }
0x7b8: {  	s26 =	spop (v2sf);
	v2 =	vld [tilespmem:$0x1F30]  }
0x7b9: {  	[tilespmem:s26+$0x9F20] =	vst.add.f32.msk $0xffff, v1  }
0x7ba: {  	v1 =	vld [tilespmem:$0x2330]  }
0x7bb: {  	v6 =	vmul.f32 v60, v3;
	_ =	sdelay $0x1  }
0x7bc: {  	[tilespmem:s25+$0x9F30] =	vst.add.f32.msk $0xffff, v6;
	v2 =	vmul.f32 v2, v58  }
0x7bd: {  	v6 =	vld [tilespmem:$0x1B40]  }
0x7be: {  	[tilespmem:s24+$0x9F30] =	vst.add.f32.msk $0xffff, v2;
	v1 =	vmul.f32 v1, v59  }
0x7bf: {  	v2 =	vld [tilespmem:$0x1F40]  }
0x7c0: {  	[tilespmem:s26+$0x9F30] =	vst.add.f32.msk $0xffff, v1  }
0x7c1: {  	v1 =	vld [tilespmem:$0x2340]  }
0x7c2: {  	v6 =	vmul.f32 v6, v3;
	_ =	sdelay $0x1  }
0x7c3: {  	[tilespmem:s25+$0x9F40] =	vst.add.f32.msk $0xffff, v6;
	v2 =	vmul.f32 v2, v58  }
0x7c4: {  	v6 =	vld [tilespmem:$0x1B50]  }
0x7c5: {  	[tilespmem:s24+$0x9F40] =	vst.add.f32.msk $0xffff, v2;
	v1 =	vmul.f32 v1, v59  }
0x7c6: {  	(v2sf) =	vpush v52, $0xF;
	v2 =	vld [tilespmem:$0x1F50]  }
0x7c7: {  	(v2sf) =	vpush v53, $0xF;
	[tilespmem:s26+$0x9F40] =	vst.add.f32.msk $0xffff, v1  }
0x7c8: {  	v1 =	vld [tilespmem:$0x2350]  }
0x7c9: {  	v3 =	vmul.f32 v6, v3;
	_ =	sdelay $0x1  }
0x7ca: {  	[tilespmem:s25+$0x9F50] =	vst.add.f32.msk $0xffff, v3;
	v2 =	vmul.f32 v2, v58  }
0x7cb: {  	v3 =	vld [tilespmem:$0x1B60]  }
0x7cc: {  	[tilespmem:s24+$0x9F50] =	vst.add.f32.msk $0xffff, v2;
	v1 =	vmul.f32 v1, v59  }
0x7cd: {  	v2 =	vld [tilespmem:$0x1F60]  }
0x7ce: {  	v61 =	vbroadcast v51, $0xF;
	[tilespmem:s26+$0x9F50] =	vst.add.f32.msk $0xffff, v1  }
0x7cf: {  	v1 =	vld [tilespmem:$0x2360]  }
0x7d0: {  	v62 =	vbroadcast v54, $0xF;
	v3 =	vmul.f32 v3, v61  }
0x7d1: {  	s29 =	rddreg [dreg:$0xd]  }
0x7d2: {  	[tilespmem:s29+$0x9F20] =	vst.add.f32.msk $0xffff, v3;
	v2 =	vmul.f32 v2, v62;
	v3 =	vbroadcast v55, $0xF  }
0x7d3: {  	s30 =	rddreg [dreg:$0xf];
	v63 =	vld [tilespmem:$0x1B70]  }
0x7d4: {  	s0 =	spop (v2sf);
	[tilespmem:s30+$0x9F20] =	vst.add.f32.msk $0xffff, v2;
	v1 =	vmul.f32 v1, v3  }
0x7d5: {  	s31 =	spop (v2sf);
	v2 =	vld [tilespmem:$0x1F70]  }
0x7d6: {  	[tilespmem:s31+$0x9F20] =	vst.add.f32.msk $0xffff, v1  }
0x7d7: {  	v1 =	vld [tilespmem:$0x2370]  }
0x7d8: {  	v6 =	vmul.f32 v63, v61;
	_ =	sdelay $0x1  }
0x7d9: {  	[tilespmem:s29+$0x9F30] =	vst.add.f32.msk $0xffff, v6;
	v2 =	vmul.f32 v2, v62  }
0x7da: {  	v6 =	vld [tilespmem:$0x1B80]  }
0x7db: {  	[tilespmem:s30+$0x9F30] =	vst.add.f32.msk $0xffff, v2;
	v1 =	vmul.f32 v1, v3  }
0x7dc: {  	v2 =	vld [tilespmem:$0x1F80]  }
0x7dd: {  	[tilespmem:s31+$0x9F30] =	vst.add.f32.msk $0xffff, v1  }
0x7de: {  	v1 =	vld [tilespmem:$0x2380]  }
0x7df: {  	v6 =	vmul.f32 v6, v61;
	_ =	sdelay $0x1  }
0x7e0: {  	[tilespmem:s29+$0x9F40] =	vst.add.f32.msk $0xffff, v6;
	v2 =	vmul.f32 v2, v62  }
0x7e1: {  	v6 =	vld [tilespmem:$0x1B90]  }
0x7e2: {  	[tilespmem:s30+$0x9F40] =	vst.add.f32.msk $0xffff, v2;
	v1 =	vmul.f32 v1, v3  }
0x7e3: {  	v2 =	vld [tilespmem:$0x1F90]  }
0x7e4: {  	[tilespmem:s31+$0x9F40] =	vst.add.f32.msk $0xffff, v1  }
0x7e5: {  	v1 =	vld [tilespmem:$0x2390]  }
.Ltmp9:
0x7e6: {  	_ = 	snop;
	(pc) =	sbr.rel .LBB2_12-.Ltmp9, $4  }
0x7e7: {  	v4 =	vmul.f32 v6, v61  }
0x7e8: {  	v2 =	vmul.f32 v2, v62  }
0x7e9: {  	[tilespmem:s29+$0x9F50] =	vst.add.f32.msk $0xffff, v4  }
0x7ea: {  	s4 =	rddreg [dreg:$0xb];
	[tilespmem:s30+$0x9F50] =	vst.add.f32.msk $0xffff, v2;
	v51 =	vmul.f32 v1, v3  }
.LBB2_9:
0x7eb: {  	s0 =	smul.u32 $0x140, s4;
	_ =	sdelay $0x1  }
0x7ec: {  	s1 =	rddreg [dreg:$0x5];
	s2 =	simm.s32 $0x50;
	s23 =	sshra.s32 s0, $0x2  }
0x7ed: {  	s3 =	simm.s32 $0xFA0;
	s30 =	simm.s32 $0x2;
	s0 =	sadd.s32 $0x50, s23  }
0x7ee: {  	[tilespmem:s3], [sflag:$0x1] =	stream.indirect.gather [hbm4b:s1+s2], $0x40, s0, s2, $0xb8;
	[tilespmem:$0x19F20] =	vst v63  }
0x7ef: {  	_ =	swait.ge [sflag:s30], $0x1400  }
0x7f0: {  	[sflag:s30] =	ssyncset.done $0x0  }
0x7f1: {  	s31 =	simm.s32 $0x24D0;
	[sflag:s30] =	ssyncadd.s32 $0xFFFFEC00  }
0x7f2: {  	v1 =	vld [tilespmem:s31+$0xC0]  }
0x7f3: {  	v2 =	vld [tilespmem:s31+$0xFFFFFF40]  }
0x7f4: {  	v3 =	vld [tilespmem:s31+$0xFFFFFF80]  }
0x7f5: {  	v51 =	vld [tilespmem:s31+$0xFFFFFFC0]  }
0x7f6: {  	s0 =	simm.s32 $0x3800;
	v52 =	vld [tilespmem:s31+$0x0]  }
0x7f7: {  	v53 =	vld [tilespmem:s31+$0x40];
	[tilespmem:s0+$0x48] =	vst v1  }
0x7f8: {  	v54 =	vld [tilespmem:s31+$0x80];
	[tilespmem:s0+$0xFFFFFFB8] =	vst v2  }
0x7f9: {  	s1 =	simm.s32 $0x0;
	s2 =	simm.s32 $0x26D0;
	v55 =	vld [tilespmem:s31+$0xFFFFFF00];
	[tilespmem:s0+$0xFFFFFFD0] =	vst v3  }
.LBB2_10:
0x7fa: {  	v1 =	vld [tilespmem:s2+$0xC0];
	s1 =	sadd.s32 $0x8, s1;
	[tilespmem:s0+$0xFFFFFFE8] =	vst v51  }
0x7fb: {  	v2 =	vld [tilespmem:s2+$0xFFFFFF40];
	p0 =	slt.u32 s1, $0x48;
	[tilespmem:s0+$0x0] =	vst v52  }
0x7fc: {  	v3 =	vld [tilespmem:s2+$0xFFFFFF80];
	[tilespmem:s0+$0x18] =	vst v53  }
.Ltmp10:
0x7fd: {  	v51 =	vld [tilespmem:s2+$0xFFFFFFC0];
	[tilespmem:s0+$0x30] =	vst v54;
	(pc) =	sbr.rel @p0 .LBB2_10-.Ltmp10, $4  }
0x7fe: {  	v52 =	vld [tilespmem:s2+$0x0];
	[tilespmem:s0+$0xFFFFFFA0] =	vst v55;
	s0 =	sadd.s32 $0xC0, s0  }
0x7ff: {  	v53 =	vld [tilespmem:s2+$0x40];
	[tilespmem:s0+$0x48] =	vst v1  }
0x800: {  	[tilespmem:s0+$0xFFFFFFB8] =	vst v2;
	v54 =	vld [tilespmem:s2+$0x80]  }
0x801: {  	v55 =	vld [tilespmem:s2+$0xFFFFFF00];
	[tilespmem:s0+$0xFFFFFFD0] =	vst v3;
	s2 =	sadd.s32 $0x200, s2  }
.Ltmp11:
0x802: {  	_ = 	snop;
	(pc) =	sbr.rel .LBB2_11-.Ltmp11, $1  }
0x803: {  	_ =	sdelay $0x3  }
.LBB2_15:
0x804: {  	_ =	sfence.sel $0x180000  }
0x805: {  	[bflag:$0x0] =	sbarrier.arrive $0xFFFF  }
0x806: {  	_ =	strace $0x90000047  }
0x807: {  	s0 =	stileid.u32;
	[bflag:$0x2] =	sbarrier.arrive $0xFFFF  }
0x808: {  	p0 =	sne.s32 s0, $0x0;
	s0 =	rddreg [dreg:$0x4]  }
0x809: {  	s0 =	sadd.s32 @!p0 $0x100000, s0  }
0x80a: {  	[sflag:s0] =	ssyncadd.tile.s32 @!p0 $0x1;
	_ =	shalt  }
.Lfunc_end2:
_tile_overlayer_lowered:
.L_overlay_start_2:
0x80b: {  	(tag) =	ssettag $0x2  }
0x80c: {  	s0 =	rddreg [dreg:$0x0];
	s2 =	stileid.u32  }
0x80d: {  	s1 =	rddreg [dreg:$0x1];
	p0 =	sne.s32 s2, $0x0  }
0x80e: {  	s3 =	rddreg [dreg:$0x2];
	[bflag:$0x3] =	sbarrier.arrive $0xFFFF;
	s2 =	simm.s32 @!p0 $0x1C03  }
0x80f: {  	[timem:s3], [sflag:s2] =	dma.local @!p0 [hbm:s0], s1  }
0x810: {  	s0 =	simm.s32 @!p0 $0x3  }
0x811: {  	_ =	swait.ge @!p0 [sflag:s0], s1  }
0x812: {  	s1 =	ssub.s32 @!p0 $0x0, s1;
	[sflag:s0] =	ssyncset.done @!p0 $0x0  }
0x813: {  	[sflag:s0] =	ssyncadd.s32 @!p0 s1  }
0x814: {  	[bflag:$0x3] =	sbarrier.arrive $0xFFFF  }
0x815: {  	_ =	shalt  }

</sc_bundles>
